<compile_context>
chip_gen: v7x
topology: tpu7x:2x2x1
jax: 0.10.2.dev20260603
libtpu: 0.0.44.dev20260713+nightly
codegen_flags: <defaults>
</compile_context>

<pallas_src>
import functools

import jax
import jax.numpy as jnp
from jax import lax
from jax.experimental import pallas as pl
from jax.experimental.pallas import tpu as pltpu
from jax.experimental.pallas import tpu_sc as plsc

_VOCAB = 1000000
_EMBED = 32
_NUM_CLASS = 16
_MAX_LEN = 200
_BATCH = 4096

_TOTAL = _BATCH * _MAX_LEN
_NC, _NS = 2, 16
_NW = _NC * _NS
_PER_W = _TOTAL // _NW
_CHUNK = 1280
_NCHUNK = _PER_W // _CHUNK


def _gather_body(idx_hbm, table_hbm, out_hbm, idx_all, rows_v, gsem, osem):
    wid = lax.axis_index("s") * _NC + lax.axis_index("c")
    base = wid * _PER_W
    pltpu.sync_copy(idx_hbm.at[pl.ds(base, _PER_W)], idx_all)

    def g_copy(i):
        b = i % 2
        return pltpu.make_async_copy(
            table_hbm.at[idx_all.at[pl.ds(i * _CHUNK, _CHUNK)]],
            rows_v.at[b], gsem.at[b])

    def o_copy(i):
        b = i % 2
        return pltpu.make_async_copy(
            rows_v.at[b], out_hbm.at[pl.ds(base + i * _CHUNK, _CHUNK)],
            osem.at[b])

    g_copy(0).start()
    for i in range(_NCHUNK):
        g_copy(i).wait()
        if i + 1 < _NCHUNK:
            if i >= 1:
                o_copy(i - 1).wait()
            g_copy(i + 1).start()
        o_copy(i).start()
    o_copy(_NCHUNK - 2).wait()
    o_copy(_NCHUNK - 1).wait()


_sc_gather = functools.partial(
    pl.kernel,
    out_type=jax.ShapeDtypeStruct((_TOTAL, _EMBED), jnp.float32),
    mesh=plsc.VectorSubcoreMesh(core_axis_name="c", subcore_axis_name="s"),
    scratch_types=[
        pltpu.VMEM((_PER_W,), jnp.int32),
        pltpu.VMEM((2, _CHUNK, _EMBED), jnp.float32),
        pltpu.SemaphoreType.DMA((2,)),
        pltpu.SemaphoreType.DMA((2,)),
    ],
    compiler_params=pltpu.CompilerParams(use_tc_tiling_on_sc=False),
)(_gather_body)


_TCOLS = 7812
_VTAIL = _VOCAB - _TCOLS * 128


def _tr_body(t32_hbm, tail_hbm, out_hbm, in_v, out_v, isem, osem):
    wid = lax.axis_index("s") * _NC + lax.axis_index("c")
    nu = jnp.where(wid < _TCOLS % _NW, _TCOLS // _NW + 1, _TCOLS // _NW)
    iota_a = lax.iota(jnp.int32, 16)
    iota_b = iota_a + 16

    def in_copy(i, b):
        unit = wid + i * _NW
        return pltpu.make_async_copy(
            t32_hbm.at[:, pl.ds(unit * 128, 128)], in_v.at[b], isem.at[b])

    def out_copy(i, b):
        unit = wid + i * _NW
        return pltpu.make_async_copy(
            out_v.at[b], out_hbm.at[pl.ds(unit * 32, 32), :], osem.at[b])

    def transpose_block(b, width):
        def row_blk(c2, cvec):
            gs = []
            for k in range(16):
                gs.append(plsc.load_gather(in_v.at[b], [iota_a, cvec]))
                gs.append(plsc.load_gather(in_v.at[b], [iota_b, cvec]))
                cvec = cvec + 1
            for k in range(16):
                row = c2 * 4 + k // 4
                cb = (k % 4) * 32
                out_v[b, row, pl.ds(cb, 16)] = gs[2 * k]
                out_v[b, row, pl.ds(cb + 16, 16)] = gs[2 * k + 1]
            return cvec
        lax.fori_loop(0, width // 16, row_blk,
                      jnp.zeros((16,), jnp.int32))

    in_copy(0, 0).start()

    def body(i, _):
        b = i % 2
        in_copy(i, b).wait()

        @pl.when(i + 1 < nu)
        def _():
            in_copy(i + 1, 1 - b).start()

        @pl.when(i >= 2)
        def _():
            out_copy(i - 2, b).wait()

        transpose_block(b, 128)
        out_copy(i, b).start()
        return 0

    lax.fori_loop(0, nu, body, 0)

    @pl.when(nu >= 2)
    def _():
        out_copy(nu - 2, nu % 2).wait()
    out_copy(nu - 1, (nu - 1) % 2).wait()

    @pl.when(wid == 0)
    def _():
        pltpu.sync_copy(tail_hbm, in_v.at[0, pl.ds(0, 16), :])
        pltpu.sync_copy(in_v.at[0, pl.ds(0, 16), :],
                        out_hbm.at[pl.ds(_TCOLS * 32, 16), :])


_sc_transpose = functools.partial(
    pl.kernel,
    out_type=jax.ShapeDtypeStruct((_VOCAB // 4, 128), jnp.float32),
    mesh=plsc.VectorSubcoreMesh(core_axis_name="c", subcore_axis_name="s"),
    scratch_types=[
        pltpu.VMEM((2, _EMBED, 128), jnp.float32),
        pltpu.VMEM((2, 32, 128), jnp.float32),
        pltpu.SemaphoreType.DMA((2,)),
        pltpu.SemaphoreType.DMA((2,)),
    ],
    compiler_params=pltpu.CompilerParams(
        use_tc_tiling_on_sc=True, needs_layout_passes=False),
)(_tr_body)


_LB = 8
_I4 = _BATCH // 4


def _mm_body(x_ref, w_ref, b_ref, o_ref):
    @pl.when(pl.program_id(0) == 0)
    def _():
        o_ref[...] = jnp.broadcast_to(b_ref[...], (_I4, 4 * _NUM_CLASS))

    acc = lax.dot_general(
        x_ref[0], w_ref[0], (((1,), (0,)), ((), ())),
        preferred_element_type=jnp.float32,
    )
    for j in range(1, _LB):
        acc += lax.dot_general(
            x_ref[j], w_ref[j], (((1,), (0,)), ((), ())),
            preferred_element_type=jnp.float32,
        )
    o_ref[...] += acc


def _tc_matmul(x3, w4, b4):
    return pl.pallas_call(
        _mm_body,
        grid=(_MAX_LEN // _LB,),
        in_specs=[
            pl.BlockSpec((_LB, _I4, 128), lambda i: (i, 0, 0)),
            pl.BlockSpec((_LB, 128, 4 * _NUM_CLASS), lambda i: (i, 0, 0)),
            pl.BlockSpec((1, 4 * _NUM_CLASS), lambda i: (0, 0)),
        ],
        out_specs=pl.BlockSpec((_I4, 4 * _NUM_CLASS), lambda i: (0, 0)),
        out_shape=jax.ShapeDtypeStruct((_I4, 4 * _NUM_CLASS), jnp.float32),
    )(x3, w4, b4)


@jax.jit
def kernel(text, emb_table, fc_w, fc_b):
    flat_idx = text.T.reshape(_TOTAL).astype(jnp.int32)
    tail = emb_table[_TCOLS * 128:, :].reshape(16, 128)
    tab_lin = _sc_transpose(emb_table.T, tail).reshape(_VOCAB, _EMBED)
    rows = _sc_gather(flat_idx, tab_lin)
    x3 = rows.reshape(_MAX_LEN, _I4, 128)
    wl = fc_w.reshape(_NUM_CLASS, _MAX_LEN, _EMBED).transpose(1, 2, 0)
    eye4 = jnp.eye(4, dtype=jnp.float32)
    w4 = (wl[:, None, :, None, :] * eye4[None, :, None, :, None]).reshape(
        _MAX_LEN, 128, 4 * _NUM_CLASS)
    b4 = jnp.tile(fc_b, 4).reshape(1, 4 * _NUM_CLASS)
    out4 = _tc_matmul(x3, w4, b4)
    return out4.reshape(_BATCH, _NUM_CLASS)

# --- scband reference (transcript-rebuilt; emitter-appended) ---
"""Pipeline reference for scband-text-classification-model-36773509988562 (READ-ONLY COPY).

The authoritative reference and input builder live on the scoring server;
editing this copy changes nothing except your own understanding.
"""

import jax, jax.numpy as jnp
import numpy as np

VOCAB = 1000000
EMBED = 32
NUM_CLASS = 16
MAX_LEN = 200
BATCH = 4096

def setup_inputs(seed: int = 0) -> dict:
    key = jax.random.key(seed)
    k1, k2, k3 = jax.random.split(key, 3)
    text = jax.random.randint(k1, (BATCH, MAX_LEN), 0, VOCAB, dtype=jnp.int64) if jax.config.jax_enable_x64 else jax.random.randint(k1, (BATCH, MAX_LEN), 0, VOCAB, dtype=jnp.int32)
    emb_table = jax.random.uniform(k2, (VOCAB, EMBED), dtype=jnp.float32, minval=-0.5, maxval=0.5)
    fc_w = jax.random.uniform(k3, (NUM_CLASS, MAX_LEN * EMBED), dtype=jnp.float32, minval=-0.5, maxval=0.5)
    fc_b = jnp.zeros((NUM_CLASS,), dtype=jnp.float32)
    return {"text": text, "emb_table": emb_table, "fc_w": fc_w, "fc_b": fc_b}

def reference(text, emb_table, fc_w, fc_b):
    # embedding lookup (gather rows)
    embedded = jnp.take(emb_table, text, axis=0)  # [B, L, D]
    embedded_compact = embedded.reshape(-1, MAX_LEN * EMBED)  # [B, L*D]
    out = embedded_compact @ fc_w.T + fc_b  # [B, NUM_CLASS]
    return out

if __name__ == "__main__":
    import jax
    _d = setup_inputs()
    print(jax.jit(kernel)(*tuple(_d.values())))

</pallas_src>

<mosaic_0001>
#map = affine_map<(d0, d1) -> (0)>
#map1 = affine_map<(d0, d1) -> (0, 0)>
module attributes {stable_mosaic.version = 14 : i64} {
  func.func @_gather_body(%arg0: i32, %arg1: i32, %arg2: memref<819200xi32, #tpu.memory_space<hbm>>, %arg3: memref<1000000x32xf32, #tpu.memory_space<hbm>>, %arg4: memref<819200x32xf32, #tpu.memory_space<hbm>>, %arg5: memref<25600xi32, #tpu.memory_space<vmem>>, %arg6: memref<2x1280x32xf32, #tpu.memory_space<vmem>>, %arg7: memref<2x!tpu.dma_semaphore, #tpu.memory_space<semaphore_mem>>, %arg8: memref<2x!tpu.dma_semaphore, #tpu.memory_space<semaphore_mem>>) attributes {dimension_semantics = [#tpu.dimension_semantics<core_parallel>, #tpu.dimension_semantics<subcore_parallel>], iteration_bounds = array<i64: 2, 16>, scalar_prefetch = 0 : i64, scratch_operands = 4 : i64, tpu.core_type = #tpu.core_type<sc_vector_subcore>, window_params = [{transform_indices = #map}, {transform_indices = #map1}, {transform_indices = #map1}]} {
    %mul3A = arith.constant 2 : i32
    %mul3A_0 = arith.muli %arg1, %mul3A : i32
    %add3A = arith.addi %mul3A_0, %arg0 : i32
    %mul3A_1 = arith.constant 25600 : i32
    %mul3A_2 = arith.muli %add3A, %mul3A_1 : i32
    "tpu.region"() ({
      %run_scoped3A = tpu.sem_alloc : memref<!tpu.dma_semaphore, #tpu.memory_space<semaphore_mem>>
      %dma_start3A_1241 = tpu.memref_slice %arg2[%mul3A_2] : memref<819200xi32, #tpu.memory_space<hbm>> -> memref<25600xi32, #tpu.memory_space<hbm>>
      %dma_start3A_1242 = tpu.memref_slice %arg2[%mul3A_2] : memref<819200xi32, #tpu.memory_space<hbm>> -> memref<25600xi32, #tpu.memory_space<hbm>>
      tpu.enqueue_dma source(%dma_start3A_1242 : memref<25600xi32, #tpu.memory_space<hbm>>) target(%arg5 : memref<25600xi32, #tpu.memory_space<vmem>>) target_semaphore(%run_scoped3A : memref<!tpu.dma_semaphore, #tpu.memory_space<semaphore_mem>>)
      %dma_wait3A_1243 = tpu.memref_slice %arg2[%mul3A_2] : memref<819200xi32, #tpu.memory_space<hbm>> -> memref<25600xi32, #tpu.memory_space<hbm>>
      %dma_wait3A_1244 = tpu.memref_slice %arg2[%mul3A_2] : memref<819200xi32, #tpu.memory_space<hbm>> -> memref<25600xi32, #tpu.memory_space<hbm>>
      tpu.wait_dma2 semaphore(%run_scoped3A : memref<!tpu.dma_semaphore, #tpu.memory_space<semaphore_mem>>) src(%dma_wait3A_1244 : memref<25600xi32, #tpu.memory_space<hbm>>) dst(%arg5 : memref<25600xi32, #tpu.memory_space<vmem>>)
      tpu.yield
    }) : () -> ()
    %dma_start3A = arith.constant 0 : i32
    %dma_start3A_3 = arith.constant 0 : i32
    %dma_start3A_4 = arith.constant 0 : i32
    %dma_start3A_5 = arith.constant 0 : i32
    %dma_start3A_6 = tpu.memref_slice %arg6[%dma_start3A, %dma_start3A_4, %dma_start3A_5] : memref<2x1280x32xf32, #tpu.memory_space<vmem>> -> memref<1x1280x32xf32, #tpu.memory_space<vmem>>
    %dma_start3A_7 = tpu.memref_squeeze %dma_start3A_6 : memref<1x1280x32xf32, #tpu.memory_space<vmem>> -> memref<1280x32xf32, #tpu.memory_space<vmem>>
    %dma_start3A_8 = arith.constant 0 : i32
    %dma_start3A_9 = tpu.memref_slice %arg5[%dma_start3A_8] : memref<25600xi32, #tpu.memory_space<vmem>> -> memref<1280xi32, #tpu.memory_space<vmem>>
    %dma_start3A_10 = arith.constant 0 : i32
    %dma_start3A_11 = arith.constant 0 : i32
    %dma_start3A_12 = tpu.memref_slice %arg3[%dma_start3A_10, %dma_start3A_11] : memref<1000000x32xf32, #tpu.memory_space<hbm>> -> memref<1000000x32xf32, #tpu.memory_space<hbm>>
    %dma_start3A_13 = tpu.memref_slice %arg7[%dma_start3A_3] : memref<2x!tpu.dma_semaphore, #tpu.memory_space<semaphore_mem>> -> memref<1x!tpu.dma_semaphore, #tpu.memory_space<semaphore_mem>>
    %dma_start3A_14 = tpu.memref_squeeze %dma_start3A_13 : memref<1x!tpu.dma_semaphore, #tpu.memory_space<semaphore_mem>> -> memref<!tpu.dma_semaphore, #tpu.memory_space<semaphore_mem>>
    tpu.enqueue_indirect_dma source(%dma_start3A_12 : memref<1000000x32xf32, #tpu.memory_space<hbm>>) target(%dma_start3A_7 : memref<1280x32xf32, #tpu.memory_space<vmem>>) offsets(%dma_start3A_9 : memref<1280xi32, #tpu.memory_space<vmem>>) semaphore(%dma_start3A_14 : memref<!tpu.dma_semaphore, #tpu.memory_space<semaphore_mem>>)
    %dma_wait3A = arith.constant 0 : i32
    %dma_wait3A_15 = arith.constant 0 : i32
    %dma_wait3A_16 = arith.constant 0 : i32
    %dma_wait3A_17 = arith.constant 0 : i32
    %dma_wait3A_18 = tpu.memref_slice %arg6[%dma_wait3A, %dma_wait3A_16, %dma_wait3A_17] : memref<2x1280x32xf32, #tpu.memory_space<vmem>> -> memref<1x1280x32xf32, #tpu.memory_space<vmem>>
    %dma_wait3A_19 = tpu.memref_squeeze %dma_wait3A_18 : memref<1x1280x32xf32, #tpu.memory_space<vmem>> -> memref<1280x32xf32, #tpu.memory_space<vmem>>
    %dma_wait3A_20 = arith.constant 0 : i32
    %dma_wait3A_21 = tpu.memref_slice %arg5[%dma_wait3A_20] : memref<25600xi32, #tpu.memory_space<vmem>> -> memref<1280xi32, #tpu.memory_space<vmem>>
    %dma_wait3A_22 = arith.constant 0 : i32
    %dma_wait3A_23 = arith.constant 0 : i32
    %dma_wait3A_24 = tpu.memref_slice %arg3[%dma_wait3A_22, %dma_wait3A_23] : memref<1000000x32xf32, #tpu.memory_space<hbm>> -> memref<1000000x32xf32, #tpu.memory_space<hbm>>
    %dma_wait3A_25 = tpu.memref_slice %arg7[%dma_wait3A_15] : memref<2x!tpu.dma_semaphore, #tpu.memory_space<semaphore_mem>> -> memref<1x!tpu.dma_semaphore, #tpu.memory_space<semaphore_mem>>
    %dma_wait3A_26 = tpu.memref_squeeze %dma_wait3A_25 : memref<1x!tpu.dma_semaphore, #tpu.memory_space<semaphore_mem>> -> memref<!tpu.dma_semaphore, #tpu.memory_space<semaphore_mem>>
    tpu.wait_indirect_dma semaphore(%dma_wait3A_26 : memref<!tpu.dma_semaphore, #tpu.memory_space<semaphore_mem>>) src(%dma_wait3A_24 : memref<1000000x32xf32, #tpu.memory_space<hbm>>) dst(%dma_wait3A_19 : memref<1280x32xf32, #tpu.memory_space<vmem>>)
    %dma_start3A_27 = arith.constant 1 : i32
    %dma_start3A_28 = arith.constant 1 : i32
    %dma_start3A_29 = arith.constant 0 : i32
    %dma_start3A_30 = arith.constant 0 : i32
    %dma_start3A_31 = tpu.memref_slice %arg6[%dma_start3A_27, %dma_start3A_29, %dma_start3A_30] : memref<2x1280x32xf32, #tpu.memory_space<vmem>> -> memref<1x1280x32xf32, #tpu.memory_space<vmem>>
    %dma_start3A_32 = tpu.memref_squeeze %dma_start3A_31 : memref<1x1280x32xf32, #tpu.memory_space<vmem>> -> memref<1280x32xf32, #tpu.memory_space<vmem>>
    %dma_start3A_33 = arith.constant 1280 : i32
    %dma_start3A_34 = tpu.memref_slice %arg5[%dma_start3A_33] : memref<25600xi32, #tpu.memory_space<vmem>> -> memref<1280xi32, #tpu.memory_space<vmem>>
    %dma_start3A_35 = arith.constant 0 : i32
    %dma_start3A_36 = arith.constant 0 : i32
    %dma_start3A_37 = tpu.memref_slice %arg3[%dma_start3A_35, %dma_start3A_36] : memref<1000000x32xf32, #tpu.memory_space<hbm>> -> memref<1000000x32xf32, #tpu.memory_space<hbm>>
    %dma_start3A_38 = tpu.memref_slice %arg7[%dma_start3A_28] : memref<2x!tpu.dma_semaphore, #tpu.memory_space<semaphore_mem>> -> memref<1x!tpu.dma_semaphore, #tpu.memory_space<semaphore_mem>>
    %dma_start3A_39 = tpu.memref_squeeze %dma_start3A_38 : memref<1x!tpu.dma_semaphore, #tpu.memory_space<semaphore_mem>> -> memref<!tpu.dma_semaphore, #tpu.memory_space<semaphore_mem>>
    tpu.enqueue_indirect_dma source(%dma_start3A_37 : memref<1000000x32xf32, #tpu.memory_space<hbm>>) target(%dma_start3A_32 : memref<1280x32xf32, #tpu.memory_space<vmem>>) offsets(%dma_start3A_34 : memref<1280xi32, #tpu.memory_space<vmem>>) semaphore(%dma_start3A_39 : memref<!tpu.dma_semaphore, #tpu.memory_space<semaphore_mem>>)
    %add3A_40 = arith.constant 0 : i32
    %add3A_41 = arith.addi %mul3A_2, %add3A_40 : i32
    %dma_start3A_42 = arith.constant 0 : i32
    %dma_start3A_43 = arith.constant 0 : i32
    %dma_start3A_44 = arith.constant 0 : i32
    %dma_start3A_45 = arith.constant 0 : i32
    %dma_start3A_46 = tpu.memref_slice %arg6[%dma_start3A_42, %dma_start3A_44, %dma_start3A_45] : memref<2x1280x32xf32, #tpu.memory_space<vmem>> -> memref<1x1280x32xf32, #tpu.memory_space<vmem>>
    %dma_start3A_47 = tpu.memref_squeeze %dma_start3A_46 : memref<1x1280x32xf32, #tpu.memory_space<vmem>> -> memref<1280x32xf32, #tpu.memory_space<vmem>>
    %dma_start3A_48 = arith.constant 0 : i32
    %dma_start3A_49 = tpu.memref_slice %arg4[%add3A_41, %dma_start3A_48] : memref<819200x32xf32, #tpu.memory_space<hbm>> -> memref<1280x32xf32, #tpu.memory_space<hbm>>
    %dma_start3A_50 = tpu.memref_slice %arg8[%dma_start3A_43] : memref<2x!tpu.dma_semaphore, #tpu.memory_space<semaphore_mem>> -> memref<1x!tpu.dma_semaphore, #tpu.memory_space<semaphore_mem>>
    %dma_start3A_51 = tpu.memref_squeeze %dma_start3A_50 : memref<1x!tpu.dma_semaphore, #tpu.memory_space<semaphore_mem>> -> memref<!tpu.dma_semaphore, #tpu.memory_space<semaphore_mem>>
    %dma_start3A_52 = arith.constant 0 : i32
    %dma_start3A_53 = tpu.memref_slice %arg4[%add3A_41, %dma_start3A_52] : memref<819200x32xf32, #tpu.memory_space<hbm>> -> memref<1280x32xf32, #tpu.memory_space<hbm>>
    %dma_start3A_54 = arith.constant 0 : i32
    %dma_start3A_55 = arith.constant 0 : i32
    %dma_start3A_56 = tpu.memref_slice %arg6[%dma_start3A_42, %dma_start3A_54, %dma_start3A_55] : memref<2x1280x32xf32, #tpu.memory_space<vmem>> -> memref<1x1280x32xf32, #tpu.memory_space<vmem>>
    %dma_start3A_57 = tpu.memref_squeeze %dma_start3A_56 : memref<1x1280x32xf32, #tpu.memory_space<vmem>> -> memref<1280x32xf32, #tpu.memory_space<vmem>>
    tpu.enqueue_dma source(%dma_start3A_57 : memref<1280x32xf32, #tpu.memory_space<vmem>>) target(%dma_start3A_53 : memref<1280x32xf32, #tpu.memory_space<hbm>>) target_semaphore(%dma_start3A_51 : memref<!tpu.dma_semaphore, #tpu.memory_space<semaphore_mem>>)
    %dma_wait3A_58 = arith.constant 1 : i32
    %dma_wait3A_59 = arith.constant 1 : i32
    %dma_wait3A_60 = arith.constant 0 : i32
    %dma_wait3A_61 = arith.constant 0 : i32
    %dma_wait3A_62 = tpu.memref_slice %arg6[%dma_wait3A_58, %dma_wait3A_60, %dma_wait3A_61] : memref<2x1280x32xf32, #tpu.memory_space<vmem>> -> memref<1x1280x32xf32, #tpu.memory_space<vmem>>
    %dma_wait3A_63 = tpu.memref_squeeze %dma_wait3A_62 : memref<1x1280x32xf32, #tpu.memory_space<vmem>> -> memref<1280x32xf32, #tpu.memory_space<vmem>>
    %dma_wait3A_64 = arith.constant 1280 : i32
    %dma_wait3A_65 = tpu.memref_slice %arg5[%dma_wait3A_64] : memref<25600xi32, #tpu.memory_space<vmem>> -> memref<1280xi32, #tpu.memory_space<vmem>>
    %dma_wait3A_66 = arith.constant 0 : i32
    %dma_wait3A_67 = arith.constant 0 : i32
    %dma_wait3A_68 = tpu.memref_slice %arg3[%dma_wait3A_66, %dma_wait3A_67] : memref<1000000x32xf32, #tpu.memory_space<hbm>> -> memref<1000000x32xf32, #tpu.memory_space<hbm>>
    %dma_wait3A_69 = tpu.memref_slice %arg7[%dma_wait3A_59] : memref<2x!tpu.dma_semaphore, #tpu.memory_space<semaphore_mem>> -> memref<1x!tpu.dma_semaphore, #tpu.memory_space<semaphore_mem>>
    %dma_wait3A_70 = tpu.memref_squeeze %dma_wait3A_69 : memref<1x!tpu.dma_semaphore, #tpu.memory_space<semaphore_mem>> -> memref<!tpu.dma_semaphore, #tpu.memory_space<semaphore_mem>>
    tpu.wait_indirect_dma semaphore(%dma_wait3A_70 : memref<!tpu.dma_semaphore, #tpu.memory_space<semaphore_mem>>) src(%dma_wait3A_68 : memref<1000000x32xf32, #tpu.memory_space<hbm>>) dst(%dma_wait3A_63 : memref<1280x32xf32, #tpu.memory_space<vmem>>)
    %add3A_71 = arith.constant 0 : i32
    %add3A_72 = arith.addi %mul3A_2, %add3A_71 : i32
    %dma_wait3A_73 = arith.constant 0 : i32
    %dma_wait3A_74 = arith.constant 0 : i32
    %dma_wait3A_75 = arith.constant 0 : i32
    %dma_wait3A_76 = arith.constant 0 : i32
    %dma_wait3A_77 = tpu.memref_slice %arg6[%dma_wait3A_73, %dma_wait3A_75, %dma_wait3A_76] : memref<2x1280x32xf32, #tpu.memory_space<vmem>> -> memref<1x1280x32xf32, #tpu.memory_space<vmem>>
    %dma_wait3A_78 = tpu.memref_squeeze %dma_wait3A_77 : memref<1x1280x32xf32, #tpu.memory_space<vmem>> -> memref<1280x32xf32, #tpu.memory_space<vmem>>
    %dma_wait3A_79 = arith.constant 0 : i32
    %dma_wait3A_80 = tpu.memref_slice %arg4[%add3A_72, %dma_wait3A_79] : memref<819200x32xf32, #tpu.memory_space<hbm>> -> memref<1280x32xf32, #tpu.memory_space<hbm>>
    %dma_wait3A_81 = tpu.memref_slice %arg8[%dma_wait3A_74] : memref<2x!tpu.dma_semaphore, #tpu.memory_space<semaphore_mem>> -> memref<1x!tpu.dma_semaphore, #tpu.memory_space<semaphore_mem>>
    %dma_wait3A_82 = tpu.memref_squeeze %dma_wait3A_81 : memref<1x!tpu.dma_semaphore, #tpu.memory_space<semaphore_mem>> -> memref<!tpu.dma_semaphore, #tpu.memory_space<semaphore_mem>>
    %dma_wait3A_83 = arith.constant 0 : i32
    %dma_wait3A_84 = tpu.memref_slice %arg4[%add3A_72, %dma_wait3A_83] : memref<819200x32xf32, #tpu.memory_space<hbm>> -> memref<1280x32xf32, #tpu.memory_space<hbm>>
    %dma_wait3A_85 = arith.constant 0 : i32
    %dma_wait3A_86 = arith.constant 0 : i32
    %dma_wait3A_87 = tpu.memref_slice %arg6[%dma_wait3A_73, %dma_wait3A_85, %dma_wait3A_86] : memref<2x1280x32xf32, #tpu.memory_space<vmem>> -> memref<1x1280x32xf32, #tpu.memory_space<vmem>>
    %dma_wait3A_88 = tpu.memref_squeeze %dma_wait3A_87 : memref<1x1280x32xf32, #tpu.memory_space<vmem>> -> memref<1280x32xf32, #tpu.memory_space<vmem>>
    tpu.wait_dma2 semaphore(%dma_wait3A_82 : memref<!tpu.dma_semaphore, #tpu.memory_space<semaphore_mem>>) src(%dma_wait3A_88 : memref<1280x32xf32, #tpu.memory_space<vmem>>) dst(%dma_wait3A_84 : memref<1280x32xf32, #tpu.memory_space<hbm>>)
    %dma_start3A_89 = arith.constant 0 : i32
    %dma_start3A_90 = arith.constant 0 : i32
    %dma_start3A_91 = arith.constant 0 : i32
    %dma_start3A_92 = arith.constant 0 : i32
    %dma_start3A_93 = tpu.memref_slice %arg6[%dma_start3A_89, %dma_start3A_91, %dma_start3A_92] : memref<2x1280x32xf32, #tpu.memory_space<vmem>> -> memref<1x1280x32xf32, #tpu.memory_space<vmem>>
    %dma_start3A_94 = tpu.memref_squeeze %dma_start3A_93 : memref<1x1280x32xf32, #tpu.memory_space<vmem>> -> memref<1280x32xf32, #tpu.memory_space<vmem>>
    %dma_start3A_95 = arith.constant 2560 : i32
    %dma_start3A_96 = tpu.memref_slice %arg5[%dma_start3A_95] : memref<25600xi32, #tpu.memory_space<vmem>> -> memref<1280xi32, #tpu.memory_space<vmem>>
    %dma_start3A_97 = arith.constant 0 : i32
    %dma_start3A_98 = arith.constant 0 : i32
    %dma_start3A_99 = tpu.memref_slice %arg3[%dma_start3A_97, %dma_start3A_98] : memref<1000000x32xf32, #tpu.memory_space<hbm>> -> memref<1000000x32xf32, #tpu.memory_space<hbm>>
    %dma_start3A_100 = tpu.memref_slice %arg7[%dma_start3A_90] : memref<2x!tpu.dma_semaphore, #tpu.memory_space<semaphore_mem>> -> memref<1x!tpu.dma_semaphore, #tpu.memory_space<semaphore_mem>>
    %dma_start3A_101 = tpu.memref_squeeze %dma_start3A_100 : memref<1x!tpu.dma_semaphore, #tpu.memory_space<semaphore_mem>> -> memref<!tpu.dma_semaphore, #tpu.memory_space<semaphore_mem>>
    tpu.enqueue_indirect_dma source(%dma_start3A_99 : memref<1000000x32xf32, #tpu.memory_space<hbm>>) target(%dma_start3A_94 : memref<1280x32xf32, #tpu.memory_space<vmem>>) offsets(%dma_start3A_96 : memref<1280xi32, #tpu.memory_space<vmem>>) semaphore(%dma_start3A_101 : memref<!tpu.dma_semaphore, #tpu.memory_space<semaphore_mem>>)
    %add3A_102 = arith.constant 1280 : i32
    %add3A_103 = arith.addi %mul3A_2, %add3A_102 : i32
    %dma_start3A_104 = arith.constant 1 : i32
    %dma_start3A_105 = arith.constant 1 : i32
    %dma_start3A_106 = arith.constant 0 : i32
    %dma_start3A_107 = arith.constant 0 : i32
    %dma_start3A_108 = tpu.memref_slice %arg6[%dma_start3A_104, %dma_start3A_106, %dma_start3A_107] : memref<2x1280x32xf32, #tpu.memory_space<vmem>> -> memref<1x1280x32xf32, #tpu.memory_space<vmem>>
    %dma_start3A_109 = tpu.memref_squeeze %dma_start3A_108 : memref<1x1280x32xf32, #tpu.memory_space<vmem>> -> memref<1280x32xf32, #tpu.memory_space<vmem>>
    %dma_start3A_110 = arith.constant 0 : i32
    %dma_start3A_111 = tpu.memref_slice %arg4[%add3A_103, %dma_start3A_110] : memref<819200x32xf32, #tpu.memory_space<hbm>> -> memref<1280x32xf32, #tpu.memory_space<hbm>>
    %dma_start3A_112 = tpu.memref_slice %arg8[%dma_start3A_105] : memref<2x!tpu.dma_semaphore, #tpu.memory_space<semaphore_mem>> -> memref<1x!tpu.dma_semaphore, #tpu.memory_space<semaphore_mem>>
    %dma_start3A_113 = tpu.memref_squeeze %dma_start3A_112 : memref<1x!tpu.dma_semaphore, #tpu.memory_space<semaphore_mem>> -> memref<!tpu.dma_semaphore, #tpu.memory_space<semaphore_mem>>
    %dma_start3A_114 = arith.constant 0 : i32
    %dma_start3A_115 = tpu.memref_slice %arg4[%add3A_103, %dma_start3A_114] : memref<819200x32xf32, #tpu.memory_space<hbm>> -> memref<1280x32xf32, #tpu.memory_space<hbm>>
    %dma_start3A_116 = arith.constant 0 : i32
    %dma_start3A_117 = arith.constant 0 : i32
    %dma_start3A_118 = tpu.memref_slice %arg6[%dma_start3A_104, %dma_start3A_116, %dma_start3A_117] : memref<2x1280x32xf32, #tpu.memory_space<vmem>> -> memref<1x1280x32xf32, #tpu.memory_space<vmem>>
    %dma_start3A_119 = tpu.memref_squeeze %dma_start3A_118 : memref<1x1280x32xf32, #tpu.memory_space<vmem>> -> memref<1280x32xf32, #tpu.memory_space<vmem>>
    tpu.enqueue_dma source(%dma_start3A_119 : memref<1280x32xf32, #tpu.memory_space<vmem>>) target(%dma_start3A_115 : memref<1280x32xf32, #tpu.memory_space<hbm>>) target_semaphore(%dma_start3A_113 : memref<!tpu.dma_semaphore, #tpu.memory_space<semaphore_mem>>)
    %dma_wait3A_120 = arith.constant 0 : i32
    %dma_wait3A_121 = arith.constant 0 : i32
    %dma_wait3A_122 = arith.constant 0 : i32
    %dma_wait3A_123 = arith.constant 0 : i32
    %dma_wait3A_124 = tpu.memref_slice %arg6[%dma_wait3A_120, %dma_wait3A_122, %dma_wait3A_123] : memref<2x1280x32xf32, #tpu.memory_space<vmem>> -> memref<1x1280x32xf32, #tpu.memory_space<vmem>>
    %dma_wait3A_125 = tpu.memref_squeeze %dma_wait3A_124 : memref<1x1280x32xf32, #tpu.memory_space<vmem>> -> memref<1280x32xf32, #tpu.memory_space<vmem>>
    %dma_wait3A_126 = arith.constant 2560 : i32
    %dma_wait3A_127 = tpu.memref_slice %arg5[%dma_wait3A_126] : memref<25600xi32, #tpu.memory_space<vmem>> -> memref<1280xi32, #tpu.memory_space<vmem>>
    %dma_wait3A_128 = arith.constant 0 : i32
    %dma_wait3A_129 = arith.constant 0 : i32
    %dma_wait3A_130 = tpu.memref_slice %arg3[%dma_wait3A_128, %dma_wait3A_129] : memref<1000000x32xf32, #tpu.memory_space<hbm>> -> memref<1000000x32xf32, #tpu.memory_space<hbm>>
    %dma_wait3A_131 = tpu.memref_slice %arg7[%dma_wait3A_121] : memref<2x!tpu.dma_semaphore, #tpu.memory_space<semaphore_mem>> -> memref<1x!tpu.dma_semaphore, #tpu.memory_space<semaphore_mem>>
    %dma_wait3A_132 = tpu.memref_squeeze %dma_wait3A_131 : memref<1x!tpu.dma_semaphore, #tpu.memory_space<semaphore_mem>> -> memref<!tpu.dma_semaphore, #tpu.memory_space<semaphore_mem>>
    tpu.wait_indirect_dma semaphore(%dma_wait3A_132 : memref<!tpu.dma_semaphore, #tpu.memory_space<semaphore_mem>>) src(%dma_wait3A_130 : memref<1000000x32xf32, #tpu.memory_space<hbm>>) dst(%dma_wait3A_125 : memref<1280x32xf32, #tpu.memory_space<vmem>>)
    %add3A_133 = arith.constant 1280 : i32
    %add3A_134 = arith.addi %mul3A_2, %add3A_133 : i32
    %dma_wait3A_135 = arith.constant 1 : i32
    %dma_wait3A_136 = arith.constant 1 : i32
    %dma_wait3A_137 = arith.constant 0 : i32
    %dma_wait3A_138 = arith.constant 0 : i32
    %dma_wait3A_139 = tpu.memref_slice %arg6[%dma_wait3A_135, %dma_wait3A_137, %dma_wait3A_138] : memref<2x1280x32xf32, #tpu.memory_space<vmem>> -> memref<1x1280x32xf32, #tpu.memory_space<vmem>>
    %dma_wait3A_140 = tpu.memref_squeeze %dma_wait3A_139 : memref<1x1280x32xf32, #tpu.memory_space<vmem>> -> memref<1280x32xf32, #tpu.memory_space<vmem>>
    %dma_wait3A_141 = arith.constant 0 : i32
    %dma_wait3A_142 = tpu.memref_slice %arg4[%add3A_134, %dma_wait3A_141] : memref<819200x32xf32, #tpu.memory_space<hbm>> -> memref<1280x32xf32, #tpu.memory_space<hbm>>
    %dma_wait3A_143 = tpu.memref_slice %arg8[%dma_wait3A_136] : memref<2x!tpu.dma_semaphore, #tpu.memory_space<semaphore_mem>> -> memref<1x!tpu.dma_semaphore, #tpu.memory_space<semaphore_mem>>
    %dma_wait3A_144 = tpu.memref_squeeze %dma_wait3A_143 : memref<1x!tpu.dma_semaphore, #tpu.memory_space<semaphore_mem>> -> memref<!tpu.dma_semaphore, #tpu.memory_space<semaphore_mem>>
    %dma_wait3A_145 = arith.constant 0 : i32
    %dma_wait3A_146 = tpu.memref_slice %arg4[%add3A_134, %dma_wait3A_145] : memref<819200x32xf32, #tpu.memory_space<hbm>> -> memref<1280x32xf32, #tpu.memory_space<hbm>>
    %dma_wait3A_147 = arith.constant 0 : i32
    %dma_wait3A_148 = arith.constant 0 : i32
    %dma_wait3A_149 = tpu.memref_slice %arg6[%dma_wait3A_135, %dma_wait3A_147, %dma_wait3A_148] : memref<2x1280x32xf32, #tpu.memory_space<vmem>> -> memref<1x1280x32xf32, #tpu.memory_space<vmem>>
    %dma_wait3A_150 = tpu.memref_squeeze %dma_wait3A_149 : memref<1x1280x32xf32, #tpu.memory_space<vmem>> -> memref<1280x32xf32, #tpu.memory_space<vmem>>
    tpu.wait_dma2 semaphore(%dma_wait3A_144 : memref<!tpu.dma_semaphore, #tpu.memory_space<semaphore_mem>>) src(%dma_wait3A_150 : memref<1280x32xf32, #tpu.memory_space<vmem>>) dst(%dma_wait3A_146 : memref<1280x32xf32, #tpu.memory_space<hbm>>)
    %dma_start3A_151 = arith.constant 1 : i32
    %dma_start3A_152 = arith.constant 1 : i32
    %dma_start3A_153 = arith.constant 0 : i32
    %dma_start3A_154 = arith.constant 0 : i32
    %dma_start3A_155 = tpu.memref_slice %arg6[%dma_start3A_151, %dma_start3A_153, %dma_start3A_154] : memref<2x1280x32xf32, #tpu.memory_space<vmem>> -> memref<1x1280x32xf32, #tpu.memory_space<vmem>>
    %dma_start3A_156 = tpu.memref_squeeze %dma_start3A_155 : memref<1x1280x32xf32, #tpu.memory_space<vmem>> -> memref<1280x32xf32, #tpu.memory_space<vmem>>
    %dma_start3A_157 = arith.constant 3840 : i32
    %dma_start3A_158 = tpu.memref_slice %arg5[%dma_start3A_157] : memref<25600xi32, #tpu.memory_space<vmem>> -> memref<1280xi32, #tpu.memory_space<vmem>>
    %dma_start3A_159 = arith.constant 0 : i32
    %dma_start3A_160 = arith.constant 0 : i32
    %dma_start3A_161 = tpu.memref_slice %arg3[%dma_start3A_159, %dma_start3A_160] : memref<1000000x32xf32, #tpu.memory_space<hbm>> -> memref<1000000x32xf32, #tpu.memory_space<hbm>>
    %dma_start3A_162 = tpu.memref_slice %arg7[%dma_start3A_152] : memref<2x!tpu.dma_semaphore, #tpu.memory_space<semaphore_mem>> -> memref<1x!tpu.dma_semaphore, #tpu.memory_space<semaphore_mem>>
    %dma_start3A_163 = tpu.memref_squeeze %dma_start3A_162 : memref<1x!tpu.dma_semaphore, #tpu.memory_space<semaphore_mem>> -> memref<!tpu.dma_semaphore, #tpu.memory_space<semaphore_mem>>
    tpu.enqueue_indirect_dma source(%dma_start3A_161 : memref<1000000x32xf32, #tpu.memory_space<hbm>>) target(%dma_start3A_156 : memref<1280x32xf32, #tpu.memory_space<vmem>>) offsets(%dma_start3A_158 : memref<1280xi32, #tpu.memory_space<vmem>>) semaphore(%dma_start3A_163 : memref<!tpu.dma_semaphore, #tpu.memory_space<semaphore_mem>>)
    %add3A_164 = arith.constant 2560 : i32
    %add3A_165 = arith.addi %mul3A_2, %add3A_164 : i32
    %dma_start3A_166 = arith.constant 0 : i32
    %dma_start3A_167 = arith.constant 0 : i32
    %dma_start3A_168 = arith.constant 0 : i32
    %dma_start3A_169 = arith.constant 0 : i32
    %dma_start3A_170 = tpu.memref_slice %arg6[%dma_start3A_166, %dma_start3A_168, %dma_start3A_169] : memref<2x1280x32xf32, #tpu.memory_space<vmem>> -> memref<1x1280x32xf32, #tpu.memory_space<vmem>>
    %dma_start3A_171 = tpu.memref_squeeze %dma_start3A_170 : memref<1x1280x32xf32, #tpu.memory_space<vmem>> -> memref<1280x32xf32, #tpu.memory_space<vmem>>
    %dma_start3A_172 = arith.constant 0 : i32
    %dma_start3A_173 = tpu.memref_slice %arg4[%add3A_165, %dma_start3A_172] : memref<819200x32xf32, #tpu.memory_space<hbm>> -> memref<1280x32xf32, #tpu.memory_space<hbm>>
    %dma_start3A_174 = tpu.memref_slice %arg8[%dma_start3A_167] : memref<2x!tpu.dma_semaphore, #tpu.memory_space<semaphore_mem>> -> memref<1x!tpu.dma_semaphore, #tpu.memory_space<semaphore_mem>>
    %dma_start3A_175 = tpu.memref_squeeze %dma_start3A_174 : memref<1x!tpu.dma_semaphore, #tpu.memory_space<semaphore_mem>> -> memref<!tpu.dma_semaphore, #tpu.memory_space<semaphore_mem>>
    %dma_start3A_176 = arith.constant 0 : i32
    %dma_start3A_177 = tpu.memref_slice %arg4[%add3A_165, %dma_start3A_176] : memref<819200x32xf32, #tpu.memory_space<hbm>> -> memref<1280x32xf32, #tpu.memory_space<hbm>>
    %dma_start3A_178 = arith.constant 0 : i32
    %dma_start3A_179 = arith.constant 0 : i32
    %dma_start3A_180 = tpu.memref_slice %arg6[%dma_start3A_166, %dma_start3A_178, %dma_start3A_179] : memref<2x1280x32xf32, #tpu.memory_space<vmem>> -> memref<1x1280x32xf32, #tpu.memory_space<vmem>>
    %dma_start3A_181 = tpu.memref_squeeze %dma_start3A_180 : memref<1x1280x32xf32, #tpu.memory_space<vmem>> -> memref<1280x32xf32, #tpu.memory_space<vmem>>
    tpu.enqueue_dma source(%dma_start3A_181 : memref<1280x32xf32, #tpu.memory_space<vmem>>) target(%dma_start3A_177 : memref<1280x32xf32, #tpu.memory_space<hbm>>) target_semaphore(%dma_start3A_175 : memref<!tpu.dma_semaphore, #tpu.memory_space<semaphore_mem>>)
    %dma_wait3A_182 = arith.constant 1 : i32
    %dma_wait3A_183 = arith.constant 1 : i32
    %dma_wait3A_184 = arith.constant 0 : i32
    %dma_wait3A_185 = arith.constant 0 : i32
    %dma_wait3A_186 = tpu.memref_slice %arg6[%dma_wait3A_182, %dma_wait3A_184, %dma_wait3A_185] : memref<2x1280x32xf32, #tpu.memory_space<vmem>> -> memref<1x1280x32xf32, #tpu.memory_space<vmem>>
    %dma_wait3A_187 = tpu.memref_squeeze %dma_wait3A_186 : memref<1x1280x32xf32, #tpu.memory_space<vmem>> -> memref<1280x32xf32, #tpu.memory_space<vmem>>
    %dma_wait3A_188 = arith.constant 3840 : i32
    %dma_wait3A_189 = tpu.memref_slice %arg5[%dma_wait3A_188] : memref<25600xi32, #tpu.memory_space<vmem>> -> memref<1280xi32, #tpu.memory_space<vmem>>
    %dma_wait3A_190 = arith.constant 0 : i32
    %dma_wait3A_191 = arith.constant 0 : i32
    %dma_wait3A_192 = tpu.memref_slice %arg3[%dma_wait3A_190, %dma_wait3A_191] : memref<1000000x32xf32, #tpu.memory_space<hbm>> -> memref<1000000x32xf32, #tpu.memory_space<hbm>>
    %dma_wait3A_193 = tpu.memref_slice %arg7[%dma_wait3A_183] : memref<2x!tpu.dma_semaphore, #tpu.memory_space<semaphore_mem>> -> memref<1x!tpu.dma_semaphore, #tpu.memory_space<semaphore_mem>>
    %dma_wait3A_194 = tpu.memref_squeeze %dma_wait3A_193 : memref<1x!tpu.dma_semaphore, #tpu.memory_space<semaphore_mem>> -> memref<!tpu.dma_semaphore, #tpu.memory_space<semaphore_mem>>
    tpu.wait_indirect_dma semaphore(%dma_wait3A_194 : memref<!tpu.dma_semaphore, #tpu.memory_space<semaphore_mem>>) src(%dma_wait3A_192 : memref<1000000x32xf32, #tpu.memory_space<hbm>>) dst(%dma_wait3A_187 : memref<1280x32xf32, #tpu.memory_space<vmem>>)
    %add3A_195 = arith.constant 2560 : i32
    %add3A_196 = arith.addi %mul3A_2, %add3A_195 : i32
    %dma_wait3A_197 = arith.constant 0 : i32
    %dma_wait3A_198 = arith.constant 0 : i32
    %dma_wait3A_199 = arith.constant 0 : i32
    %dma_wait3A_200 = arith.constant 0 : i32
    %dma_wait3A_201 = tpu.memref_slice %arg6[%dma_wait3A_197, %dma_wait3A_199, %dma_wait3A_200] : memref<2x1280x32xf32, #tpu.memory_space<vmem>> -> memref<1x1280x32xf32, #tpu.memory_space<vmem>>
    %dma_wait3A_202 = tpu.memref_squeeze %dma_wait3A_201 : memref<1x1280x32xf32, #tpu.memory_space<vmem>> -> memref<1280x32xf32, #tpu.memory_space<vmem>>
    %dma_wait3A_203 = arith.constant 0 : i32
    %dma_wait3A_204 = tpu.memref_slice %arg4[%add3A_196, %dma_wait3A_203] : memref<819200x32xf32, #tpu.memory_space<hbm>> -> memref<1280x32xf32, #tpu.memory_space<hbm>>
    %dma_wait3A_205 = tpu.memref_slice %arg8[%dma_wait3A_198] : memref<2x!tpu.dma_semaphore, #tpu.memory_space<semaphore_mem>> -> memref<1x!tpu.dma_semaphore, #tpu.memory_space<semaphore_mem>>
    %dma_wait3A_206 = tpu.memref_squeeze %dma_wait3A_205 : memref<1x!tpu.dma_semaphore, #tpu.memory_space<semaphore_mem>> -> memref<!tpu.dma_semaphore, #tpu.memory_space<semaphore_mem>>
    %dma_wait3A_207 = arith.constant 0 : i32
    %dma_wait3A_208 = tpu.memref_slice %arg4[%add3A_196, %dma_wait3A_207] : memref<819200x32xf32, #tpu.memory_space<hbm>> -> memref<1280x32xf32, #tpu.memory_space<hbm>>
    %dma_wait3A_209 = arith.constant 0 : i32
    %dma_wait3A_210 = arith.constant 0 : i32
    %dma_wait3A_211 = tpu.memref_slice %arg6[%dma_wait3A_197, %dma_wait3A_209, %dma_wait3A_210] : memref<2x1280x32xf32, #tpu.memory_space<vmem>> -> memref<1x1280x32xf32, #tpu.memory_space<vmem>>
    %dma_wait3A_212 = tpu.memref_squeeze %dma_wait3A_211 : memref<1x1280x32xf32, #tpu.memory_space<vmem>> -> memref<1280x32xf32, #tpu.memory_space<vmem>>
    tpu.wait_dma2 semaphore(%dma_wait3A_206 : memref<!tpu.dma_semaphore, #tpu.memory_space<semaphore_mem>>) src(%dma_wait3A_212 : memref<1280x32xf32, #tpu.memory_space<vmem>>) dst(%dma_wait3A_208 : memref<1280x32xf32, #tpu.memory_space<hbm>>)
    %dma_start3A_213 = arith.constant 0 : i32
    %dma_start3A_214 = arith.constant 0 : i32
    %dma_start3A_215 = arith.constant 0 : i32
    %dma_start3A_216 = arith.constant 0 : i32
    %dma_start3A_217 = tpu.memref_slice %arg6[%dma_start3A_213, %dma_start3A_215, %dma_start3A_216] : memref<2x1280x32xf32, #tpu.memory_space<vmem>> -> memref<1x1280x32xf32, #tpu.memory_space<vmem>>
    %dma_start3A_218 = tpu.memref_squeeze %dma_start3A_217 : memref<1x1280x32xf32, #tpu.memory_space<vmem>> -> memref<1280x32xf32, #tpu.memory_space<vmem>>
    %dma_start3A_219 = arith.constant 5120 : i32
    %dma_start3A_220 = tpu.memref_slice %arg5[%dma_start3A_219] : memref<25600xi32, #tpu.memory_space<vmem>> -> memref<1280xi32, #tpu.memory_space<vmem>>
    %dma_start3A_221 = arith.constant 0 : i32
    %dma_start3A_222 = arith.constant 0 : i32
    %dma_start3A_223 = tpu.memref_slice %arg3[%dma_start3A_221, %dma_start3A_222] : memref<1000000x32xf32, #tpu.memory_space<hbm>> -> memref<1000000x32xf32, #tpu.memory_space<hbm>>
    %dma_start3A_224 = tpu.memref_slice %arg7[%dma_start3A_214] : memref<2x!tpu.dma_semaphore, #tpu.memory_space<semaphore_mem>> -> memref<1x!tpu.dma_semaphore, #tpu.memory_space<semaphore_mem>>
    %dma_start3A_225 = tpu.memref_squeeze %dma_start3A_224 : memref<1x!tpu.dma_semaphore, #tpu.memory_space<semaphore_mem>> -> memref<!tpu.dma_semaphore, #tpu.memory_space<semaphore_mem>>
    tpu.enqueue_indirect_dma source(%dma_start3A_223 : memref<1000000x32xf32, #tpu.memory_space<hbm>>) target(%dma_start3A_218 : memref<1280x32xf32, #tpu.memory_space<vmem>>) offsets(%dma_start3A_220 : memref<1280xi32, #tpu.memory_space<vmem>>) semaphore(%dma_start3A_225 : memref<!tpu.dma_semaphore, #tpu.memory_space<semaphore_mem>>)
    %add3A_226 = arith.constant 3840 : i32
    %add3A_227 = arith.addi %mul3A_2, %add3A_226 : i32
    %dma_start3A_228 = arith.constant 1 : i32
    %dma_start3A_229 = arith.constant 1 : i32
    %dma_start3A_230 = arith.constant 0 : i32
    %dma_start3A_231 = arith.constant 0 : i32
    %dma_start3A_232 = tpu.memref_slice %arg6[%dma_start3A_228, %dma_start3A_230, %dma_start3A_231] : memref<2x1280x32xf32, #tpu.memory_space<vmem>> -> memref<1x1280x32xf32, #tpu.memory_space<vmem>>
    %dma_start3A_233 = tpu.memref_squeeze %dma_start3A_232 : memref<1x1280x32xf32, #tpu.memory_space<vmem>> -> memref<1280x32xf32, #tpu.memory_space<vmem>>
    %dma_start3A_234 = arith.constant 0 : i32
    %dma_start3A_235 = tpu.memref_slice %arg4[%add3A_227, %dma_start3A_234] : memref<819200x32xf32, #tpu.memory_space<hbm>> -> memref<1280x32xf32, #tpu.memory_space<hbm>>
    %dma_start3A_236 = tpu.memref_slice %arg8[%dma_start3A_229] : memref<2x!tpu.dma_semaphore, #tpu.memory_space<semaphore_mem>> -> memref<1x!tpu.dma_semaphore, #tpu.memory_space<semaphore_mem>>
    %dma_start3A_237 = tpu.memref_squeeze %dma_start3A_236 : memref<1x!tpu.dma_semaphore, #tpu.memory_space<semaphore_mem>> -> memref<!tpu.dma_semaphore, #tpu.memory_space<semaphore_mem>>
    %dma_start3A_238 = arith.constant 0 : i32
    %dma_start3A_239 = tpu.memref_slice %arg4[%add3A_227, %dma_start3A_238] : memref<819200x32xf32, #tpu.memory_space<hbm>> -> memref<1280x32xf32, #tpu.memory_space<hbm>>
    %dma_start3A_240 = arith.constant 0 : i32
    %dma_start3A_241 = arith.constant 0 : i32
    %dma_start3A_242 = tpu.memref_slice %arg6[%dma_start3A_228, %dma_start3A_240, %dma_start3A_241] : memref<2x1280x32xf32, #tpu.memory_space<vmem>> -> memref<1x1280x32xf32, #tpu.memory_space<vmem>>
    %dma_start3A_243 = tpu.memref_squeeze %dma_start3A_242 : memref<1x1280x32xf32, #tpu.memory_space<vmem>> -> memref<1280x32xf32, #tpu.memory_space<vmem>>
    tpu.enqueue_dma source(%dma_start3A_243 : memref<1280x32xf32, #tpu.memory_space<vmem>>) target(%dma_start3A_239 : memref<1280x32xf32, #tpu.memory_space<hbm>>) target_semaphore(%dma_start3A_237 : memref<!tpu.dma_semaphore, #tpu.memory_space<semaphore_mem>>)
    %dma_wait3A_244 = arith.constant 0 : i32
    %dma_wait3A_245 = arith.constant 0 : i32
    %dma_wait3A_246 = arith.constant 0 : i32
    %dma_wait3A_247 = arith.constant 0 : i32
    %dma_wait3A_248 = tpu.memref_slice %arg6[%dma_wait3A_244, %dma_wait3A_246, %dma_wait3A_247] : memref<2x1280x32xf32, #tpu.memory_space<vmem>> -> memref<1x1280x32xf32, #tpu.memory_space<vmem>>
    %dma_wait3A_249 = tpu.memref_squeeze %dma_wait3A_248 : memref<1x1280x32xf32, #tpu.memory_space<vmem>> -> memref<1280x32xf32, #tpu.memory_space<vmem>>
    %dma_wait3A_250 = arith.constant 5120 : i32
    %dma_wait3A_251 = tpu.memref_slice %arg5[%dma_wait3A_250] : memref<25600xi32, #tpu.memory_space<vmem>> -> memref<1280xi32, #tpu.memory_space<vmem>>
    %dma_wait3A_252 = arith.constant 0 : i32
    %dma_wait3A_253 = arith.constant 0 : i32
    %dma_wait3A_254 = tpu.memref_slice %arg3[%dma_wait3A_252, %dma_wait3A_253] : memref<1000000x32xf32, #tpu.memory_space<hbm>> -> memref<1000000x32xf32, #tpu.memory_space<hbm>>
    %dma_wait3A_255 = tpu.memref_slice %arg7[%dma_wait3A_245] : memref<2x!tpu.dma_semaphore, #tpu.memory_space<semaphore_mem>> -> memref<1x!tpu.dma_semaphore, #tpu.memory_space<semaphore_mem>>
    %dma_wait3A_256 = tpu.memref_squeeze %dma_wait3A_255 : memref<1x!tpu.dma_semaphore, #tpu.memory_space<semaphore_mem>> -> memref<!tpu.dma_semaphore, #tpu.memory_space<semaphore_mem>>
    tpu.wait_indirect_dma semaphore(%dma_wait3A_256 : memref<!tpu.dma_semaphore, #tpu.memory_space<semaphore_mem>>) src(%dma_wait3A_254 : memref<1000000x32xf32, #tpu.memory_space<hbm>>) dst(%dma_wait3A_249 : memref<1280x32xf32, #tpu.memory_space<vmem>>)
    %add3A_257 = arith.constant 3840 : i32
    %add3A_258 = arith.addi %mul3A_2, %add3A_257 : i32
    %dma_wait3A_259 = arith.constant 1 : i32
    %dma_wait3A_260 = arith.constant 1 : i32
    %dma_wait3A_261 = arith.constant 0 : i32
    %dma_wait3A_262 = arith.constant 0 : i32
    %dma_wait3A_263 = tpu.memref_slice %arg6[%dma_wait3A_259, %dma_wait3A_261, %dma_wait3A_262] : memref<2x1280x32xf32, #tpu.memory_space<vmem>> -> memref<1x1280x32xf32, #tpu.memory_space<vmem>>
    %dma_wait3A_264 = tpu.memref_squeeze %dma_wait3A_263 : memref<1x1280x32xf32, #tpu.memory_space<vmem>> -> memref<1280x32xf32, #tpu.memory_space<vmem>>
    %dma_wait3A_265 = arith.constant 0 : i32
    %dma_wait3A_266 = tpu.memref_slice %arg4[%add3A_258, %dma_wait3A_265] : memref<819200x32xf32, #tpu.memory_space<hbm>> -> memref<1280x32xf32, #tpu.memory_space<hbm>>
    %dma_wait3A_267 = tpu.memref_slice %arg8[%dma_wait3A_260] : memref<2x!tpu.dma_semaphore, #tpu.memory_space<semaphore_mem>> -> memref<1x!tpu.dma_semaphore, #tpu.memory_space<semaphore_mem>>
    %dma_wait3A_268 = tpu.memref_squeeze %dma_wait3A_267 : memref<1x!tpu.dma_semaphore, #tpu.memory_space<semaphore_mem>> -> memref<!tpu.dma_semaphore, #tpu.memory_space<semaphore_mem>>
    %dma_wait3A_269 = arith.constant 0 : i32
    %dma_wait3A_270 = tpu.memref_slice %arg4[%add3A_258, %dma_wait3A_269] : memref<819200x32xf32, #tpu.memory_space<hbm>> -> memref<1280x32xf32, #tpu.memory_space<hbm>>
    %dma_wait3A_271 = arith.constant 0 : i32
    %dma_wait3A_272 = arith.constant 0 : i32
    %dma_wait3A_273 = tpu.memref_slice %arg6[%dma_wait3A_259, %dma_wait3A_271, %dma_wait3A_272] : memref<2x1280x32xf32, #tpu.memory_space<vmem>> -> memref<1x1280x32xf32, #tpu.memory_space<vmem>>
    %dma_wait3A_274 = tpu.memref_squeeze %dma_wait3A_273 : memref<1x1280x32xf32, #tpu.memory_space<vmem>> -> memref<1280x32xf32, #tpu.memory_space<vmem>>
    tpu.wait_dma2 semaphore(%dma_wait3A_268 : memref<!tpu.dma_semaphore, #tpu.memory_space<semaphore_mem>>) src(%dma_wait3A_274 : memref<1280x32xf32, #tpu.memory_space<vmem>>) dst(%dma_wait3A_270 : memref<1280x32xf32, #tpu.memory_space<hbm>>)
    %dma_start3A_275 = arith.constant 1 : i32
    %dma_start3A_276 = arith.constant 1 : i32
    %dma_start3A_277 = arith.constant 0 : i32
    %dma_start3A_278 = arith.constant 0 : i32
    %dma_start3A_279 = tpu.memref_slice %arg6[%dma_start3A_275, %dma_start3A_277, %dma_start3A_278] : memref<2x1280x32xf32, #tpu.memory_space<vmem>> -> memref<1x1280x32xf32, #tpu.memory_space<vmem>>
    %dma_start3A_280 = tpu.memref_squeeze %dma_start3A_279 : memref<1x1280x32xf32, #tpu.memory_space<vmem>> -> memref<1280x32xf32, #tpu.memory_space<vmem>>
    %dma_start3A_281 = arith.constant 6400 : i32
    %dma_start3A_282 = tpu.memref_slice %arg5[%dma_start3A_281] : memref<25600xi32, #tpu.memory_space<vmem>> -> memref<1280xi32, #tpu.memory_space<vmem>>
    %dma_start3A_283 = arith.constant 0 : i32
    %dma_start3A_284 = arith.constant 0 : i32
    %dma_start3A_285 = tpu.memref_slice %arg3[%dma_start3A_283, %dma_start3A_284] : memref<1000000x32xf32, #tpu.memory_space<hbm>> -> memref<1000000x32xf32, #tpu.memory_space<hbm>>
    %dma_start3A_286 = tpu.memref_slice %arg7[%dma_start3A_276] : memref<2x!tpu.dma_semaphore, #tpu.memory_space<semaphore_mem>> -> memref<1x!tpu.dma_semaphore, #tpu.memory_space<semaphore_mem>>
    %dma_start3A_287 = tpu.memref_squeeze %dma_start3A_286 : memref<1x!tpu.dma_semaphore, #tpu.memory_space<semaphore_mem>> -> memref<!tpu.dma_semaphore, #tpu.memory_space<semaphore_mem>>
    tpu.enqueue_indirect_dma source(%dma_start3A_285 : memref<1000000x32xf32, #tpu.memory_space<hbm>>) target(%dma_start3A_280 : memref<1280x32xf32, #tpu.memory_space<vmem>>) offsets(%dma_start3A_282 : memref<1280xi32, #tpu.memory_space<vmem>>) semaphore(%dma_start3A_287 : memref<!tpu.dma_semaphore, #tpu.memory_space<semaphore_mem>>)
    %add3A_288 = arith.constant 5120 : i32
    %add3A_289 = arith.addi %mul3A_2, %add3A_288 : i32
    %dma_start3A_290 = arith.constant 0 : i32
    %dma_start3A_291 = arith.constant 0 : i32
    %dma_start3A_292 = arith.constant 0 : i32
    %dma_start3A_293 = arith.constant 0 : i32
    %dma_start3A_294 = tpu.memref_slice %arg6[%dma_start3A_290, %dma_start3A_292, %dma_start3A_293] : memref<2x1280x32xf32, #tpu.memory_space<vmem>> -> memref<1x1280x32xf32, #tpu.memory_space<vmem>>
    %dma_start3A_295 = tpu.memref_squeeze %dma_start3A_294 : memref<1x1280x32xf32, #tpu.memory_space<vmem>> -> memref<1280x32xf32, #tpu.memory_space<vmem>>
    %dma_start3A_296 = arith.constant 0 : i32
    %dma_start3A_297 = tpu.memref_slice %arg4[%add3A_289, %dma_start3A_296] : memref<819200x32xf32, #tpu.memory_space<hbm>> -> memref<1280x32xf32, #tpu.memory_space<hbm>>
    %dma_start3A_298 = tpu.memref_slice %arg8[%dma_start3A_291] : memref<2x!tpu.dma_semaphore, #tpu.memory_space<semaphore_mem>> -> memref<1x!tpu.dma_semaphore, #tpu.memory_space<semaphore_mem>>
    %dma_start3A_299 = tpu.memref_squeeze %dma_start3A_298 : memref<1x!tpu.dma_semaphore, #tpu.memory_space<semaphore_mem>> -> memref<!tpu.dma_semaphore, #tpu.memory_space<semaphore_mem>>
    %dma_start3A_300 = arith.constant 0 : i32
    %dma_start3A_301 = tpu.memref_slice %arg4[%add3A_289, %dma_start3A_300] : memref<819200x32xf32, #tpu.memory_space<hbm>> -> memref<1280x32xf32, #tpu.memory_space<hbm>>
    %dma_start3A_302 = arith.constant 0 : i32
    %dma_start3A_303 = arith.constant 0 : i32
    %dma_start3A_304 = tpu.memref_slice %arg6[%dma_start3A_290, %dma_start3A_302, %dma_start3A_303] : memref<2x1280x32xf32, #tpu.memory_space<vmem>> -> memref<1x1280x32xf32, #tpu.memory_space<vmem>>
    %dma_start3A_305 = tpu.memref_squeeze %dma_start3A_304 : memref<1x1280x32xf32, #tpu.memory_space<vmem>> -> memref<1280x32xf32, #tpu.memory_space<vmem>>
    tpu.enqueue_dma source(%dma_start3A_305 : memref<1280x32xf32, #tpu.memory_space<vmem>>) target(%dma_start3A_301 : memref<1280x32xf32, #tpu.memory_space<hbm>>) target_semaphore(%dma_start3A_299 : memref<!tpu.dma_semaphore, #tpu.memory_space<semaphore_mem>>)
    %dma_wait3A_306 = arith.constant 1 : i32
    %dma_wait3A_307 = arith.constant 1 : i32
    %dma_wait3A_308 = arith.constant 0 : i32
    %dma_wait3A_309 = arith.constant 0 : i32
    %dma_wait3A_310 = tpu.memref_slice %arg6[%dma_wait3A_306, %dma_wait3A_308, %dma_wait3A_309] : memref<2x1280x32xf32, #tpu.memory_space<vmem>> -> memref<1x1280x32xf32, #tpu.memory_space<vmem>>
    %dma_wait3A_311 = tpu.memref_squeeze %dma_wait3A_310 : memref<1x1280x32xf32, #tpu.memory_space<vmem>> -> memref<1280x32xf32, #tpu.memory_space<vmem>>
    %dma_wait3A_312 = arith.constant 6400 : i32
    %dma_wait3A_313 = tpu.memref_slice %arg5[%dma_wait3A_312] : memref<25600xi32, #tpu.memory_space<vmem>> -> memref<1280xi32, #tpu.memory_space<vmem>>
    %dma_wait3A_314 = arith.constant 0 : i32
    %dma_wait3A_315 = arith.constant 0 : i32
    %dma_wait3A_316 = tpu.memref_slice %arg3[%dma_wait3A_314, %dma_wait3A_315] : memref<1000000x32xf32, #tpu.memory_space<hbm>> -> memref<1000000x32xf32, #tpu.memory_space<hbm>>
    %dma_wait3A_317 = tpu.memref_slice %arg7[%dma_wait3A_307] : memref<2x!tpu.dma_semaphore, #tpu.memory_space<semaphore_mem>> -> memref<1x!tpu.dma_semaphore, #tpu.memory_space<semaphore_mem>>
    %dma_wait3A_318 = tpu.memref_squeeze %dma_wait3A_317 : memref<1x!tpu.dma_semaphore, #tpu.memory_space<semaphore_mem>> -> memref<!tpu.dma_semaphore, #tpu.memory_space<semaphore_mem>>
    tpu.wait_indirect_dma semaphore(%dma_wait3A_318 : memref<!tpu.dma_semaphore, #tpu.memory_space<semaphore_mem>>) src(%dma_wait3A_316 : memref<1000000x32xf32, #tpu.memory_space<hbm>>) dst(%dma_wait3A_311 : memref<1280x32xf32, #tpu.memory_space<vmem>>)
    %add3A_319 = arith.constant 5120 : i32
    %add3A_320 = arith.addi %mul3A_2, %add3A_319 : i32
    %dma_wait3A_321 = arith.constant 0 : i32
    %dma_wait3A_322 = arith.constant 0 : i32
    %dma_wait3A_323 = arith.constant 0 : i32
    %dma_wait3A_324 = arith.constant 0 : i32
    %dma_wait3A_325 = tpu.memref_slice %arg6[%dma_wait3A_321, %dma_wait3A_323, %dma_wait3A_324] : memref<2x1280x32xf32, #tpu.memory_space<vmem>> -> memref<1x1280x32xf32, #tpu.memory_space<vmem>>
    %dma_wait3A_326 = tpu.memref_squeeze %dma_wait3A_325 : memref<1x1280x32xf32, #tpu.memory_space<vmem>> -> memref<1280x32xf32, #tpu.memory_space<vmem>>
    %dma_wait3A_327 = arith.constant 0 : i32
    %dma_wait3A_328 = tpu.memref_slice %arg4[%add3A_320, %dma_wait3A_327] : memref<819200x32xf32, #tpu.memory_space<hbm>> -> memref<1280x32xf32, #tpu.memory_space<hbm>>
    %dma_wait3A_329 = tpu.memref_slice %arg8[%dma_wait3A_322] : memref<2x!tpu.dma_semaphore, #tpu.memory_space<semaphore_mem>> -> memref<1x!tpu.dma_semaphore, #tpu.memory_space<semaphore_mem>>
    %dma_wait3A_330 = tpu.memref_squeeze %dma_wait3A_329 : memref<1x!tpu.dma_semaphore, #tpu.memory_space<semaphore_mem>> -> memref<!tpu.dma_semaphore, #tpu.memory_space<semaphore_mem>>
    %dma_wait3A_331 = arith.constant 0 : i32
    %dma_wait3A_332 = tpu.memref_slice %arg4[%add3A_320, %dma_wait3A_331] : memref<819200x32xf32, #tpu.memory_space<hbm>> -> memref<1280x32xf32, #tpu.memory_space<hbm>>
    %dma_wait3A_333 = arith.constant 0 : i32
    %dma_wait3A_334 = arith.constant 0 : i32
    %dma_wait3A_335 = tpu.memref_slice %arg6[%dma_wait3A_321, %dma_wait3A_333, %dma_wait3A_334] : memref<2x1280x32xf32, #tpu.memory_space<vmem>> -> memref<1x1280x32xf32, #tpu.memory_space<vmem>>
    %dma_wait3A_336 = tpu.memref_squeeze %dma_wait3A_335 : memref<1x1280x32xf32, #tpu.memory_space<vmem>> -> memref<1280x32xf32, #tpu.memory_space<vmem>>
    tpu.wait_dma2 semaphore(%dma_wait3A_330 : memref<!tpu.dma_semaphore, #tpu.memory_space<semaphore_mem>>) src(%dma_wait3A_336 : memref<1280x32xf32, #tpu.memory_space<vmem>>) dst(%dma_wait3A_332 : memref<1280x32xf32, #tpu.memory_space<hbm>>)
    %dma_start3A_337 = arith.constant 0 : i32
    %dma_start3A_338 = arith.constant 0 : i32
    %dma_start3A_339 = arith.constant 0 : i32
    %dma_start3A_340 = arith.constant 0 : i32
    %dma_start3A_341 = tpu.memref_slice %arg6[%dma_start3A_337, %dma_start3A_339, %dma_start3A_340] : memref<2x1280x32xf32, #tpu.memory_space<vmem>> -> memref<1x1280x32xf32, #tpu.memory_space<vmem>>
    %dma_start3A_342 = tpu.memref_squeeze %dma_start3A_341 : memref<1x1280x32xf32, #tpu.memory_space<vmem>> -> memref<1280x32xf32, #tpu.memory_space<vmem>>
    %dma_start3A_343 = arith.constant 7680 : i32
    %dma_start3A_344 = tpu.memref_slice %arg5[%dma_start3A_343] : memref<25600xi32, #tpu.memory_space<vmem>> -> memref<1280xi32, #tpu.memory_space<vmem>>
    %dma_start3A_345 = arith.constant 0 : i32
    %dma_start3A_346 = arith.constant 0 : i32
    %dma_start3A_347 = tpu.memref_slice %arg3[%dma_start3A_345, %dma_start3A_346] : memref<1000000x32xf32, #tpu.memory_space<hbm>> -> memref<1000000x32xf32, #tpu.memory_space<hbm>>
    %dma_start3A_348 = tpu.memref_slice %arg7[%dma_start3A_338] : memref<2x!tpu.dma_semaphore, #tpu.memory_space<semaphore_mem>> -> memref<1x!tpu.dma_semaphore, #tpu.memory_space<semaphore_mem>>
    %dma_start3A_349 = tpu.memref_squeeze %dma_start3A_348 : memref<1x!tpu.dma_semaphore, #tpu.memory_space<semaphore_mem>> -> memref<!tpu.dma_semaphore, #tpu.memory_space<semaphore_mem>>
    tpu.enqueue_indirect_dma source(%dma_start3A_347 : memref<1000000x32xf32, #tpu.memory_space<hbm>>) target(%dma_start3A_342 : memref<1280x32xf32, #tpu.memory_space<vmem>>) offsets(%dma_start3A_344 : memref<1280xi32, #tpu.memory_space<vmem>>) semaphore(%dma_start3A_349 : memref<!tpu.dma_semaphore, #tpu.memory_space<semaphore_mem>>)
    %add3A_350 = arith.constant 6400 : i32
    %add3A_351 = arith.addi %mul3A_2, %add3A_350 : i32
    %dma_start3A_352 = arith.constant 1 : i32
    %dma_start3A_353 = arith.constant 1 : i32
    %dma_start3A_354 = arith.constant 0 : i32
    %dma_start3A_355 = arith.constant 0 : i32
    %dma_start3A_356 = tpu.memref_slice %arg6[%dma_start3A_352, %dma_start3A_354, %dma_start3A_355] : memref<2x1280x32xf32, #tpu.memory_space<vmem>> -> memref<1x1280x32xf32, #tpu.memory_space<vmem>>
    %dma_start3A_357 = tpu.memref_squeeze %dma_start3A_356 : memref<1x1280x32xf32, #tpu.memory_space<vmem>> -> memref<1280x32xf32, #tpu.memory_space<vmem>>
    %dma_start3A_358 = arith.constant 0 : i32
    %dma_start3A_359 = tpu.memref_slice %arg4[%add3A_351, %dma_start3A_358] : memref<819200x32xf32, #tpu.memory_space<hbm>> -> memref<1280x32xf32, #tpu.memory_space<hbm>>
    %dma_start3A_360 = tpu.memref_slice %arg8[%dma_start3A_353] : memref<2x!tpu.dma_semaphore, #tpu.memory_space<semaphore_mem>> -> memref<1x!tpu.dma_semaphore, #tpu.memory_space<semaphore_mem>>
    %dma_start3A_361 = tpu.memref_squeeze %dma_start3A_360 : memref<1x!tpu.dma_semaphore, #tpu.memory_space<semaphore_mem>> -> memref<!tpu.dma_semaphore, #tpu.memory_space<semaphore_mem>>
    %dma_start3A_362 = arith.constant 0 : i32
    %dma_start3A_363 = tpu.memref_slice %arg4[%add3A_351, %dma_start3A_362] : memref<819200x32xf32, #tpu.memory_space<hbm>> -> memref<1280x32xf32, #tpu.memory_space<hbm>>
    %dma_start3A_364 = arith.constant 0 : i32
    %dma_start3A_365 = arith.constant 0 : i32
    %dma_start3A_366 = tpu.memref_slice %arg6[%dma_start3A_352, %dma_start3A_364, %dma_start3A_365] : memref<2x1280x32xf32, #tpu.memory_space<vmem>> -> memref<1x1280x32xf32, #tpu.memory_space<vmem>>
    %dma_start3A_367 = tpu.memref_squeeze %dma_start3A_366 : memref<1x1280x32xf32, #tpu.memory_space<vmem>> -> memref<1280x32xf32, #tpu.memory_space<vmem>>
    tpu.enqueue_dma source(%dma_start3A_367 : memref<1280x32xf32, #tpu.memory_space<vmem>>) target(%dma_start3A_363 : memref<1280x32xf32, #tpu.memory_space<hbm>>) target_semaphore(%dma_start3A_361 : memref<!tpu.dma_semaphore, #tpu.memory_space<semaphore_mem>>)
    %dma_wait3A_368 = arith.constant 0 : i32
    %dma_wait3A_369 = arith.constant 0 : i32
    %dma_wait3A_370 = arith.constant 0 : i32
    %dma_wait3A_371 = arith.constant 0 : i32
    %dma_wait3A_372 = tpu.memref_slice %arg6[%dma_wait3A_368, %dma_wait3A_370, %dma_wait3A_371] : memref<2x1280x32xf32, #tpu.memory_space<vmem>> -> memref<1x1280x32xf32, #tpu.memory_space<vmem>>
    %dma_wait3A_373 = tpu.memref_squeeze %dma_wait3A_372 : memref<1x1280x32xf32, #tpu.memory_space<vmem>> -> memref<1280x32xf32, #tpu.memory_space<vmem>>
    %dma_wait3A_374 = arith.constant 7680 : i32
    %dma_wait3A_375 = tpu.memref_slice %arg5[%dma_wait3A_374] : memref<25600xi32, #tpu.memory_space<vmem>> -> memref<1280xi32, #tpu.memory_space<vmem>>
    %dma_wait3A_376 = arith.constant 0 : i32
    %dma_wait3A_377 = arith.constant 0 : i32
    %dma_wait3A_378 = tpu.memref_slice %arg3[%dma_wait3A_376, %dma_wait3A_377] : memref<1000000x32xf32, #tpu.memory_space<hbm>> -> memref<1000000x32xf32, #tpu.memory_space<hbm>>
    %dma_wait3A_379 = tpu.memref_slice %arg7[%dma_wait3A_369] : memref<2x!tpu.dma_semaphore, #tpu.memory_space<semaphore_mem>> -> memref<1x!tpu.dma_semaphore, #tpu.memory_space<semaphore_mem>>
    %dma_wait3A_380 = tpu.memref_squeeze %dma_wait3A_379 : memref<1x!tpu.dma_semaphore, #tpu.memory_space<semaphore_mem>> -> memref<!tpu.dma_semaphore, #tpu.memory_space<semaphore_mem>>
    tpu.wait_indirect_dma semaphore(%dma_wait3A_380 : memref<!tpu.dma_semaphore, #tpu.memory_space<semaphore_mem>>) src(%dma_wait3A_378 : memref<1000000x32xf32, #tpu.memory_space<hbm>>) dst(%dma_wait3A_373 : memref<1280x32xf32, #tpu.memory_space<vmem>>)
    %add3A_381 = arith.constant 6400 : i32
    %add3A_382 = arith.addi %mul3A_2, %add3A_381 : i32
    %dma_wait3A_383 = arith.constant 1 : i32
    %dma_wait3A_384 = arith.constant 1 : i32
    %dma_wait3A_385 = arith.constant 0 : i32
    %dma_wait3A_386 = arith.constant 0 : i32
    %dma_wait3A_387 = tpu.memref_slice %arg6[%dma_wait3A_383, %dma_wait3A_385, %dma_wait3A_386] : memref<2x1280x32xf32, #tpu.memory_space<vmem>> -> memref<1x1280x32xf32, #tpu.memory_space<vmem>>
    %dma_wait3A_388 = tpu.memref_squeeze %dma_wait3A_387 : memref<1x1280x32xf32, #tpu.memory_space<vmem>> -> memref<1280x32xf32, #tpu.memory_space<vmem>>
    %dma_wait3A_389 = arith.constant 0 : i32
    %dma_wait3A_390 = tpu.memref_slice %arg4[%add3A_382, %dma_wait3A_389] : memref<819200x32xf32, #tpu.memory_space<hbm>> -> memref<1280x32xf32, #tpu.memory_space<hbm>>
    %dma_wait3A_391 = tpu.memref_slice %arg8[%dma_wait3A_384] : memref<2x!tpu.dma_semaphore, #tpu.memory_space<semaphore_mem>> -> memref<1x!tpu.dma_semaphore, #tpu.memory_space<semaphore_mem>>
    %dma_wait3A_392 = tpu.memref_squeeze %dma_wait3A_391 : memref<1x!tpu.dma_semaphore, #tpu.memory_space<semaphore_mem>> -> memref<!tpu.dma_semaphore, #tpu.memory_space<semaphore_mem>>
    %dma_wait3A_393 = arith.constant 0 : i32
    %dma_wait3A_394 = tpu.memref_slice %arg4[%add3A_382, %dma_wait3A_393] : memref<819200x32xf32, #tpu.memory_space<hbm>> -> memref<1280x32xf32, #tpu.memory_space<hbm>>
    %dma_wait3A_395 = arith.constant 0 : i32
    %dma_wait3A_396 = arith.constant 0 : i32
    %dma_wait3A_397 = tpu.memref_slice %arg6[%dma_wait3A_383, %dma_wait3A_395, %dma_wait3A_396] : memref<2x1280x32xf32, #tpu.memory_space<vmem>> -> memref<1x1280x32xf32, #tpu.memory_space<vmem>>
    %dma_wait3A_398 = tpu.memref_squeeze %dma_wait3A_397 : memref<1x1280x32xf32, #tpu.memory_space<vmem>> -> memref<1280x32xf32, #tpu.memory_space<vmem>>
    tpu.wait_dma2 semaphore(%dma_wait3A_392 : memref<!tpu.dma_semaphore, #tpu.memory_space<semaphore_mem>>) src(%dma_wait3A_398 : memref<1280x32xf32, #tpu.memory_space<vmem>>) dst(%dma_wait3A_394 : memref<1280x32xf32, #tpu.memory_space<hbm>>)
    %dma_start3A_399 = arith.constant 1 : i32
    %dma_start3A_400 = arith.constant 1 : i32
    %dma_start3A_401 = arith.constant 0 : i32
    %dma_start3A_402 = arith.constant 0 : i32
    %dma_start3A_403 = tpu.memref_slice %arg6[%dma_start3A_399, %dma_start3A_401, %dma_start3A_402] : memref<2x1280x32xf32, #tpu.memory_space<vmem>> -> memref<1x1280x32xf32, #tpu.memory_space<vmem>>
    %dma_start3A_404 = tpu.memref_squeeze %dma_start3A_403 : memref<1x1280x32xf32, #tpu.memory_space<vmem>> -> memref<1280x32xf32, #tpu.memory_space<vmem>>
    %dma_start3A_405 = arith.constant 8960 : i32
    %dma_start3A_406 = tpu.memref_slice %arg5[%dma_start3A_405] : memref<25600xi32, #tpu.memory_space<vmem>> -> memref<1280xi32, #tpu.memory_space<vmem>>
    %dma_start3A_407 = arith.constant 0 : i32
    %dma_start3A_408 = arith.constant 0 : i32
    %dma_start3A_409 = tpu.memref_slice %arg3[%dma_start3A_407, %dma_start3A_408] : memref<1000000x32xf32, #tpu.memory_space<hbm>> -> memref<1000000x32xf32, #tpu.memory_space<hbm>>
    %dma_start3A_410 = tpu.memref_slice %arg7[%dma_start3A_400] : memref<2x!tpu.dma_semaphore, #tpu.memory_space<semaphore_mem>> -> memref<1x!tpu.dma_semaphore, #tpu.memory_space<semaphore_mem>>
    %dma_start3A_411 = tpu.memref_squeeze %dma_start3A_410 : memref<1x!tpu.dma_semaphore, #tpu.memory_space<semaphore_mem>> -> memref<!tpu.dma_semaphore, #tpu.memory_space<semaphore_mem>>
    tpu.enqueue_indirect_dma source(%dma_start3A_409 : memref<1000000x32xf32, #tpu.memory_space<hbm>>) target(%dma_start3A_404 : memref<1280x32xf32, #tpu.memory_space<vmem>>) offsets(%dma_start3A_406 : memref<1280xi32, #tpu.memory_space<vmem>>) semaphore(%dma_start3A_411 : memref<!tpu.dma_semaphore, #tpu.memory_space<semaphore_mem>>)
    %add3A_412 = arith.constant 7680 : i32
    %add3A_413 = arith.addi %mul3A_2, %add3A_412 : i32
    %dma_start3A_414 = arith.constant 0 : i32
    %dma_start3A_415 = arith.constant 0 : i32
    %dma_start3A_416 = arith.constant 0 : i32
    %dma_start3A_417 = arith.constant 0 : i32
    %dma_start3A_418 = tpu.memref_slice %arg6[%dma_start3A_414, %dma_start3A_416, %dma_start3A_417] : memref<2x1280x32xf32, #tpu.memory_space<vmem>> -> memref<1x1280x32xf32, #tpu.memory_space<vmem>>
    %dma_start3A_419 = tpu.memref_squeeze %dma_start3A_418 : memref<1x1280x32xf32, #tpu.memory_space<vmem>> -> memref<1280x32xf32, #tpu.memory_space<vmem>>
    %dma_start3A_420 = arith.constant 0 : i32
    %dma_start3A_421 = tpu.memref_slice %arg4[%add3A_413, %dma_start3A_420] : memref<819200x32xf32, #tpu.memory_space<hbm>> -> memref<1280x32xf32, #tpu.memory_space<hbm>>
    %dma_start3A_422 = tpu.memref_slice %arg8[%dma_start3A_415] : memref<2x!tpu.dma_semaphore, #tpu.memory_space<semaphore_mem>> -> memref<1x!tpu.dma_semaphore, #tpu.memory_space<semaphore_mem>>
    %dma_start3A_423 = tpu.memref_squeeze %dma_start3A_422 : memref<1x!tpu.dma_semaphore, #tpu.memory_space<semaphore_mem>> -> memref<!tpu.dma_semaphore, #tpu.memory_space<semaphore_mem>>
    %dma_start3A_424 = arith.constant 0 : i32
    %dma_start3A_425 = tpu.memref_slice %arg4[%add3A_413, %dma_start3A_424] : memref<819200x32xf32, #tpu.memory_space<hbm>> -> memref<1280x32xf32, #tpu.memory_space<hbm>>
    %dma_start3A_426 = arith.constant 0 : i32
    %dma_start3A_427 = arith.constant 0 : i32
    %dma_start3A_428 = tpu.memref_slice %arg6[%dma_start3A_414, %dma_start3A_426, %dma_start3A_427] : memref<2x1280x32xf32, #tpu.memory_space<vmem>> -> memref<1x1280x32xf32, #tpu.memory_space<vmem>>
    %dma_start3A_429 = tpu.memref_squeeze %dma_start3A_428 : memref<1x1280x32xf32, #tpu.memory_space<vmem>> -> memref<1280x32xf32, #tpu.memory_space<vmem>>
    tpu.enqueue_dma source(%dma_start3A_429 : memref<1280x32xf32, #tpu.memory_space<vmem>>) target(%dma_start3A_425 : memref<1280x32xf32, #tpu.memory_space<hbm>>) target_semaphore(%dma_start3A_423 : memref<!tpu.dma_semaphore, #tpu.memory_space<semaphore_mem>>)
    %dma_wait3A_430 = arith.constant 1 : i32
    %dma_wait3A_431 = arith.constant 1 : i32
    %dma_wait3A_432 = arith.constant 0 : i32
    %dma_wait3A_433 = arith.constant 0 : i32
    %dma_wait3A_434 = tpu.memref_slice %arg6[%dma_wait3A_430, %dma_wait3A_432, %dma_wait3A_433] : memref<2x1280x32xf32, #tpu.memory_space<vmem>> -> memref<1x1280x32xf32, #tpu.memory_space<vmem>>
    %dma_wait3A_435 = tpu.memref_squeeze %dma_wait3A_434 : memref<1x1280x32xf32, #tpu.memory_space<vmem>> -> memref<1280x32xf32, #tpu.memory_space<vmem>>
    %dma_wait3A_436 = arith.constant 8960 : i32
    %dma_wait3A_437 = tpu.memref_slice %arg5[%dma_wait3A_436] : memref<25600xi32, #tpu.memory_space<vmem>> -> memref<1280xi32, #tpu.memory_space<vmem>>
    %dma_wait3A_438 = arith.constant 0 : i32
    %dma_wait3A_439 = arith.constant 0 : i32
    %dma_wait3A_440 = tpu.memref_slice %arg3[%dma_wait3A_438, %dma_wait3A_439] : memref<1000000x32xf32, #tpu.memory_space<hbm>> -> memref<1000000x32xf32, #tpu.memory_space<hbm>>
    %dma_wait3A_441 = tpu.memref_slice %arg7[%dma_wait3A_431] : memref<2x!tpu.dma_semaphore, #tpu.memory_space<semaphore_mem>> -> memref<1x!tpu.dma_semaphore, #tpu.memory_space<semaphore_mem>>
    %dma_wait3A_442 = tpu.memref_squeeze %dma_wait3A_441 : memref<1x!tpu.dma_semaphore, #tpu.memory_space<semaphore_mem>> -> memref<!tpu.dma_semaphore, #tpu.memory_space<semaphore_mem>>
    tpu.wait_indirect_dma semaphore(%dma_wait3A_442 : memref<!tpu.dma_semaphore, #tpu.memory_space<semaphore_mem>>) src(%dma_wait3A_440 : memref<1000000x32xf32, #tpu.memory_space<hbm>>) dst(%dma_wait3A_435 : memref<1280x32xf32, #tpu.memory_space<vmem>>)
    %add3A_443 = arith.constant 7680 : i32
    %add3A_444 = arith.addi %mul3A_2, %add3A_443 : i32
    %dma_wait3A_445 = arith.constant 0 : i32
    %dma_wait3A_446 = arith.constant 0 : i32
    %dma_wait3A_447 = arith.constant 0 : i32
    %dma_wait3A_448 = arith.constant 0 : i32
    %dma_wait3A_449 = tpu.memref_slice %arg6[%dma_wait3A_445, %dma_wait3A_447, %dma_wait3A_448] : memref<2x1280x32xf32, #tpu.memory_space<vmem>> -> memref<1x1280x32xf32, #tpu.memory_space<vmem>>
    %dma_wait3A_450 = tpu.memref_squeeze %dma_wait3A_449 : memref<1x1280x32xf32, #tpu.memory_space<vmem>> -> memref<1280x32xf32, #tpu.memory_space<vmem>>
    %dma_wait3A_451 = arith.constant 0 : i32
    %dma_wait3A_452 = tpu.memref_slice %arg4[%add3A_444, %dma_wait3A_451] : memref<819200x32xf32, #tpu.memory_space<hbm>> -> memref<1280x32xf32, #tpu.memory_space<hbm>>
    %dma_wait3A_453 = tpu.memref_slice %arg8[%dma_wait3A_446] : memref<2x!tpu.dma_semaphore, #tpu.memory_space<semaphore_mem>> -> memref<1x!tpu.dma_semaphore, #tpu.memory_space<semaphore_mem>>
    %dma_wait3A_454 = tpu.memref_squeeze %dma_wait3A_453 : memref<1x!tpu.dma_semaphore, #tpu.memory_space<semaphore_mem>> -> memref<!tpu.dma_semaphore, #tpu.memory_space<semaphore_mem>>
    %dma_wait3A_455 = arith.constant 0 : i32
    %dma_wait3A_456 = tpu.memref_slice %arg4[%add3A_444, %dma_wait3A_455] : memref<819200x32xf32, #tpu.memory_space<hbm>> -> memref<1280x32xf32, #tpu.memory_space<hbm>>
    %dma_wait3A_457 = arith.constant 0 : i32
    %dma_wait3A_458 = arith.constant 0 : i32
    %dma_wait3A_459 = tpu.memref_slice %arg6[%dma_wait3A_445, %dma_wait3A_457, %dma_wait3A_458] : memref<2x1280x32xf32, #tpu.memory_space<vmem>> -> memref<1x1280x32xf32, #tpu.memory_space<vmem>>
    %dma_wait3A_460 = tpu.memref_squeeze %dma_wait3A_459 : memref<1x1280x32xf32, #tpu.memory_space<vmem>> -> memref<1280x32xf32, #tpu.memory_space<vmem>>
    tpu.wait_dma2 semaphore(%dma_wait3A_454 : memref<!tpu.dma_semaphore, #tpu.memory_space<semaphore_mem>>) src(%dma_wait3A_460 : memref<1280x32xf32, #tpu.memory_space<vmem>>) dst(%dma_wait3A_456 : memref<1280x32xf32, #tpu.memory_space<hbm>>)
    %dma_start3A_461 = arith.constant 0 : i32
    %dma_start3A_462 = arith.constant 0 : i32
    %dma_start3A_463 = arith.constant 0 : i32
    %dma_start3A_464 = arith.constant 0 : i32
    %dma_start3A_465 = tpu.memref_slice %arg6[%dma_start3A_461, %dma_start3A_463, %dma_start3A_464] : memref<2x1280x32xf32, #tpu.memory_space<vmem>> -> memref<1x1280x32xf32, #tpu.memory_space<vmem>>
    %dma_start3A_466 = tpu.memref_squeeze %dma_start3A_465 : memref<1x1280x32xf32, #tpu.memory_space<vmem>> -> memref<1280x32xf32, #tpu.memory_space<vmem>>
    %dma_start3A_467 = arith.constant 10240 : i32
    %dma_start3A_468 = tpu.memref_slice %arg5[%dma_start3A_467] : memref<25600xi32, #tpu.memory_space<vmem>> -> memref<1280xi32, #tpu.memory_space<vmem>>
    %dma_start3A_469 = arith.constant 0 : i32
    %dma_start3A_470 = arith.constant 0 : i32
    %dma_start3A_471 = tpu.memref_slice %arg3[%dma_start3A_469, %dma_start3A_470] : memref<1000000x32xf32, #tpu.memory_space<hbm>> -> memref<1000000x32xf32, #tpu.memory_space<hbm>>
    %dma_start3A_472 = tpu.memref_slice %arg7[%dma_start3A_462] : memref<2x!tpu.dma_semaphore, #tpu.memory_space<semaphore_mem>> -> memref<1x!tpu.dma_semaphore, #tpu.memory_space<semaphore_mem>>
    %dma_start3A_473 = tpu.memref_squeeze %dma_start3A_472 : memref<1x!tpu.dma_semaphore, #tpu.memory_space<semaphore_mem>> -> memref<!tpu.dma_semaphore, #tpu.memory_space<semaphore_mem>>
    tpu.enqueue_indirect_dma source(%dma_start3A_471 : memref<1000000x32xf32, #tpu.memory_space<hbm>>) target(%dma_start3A_466 : memref<1280x32xf32, #tpu.memory_space<vmem>>) offsets(%dma_start3A_468 : memref<1280xi32, #tpu.memory_space<vmem>>) semaphore(%dma_start3A_473 : memref<!tpu.dma_semaphore, #tpu.memory_space<semaphore_mem>>)
    %add3A_474 = arith.constant 8960 : i32
    %add3A_475 = arith.addi %mul3A_2, %add3A_474 : i32
    %dma_start3A_476 = arith.constant 1 : i32
    %dma_start3A_477 = arith.constant 1 : i32
    %dma_start3A_478 = arith.constant 0 : i32
    %dma_start3A_479 = arith.constant 0 : i32
    %dma_start3A_480 = tpu.memref_slice %arg6[%dma_start3A_476, %dma_start3A_478, %dma_start3A_479] : memref<2x1280x32xf32, #tpu.memory_space<vmem>> -> memref<1x1280x32xf32, #tpu.memory_space<vmem>>
    %dma_start3A_481 = tpu.memref_squeeze %dma_start3A_480 : memref<1x1280x32xf32, #tpu.memory_space<vmem>> -> memref<1280x32xf32, #tpu.memory_space<vmem>>
    %dma_start3A_482 = arith.constant 0 : i32
    %dma_start3A_483 = tpu.memref_slice %arg4[%add3A_475, %dma_start3A_482] : memref<819200x32xf32, #tpu.memory_space<hbm>> -> memref<1280x32xf32, #tpu.memory_space<hbm>>
    %dma_start3A_484 = tpu.memref_slice %arg8[%dma_start3A_477] : memref<2x!tpu.dma_semaphore, #tpu.memory_space<semaphore_mem>> -> memref<1x!tpu.dma_semaphore, #tpu.memory_space<semaphore_mem>>
    %dma_start3A_485 = tpu.memref_squeeze %dma_start3A_484 : memref<1x!tpu.dma_semaphore, #tpu.memory_space<semaphore_mem>> -> memref<!tpu.dma_semaphore, #tpu.memory_space<semaphore_mem>>
    %dma_start3A_486 = arith.constant 0 : i32
    %dma_start3A_487 = tpu.memref_slice %arg4[%add3A_475, %dma_start3A_486] : memref<819200x32xf32, #tpu.memory_space<hbm>> -> memref<1280x32xf32, #tpu.memory_space<hbm>>
    %dma_start3A_488 = arith.constant 0 : i32
    %dma_start3A_489 = arith.constant 0 : i32
    %dma_start3A_490 = tpu.memref_slice %arg6[%dma_start3A_476, %dma_start3A_488, %dma_start3A_489] : memref<2x1280x32xf32, #tpu.memory_space<vmem>> -> memref<1x1280x32xf32, #tpu.memory_space<vmem>>
    %dma_start3A_491 = tpu.memref_squeeze %dma_start3A_490 : memref<1x1280x32xf32, #tpu.memory_space<vmem>> -> memref<1280x32xf32, #tpu.memory_space<vmem>>
    tpu.enqueue_dma source(%dma_start3A_491 : memref<1280x32xf32, #tpu.memory_space<vmem>>) target(%dma_start3A_487 : memref<1280x32xf32, #tpu.memory_space<hbm>>) target_semaphore(%dma_start3A_485 : memref<!tpu.dma_semaphore, #tpu.memory_space<semaphore_mem>>)
    %dma_wait3A_492 = arith.constant 0 : i32
    %dma_wait3A_493 = arith.constant 0 : i32
    %dma_wait3A_494 = arith.constant 0 : i32
    %dma_wait3A_495 = arith.constant 0 : i32
    %dma_wait3A_496 = tpu.memref_slice %arg6[%dma_wait3A_492, %dma_wait3A_494, %dma_wait3A_495] : memref<2x1280x32xf32, #tpu.memory_space<vmem>> -> memref<1x1280x32xf32, #tpu.memory_space<vmem>>
    %dma_wait3A_497 = tpu.memref_squeeze %dma_wait3A_496 : memref<1x1280x32xf32, #tpu.memory_space<vmem>> -> memref<1280x32xf32, #tpu.memory_space<vmem>>
    %dma_wait3A_498 = arith.constant 10240 : i32
    %dma_wait3A_499 = tpu.memref_slice %arg5[%dma_wait3A_498] : memref<25600xi32, #tpu.memory_space<vmem>> -> memref<1280xi32, #tpu.memory_space<vmem>>
    %dma_wait3A_500 = arith.constant 0 : i32
    %dma_wait3A_501 = arith.constant 0 : i32
    %dma_wait3A_502 = tpu.memref_slice %arg3[%dma_wait3A_500, %dma_wait3A_501] : memref<1000000x32xf32, #tpu.memory_space<hbm>> -> memref<1000000x32xf32, #tpu.memory_space<hbm>>
    %dma_wait3A_503 = tpu.memref_slice %arg7[%dma_wait3A_493] : memref<2x!tpu.dma_semaphore, #tpu.memory_space<semaphore_mem>> -> memref<1x!tpu.dma_semaphore, #tpu.memory_space<semaphore_mem>>
    %dma_wait3A_504 = tpu.memref_squeeze %dma_wait3A_503 : memref<1x!tpu.dma_semaphore, #tpu.memory_space<semaphore_mem>> -> memref<!tpu.dma_semaphore, #tpu.memory_space<semaphore_mem>>
    tpu.wait_indirect_dma semaphore(%dma_wait3A_504 : memref<!tpu.dma_semaphore, #tpu.memory_space<semaphore_mem>>) src(%dma_wait3A_502 : memref<1000000x32xf32, #tpu.memory_space<hbm>>) dst(%dma_wait3A_497 : memref<1280x32xf32, #tpu.memory_space<vmem>>)
    %add3A_505 = arith.constant 8960 : i32
    %add3A_506 = arith.addi %mul3A_2, %add3A_505 : i32
    %dma_wait3A_507 = arith.constant 1 : i32
    %dma_wait3A_508 = arith.constant 1 : i32
    %dma_wait3A_509 = arith.constant 0 : i32
    %dma_wait3A_510 = arith.constant 0 : i32
    %dma_wait3A_511 = tpu.memref_slice %arg6[%dma_wait3A_507, %dma_wait3A_509, %dma_wait3A_510] : memref<2x1280x32xf32, #tpu.memory_space<vmem>> -> memref<1x1280x32xf32, #tpu.memory_space<vmem>>
    %dma_wait3A_512 = tpu.memref_squeeze %dma_wait3A_511 : memref<1x1280x32xf32, #tpu.memory_space<vmem>> -> memref<1280x32xf32, #tpu.memory_space<vmem>>
    %dma_wait3A_513 = arith.constant 0 : i32
    %dma_wait3A_514 = tpu.memref_slice %arg4[%add3A_506, %dma_wait3A_513] : memref<819200x32xf32, #tpu.memory_space<hbm>> -> memref<1280x32xf32, #tpu.memory_space<hbm>>
    %dma_wait3A_515 = tpu.memref_slice %arg8[%dma_wait3A_508] : memref<2x!tpu.dma_semaphore, #tpu.memory_space<semaphore_mem>> -> memref<1x!tpu.dma_semaphore, #tpu.memory_space<semaphore_mem>>
    %dma_wait3A_516 = tpu.memref_squeeze %dma_wait3A_515 : memref<1x!tpu.dma_semaphore, #tpu.memory_space<semaphore_mem>> -> memref<!tpu.dma_semaphore, #tpu.memory_space<semaphore_mem>>
    %dma_wait3A_517 = arith.constant 0 : i32
    %dma_wait3A_518 = tpu.memref_slice %arg4[%add3A_506, %dma_wait3A_517] : memref<819200x32xf32, #tpu.memory_space<hbm>> -> memref<1280x32xf32, #tpu.memory_space<hbm>>
    %dma_wait3A_519 = arith.constant 0 : i32
    %dma_wait3A_520 = arith.constant 0 : i32
    %dma_wait3A_521 = tpu.memref_slice %arg6[%dma_wait3A_507, %dma_wait3A_519, %dma_wait3A_520] : memref<2x1280x32xf32, #tpu.memory_space<vmem>> -> memref<1x1280x32xf32, #tpu.memory_space<vmem>>
    %dma_wait3A_522 = tpu.memref_squeeze %dma_wait3A_521 : memref<1x1280x32xf32, #tpu.memory_space<vmem>> -> memref<1280x32xf32, #tpu.memory_space<vmem>>
    tpu.wait_dma2 semaphore(%dma_wait3A_516 : memref<!tpu.dma_semaphore, #tpu.memory_space<semaphore_mem>>) src(%dma_wait3A_522 : memref<1280x32xf32, #tpu.memory_space<vmem>>) dst(%dma_wait3A_518 : memref<1280x32xf32, #tpu.memory_space<hbm>>)
    %dma_start3A_523 = arith.constant 1 : i32
    %dma_start3A_524 = arith.constant 1 : i32
    %dma_start3A_525 = arith.constant 0 : i32
    %dma_start3A_526 = arith.constant 0 : i32
    %dma_start3A_527 = tpu.memref_slice %arg6[%dma_start3A_523, %dma_start3A_525, %dma_start3A_526] : memref<2x1280x32xf32, #tpu.memory_space<vmem>> -> memref<1x1280x32xf32, #tpu.memory_space<vmem>>
    %dma_start3A_528 = tpu.memref_squeeze %dma_start3A_527 : memref<1x1280x32xf32, #tpu.memory_space<vmem>> -> memref<1280x32xf32, #tpu.memory_space<vmem>>
    %dma_start3A_529 = arith.constant 11520 : i32
    %dma_start3A_530 = tpu.memref_slice %arg5[%dma_start3A_529] : memref<25600xi32, #tpu.memory_space<vmem>> -> memref<1280xi32, #tpu.memory_space<vmem>>
    %dma_start3A_531 = arith.constant 0 : i32
    %dma_start3A_532 = arith.constant 0 : i32
    %dma_start3A_533 = tpu.memref_slice %arg3[%dma_start3A_531, %dma_start3A_532] : memref<1000000x32xf32, #tpu.memory_space<hbm>> -> memref<1000000x32xf32, #tpu.memory_space<hbm>>
    %dma_start3A_534 = tpu.memref_slice %arg7[%dma_start3A_524] : memref<2x!tpu.dma_semaphore, #tpu.memory_space<semaphore_mem>> -> memref<1x!tpu.dma_semaphore, #tpu.memory_space<semaphore_mem>>
    %dma_start3A_535 = tpu.memref_squeeze %dma_start3A_534 : memref<1x!tpu.dma_semaphore, #tpu.memory_space<semaphore_mem>> -> memref<!tpu.dma_semaphore, #tpu.memory_space<semaphore_mem>>
    tpu.enqueue_indirect_dma source(%dma_start3A_533 : memref<1000000x32xf32, #tpu.memory_space<hbm>>) target(%dma_start3A_528 : memref<1280x32xf32, #tpu.memory_space<vmem>>) offsets(%dma_start3A_530 : memref<1280xi32, #tpu.memory_space<vmem>>) semaphore(%dma_start3A_535 : memref<!tpu.dma_semaphore, #tpu.memory_space<semaphore_mem>>)
    %add3A_536 = arith.constant 10240 : i32
    %add3A_537 = arith.addi %mul3A_2, %add3A_536 : i32
    %dma_start3A_538 = arith.constant 0 : i32
    %dma_start3A_539 = arith.constant 0 : i32
    %dma_start3A_540 = arith.constant 0 : i32
    %dma_start3A_541 = arith.constant 0 : i32
    %dma_start3A_542 = tpu.memref_slice %arg6[%dma_start3A_538, %dma_start3A_540, %dma_start3A_541] : memref<2x1280x32xf32, #tpu.memory_space<vmem>> -> memref<1x1280x32xf32, #tpu.memory_space<vmem>>
    %dma_start3A_543 = tpu.memref_squeeze %dma_start3A_542 : memref<1x1280x32xf32, #tpu.memory_space<vmem>> -> memref<1280x32xf32, #tpu.memory_space<vmem>>
    %dma_start3A_544 = arith.constant 0 : i32
    %dma_start3A_545 = tpu.memref_slice %arg4[%add3A_537, %dma_start3A_544] : memref<819200x32xf32, #tpu.memory_space<hbm>> -> memref<1280x32xf32, #tpu.memory_space<hbm>>
    %dma_start3A_546 = tpu.memref_slice %arg8[%dma_start3A_539] : memref<2x!tpu.dma_semaphore, #tpu.memory_space<semaphore_mem>> -> memref<1x!tpu.dma_semaphore, #tpu.memory_space<semaphore_mem>>
    %dma_start3A_547 = tpu.memref_squeeze %dma_start3A_546 : memref<1x!tpu.dma_semaphore, #tpu.memory_space<semaphore_mem>> -> memref<!tpu.dma_semaphore, #tpu.memory_space<semaphore_mem>>
    %dma_start3A_548 = arith.constant 0 : i32
    %dma_start3A_549 = tpu.memref_slice %arg4[%add3A_537, %dma_start3A_548] : memref<819200x32xf32, #tpu.memory_space<hbm>> -> memref<1280x32xf32, #tpu.memory_space<hbm>>
    %dma_start3A_550 = arith.constant 0 : i32
    %dma_start3A_551 = arith.constant 0 : i32
    %dma_start3A_552 = tpu.memref_slice %arg6[%dma_start3A_538, %dma_start3A_550, %dma_start3A_551] : memref<2x1280x32xf32, #tpu.memory_space<vmem>> -> memref<1x1280x32xf32, #tpu.memory_space<vmem>>
    %dma_start3A_553 = tpu.memref_squeeze %dma_start3A_552 : memref<1x1280x32xf32, #tpu.memory_space<vmem>> -> memref<1280x32xf32, #tpu.memory_space<vmem>>
    tpu.enqueue_dma source(%dma_start3A_553 : memref<1280x32xf32, #tpu.memory_space<vmem>>) target(%dma_start3A_549 : memref<1280x32xf32, #tpu.memory_space<hbm>>) target_semaphore(%dma_start3A_547 : memref<!tpu.dma_semaphore, #tpu.memory_space<semaphore_mem>>)
    %dma_wait3A_554 = arith.constant 1 : i32
    %dma_wait3A_555 = arith.constant 1 : i32
    %dma_wait3A_556 = arith.constant 0 : i32
    %dma_wait3A_557 = arith.constant 0 : i32
    %dma_wait3A_558 = tpu.memref_slice %arg6[%dma_wait3A_554, %dma_wait3A_556, %dma_wait3A_557] : memref<2x1280x32xf32, #tpu.memory_space<vmem>> -> memref<1x1280x32xf32, #tpu.memory_space<vmem>>
    %dma_wait3A_559 = tpu.memref_squeeze %dma_wait3A_558 : memref<1x1280x32xf32, #tpu.memory_space<vmem>> -> memref<1280x32xf32, #tpu.memory_space<vmem>>
    %dma_wait3A_560 = arith.constant 11520 : i32
    %dma_wait3A_561 = tpu.memref_slice %arg5[%dma_wait3A_560] : memref<25600xi32, #tpu.memory_space<vmem>> -> memref<1280xi32, #tpu.memory_space<vmem>>
    %dma_wait3A_562 = arith.constant 0 : i32
    %dma_wait3A_563 = arith.constant 0 : i32
    %dma_wait3A_564 = tpu.memref_slice %arg3[%dma_wait3A_562, %dma_wait3A_563] : memref<1000000x32xf32, #tpu.memory_space<hbm>> -> memref<1000000x32xf32, #tpu.memory_space<hbm>>
    %dma_wait3A_565 = tpu.memref_slice %arg7[%dma_wait3A_555] : memref<2x!tpu.dma_semaphore, #tpu.memory_space<semaphore_mem>> -> memref<1x!tpu.dma_semaphore, #tpu.memory_space<semaphore_mem>>
    %dma_wait3A_566 = tpu.memref_squeeze %dma_wait3A_565 : memref<1x!tpu.dma_semaphore, #tpu.memory_space<semaphore_mem>> -> memref<!tpu.dma_semaphore, #tpu.memory_space<semaphore_mem>>
    tpu.wait_indirect_dma semaphore(%dma_wait3A_566 : memref<!tpu.dma_semaphore, #tpu.memory_space<semaphore_mem>>) src(%dma_wait3A_564 : memref<1000000x32xf32, #tpu.memory_space<hbm>>) dst(%dma_wait3A_559 : memref<1280x32xf32, #tpu.memory_space<vmem>>)
    %add3A_567 = arith.constant 10240 : i32
    %add3A_568 = arith.addi %mul3A_2, %add3A_567 : i32
    %dma_wait3A_569 = arith.constant 0 : i32
    %dma_wait3A_570 = arith.constant 0 : i32
    %dma_wait3A_571 = arith.constant 0 : i32
    %dma_wait3A_572 = arith.constant 0 : i32
    %dma_wait3A_573 = tpu.memref_slice %arg6[%dma_wait3A_569, %dma_wait3A_571, %dma_wait3A_572] : memref<2x1280x32xf32, #tpu.memory_space<vmem>> -> memref<1x1280x32xf32, #tpu.memory_space<vmem>>
    %dma_wait3A_574 = tpu.memref_squeeze %dma_wait3A_573 : memref<1x1280x32xf32, #tpu.memory_space<vmem>> -> memref<1280x32xf32, #tpu.memory_space<vmem>>
    %dma_wait3A_575 = arith.constant 0 : i32
    %dma_wait3A_576 = tpu.memref_slice %arg4[%add3A_568, %dma_wait3A_575] : memref<819200x32xf32, #tpu.memory_space<hbm>> -> memref<1280x32xf32, #tpu.memory_space<hbm>>
    %dma_wait3A_577 = tpu.memref_slice %arg8[%dma_wait3A_570] : memref<2x!tpu.dma_semaphore, #tpu.memory_space<semaphore_mem>> -> memref<1x!tpu.dma_semaphore, #tpu.memory_space<semaphore_mem>>
    %dma_wait3A_578 = tpu.memref_squeeze %dma_wait3A_577 : memref<1x!tpu.dma_semaphore, #tpu.memory_space<semaphore_mem>> -> memref<!tpu.dma_semaphore, #tpu.memory_space<semaphore_mem>>
    %dma_wait3A_579 = arith.constant 0 : i32
    %dma_wait3A_580 = tpu.memref_slice %arg4[%add3A_568, %dma_wait3A_579] : memref<819200x32xf32, #tpu.memory_space<hbm>> -> memref<1280x32xf32, #tpu.memory_space<hbm>>
    %dma_wait3A_581 = arith.constant 0 : i32
    %dma_wait3A_582 = arith.constant 0 : i32
    %dma_wait3A_583 = tpu.memref_slice %arg6[%dma_wait3A_569, %dma_wait3A_581, %dma_wait3A_582] : memref<2x1280x32xf32, #tpu.memory_space<vmem>> -> memref<1x1280x32xf32, #tpu.memory_space<vmem>>
    %dma_wait3A_584 = tpu.memref_squeeze %dma_wait3A_583 : memref<1x1280x32xf32, #tpu.memory_space<vmem>> -> memref<1280x32xf32, #tpu.memory_space<vmem>>
    tpu.wait_dma2 semaphore(%dma_wait3A_578 : memref<!tpu.dma_semaphore, #tpu.memory_space<semaphore_mem>>) src(%dma_wait3A_584 : memref<1280x32xf32, #tpu.memory_space<vmem>>) dst(%dma_wait3A_580 : memref<1280x32xf32, #tpu.memory_space<hbm>>)
    %dma_start3A_585 = arith.constant 0 : i32
    %dma_start3A_586 = arith.constant 0 : i32
    %dma_start3A_587 = arith.constant 0 : i32
    %dma_start3A_588 = arith.constant 0 : i32
    %dma_start3A_589 = tpu.memref_slice %arg6[%dma_start3A_585, %dma_start3A_587, %dma_start3A_588] : memref<2x1280x32xf32, #tpu.memory_space<vmem>> -> memref<1x1280x32xf32, #tpu.memory_space<vmem>>
    %dma_start3A_590 = tpu.memref_squeeze %dma_start3A_589 : memref<1x1280x32xf32, #tpu.memory_space<vmem>> -> memref<1280x32xf32, #tpu.memory_space<vmem>>
    %dma_start3A_591 = arith.constant 12800 : i32
    %dma_start3A_592 = tpu.memref_slice %arg5[%dma_start3A_591] : memref<25600xi32, #tpu.memory_space<vmem>> -> memref<1280xi32, #tpu.memory_space<vmem>>
    %dma_start3A_593 = arith.constant 0 : i32
    %dma_start3A_594 = arith.constant 0 : i32
    %dma_start3A_595 = tpu.memref_slice %arg3[%dma_start3A_593, %dma_start3A_594] : memref<1000000x32xf32, #tpu.memory_space<hbm>> -> memref<1000000x32xf32, #tpu.memory_space<hbm>>
    %dma_start3A_596 = tpu.memref_slice %arg7[%dma_start3A_586] : memref<2x!tpu.dma_semaphore, #tpu.memory_space<semaphore_mem>> -> memref<1x!tpu.dma_semaphore, #tpu.memory_space<semaphore_mem>>
    %dma_start3A_597 = tpu.memref_squeeze %dma_start3A_596 : memref<1x!tpu.dma_semaphore, #tpu.memory_space<semaphore_mem>> -> memref<!tpu.dma_semaphore, #tpu.memory_space<semaphore_mem>>
    tpu.enqueue_indirect_dma source(%dma_start3A_595 : memref<1000000x32xf32, #tpu.memory_space<hbm>>) target(%dma_start3A_590 : memref<1280x32xf32, #tpu.memory_space<vmem>>) offsets(%dma_start3A_592 : memref<1280xi32, #tpu.memory_space<vmem>>) semaphore(%dma_start3A_597 : memref<!tpu.dma_semaphore, #tpu.memory_space<semaphore_mem>>)
    %add3A_598 = arith.constant 11520 : i32
    %add3A_599 = arith.addi %mul3A_2, %add3A_598 : i32
    %dma_start3A_600 = arith.constant 1 : i32
    %dma_start3A_601 = arith.constant 1 : i32
    %dma_start3A_602 = arith.constant 0 : i32
    %dma_start3A_603 = arith.constant 0 : i32
    %dma_start3A_604 = tpu.memref_slice %arg6[%dma_start3A_600, %dma_start3A_602, %dma_start3A_603] : memref<2x1280x32xf32, #tpu.memory_space<vmem>> -> memref<1x1280x32xf32, #tpu.memory_space<vmem>>
    %dma_start3A_605 = tpu.memref_squeeze %dma_start3A_604 : memref<1x1280x32xf32, #tpu.memory_space<vmem>> -> memref<1280x32xf32, #tpu.memory_space<vmem>>
    %dma_start3A_606 = arith.constant 0 : i32
    %dma_start3A_607 = tpu.memref_slice %arg4[%add3A_599, %dma_start3A_606] : memref<819200x32xf32, #tpu.memory_space<hbm>> -> memref<1280x32xf32, #tpu.memory_space<hbm>>
    %dma_start3A_608 = tpu.memref_slice %arg8[%dma_start3A_601] : memref<2x!tpu.dma_semaphore, #tpu.memory_space<semaphore_mem>> -> memref<1x!tpu.dma_semaphore, #tpu.memory_space<semaphore_mem>>
    %dma_start3A_609 = tpu.memref_squeeze %dma_start3A_608 : memref<1x!tpu.dma_semaphore, #tpu.memory_space<semaphore_mem>> -> memref<!tpu.dma_semaphore, #tpu.memory_space<semaphore_mem>>
    %dma_start3A_610 = arith.constant 0 : i32
    %dma_start3A_611 = tpu.memref_slice %arg4[%add3A_599, %dma_start3A_610] : memref<819200x32xf32, #tpu.memory_space<hbm>> -> memref<1280x32xf32, #tpu.memory_space<hbm>>
    %dma_start3A_612 = arith.constant 0 : i32
    %dma_start3A_613 = arith.constant 0 : i32
    %dma_start3A_614 = tpu.memref_slice %arg6[%dma_start3A_600, %dma_start3A_612, %dma_start3A_613] : memref<2x1280x32xf32, #tpu.memory_space<vmem>> -> memref<1x1280x32xf32, #tpu.memory_space<vmem>>
    %dma_start3A_615 = tpu.memref_squeeze %dma_start3A_614 : memref<1x1280x32xf32, #tpu.memory_space<vmem>> -> memref<1280x32xf32, #tpu.memory_space<vmem>>
    tpu.enqueue_dma source(%dma_start3A_615 : memref<1280x32xf32, #tpu.memory_space<vmem>>) target(%dma_start3A_611 : memref<1280x32xf32, #tpu.memory_space<hbm>>) target_semaphore(%dma_start3A_609 : memref<!tpu.dma_semaphore, #tpu.memory_space<semaphore_mem>>)
    %dma_wait3A_616 = arith.constant 0 : i32
    %dma_wait3A_617 = arith.constant 0 : i32
    %dma_wait3A_618 = arith.constant 0 : i32
    %dma_wait3A_619 = arith.constant 0 : i32
    %dma_wait3A_620 = tpu.memref_slice %arg6[%dma_wait3A_616, %dma_wait3A_618, %dma_wait3A_619] : memref<2x1280x32xf32, #tpu.memory_space<vmem>> -> memref<1x1280x32xf32, #tpu.memory_space<vmem>>
    %dma_wait3A_621 = tpu.memref_squeeze %dma_wait3A_620 : memref<1x1280x32xf32, #tpu.memory_space<vmem>> -> memref<1280x32xf32, #tpu.memory_space<vmem>>
    %dma_wait3A_622 = arith.constant 12800 : i32
    %dma_wait3A_623 = tpu.memref_slice %arg5[%dma_wait3A_622] : memref<25600xi32, #tpu.memory_space<vmem>> -> memref<1280xi32, #tpu.memory_space<vmem>>
    %dma_wait3A_624 = arith.constant 0 : i32
    %dma_wait3A_625 = arith.constant 0 : i32
    %dma_wait3A_626 = tpu.memref_slice %arg3[%dma_wait3A_624, %dma_wait3A_625] : memref<1000000x32xf32, #tpu.memory_space<hbm>> -> memref<1000000x32xf32, #tpu.memory_space<hbm>>
    %dma_wait3A_627 = tpu.memref_slice %arg7[%dma_wait3A_617] : memref<2x!tpu.dma_semaphore, #tpu.memory_space<semaphore_mem>> -> memref<1x!tpu.dma_semaphore, #tpu.memory_space<semaphore_mem>>
    %dma_wait3A_628 = tpu.memref_squeeze %dma_wait3A_627 : memref<1x!tpu.dma_semaphore, #tpu.memory_space<semaphore_mem>> -> memref<!tpu.dma_semaphore, #tpu.memory_space<semaphore_mem>>
    tpu.wait_indirect_dma semaphore(%dma_wait3A_628 : memref<!tpu.dma_semaphore, #tpu.memory_space<semaphore_mem>>) src(%dma_wait3A_626 : memref<1000000x32xf32, #tpu.memory_space<hbm>>) dst(%dma_wait3A_621 : memref<1280x32xf32, #tpu.memory_space<vmem>>)
    %add3A_629 = arith.constant 11520 : i32
    %add3A_630 = arith.addi %mul3A_2, %add3A_629 : i32
    %dma_wait3A_631 = arith.constant 1 : i32
    %dma_wait3A_632 = arith.constant 1 : i32
    %dma_wait3A_633 = arith.constant 0 : i32
    %dma_wait3A_634 = arith.constant 0 : i32
    %dma_wait3A_635 = tpu.memref_slice %arg6[%dma_wait3A_631, %dma_wait3A_633, %dma_wait3A_634] : memref<2x1280x32xf32, #tpu.memory_space<vmem>> -> memref<1x1280x32xf32, #tpu.memory_space<vmem>>
    %dma_wait3A_636 = tpu.memref_squeeze %dma_wait3A_635 : memref<1x1280x32xf32, #tpu.memory_space<vmem>> -> memref<1280x32xf32, #tpu.memory_space<vmem>>
    %dma_wait3A_637 = arith.constant 0 : i32
    %dma_wait3A_638 = tpu.memref_slice %arg4[%add3A_630, %dma_wait3A_637] : memref<819200x32xf32, #tpu.memory_space<hbm>> -> memref<1280x32xf32, #tpu.memory_space<hbm>>
    %dma_wait3A_639 = tpu.memref_slice %arg8[%dma_wait3A_632] : memref<2x!tpu.dma_semaphore, #tpu.memory_space<semaphore_mem>> -> memref<1x!tpu.dma_semaphore, #tpu.memory_space<semaphore_mem>>
    %dma_wait3A_640 = tpu.memref_squeeze %dma_wait3A_639 : memref<1x!tpu.dma_semaphore, #tpu.memory_space<semaphore_mem>> -> memref<!tpu.dma_semaphore, #tpu.memory_space<semaphore_mem>>
    %dma_wait3A_641 = arith.constant 0 : i32
    %dma_wait3A_642 = tpu.memref_slice %arg4[%add3A_630, %dma_wait3A_641] : memref<819200x32xf32, #tpu.memory_space<hbm>> -> memref<1280x32xf32, #tpu.memory_space<hbm>>
    %dma_wait3A_643 = arith.constant 0 : i32
    %dma_wait3A_644 = arith.constant 0 : i32
    %dma_wait3A_645 = tpu.memref_slice %arg6[%dma_wait3A_631, %dma_wait3A_643, %dma_wait3A_644] : memref<2x1280x32xf32, #tpu.memory_space<vmem>> -> memref<1x1280x32xf32, #tpu.memory_space<vmem>>
    %dma_wait3A_646 = tpu.memref_squeeze %dma_wait3A_645 : memref<1x1280x32xf32, #tpu.memory_space<vmem>> -> memref<1280x32xf32, #tpu.memory_space<vmem>>
    tpu.wait_dma2 semaphore(%dma_wait3A_640 : memref<!tpu.dma_semaphore, #tpu.memory_space<semaphore_mem>>) src(%dma_wait3A_646 : memref<1280x32xf32, #tpu.memory_space<vmem>>) dst(%dma_wait3A_642 : memref<1280x32xf32, #tpu.memory_space<hbm>>)
    %dma_start3A_647 = arith.constant 1 : i32
    %dma_start3A_648 = arith.constant 1 : i32
    %dma_start3A_649 = arith.constant 0 : i32
    %dma_start3A_650 = arith.constant 0 : i32
    %dma_start3A_651 = tpu.memref_slice %arg6[%dma_start3A_647, %dma_start3A_649, %dma_start3A_650] : memref<2x1280x32xf32, #tpu.memory_space<vmem>> -> memref<1x1280x32xf32, #tpu.memory_space<vmem>>
    %dma_start3A_652 = tpu.memref_squeeze %dma_start3A_651 : memref<1x1280x32xf32, #tpu.memory_space<vmem>> -> memref<1280x32xf32, #tpu.memory_space<vmem>>
    %dma_start3A_653 = arith.constant 14080 : i32
    %dma_start3A_654 = tpu.memref_slice %arg5[%dma_start3A_653] : memref<25600xi32, #tpu.memory_space<vmem>> -> memref<1280xi32, #tpu.memory_space<vmem>>
    %dma_start3A_655 = arith.constant 0 : i32
    %dma_start3A_656 = arith.constant 0 : i32
    %dma_start3A_657 = tpu.memref_slice %arg3[%dma_start3A_655, %dma_start3A_656] : memref<1000000x32xf32, #tpu.memory_space<hbm>> -> memref<1000000x32xf32, #tpu.memory_space<hbm>>
    %dma_start3A_658 = tpu.memref_slice %arg7[%dma_start3A_648] : memref<2x!tpu.dma_semaphore, #tpu.memory_space<semaphore_mem>> -> memref<1x!tpu.dma_semaphore, #tpu.memory_space<semaphore_mem>>
    %dma_start3A_659 = tpu.memref_squeeze %dma_start3A_658 : memref<1x!tpu.dma_semaphore, #tpu.memory_space<semaphore_mem>> -> memref<!tpu.dma_semaphore, #tpu.memory_space<semaphore_mem>>
    tpu.enqueue_indirect_dma source(%dma_start3A_657 : memref<1000000x32xf32, #tpu.memory_space<hbm>>) target(%dma_start3A_652 : memref<1280x32xf32, #tpu.memory_space<vmem>>) offsets(%dma_start3A_654 : memref<1280xi32, #tpu.memory_space<vmem>>) semaphore(%dma_start3A_659 : memref<!tpu.dma_semaphore, #tpu.memory_space<semaphore_mem>>)
    %add3A_660 = arith.constant 12800 : i32
    %add3A_661 = arith.addi %mul3A_2, %add3A_660 : i32
    %dma_start3A_662 = arith.constant 0 : i32
    %dma_start3A_663 = arith.constant 0 : i32
    %dma_start3A_664 = arith.constant 0 : i32
    %dma_start3A_665 = arith.constant 0 : i32
    %dma_start3A_666 = tpu.memref_slice %arg6[%dma_start3A_662, %dma_start3A_664, %dma_start3A_665] : memref<2x1280x32xf32, #tpu.memory_space<vmem>> -> memref<1x1280x32xf32, #tpu.memory_space<vmem>>
    %dma_start3A_667 = tpu.memref_squeeze %dma_start3A_666 : memref<1x1280x32xf32, #tpu.memory_space<vmem>> -> memref<1280x32xf32, #tpu.memory_space<vmem>>
    %dma_start3A_668 = arith.constant 0 : i32
    %dma_start3A_669 = tpu.memref_slice %arg4[%add3A_661, %dma_start3A_668] : memref<819200x32xf32, #tpu.memory_space<hbm>> -> memref<1280x32xf32, #tpu.memory_space<hbm>>
    %dma_start3A_670 = tpu.memref_slice %arg8[%dma_start3A_663] : memref<2x!tpu.dma_semaphore, #tpu.memory_space<semaphore_mem>> -> memref<1x!tpu.dma_semaphore, #tpu.memory_space<semaphore_mem>>
    %dma_start3A_671 = tpu.memref_squeeze %dma_start3A_670 : memref<1x!tpu.dma_semaphore, #tpu.memory_space<semaphore_mem>> -> memref<!tpu.dma_semaphore, #tpu.memory_space<semaphore_mem>>
    %dma_start3A_672 = arith.constant 0 : i32
    %dma_start3A_673 = tpu.memref_slice %arg4[%add3A_661, %dma_start3A_672] : memref<819200x32xf32, #tpu.memory_space<hbm>> -> memref<1280x32xf32, #tpu.memory_space<hbm>>
    %dma_start3A_674 = arith.constant 0 : i32
    %dma_start3A_675 = arith.constant 0 : i32
    %dma_start3A_676 = tpu.memref_slice %arg6[%dma_start3A_662, %dma_start3A_674, %dma_start3A_675] : memref<2x1280x32xf32, #tpu.memory_space<vmem>> -> memref<1x1280x32xf32, #tpu.memory_space<vmem>>
    %dma_start3A_677 = tpu.memref_squeeze %dma_start3A_676 : memref<1x1280x32xf32, #tpu.memory_space<vmem>> -> memref<1280x32xf32, #tpu.memory_space<vmem>>
    tpu.enqueue_dma source(%dma_start3A_677 : memref<1280x32xf32, #tpu.memory_space<vmem>>) target(%dma_start3A_673 : memref<1280x32xf32, #tpu.memory_space<hbm>>) target_semaphore(%dma_start3A_671 : memref<!tpu.dma_semaphore, #tpu.memory_space<semaphore_mem>>)
    %dma_wait3A_678 = arith.constant 1 : i32
    %dma_wait3A_679 = arith.constant 1 : i32
    %dma_wait3A_680 = arith.constant 0 : i32
    %dma_wait3A_681 = arith.constant 0 : i32
    %dma_wait3A_682 = tpu.memref_slice %arg6[%dma_wait3A_678, %dma_wait3A_680, %dma_wait3A_681] : memref<2x1280x32xf32, #tpu.memory_space<vmem>> -> memref<1x1280x32xf32, #tpu.memory_space<vmem>>
    %dma_wait3A_683 = tpu.memref_squeeze %dma_wait3A_682 : memref<1x1280x32xf32, #tpu.memory_space<vmem>> -> memref<1280x32xf32, #tpu.memory_space<vmem>>
    %dma_wait3A_684 = arith.constant 14080 : i32
    %dma_wait3A_685 = tpu.memref_slice %arg5[%dma_wait3A_684] : memref<25600xi32, #tpu.memory_space<vmem>> -> memref<1280xi32, #tpu.memory_space<vmem>>
    %dma_wait3A_686 = arith.constant 0 : i32
    %dma_wait3A_687 = arith.constant 0 : i32
    %dma_wait3A_688 = tpu.memref_slice %arg3[%dma_wait3A_686, %dma_wait3A_687] : memref<1000000x32xf32, #tpu.memory_space<hbm>> -> memref<1000000x32xf32, #tpu.memory_space<hbm>>
    %dma_wait3A_689 = tpu.memref_slice %arg7[%dma_wait3A_679] : memref<2x!tpu.dma_semaphore, #tpu.memory_space<semaphore_mem>> -> memref<1x!tpu.dma_semaphore, #tpu.memory_space<semaphore_mem>>
    %dma_wait3A_690 = tpu.memref_squeeze %dma_wait3A_689 : memref<1x!tpu.dma_semaphore, #tpu.memory_space<semaphore_mem>> -> memref<!tpu.dma_semaphore, #tpu.memory_space<semaphore_mem>>
    tpu.wait_indirect_dma semaphore(%dma_wait3A_690 : memref<!tpu.dma_semaphore, #tpu.memory_space<semaphore_mem>>) src(%dma_wait3A_688 : memref<1000000x32xf32, #tpu.memory_space<hbm>>) dst(%dma_wait3A_683 : memref<1280x32xf32, #tpu.memory_space<vmem>>)
    %add3A_691 = arith.constant 12800 : i32
    %add3A_692 = arith.addi %mul3A_2, %add3A_691 : i32
    %dma_wait3A_693 = arith.constant 0 : i32
    %dma_wait3A_694 = arith.constant 0 : i32
    %dma_wait3A_695 = arith.constant 0 : i32
    %dma_wait3A_696 = arith.constant 0 : i32
    %dma_wait3A_697 = tpu.memref_slice %arg6[%dma_wait3A_693, %dma_wait3A_695, %dma_wait3A_696] : memref<2x1280x32xf32, #tpu.memory_space<vmem>> -> memref<1x1280x32xf32, #tpu.memory_space<vmem>>
    %dma_wait3A_698 = tpu.memref_squeeze %dma_wait3A_697 : memref<1x1280x32xf32, #tpu.memory_space<vmem>> -> memref<1280x32xf32, #tpu.memory_space<vmem>>
    %dma_wait3A_699 = arith.constant 0 : i32
    %dma_wait3A_700 = tpu.memref_slice %arg4[%add3A_692, %dma_wait3A_699] : memref<819200x32xf32, #tpu.memory_space<hbm>> -> memref<1280x32xf32, #tpu.memory_space<hbm>>
    %dma_wait3A_701 = tpu.memref_slice %arg8[%dma_wait3A_694] : memref<2x!tpu.dma_semaphore, #tpu.memory_space<semaphore_mem>> -> memref<1x!tpu.dma_semaphore, #tpu.memory_space<semaphore_mem>>
    %dma_wait3A_702 = tpu.memref_squeeze %dma_wait3A_701 : memref<1x!tpu.dma_semaphore, #tpu.memory_space<semaphore_mem>> -> memref<!tpu.dma_semaphore, #tpu.memory_space<semaphore_mem>>
    %dma_wait3A_703 = arith.constant 0 : i32
    %dma_wait3A_704 = tpu.memref_slice %arg4[%add3A_692, %dma_wait3A_703] : memref<819200x32xf32, #tpu.memory_space<hbm>> -> memref<1280x32xf32, #tpu.memory_space<hbm>>
    %dma_wait3A_705 = arith.constant 0 : i32
    %dma_wait3A_706 = arith.constant 0 : i32
    %dma_wait3A_707 = tpu.memref_slice %arg6[%dma_wait3A_693, %dma_wait3A_705, %dma_wait3A_706] : memref<2x1280x32xf32, #tpu.memory_space<vmem>> -> memref<1x1280x32xf32, #tpu.memory_space<vmem>>
    %dma_wait3A_708 = tpu.memref_squeeze %dma_wait3A_707 : memref<1x1280x32xf32, #tpu.memory_space<vmem>> -> memref<1280x32xf32, #tpu.memory_space<vmem>>
    tpu.wait_dma2 semaphore(%dma_wait3A_702 : memref<!tpu.dma_semaphore, #tpu.memory_space<semaphore_mem>>) src(%dma_wait3A_708 : memref<1280x32xf32, #tpu.memory_space<vmem>>) dst(%dma_wait3A_704 : memref<1280x32xf32, #tpu.memory_space<hbm>>)
    %dma_start3A_709 = arith.constant 0 : i32
    %dma_start3A_710 = arith.constant 0 : i32
    %dma_start3A_711 = arith.constant 0 : i32
    %dma_start3A_712 = arith.constant 0 : i32
    %dma_start3A_713 = tpu.memref_slice %arg6[%dma_start3A_709, %dma_start3A_711, %dma_start3A_712] : memref<2x1280x32xf32, #tpu.memory_space<vmem>> -> memref<1x1280x32xf32, #tpu.memory_space<vmem>>
    %dma_start3A_714 = tpu.memref_squeeze %dma_start3A_713 : memref<1x1280x32xf32, #tpu.memory_space<vmem>> -> memref<1280x32xf32, #tpu.memory_space<vmem>>
    %dma_start3A_715 = arith.constant 15360 : i32
    %dma_start3A_716 = tpu.memref_slice %arg5[%dma_start3A_715] : memref<25600xi32, #tpu.memory_space<vmem>> -> memref<1280xi32, #tpu.memory_space<vmem>>
    %dma_start3A_717 = arith.constant 0 : i32
    %dma_start3A_718 = arith.constant 0 : i32
    %dma_start3A_719 = tpu.memref_slice %arg3[%dma_start3A_717, %dma_start3A_718] : memref<1000000x32xf32, #tpu.memory_space<hbm>> -> memref<1000000x32xf32, #tpu.memory_space<hbm>>
    %dma_start3A_720 = tpu.memref_slice %arg7[%dma_start3A_710] : memref<2x!tpu.dma_semaphore, #tpu.memory_space<semaphore_mem>> -> memref<1x!tpu.dma_semaphore, #tpu.memory_space<semaphore_mem>>
    %dma_start3A_721 = tpu.memref_squeeze %dma_start3A_720 : memref<1x!tpu.dma_semaphore, #tpu.memory_space<semaphore_mem>> -> memref<!tpu.dma_semaphore, #tpu.memory_space<semaphore_mem>>
    tpu.enqueue_indirect_dma source(%dma_start3A_719 : memref<1000000x32xf32, #tpu.memory_space<hbm>>) target(%dma_start3A_714 : memref<1280x32xf32, #tpu.memory_space<vmem>>) offsets(%dma_start3A_716 : memref<1280xi32, #tpu.memory_space<vmem>>) semaphore(%dma_start3A_721 : memref<!tpu.dma_semaphore, #tpu.memory_space<semaphore_mem>>)
    %add3A_722 = arith.constant 14080 : i32
    %add3A_723 = arith.addi %mul3A_2, %add3A_722 : i32
    %dma_start3A_724 = arith.constant 1 : i32
    %dma_start3A_725 = arith.constant 1 : i32
    %dma_start3A_726 = arith.constant 0 : i32
    %dma_start3A_727 = arith.constant 0 : i32
    %dma_start3A_728 = tpu.memref_slice %arg6[%dma_start3A_724, %dma_start3A_726, %dma_start3A_727] : memref<2x1280x32xf32, #tpu.memory_space<vmem>> -> memref<1x1280x32xf32, #tpu.memory_space<vmem>>
    %dma_start3A_729 = tpu.memref_squeeze %dma_start3A_728 : memref<1x1280x32xf32, #tpu.memory_space<vmem>> -> memref<1280x32xf32, #tpu.memory_space<vmem>>
    %dma_start3A_730 = arith.constant 0 : i32
    %dma_start3A_731 = tpu.memref_slice %arg4[%add3A_723, %dma_start3A_730] : memref<819200x32xf32, #tpu.memory_space<hbm>> -> memref<1280x32xf32, #tpu.memory_space<hbm>>
    %dma_start3A_732 = tpu.memref_slice %arg8[%dma_start3A_725] : memref<2x!tpu.dma_semaphore, #tpu.memory_space<semaphore_mem>> -> memref<1x!tpu.dma_semaphore, #tpu.memory_space<semaphore_mem>>
    %dma_start3A_733 = tpu.memref_squeeze %dma_start3A_732 : memref<1x!tpu.dma_semaphore, #tpu.memory_space<semaphore_mem>> -> memref<!tpu.dma_semaphore, #tpu.memory_space<semaphore_mem>>
    %dma_start3A_734 = arith.constant 0 : i32
    %dma_start3A_735 = tpu.memref_slice %arg4[%add3A_723, %dma_start3A_734] : memref<819200x32xf32, #tpu.memory_space<hbm>> -> memref<1280x32xf32, #tpu.memory_space<hbm>>
    %dma_start3A_736 = arith.constant 0 : i32
    %dma_start3A_737 = arith.constant 0 : i32
    %dma_start3A_738 = tpu.memref_slice %arg6[%dma_start3A_724, %dma_start3A_736, %dma_start3A_737] : memref<2x1280x32xf32, #tpu.memory_space<vmem>> -> memref<1x1280x32xf32, #tpu.memory_space<vmem>>
    %dma_start3A_739 = tpu.memref_squeeze %dma_start3A_738 : memref<1x1280x32xf32, #tpu.memory_space<vmem>> -> memref<1280x32xf32, #tpu.memory_space<vmem>>
    tpu.enqueue_dma source(%dma_start3A_739 : memref<1280x32xf32, #tpu.memory_space<vmem>>) target(%dma_start3A_735 : memref<1280x32xf32, #tpu.memory_space<hbm>>) target_semaphore(%dma_start3A_733 : memref<!tpu.dma_semaphore, #tpu.memory_space<semaphore_mem>>)
    %dma_wait3A_740 = arith.constant 0 : i32
    %dma_wait3A_741 = arith.constant 0 : i32
    %dma_wait3A_742 = arith.constant 0 : i32
    %dma_wait3A_743 = arith.constant 0 : i32
    %dma_wait3A_744 = tpu.memref_slice %arg6[%dma_wait3A_740, %dma_wait3A_742, %dma_wait3A_743] : memref<2x1280x32xf32, #tpu.memory_space<vmem>> -> memref<1x1280x32xf32, #tpu.memory_space<vmem>>
    %dma_wait3A_745 = tpu.memref_squeeze %dma_wait3A_744 : memref<1x1280x32xf32, #tpu.memory_space<vmem>> -> memref<1280x32xf32, #tpu.memory_space<vmem>>
    %dma_wait3A_746 = arith.constant 15360 : i32
    %dma_wait3A_747 = tpu.memref_slice %arg5[%dma_wait3A_746] : memref<25600xi32, #tpu.memory_space<vmem>> -> memref<1280xi32, #tpu.memory_space<vmem>>
    %dma_wait3A_748 = arith.constant 0 : i32
    %dma_wait3A_749 = arith.constant 0 : i32
    %dma_wait3A_750 = tpu.memref_slice %arg3[%dma_wait3A_748, %dma_wait3A_749] : memref<1000000x32xf32, #tpu.memory_space<hbm>> -> memref<1000000x32xf32, #tpu.memory_space<hbm>>
    %dma_wait3A_751 = tpu.memref_slice %arg7[%dma_wait3A_741] : memref<2x!tpu.dma_semaphore, #tpu.memory_space<semaphore_mem>> -> memref<1x!tpu.dma_semaphore, #tpu.memory_space<semaphore_mem>>
    %dma_wait3A_752 = tpu.memref_squeeze %dma_wait3A_751 : memref<1x!tpu.dma_semaphore, #tpu.memory_space<semaphore_mem>> -> memref<!tpu.dma_semaphore, #tpu.memory_space<semaphore_mem>>
    tpu.wait_indirect_dma semaphore(%dma_wait3A_752 : memref<!tpu.dma_semaphore, #tpu.memory_space<semaphore_mem>>) src(%dma_wait3A_750 : memref<1000000x32xf32, #tpu.memory_space<hbm>>) dst(%dma_wait3A_745 : memref<1280x32xf32, #tpu.memory_space<vmem>>)
    %add3A_753 = arith.constant 14080 : i32
    %add3A_754 = arith.addi %mul3A_2, %add3A_753 : i32
    %dma_wait3A_755 = arith.constant 1 : i32
    %dma_wait3A_756 = arith.constant 1 : i32
    %dma_wait3A_757 = arith.constant 0 : i32
    %dma_wait3A_758 = arith.constant 0 : i32
    %dma_wait3A_759 = tpu.memref_slice %arg6[%dma_wait3A_755, %dma_wait3A_757, %dma_wait3A_758] : memref<2x1280x32xf32, #tpu.memory_space<vmem>> -> memref<1x1280x32xf32, #tpu.memory_space<vmem>>
    %dma_wait3A_760 = tpu.memref_squeeze %dma_wait3A_759 : memref<1x1280x32xf32, #tpu.memory_space<vmem>> -> memref<1280x32xf32, #tpu.memory_space<vmem>>
    %dma_wait3A_761 = arith.constant 0 : i32
    %dma_wait3A_762 = tpu.memref_slice %arg4[%add3A_754, %dma_wait3A_761] : memref<819200x32xf32, #tpu.memory_space<hbm>> -> memref<1280x32xf32, #tpu.memory_space<hbm>>
    %dma_wait3A_763 = tpu.memref_slice %arg8[%dma_wait3A_756] : memref<2x!tpu.dma_semaphore, #tpu.memory_space<semaphore_mem>> -> memref<1x!tpu.dma_semaphore, #tpu.memory_space<semaphore_mem>>
    %dma_wait3A_764 = tpu.memref_squeeze %dma_wait3A_763 : memref<1x!tpu.dma_semaphore, #tpu.memory_space<semaphore_mem>> -> memref<!tpu.dma_semaphore, #tpu.memory_space<semaphore_mem>>
    %dma_wait3A_765 = arith.constant 0 : i32
    %dma_wait3A_766 = tpu.memref_slice %arg4[%add3A_754, %dma_wait3A_765] : memref<819200x32xf32, #tpu.memory_space<hbm>> -> memref<1280x32xf32, #tpu.memory_space<hbm>>
    %dma_wait3A_767 = arith.constant 0 : i32
    %dma_wait3A_768 = arith.constant 0 : i32
    %dma_wait3A_769 = tpu.memref_slice %arg6[%dma_wait3A_755, %dma_wait3A_767, %dma_wait3A_768] : memref<2x1280x32xf32, #tpu.memory_space<vmem>> -> memref<1x1280x32xf32, #tpu.memory_space<vmem>>
    %dma_wait3A_770 = tpu.memref_squeeze %dma_wait3A_769 : memref<1x1280x32xf32, #tpu.memory_space<vmem>> -> memref<1280x32xf32, #tpu.memory_space<vmem>>
    tpu.wait_dma2 semaphore(%dma_wait3A_764 : memref<!tpu.dma_semaphore, #tpu.memory_space<semaphore_mem>>) src(%dma_wait3A_770 : memref<1280x32xf32, #tpu.memory_space<vmem>>) dst(%dma_wait3A_766 : memref<1280x32xf32, #tpu.memory_space<hbm>>)
    %dma_start3A_771 = arith.constant 1 : i32
    %dma_start3A_772 = arith.constant 1 : i32
    %dma_start3A_773 = arith.constant 0 : i32
    %dma_start3A_774 = arith.constant 0 : i32
    %dma_start3A_775 = tpu.memref_slice %arg6[%dma_start3A_771, %dma_start3A_773, %dma_start3A_774] : memref<2x1280x32xf32, #tpu.memory_space<vmem>> -> memref<1x1280x32xf32, #tpu.memory_space<vmem>>
    %dma_start3A_776 = tpu.memref_squeeze %dma_start3A_775 : memref<1x1280x32xf32, #tpu.memory_space<vmem>> -> memref<1280x32xf32, #tpu.memory_space<vmem>>
    %dma_start3A_777 = arith.constant 16640 : i32
    %dma_start3A_778 = tpu.memref_slice %arg5[%dma_start3A_777] : memref<25600xi32, #tpu.memory_space<vmem>> -> memref<1280xi32, #tpu.memory_space<vmem>>
    %dma_start3A_779 = arith.constant 0 : i32
    %dma_start3A_780 = arith.constant 0 : i32
    %dma_start3A_781 = tpu.memref_slice %arg3[%dma_start3A_779, %dma_start3A_780] : memref<1000000x32xf32, #tpu.memory_space<hbm>> -> memref<1000000x32xf32, #tpu.memory_space<hbm>>
    %dma_start3A_782 = tpu.memref_slice %arg7[%dma_start3A_772] : memref<2x!tpu.dma_semaphore, #tpu.memory_space<semaphore_mem>> -> memref<1x!tpu.dma_semaphore, #tpu.memory_space<semaphore_mem>>
    %dma_start3A_783 = tpu.memref_squeeze %dma_start3A_782 : memref<1x!tpu.dma_semaphore, #tpu.memory_space<semaphore_mem>> -> memref<!tpu.dma_semaphore, #tpu.memory_space<semaphore_mem>>
    tpu.enqueue_indirect_dma source(%dma_start3A_781 : memref<1000000x32xf32, #tpu.memory_space<hbm>>) target(%dma_start3A_776 : memref<1280x32xf32, #tpu.memory_space<vmem>>) offsets(%dma_start3A_778 : memref<1280xi32, #tpu.memory_space<vmem>>) semaphore(%dma_start3A_783 : memref<!tpu.dma_semaphore, #tpu.memory_space<semaphore_mem>>)
    %add3A_784 = arith.constant 15360 : i32
    %add3A_785 = arith.addi %mul3A_2, %add3A_784 : i32
    %dma_start3A_786 = arith.constant 0 : i32
    %dma_start3A_787 = arith.constant 0 : i32
    %dma_start3A_788 = arith.constant 0 : i32
    %dma_start3A_789 = arith.constant 0 : i32
    %dma_start3A_790 = tpu.memref_slice %arg6[%dma_start3A_786, %dma_start3A_788, %dma_start3A_789] : memref<2x1280x32xf32, #tpu.memory_space<vmem>> -> memref<1x1280x32xf32, #tpu.memory_space<vmem>>
    %dma_start3A_791 = tpu.memref_squeeze %dma_start3A_790 : memref<1x1280x32xf32, #tpu.memory_space<vmem>> -> memref<1280x32xf32, #tpu.memory_space<vmem>>
    %dma_start3A_792 = arith.constant 0 : i32
    %dma_start3A_793 = tpu.memref_slice %arg4[%add3A_785, %dma_start3A_792] : memref<819200x32xf32, #tpu.memory_space<hbm>> -> memref<1280x32xf32, #tpu.memory_space<hbm>>
    %dma_start3A_794 = tpu.memref_slice %arg8[%dma_start3A_787] : memref<2x!tpu.dma_semaphore, #tpu.memory_space<semaphore_mem>> -> memref<1x!tpu.dma_semaphore, #tpu.memory_space<semaphore_mem>>
    %dma_start3A_795 = tpu.memref_squeeze %dma_start3A_794 : memref<1x!tpu.dma_semaphore, #tpu.memory_space<semaphore_mem>> -> memref<!tpu.dma_semaphore, #tpu.memory_space<semaphore_mem>>
    %dma_start3A_796 = arith.constant 0 : i32
    %dma_start3A_797 = tpu.memref_slice %arg4[%add3A_785, %dma_start3A_796] : memref<819200x32xf32, #tpu.memory_space<hbm>> -> memref<1280x32xf32, #tpu.memory_space<hbm>>
    %dma_start3A_798 = arith.constant 0 : i32
    %dma_start3A_799 = arith.constant 0 : i32
    %dma_start3A_800 = tpu.memref_slice %arg6[%dma_start3A_786, %dma_start3A_798, %dma_start3A_799] : memref<2x1280x32xf32, #tpu.memory_space<vmem>> -> memref<1x1280x32xf32, #tpu.memory_space<vmem>>
    %dma_start3A_801 = tpu.memref_squeeze %dma_start3A_800 : memref<1x1280x32xf32, #tpu.memory_space<vmem>> -> memref<1280x32xf32, #tpu.memory_space<vmem>>
    tpu.enqueue_dma source(%dma_start3A_801 : memref<1280x32xf32, #tpu.memory_space<vmem>>) target(%dma_start3A_797 : memref<1280x32xf32, #tpu.memory_space<hbm>>) target_semaphore(%dma_start3A_795 : memref<!tpu.dma_semaphore, #tpu.memory_space<semaphore_mem>>)
    %dma_wait3A_802 = arith.constant 1 : i32
    %dma_wait3A_803 = arith.constant 1 : i32
    %dma_wait3A_804 = arith.constant 0 : i32
    %dma_wait3A_805 = arith.constant 0 : i32
    %dma_wait3A_806 = tpu.memref_slice %arg6[%dma_wait3A_802, %dma_wait3A_804, %dma_wait3A_805] : memref<2x1280x32xf32, #tpu.memory_space<vmem>> -> memref<1x1280x32xf32, #tpu.memory_space<vmem>>
    %dma_wait3A_807 = tpu.memref_squeeze %dma_wait3A_806 : memref<1x1280x32xf32, #tpu.memory_space<vmem>> -> memref<1280x32xf32, #tpu.memory_space<vmem>>
    %dma_wait3A_808 = arith.constant 16640 : i32
    %dma_wait3A_809 = tpu.memref_slice %arg5[%dma_wait3A_808] : memref<25600xi32, #tpu.memory_space<vmem>> -> memref<1280xi32, #tpu.memory_space<vmem>>
    %dma_wait3A_810 = arith.constant 0 : i32
    %dma_wait3A_811 = arith.constant 0 : i32
    %dma_wait3A_812 = tpu.memref_slice %arg3[%dma_wait3A_810, %dma_wait3A_811] : memref<1000000x32xf32, #tpu.memory_space<hbm>> -> memref<1000000x32xf32, #tpu.memory_space<hbm>>
    %dma_wait3A_813 = tpu.memref_slice %arg7[%dma_wait3A_803] : memref<2x!tpu.dma_semaphore, #tpu.memory_space<semaphore_mem>> -> memref<1x!tpu.dma_semaphore, #tpu.memory_space<semaphore_mem>>
    %dma_wait3A_814 = tpu.memref_squeeze %dma_wait3A_813 : memref<1x!tpu.dma_semaphore, #tpu.memory_space<semaphore_mem>> -> memref<!tpu.dma_semaphore, #tpu.memory_space<semaphore_mem>>
    tpu.wait_indirect_dma semaphore(%dma_wait3A_814 : memref<!tpu.dma_semaphore, #tpu.memory_space<semaphore_mem>>) src(%dma_wait3A_812 : memref<1000000x32xf32, #tpu.memory_space<hbm>>) dst(%dma_wait3A_807 : memref<1280x32xf32, #tpu.memory_space<vmem>>)
    %add3A_815 = arith.constant 15360 : i32
    %add3A_816 = arith.addi %mul3A_2, %add3A_815 : i32
    %dma_wait3A_817 = arith.constant 0 : i32
    %dma_wait3A_818 = arith.constant 0 : i32
    %dma_wait3A_819 = arith.constant 0 : i32
    %dma_wait3A_820 = arith.constant 0 : i32
    %dma_wait3A_821 = tpu.memref_slice %arg6[%dma_wait3A_817, %dma_wait3A_819, %dma_wait3A_820] : memref<2x1280x32xf32, #tpu.memory_space<vmem>> -> memref<1x1280x32xf32, #tpu.memory_space<vmem>>
    %dma_wait3A_822 = tpu.memref_squeeze %dma_wait3A_821 : memref<1x1280x32xf32, #tpu.memory_space<vmem>> -> memref<1280x32xf32, #tpu.memory_space<vmem>>
    %dma_wait3A_823 = arith.constant 0 : i32
    %dma_wait3A_824 = tpu.memref_slice %arg4[%add3A_816, %dma_wait3A_823] : memref<819200x32xf32, #tpu.memory_space<hbm>> -> memref<1280x32xf32, #tpu.memory_space<hbm>>
    %dma_wait3A_825 = tpu.memref_slice %arg8[%dma_wait3A_818] : memref<2x!tpu.dma_semaphore, #tpu.memory_space<semaphore_mem>> -> memref<1x!tpu.dma_semaphore, #tpu.memory_space<semaphore_mem>>
    %dma_wait3A_826 = tpu.memref_squeeze %dma_wait3A_825 : memref<1x!tpu.dma_semaphore, #tpu.memory_space<semaphore_mem>> -> memref<!tpu.dma_semaphore, #tpu.memory_space<semaphore_mem>>
    %dma_wait3A_827 = arith.constant 0 : i32
    %dma_wait3A_828 = tpu.memref_slice %arg4[%add3A_816, %dma_wait3A_827] : memref<819200x32xf32, #tpu.memory_space<hbm>> -> memref<1280x32xf32, #tpu.memory_space<hbm>>
    %dma_wait3A_829 = arith.constant 0 : i32
    %dma_wait3A_830 = arith.constant 0 : i32
    %dma_wait3A_831 = tpu.memref_slice %arg6[%dma_wait3A_817, %dma_wait3A_829, %dma_wait3A_830] : memref<2x1280x32xf32, #tpu.memory_space<vmem>> -> memref<1x1280x32xf32, #tpu.memory_space<vmem>>
    %dma_wait3A_832 = tpu.memref_squeeze %dma_wait3A_831 : memref<1x1280x32xf32, #tpu.memory_space<vmem>> -> memref<1280x32xf32, #tpu.memory_space<vmem>>
    tpu.wait_dma2 semaphore(%dma_wait3A_826 : memref<!tpu.dma_semaphore, #tpu.memory_space<semaphore_mem>>) src(%dma_wait3A_832 : memref<1280x32xf32, #tpu.memory_space<vmem>>) dst(%dma_wait3A_828 : memref<1280x32xf32, #tpu.memory_space<hbm>>)
    %dma_start3A_833 = arith.constant 0 : i32
    %dma_start3A_834 = arith.constant 0 : i32
    %dma_start3A_835 = arith.constant 0 : i32
    %dma_start3A_836 = arith.constant 0 : i32
    %dma_start3A_837 = tpu.memref_slice %arg6[%dma_start3A_833, %dma_start3A_835, %dma_start3A_836] : memref<2x1280x32xf32, #tpu.memory_space<vmem>> -> memref<1x1280x32xf32, #tpu.memory_space<vmem>>
    %dma_start3A_838 = tpu.memref_squeeze %dma_start3A_837 : memref<1x1280x32xf32, #tpu.memory_space<vmem>> -> memref<1280x32xf32, #tpu.memory_space<vmem>>
    %dma_start3A_839 = arith.constant 17920 : i32
    %dma_start3A_840 = tpu.memref_slice %arg5[%dma_start3A_839] : memref<25600xi32, #tpu.memory_space<vmem>> -> memref<1280xi32, #tpu.memory_space<vmem>>
    %dma_start3A_841 = arith.constant 0 : i32
    %dma_start3A_842 = arith.constant 0 : i32
    %dma_start3A_843 = tpu.memref_slice %arg3[%dma_start3A_841, %dma_start3A_842] : memref<1000000x32xf32, #tpu.memory_space<hbm>> -> memref<1000000x32xf32, #tpu.memory_space<hbm>>
    %dma_start3A_844 = tpu.memref_slice %arg7[%dma_start3A_834] : memref<2x!tpu.dma_semaphore, #tpu.memory_space<semaphore_mem>> -> memref<1x!tpu.dma_semaphore, #tpu.memory_space<semaphore_mem>>
    %dma_start3A_845 = tpu.memref_squeeze %dma_start3A_844 : memref<1x!tpu.dma_semaphore, #tpu.memory_space<semaphore_mem>> -> memref<!tpu.dma_semaphore, #tpu.memory_space<semaphore_mem>>
    tpu.enqueue_indirect_dma source(%dma_start3A_843 : memref<1000000x32xf32, #tpu.memory_space<hbm>>) target(%dma_start3A_838 : memref<1280x32xf32, #tpu.memory_space<vmem>>) offsets(%dma_start3A_840 : memref<1280xi32, #tpu.memory_space<vmem>>) semaphore(%dma_start3A_845 : memref<!tpu.dma_semaphore, #tpu.memory_space<semaphore_mem>>)
    %add3A_846 = arith.constant 16640 : i32
    %add3A_847 = arith.addi %mul3A_2, %add3A_846 : i32
    %dma_start3A_848 = arith.constant 1 : i32
    %dma_start3A_849 = arith.constant 1 : i32
    %dma_start3A_850 = arith.constant 0 : i32
    %dma_start3A_851 = arith.constant 0 : i32
    %dma_start3A_852 = tpu.memref_slice %arg6[%dma_start3A_848, %dma_start3A_850, %dma_start3A_851] : memref<2x1280x32xf32, #tpu.memory_space<vmem>> -> memref<1x1280x32xf32, #tpu.memory_space<vmem>>
    %dma_start3A_853 = tpu.memref_squeeze %dma_start3A_852 : memref<1x1280x32xf32, #tpu.memory_space<vmem>> -> memref<1280x32xf32, #tpu.memory_space<vmem>>
    %dma_start3A_854 = arith.constant 0 : i32
    %dma_start3A_855 = tpu.memref_slice %arg4[%add3A_847, %dma_start3A_854] : memref<819200x32xf32, #tpu.memory_space<hbm>> -> memref<1280x32xf32, #tpu.memory_space<hbm>>
    %dma_start3A_856 = tpu.memref_slice %arg8[%dma_start3A_849] : memref<2x!tpu.dma_semaphore, #tpu.memory_space<semaphore_mem>> -> memref<1x!tpu.dma_semaphore, #tpu.memory_space<semaphore_mem>>
    %dma_start3A_857 = tpu.memref_squeeze %dma_start3A_856 : memref<1x!tpu.dma_semaphore, #tpu.memory_space<semaphore_mem>> -> memref<!tpu.dma_semaphore, #tpu.memory_space<semaphore_mem>>
    %dma_start3A_858 = arith.constant 0 : i32
    %dma_start3A_859 = tpu.memref_slice %arg4[%add3A_847, %dma_start3A_858] : memref<819200x32xf32, #tpu.memory_space<hbm>> -> memref<1280x32xf32, #tpu.memory_space<hbm>>
    %dma_start3A_860 = arith.constant 0 : i32
    %dma_start3A_861 = arith.constant 0 : i32
    %dma_start3A_862 = tpu.memref_slice %arg6[%dma_start3A_848, %dma_start3A_860, %dma_start3A_861] : memref<2x1280x32xf32, #tpu.memory_space<vmem>> -> memref<1x1280x32xf32, #tpu.memory_space<vmem>>
    %dma_start3A_863 = tpu.memref_squeeze %dma_start3A_862 : memref<1x1280x32xf32, #tpu.memory_space<vmem>> -> memref<1280x32xf32, #tpu.memory_space<vmem>>
    tpu.enqueue_dma source(%dma_start3A_863 : memref<1280x32xf32, #tpu.memory_space<vmem>>) target(%dma_start3A_859 : memref<1280x32xf32, #tpu.memory_space<hbm>>) target_semaphore(%dma_start3A_857 : memref<!tpu.dma_semaphore, #tpu.memory_space<semaphore_mem>>)
    %dma_wait3A_864 = arith.constant 0 : i32
    %dma_wait3A_865 = arith.constant 0 : i32
    %dma_wait3A_866 = arith.constant 0 : i32
    %dma_wait3A_867 = arith.constant 0 : i32
    %dma_wait3A_868 = tpu.memref_slice %arg6[%dma_wait3A_864, %dma_wait3A_866, %dma_wait3A_867] : memref<2x1280x32xf32, #tpu.memory_space<vmem>> -> memref<1x1280x32xf32, #tpu.memory_space<vmem>>
    %dma_wait3A_869 = tpu.memref_squeeze %dma_wait3A_868 : memref<1x1280x32xf32, #tpu.memory_space<vmem>> -> memref<1280x32xf32, #tpu.memory_space<vmem>>
    %dma_wait3A_870 = arith.constant 17920 : i32
    %dma_wait3A_871 = tpu.memref_slice %arg5[%dma_wait3A_870] : memref<25600xi32, #tpu.memory_space<vmem>> -> memref<1280xi32, #tpu.memory_space<vmem>>
    %dma_wait3A_872 = arith.constant 0 : i32
    %dma_wait3A_873 = arith.constant 0 : i32
    %dma_wait3A_874 = tpu.memref_slice %arg3[%dma_wait3A_872, %dma_wait3A_873] : memref<1000000x32xf32, #tpu.memory_space<hbm>> -> memref<1000000x32xf32, #tpu.memory_space<hbm>>
    %dma_wait3A_875 = tpu.memref_slice %arg7[%dma_wait3A_865] : memref<2x!tpu.dma_semaphore, #tpu.memory_space<semaphore_mem>> -> memref<1x!tpu.dma_semaphore, #tpu.memory_space<semaphore_mem>>
    %dma_wait3A_876 = tpu.memref_squeeze %dma_wait3A_875 : memref<1x!tpu.dma_semaphore, #tpu.memory_space<semaphore_mem>> -> memref<!tpu.dma_semaphore, #tpu.memory_space<semaphore_mem>>
    tpu.wait_indirect_dma semaphore(%dma_wait3A_876 : memref<!tpu.dma_semaphore, #tpu.memory_space<semaphore_mem>>) src(%dma_wait3A_874 : memref<1000000x32xf32, #tpu.memory_space<hbm>>) dst(%dma_wait3A_869 : memref<1280x32xf32, #tpu.memory_space<vmem>>)
    %add3A_877 = arith.constant 16640 : i32
    %add3A_878 = arith.addi %mul3A_2, %add3A_877 : i32
    %dma_wait3A_879 = arith.constant 1 : i32
    %dma_wait3A_880 = arith.constant 1 : i32
    %dma_wait3A_881 = arith.constant 0 : i32
    %dma_wait3A_882 = arith.constant 0 : i32
    %dma_wait3A_883 = tpu.memref_slice %arg6[%dma_wait3A_879, %dma_wait3A_881, %dma_wait3A_882] : memref<2x1280x32xf32, #tpu.memory_space<vmem>> -> memref<1x1280x32xf32, #tpu.memory_space<vmem>>
    %dma_wait3A_884 = tpu.memref_squeeze %dma_wait3A_883 : memref<1x1280x32xf32, #tpu.memory_space<vmem>> -> memref<1280x32xf32, #tpu.memory_space<vmem>>
    %dma_wait3A_885 = arith.constant 0 : i32
    %dma_wait3A_886 = tpu.memref_slice %arg4[%add3A_878, %dma_wait3A_885] : memref<819200x32xf32, #tpu.memory_space<hbm>> -> memref<1280x32xf32, #tpu.memory_space<hbm>>
    %dma_wait3A_887 = tpu.memref_slice %arg8[%dma_wait3A_880] : memref<2x!tpu.dma_semaphore, #tpu.memory_space<semaphore_mem>> -> memref<1x!tpu.dma_semaphore, #tpu.memory_space<semaphore_mem>>
    %dma_wait3A_888 = tpu.memref_squeeze %dma_wait3A_887 : memref<1x!tpu.dma_semaphore, #tpu.memory_space<semaphore_mem>> -> memref<!tpu.dma_semaphore, #tpu.memory_space<semaphore_mem>>
    %dma_wait3A_889 = arith.constant 0 : i32
    %dma_wait3A_890 = tpu.memref_slice %arg4[%add3A_878, %dma_wait3A_889] : memref<819200x32xf32, #tpu.memory_space<hbm>> -> memref<1280x32xf32, #tpu.memory_space<hbm>>
    %dma_wait3A_891 = arith.constant 0 : i32
    %dma_wait3A_892 = arith.constant 0 : i32
    %dma_wait3A_893 = tpu.memref_slice %arg6[%dma_wait3A_879, %dma_wait3A_891, %dma_wait3A_892] : memref<2x1280x32xf32, #tpu.memory_space<vmem>> -> memref<1x1280x32xf32, #tpu.memory_space<vmem>>
    %dma_wait3A_894 = tpu.memref_squeeze %dma_wait3A_893 : memref<1x1280x32xf32, #tpu.memory_space<vmem>> -> memref<1280x32xf32, #tpu.memory_space<vmem>>
    tpu.wait_dma2 semaphore(%dma_wait3A_888 : memref<!tpu.dma_semaphore, #tpu.memory_space<semaphore_mem>>) src(%dma_wait3A_894 : memref<1280x32xf32, #tpu.memory_space<vmem>>) dst(%dma_wait3A_890 : memref<1280x32xf32, #tpu.memory_space<hbm>>)
    %dma_start3A_895 = arith.constant 1 : i32
    %dma_start3A_896 = arith.constant 1 : i32
    %dma_start3A_897 = arith.constant 0 : i32
    %dma_start3A_898 = arith.constant 0 : i32
    %dma_start3A_899 = tpu.memref_slice %arg6[%dma_start3A_895, %dma_start3A_897, %dma_start3A_898] : memref<2x1280x32xf32, #tpu.memory_space<vmem>> -> memref<1x1280x32xf32, #tpu.memory_space<vmem>>
    %dma_start3A_900 = tpu.memref_squeeze %dma_start3A_899 : memref<1x1280x32xf32, #tpu.memory_space<vmem>> -> memref<1280x32xf32, #tpu.memory_space<vmem>>
    %dma_start3A_901 = arith.constant 19200 : i32
    %dma_start3A_902 = tpu.memref_slice %arg5[%dma_start3A_901] : memref<25600xi32, #tpu.memory_space<vmem>> -> memref<1280xi32, #tpu.memory_space<vmem>>
    %dma_start3A_903 = arith.constant 0 : i32
    %dma_start3A_904 = arith.constant 0 : i32
    %dma_start3A_905 = tpu.memref_slice %arg3[%dma_start3A_903, %dma_start3A_904] : memref<1000000x32xf32, #tpu.memory_space<hbm>> -> memref<1000000x32xf32, #tpu.memory_space<hbm>>
    %dma_start3A_906 = tpu.memref_slice %arg7[%dma_start3A_896] : memref<2x!tpu.dma_semaphore, #tpu.memory_space<semaphore_mem>> -> memref<1x!tpu.dma_semaphore, #tpu.memory_space<semaphore_mem>>
    %dma_start3A_907 = tpu.memref_squeeze %dma_start3A_906 : memref<1x!tpu.dma_semaphore, #tpu.memory_space<semaphore_mem>> -> memref<!tpu.dma_semaphore, #tpu.memory_space<semaphore_mem>>
    tpu.enqueue_indirect_dma source(%dma_start3A_905 : memref<1000000x32xf32, #tpu.memory_space<hbm>>) target(%dma_start3A_900 : memref<1280x32xf32, #tpu.memory_space<vmem>>) offsets(%dma_start3A_902 : memref<1280xi32, #tpu.memory_space<vmem>>) semaphore(%dma_start3A_907 : memref<!tpu.dma_semaphore, #tpu.memory_space<semaphore_mem>>)
    %add3A_908 = arith.constant 17920 : i32
    %add3A_909 = arith.addi %mul3A_2, %add3A_908 : i32
    %dma_start3A_910 = arith.constant 0 : i32
    %dma_start3A_911 = arith.constant 0 : i32
    %dma_start3A_912 = arith.constant 0 : i32
    %dma_start3A_913 = arith.constant 0 : i32
    %dma_start3A_914 = tpu.memref_slice %arg6[%dma_start3A_910, %dma_start3A_912, %dma_start3A_913] : memref<2x1280x32xf32, #tpu.memory_space<vmem>> -> memref<1x1280x32xf32, #tpu.memory_space<vmem>>
    %dma_start3A_915 = tpu.memref_squeeze %dma_start3A_914 : memref<1x1280x32xf32, #tpu.memory_space<vmem>> -> memref<1280x32xf32, #tpu.memory_space<vmem>>
    %dma_start3A_916 = arith.constant 0 : i32
    %dma_start3A_917 = tpu.memref_slice %arg4[%add3A_909, %dma_start3A_916] : memref<819200x32xf32, #tpu.memory_space<hbm>> -> memref<1280x32xf32, #tpu.memory_space<hbm>>
    %dma_start3A_918 = tpu.memref_slice %arg8[%dma_start3A_911] : memref<2x!tpu.dma_semaphore, #tpu.memory_space<semaphore_mem>> -> memref<1x!tpu.dma_semaphore, #tpu.memory_space<semaphore_mem>>
    %dma_start3A_919 = tpu.memref_squeeze %dma_start3A_918 : memref<1x!tpu.dma_semaphore, #tpu.memory_space<semaphore_mem>> -> memref<!tpu.dma_semaphore, #tpu.memory_space<semaphore_mem>>
    %dma_start3A_920 = arith.constant 0 : i32
    %dma_start3A_921 = tpu.memref_slice %arg4[%add3A_909, %dma_start3A_920] : memref<819200x32xf32, #tpu.memory_space<hbm>> -> memref<1280x32xf32, #tpu.memory_space<hbm>>
    %dma_start3A_922 = arith.constant 0 : i32
    %dma_start3A_923 = arith.constant 0 : i32
    %dma_start3A_924 = tpu.memref_slice %arg6[%dma_start3A_910, %dma_start3A_922, %dma_start3A_923] : memref<2x1280x32xf32, #tpu.memory_space<vmem>> -> memref<1x1280x32xf32, #tpu.memory_space<vmem>>
    %dma_start3A_925 = tpu.memref_squeeze %dma_start3A_924 : memref<1x1280x32xf32, #tpu.memory_space<vmem>> -> memref<1280x32xf32, #tpu.memory_space<vmem>>
    tpu.enqueue_dma source(%dma_start3A_925 : memref<1280x32xf32, #tpu.memory_space<vmem>>) target(%dma_start3A_921 : memref<1280x32xf32, #tpu.memory_space<hbm>>) target_semaphore(%dma_start3A_919 : memref<!tpu.dma_semaphore, #tpu.memory_space<semaphore_mem>>)
    %dma_wait3A_926 = arith.constant 1 : i32
    %dma_wait3A_927 = arith.constant 1 : i32
    %dma_wait3A_928 = arith.constant 0 : i32
    %dma_wait3A_929 = arith.constant 0 : i32
    %dma_wait3A_930 = tpu.memref_slice %arg6[%dma_wait3A_926, %dma_wait3A_928, %dma_wait3A_929] : memref<2x1280x32xf32, #tpu.memory_space<vmem>> -> memref<1x1280x32xf32, #tpu.memory_space<vmem>>
    %dma_wait3A_931 = tpu.memref_squeeze %dma_wait3A_930 : memref<1x1280x32xf32, #tpu.memory_space<vmem>> -> memref<1280x32xf32, #tpu.memory_space<vmem>>
    %dma_wait3A_932 = arith.constant 19200 : i32
    %dma_wait3A_933 = tpu.memref_slice %arg5[%dma_wait3A_932] : memref<25600xi32, #tpu.memory_space<vmem>> -> memref<1280xi32, #tpu.memory_space<vmem>>
    %dma_wait3A_934 = arith.constant 0 : i32
    %dma_wait3A_935 = arith.constant 0 : i32
    %dma_wait3A_936 = tpu.memref_slice %arg3[%dma_wait3A_934, %dma_wait3A_935] : memref<1000000x32xf32, #tpu.memory_space<hbm>> -> memref<1000000x32xf32, #tpu.memory_space<hbm>>
    %dma_wait3A_937 = tpu.memref_slice %arg7[%dma_wait3A_927] : memref<2x!tpu.dma_semaphore, #tpu.memory_space<semaphore_mem>> -> memref<1x!tpu.dma_semaphore, #tpu.memory_space<semaphore_mem>>
    %dma_wait3A_938 = tpu.memref_squeeze %dma_wait3A_937 : memref<1x!tpu.dma_semaphore, #tpu.memory_space<semaphore_mem>> -> memref<!tpu.dma_semaphore, #tpu.memory_space<semaphore_mem>>
    tpu.wait_indirect_dma semaphore(%dma_wait3A_938 : memref<!tpu.dma_semaphore, #tpu.memory_space<semaphore_mem>>) src(%dma_wait3A_936 : memref<1000000x32xf32, #tpu.memory_space<hbm>>) dst(%dma_wait3A_931 : memref<1280x32xf32, #tpu.memory_space<vmem>>)
    %add3A_939 = arith.constant 17920 : i32
    %add3A_940 = arith.addi %mul3A_2, %add3A_939 : i32
    %dma_wait3A_941 = arith.constant 0 : i32
    %dma_wait3A_942 = arith.constant 0 : i32
    %dma_wait3A_943 = arith.constant 0 : i32
    %dma_wait3A_944 = arith.constant 0 : i32
    %dma_wait3A_945 = tpu.memref_slice %arg6[%dma_wait3A_941, %dma_wait3A_943, %dma_wait3A_944] : memref<2x1280x32xf32, #tpu.memory_space<vmem>> -> memref<1x1280x32xf32, #tpu.memory_space<vmem>>
    %dma_wait3A_946 = tpu.memref_squeeze %dma_wait3A_945 : memref<1x1280x32xf32, #tpu.memory_space<vmem>> -> memref<1280x32xf32, #tpu.memory_space<vmem>>
    %dma_wait3A_947 = arith.constant 0 : i32
    %dma_wait3A_948 = tpu.memref_slice %arg4[%add3A_940, %dma_wait3A_947] : memref<819200x32xf32, #tpu.memory_space<hbm>> -> memref<1280x32xf32, #tpu.memory_space<hbm>>
    %dma_wait3A_949 = tpu.memref_slice %arg8[%dma_wait3A_942] : memref<2x!tpu.dma_semaphore, #tpu.memory_space<semaphore_mem>> -> memref<1x!tpu.dma_semaphore, #tpu.memory_space<semaphore_mem>>
    %dma_wait3A_950 = tpu.memref_squeeze %dma_wait3A_949 : memref<1x!tpu.dma_semaphore, #tpu.memory_space<semaphore_mem>> -> memref<!tpu.dma_semaphore, #tpu.memory_space<semaphore_mem>>
    %dma_wait3A_951 = arith.constant 0 : i32
    %dma_wait3A_952 = tpu.memref_slice %arg4[%add3A_940, %dma_wait3A_951] : memref<819200x32xf32, #tpu.memory_space<hbm>> -> memref<1280x32xf32, #tpu.memory_space<hbm>>
    %dma_wait3A_953 = arith.constant 0 : i32
    %dma_wait3A_954 = arith.constant 0 : i32
    %dma_wait3A_955 = tpu.memref_slice %arg6[%dma_wait3A_941, %dma_wait3A_953, %dma_wait3A_954] : memref<2x1280x32xf32, #tpu.memory_space<vmem>> -> memref<1x1280x32xf32, #tpu.memory_space<vmem>>
    %dma_wait3A_956 = tpu.memref_squeeze %dma_wait3A_955 : memref<1x1280x32xf32, #tpu.memory_space<vmem>> -> memref<1280x32xf32, #tpu.memory_space<vmem>>
    tpu.wait_dma2 semaphore(%dma_wait3A_950 : memref<!tpu.dma_semaphore, #tpu.memory_space<semaphore_mem>>) src(%dma_wait3A_956 : memref<1280x32xf32, #tpu.memory_space<vmem>>) dst(%dma_wait3A_952 : memref<1280x32xf32, #tpu.memory_space<hbm>>)
    %dma_start3A_957 = arith.constant 0 : i32
    %dma_start3A_958 = arith.constant 0 : i32
    %dma_start3A_959 = arith.constant 0 : i32
    %dma_start3A_960 = arith.constant 0 : i32
    %dma_start3A_961 = tpu.memref_slice %arg6[%dma_start3A_957, %dma_start3A_959, %dma_start3A_960] : memref<2x1280x32xf32, #tpu.memory_space<vmem>> -> memref<1x1280x32xf32, #tpu.memory_space<vmem>>
    %dma_start3A_962 = tpu.memref_squeeze %dma_start3A_961 : memref<1x1280x32xf32, #tpu.memory_space<vmem>> -> memref<1280x32xf32, #tpu.memory_space<vmem>>
    %dma_start3A_963 = arith.constant 20480 : i32
    %dma_start3A_964 = tpu.memref_slice %arg5[%dma_start3A_963] : memref<25600xi32, #tpu.memory_space<vmem>> -> memref<1280xi32, #tpu.memory_space<vmem>>
    %dma_start3A_965 = arith.constant 0 : i32
    %dma_start3A_966 = arith.constant 0 : i32
    %dma_start3A_967 = tpu.memref_slice %arg3[%dma_start3A_965, %dma_start3A_966] : memref<1000000x32xf32, #tpu.memory_space<hbm>> -> memref<1000000x32xf32, #tpu.memory_space<hbm>>
    %dma_start3A_968 = tpu.memref_slice %arg7[%dma_start3A_958] : memref<2x!tpu.dma_semaphore, #tpu.memory_space<semaphore_mem>> -> memref<1x!tpu.dma_semaphore, #tpu.memory_space<semaphore_mem>>
    %dma_start3A_969 = tpu.memref_squeeze %dma_start3A_968 : memref<1x!tpu.dma_semaphore, #tpu.memory_space<semaphore_mem>> -> memref<!tpu.dma_semaphore, #tpu.memory_space<semaphore_mem>>
    tpu.enqueue_indirect_dma source(%dma_start3A_967 : memref<1000000x32xf32, #tpu.memory_space<hbm>>) target(%dma_start3A_962 : memref<1280x32xf32, #tpu.memory_space<vmem>>) offsets(%dma_start3A_964 : memref<1280xi32, #tpu.memory_space<vmem>>) semaphore(%dma_start3A_969 : memref<!tpu.dma_semaphore, #tpu.memory_space<semaphore_mem>>)
    %add3A_970 = arith.constant 19200 : i32
    %add3A_971 = arith.addi %mul3A_2, %add3A_970 : i32
    %dma_start3A_972 = arith.constant 1 : i32
    %dma_start3A_973 = arith.constant 1 : i32
    %dma_start3A_974 = arith.constant 0 : i32
    %dma_start3A_975 = arith.constant 0 : i32
    %dma_start3A_976 = tpu.memref_slice %arg6[%dma_start3A_972, %dma_start3A_974, %dma_start3A_975] : memref<2x1280x32xf32, #tpu.memory_space<vmem>> -> memref<1x1280x32xf32, #tpu.memory_space<vmem>>
    %dma_start3A_977 = tpu.memref_squeeze %dma_start3A_976 : memref<1x1280x32xf32, #tpu.memory_space<vmem>> -> memref<1280x32xf32, #tpu.memory_space<vmem>>
    %dma_start3A_978 = arith.constant 0 : i32
    %dma_start3A_979 = tpu.memref_slice %arg4[%add3A_971, %dma_start3A_978] : memref<819200x32xf32, #tpu.memory_space<hbm>> -> memref<1280x32xf32, #tpu.memory_space<hbm>>
    %dma_start3A_980 = tpu.memref_slice %arg8[%dma_start3A_973] : memref<2x!tpu.dma_semaphore, #tpu.memory_space<semaphore_mem>> -> memref<1x!tpu.dma_semaphore, #tpu.memory_space<semaphore_mem>>
    %dma_start3A_981 = tpu.memref_squeeze %dma_start3A_980 : memref<1x!tpu.dma_semaphore, #tpu.memory_space<semaphore_mem>> -> memref<!tpu.dma_semaphore, #tpu.memory_space<semaphore_mem>>
    %dma_start3A_982 = arith.constant 0 : i32
    %dma_start3A_983 = tpu.memref_slice %arg4[%add3A_971, %dma_start3A_982] : memref<819200x32xf32, #tpu.memory_space<hbm>> -> memref<1280x32xf32, #tpu.memory_space<hbm>>
    %dma_start3A_984 = arith.constant 0 : i32
    %dma_start3A_985 = arith.constant 0 : i32
    %dma_start3A_986 = tpu.memref_slice %arg6[%dma_start3A_972, %dma_start3A_984, %dma_start3A_985] : memref<2x1280x32xf32, #tpu.memory_space<vmem>> -> memref<1x1280x32xf32, #tpu.memory_space<vmem>>
    %dma_start3A_987 = tpu.memref_squeeze %dma_start3A_986 : memref<1x1280x32xf32, #tpu.memory_space<vmem>> -> memref<1280x32xf32, #tpu.memory_space<vmem>>
    tpu.enqueue_dma source(%dma_start3A_987 : memref<1280x32xf32, #tpu.memory_space<vmem>>) target(%dma_start3A_983 : memref<1280x32xf32, #tpu.memory_space<hbm>>) target_semaphore(%dma_start3A_981 : memref<!tpu.dma_semaphore, #tpu.memory_space<semaphore_mem>>)
    %dma_wait3A_988 = arith.constant 0 : i32
    %dma_wait3A_989 = arith.constant 0 : i32
    %dma_wait3A_990 = arith.constant 0 : i32
    %dma_wait3A_991 = arith.constant 0 : i32
    %dma_wait3A_992 = tpu.memref_slice %arg6[%dma_wait3A_988, %dma_wait3A_990, %dma_wait3A_991] : memref<2x1280x32xf32, #tpu.memory_space<vmem>> -> memref<1x1280x32xf32, #tpu.memory_space<vmem>>
    %dma_wait3A_993 = tpu.memref_squeeze %dma_wait3A_992 : memref<1x1280x32xf32, #tpu.memory_space<vmem>> -> memref<1280x32xf32, #tpu.memory_space<vmem>>
    %dma_wait3A_994 = arith.constant 20480 : i32
    %dma_wait3A_995 = tpu.memref_slice %arg5[%dma_wait3A_994] : memref<25600xi32, #tpu.memory_space<vmem>> -> memref<1280xi32, #tpu.memory_space<vmem>>
    %dma_wait3A_996 = arith.constant 0 : i32
    %dma_wait3A_997 = arith.constant 0 : i32
    %dma_wait3A_998 = tpu.memref_slice %arg3[%dma_wait3A_996, %dma_wait3A_997] : memref<1000000x32xf32, #tpu.memory_space<hbm>> -> memref<1000000x32xf32, #tpu.memory_space<hbm>>
    %dma_wait3A_999 = tpu.memref_slice %arg7[%dma_wait3A_989] : memref<2x!tpu.dma_semaphore, #tpu.memory_space<semaphore_mem>> -> memref<1x!tpu.dma_semaphore, #tpu.memory_space<semaphore_mem>>
    %dma_wait3A_1000 = tpu.memref_squeeze %dma_wait3A_999 : memref<1x!tpu.dma_semaphore, #tpu.memory_space<semaphore_mem>> -> memref<!tpu.dma_semaphore, #tpu.memory_space<semaphore_mem>>
    tpu.wait_indirect_dma semaphore(%dma_wait3A_1000 : memref<!tpu.dma_semaphore, #tpu.memory_space<semaphore_mem>>) src(%dma_wait3A_998 : memref<1000000x32xf32, #tpu.memory_space<hbm>>) dst(%dma_wait3A_993 : memref<1280x32xf32, #tpu.memory_space<vmem>>)
    %add3A_1001 = arith.constant 19200 : i32
    %add3A_1002 = arith.addi %mul3A_2, %add3A_1001 : i32
    %dma_wait3A_1003 = arith.constant 1 : i32
    %dma_wait3A_1004 = arith.constant 1 : i32
    %dma_wait3A_1005 = arith.constant 0 : i32
    %dma_wait3A_1006 = arith.constant 0 : i32
    %dma_wait3A_1007 = tpu.memref_slice %arg6[%dma_wait3A_1003, %dma_wait3A_1005, %dma_wait3A_1006] : memref<2x1280x32xf32, #tpu.memory_space<vmem>> -> memref<1x1280x32xf32, #tpu.memory_space<vmem>>
    %dma_wait3A_1008 = tpu.memref_squeeze %dma_wait3A_1007 : memref<1x1280x32xf32, #tpu.memory_space<vmem>> -> memref<1280x32xf32, #tpu.memory_space<vmem>>
    %dma_wait3A_1009 = arith.constant 0 : i32
    %dma_wait3A_1010 = tpu.memref_slice %arg4[%add3A_1002, %dma_wait3A_1009] : memref<819200x32xf32, #tpu.memory_space<hbm>> -> memref<1280x32xf32, #tpu.memory_space<hbm>>
    %dma_wait3A_1011 = tpu.memref_slice %arg8[%dma_wait3A_1004] : memref<2x!tpu.dma_semaphore, #tpu.memory_space<semaphore_mem>> -> memref<1x!tpu.dma_semaphore, #tpu.memory_space<semaphore_mem>>
    %dma_wait3A_1012 = tpu.memref_squeeze %dma_wait3A_1011 : memref<1x!tpu.dma_semaphore, #tpu.memory_space<semaphore_mem>> -> memref<!tpu.dma_semaphore, #tpu.memory_space<semaphore_mem>>
    %dma_wait3A_1013 = arith.constant 0 : i32
    %dma_wait3A_1014 = tpu.memref_slice %arg4[%add3A_1002, %dma_wait3A_1013] : memref<819200x32xf32, #tpu.memory_space<hbm>> -> memref<1280x32xf32, #tpu.memory_space<hbm>>
    %dma_wait3A_1015 = arith.constant 0 : i32
    %dma_wait3A_1016 = arith.constant 0 : i32
    %dma_wait3A_1017 = tpu.memref_slice %arg6[%dma_wait3A_1003, %dma_wait3A_1015, %dma_wait3A_1016] : memref<2x1280x32xf32, #tpu.memory_space<vmem>> -> memref<1x1280x32xf32, #tpu.memory_space<vmem>>
    %dma_wait3A_1018 = tpu.memref_squeeze %dma_wait3A_1017 : memref<1x1280x32xf32, #tpu.memory_space<vmem>> -> memref<1280x32xf32, #tpu.memory_space<vmem>>
    tpu.wait_dma2 semaphore(%dma_wait3A_1012 : memref<!tpu.dma_semaphore, #tpu.memory_space<semaphore_mem>>) src(%dma_wait3A_1018 : memref<1280x32xf32, #tpu.memory_space<vmem>>) dst(%dma_wait3A_1014 : memref<1280x32xf32, #tpu.memory_space<hbm>>)
    %dma_start3A_1019 = arith.constant 1 : i32
    %dma_start3A_1020 = arith.constant 1 : i32
    %dma_start3A_1021 = arith.constant 0 : i32
    %dma_start3A_1022 = arith.constant 0 : i32
    %dma_start3A_1023 = tpu.memref_slice %arg6[%dma_start3A_1019, %dma_start3A_1021, %dma_start3A_1022] : memref<2x1280x32xf32, #tpu.memory_space<vmem>> -> memref<1x1280x32xf32, #tpu.memory_space<vmem>>
    %dma_start3A_1024 = tpu.memref_squeeze %dma_start3A_1023 : memref<1x1280x32xf32, #tpu.memory_space<vmem>> -> memref<1280x32xf32, #tpu.memory_space<vmem>>
    %dma_start3A_1025 = arith.constant 21760 : i32
    %dma_start3A_1026 = tpu.memref_slice %arg5[%dma_start3A_1025] : memref<25600xi32, #tpu.memory_space<vmem>> -> memref<1280xi32, #tpu.memory_space<vmem>>
    %dma_start3A_1027 = arith.constant 0 : i32
    %dma_start3A_1028 = arith.constant 0 : i32
    %dma_start3A_1029 = tpu.memref_slice %arg3[%dma_start3A_1027, %dma_start3A_1028] : memref<1000000x32xf32, #tpu.memory_space<hbm>> -> memref<1000000x32xf32, #tpu.memory_space<hbm>>
    %dma_start3A_1030 = tpu.memref_slice %arg7[%dma_start3A_1020] : memref<2x!tpu.dma_semaphore, #tpu.memory_space<semaphore_mem>> -> memref<1x!tpu.dma_semaphore, #tpu.memory_space<semaphore_mem>>
    %dma_start3A_1031 = tpu.memref_squeeze %dma_start3A_1030 : memref<1x!tpu.dma_semaphore, #tpu.memory_space<semaphore_mem>> -> memref<!tpu.dma_semaphore, #tpu.memory_space<semaphore_mem>>
    tpu.enqueue_indirect_dma source(%dma_start3A_1029 : memref<1000000x32xf32, #tpu.memory_space<hbm>>) target(%dma_start3A_1024 : memref<1280x32xf32, #tpu.memory_space<vmem>>) offsets(%dma_start3A_1026 : memref<1280xi32, #tpu.memory_space<vmem>>) semaphore(%dma_start3A_1031 : memref<!tpu.dma_semaphore, #tpu.memory_space<semaphore_mem>>)
    %add3A_1032 = arith.constant 20480 : i32
    %add3A_1033 = arith.addi %mul3A_2, %add3A_1032 : i32
    %dma_start3A_1034 = arith.constant 0 : i32
    %dma_start3A_1035 = arith.constant 0 : i32
    %dma_start3A_1036 = arith.constant 0 : i32
    %dma_start3A_1037 = arith.constant 0 : i32
    %dma_start3A_1038 = tpu.memref_slice %arg6[%dma_start3A_1034, %dma_start3A_1036, %dma_start3A_1037] : memref<2x1280x32xf32, #tpu.memory_space<vmem>> -> memref<1x1280x32xf32, #tpu.memory_space<vmem>>
    %dma_start3A_1039 = tpu.memref_squeeze %dma_start3A_1038 : memref<1x1280x32xf32, #tpu.memory_space<vmem>> -> memref<1280x32xf32, #tpu.memory_space<vmem>>
    %dma_start3A_1040 = arith.constant 0 : i32
    %dma_start3A_1041 = tpu.memref_slice %arg4[%add3A_1033, %dma_start3A_1040] : memref<819200x32xf32, #tpu.memory_space<hbm>> -> memref<1280x32xf32, #tpu.memory_space<hbm>>
    %dma_start3A_1042 = tpu.memref_slice %arg8[%dma_start3A_1035] : memref<2x!tpu.dma_semaphore, #tpu.memory_space<semaphore_mem>> -> memref<1x!tpu.dma_semaphore, #tpu.memory_space<semaphore_mem>>
    %dma_start3A_1043 = tpu.memref_squeeze %dma_start3A_1042 : memref<1x!tpu.dma_semaphore, #tpu.memory_space<semaphore_mem>> -> memref<!tpu.dma_semaphore, #tpu.memory_space<semaphore_mem>>
    %dma_start3A_1044 = arith.constant 0 : i32
    %dma_start3A_1045 = tpu.memref_slice %arg4[%add3A_1033, %dma_start3A_1044] : memref<819200x32xf32, #tpu.memory_space<hbm>> -> memref<1280x32xf32, #tpu.memory_space<hbm>>
    %dma_start3A_1046 = arith.constant 0 : i32
    %dma_start3A_1047 = arith.constant 0 : i32
    %dma_start3A_1048 = tpu.memref_slice %arg6[%dma_start3A_1034, %dma_start3A_1046, %dma_start3A_1047] : memref<2x1280x32xf32, #tpu.memory_space<vmem>> -> memref<1x1280x32xf32, #tpu.memory_space<vmem>>
    %dma_start3A_1049 = tpu.memref_squeeze %dma_start3A_1048 : memref<1x1280x32xf32, #tpu.memory_space<vmem>> -> memref<1280x32xf32, #tpu.memory_space<vmem>>
    tpu.enqueue_dma source(%dma_start3A_1049 : memref<1280x32xf32, #tpu.memory_space<vmem>>) target(%dma_start3A_1045 : memref<1280x32xf32, #tpu.memory_space<hbm>>) target_semaphore(%dma_start3A_1043 : memref<!tpu.dma_semaphore, #tpu.memory_space<semaphore_mem>>)
    %dma_wait3A_1050 = arith.constant 1 : i32
    %dma_wait3A_1051 = arith.constant 1 : i32
    %dma_wait3A_1052 = arith.constant 0 : i32
    %dma_wait3A_1053 = arith.constant 0 : i32
    %dma_wait3A_1054 = tpu.memref_slice %arg6[%dma_wait3A_1050, %dma_wait3A_1052, %dma_wait3A_1053] : memref<2x1280x32xf32, #tpu.memory_space<vmem>> -> memref<1x1280x32xf32, #tpu.memory_space<vmem>>
    %dma_wait3A_1055 = tpu.memref_squeeze %dma_wait3A_1054 : memref<1x1280x32xf32, #tpu.memory_space<vmem>> -> memref<1280x32xf32, #tpu.memory_space<vmem>>
    %dma_wait3A_1056 = arith.constant 21760 : i32
    %dma_wait3A_1057 = tpu.memref_slice %arg5[%dma_wait3A_1056] : memref<25600xi32, #tpu.memory_space<vmem>> -> memref<1280xi32, #tpu.memory_space<vmem>>
    %dma_wait3A_1058 = arith.constant 0 : i32
    %dma_wait3A_1059 = arith.constant 0 : i32
    %dma_wait3A_1060 = tpu.memref_slice %arg3[%dma_wait3A_1058, %dma_wait3A_1059] : memref<1000000x32xf32, #tpu.memory_space<hbm>> -> memref<1000000x32xf32, #tpu.memory_space<hbm>>
    %dma_wait3A_1061 = tpu.memref_slice %arg7[%dma_wait3A_1051] : memref<2x!tpu.dma_semaphore, #tpu.memory_space<semaphore_mem>> -> memref<1x!tpu.dma_semaphore, #tpu.memory_space<semaphore_mem>>
    %dma_wait3A_1062 = tpu.memref_squeeze %dma_wait3A_1061 : memref<1x!tpu.dma_semaphore, #tpu.memory_space<semaphore_mem>> -> memref<!tpu.dma_semaphore, #tpu.memory_space<semaphore_mem>>
    tpu.wait_indirect_dma semaphore(%dma_wait3A_1062 : memref<!tpu.dma_semaphore, #tpu.memory_space<semaphore_mem>>) src(%dma_wait3A_1060 : memref<1000000x32xf32, #tpu.memory_space<hbm>>) dst(%dma_wait3A_1055 : memref<1280x32xf32, #tpu.memory_space<vmem>>)
    %add3A_1063 = arith.constant 20480 : i32
    %add3A_1064 = arith.addi %mul3A_2, %add3A_1063 : i32
    %dma_wait3A_1065 = arith.constant 0 : i32
    %dma_wait3A_1066 = arith.constant 0 : i32
    %dma_wait3A_1067 = arith.constant 0 : i32
    %dma_wait3A_1068 = arith.constant 0 : i32
    %dma_wait3A_1069 = tpu.memref_slice %arg6[%dma_wait3A_1065, %dma_wait3A_1067, %dma_wait3A_1068] : memref<2x1280x32xf32, #tpu.memory_space<vmem>> -> memref<1x1280x32xf32, #tpu.memory_space<vmem>>
    %dma_wait3A_1070 = tpu.memref_squeeze %dma_wait3A_1069 : memref<1x1280x32xf32, #tpu.memory_space<vmem>> -> memref<1280x32xf32, #tpu.memory_space<vmem>>
    %dma_wait3A_1071 = arith.constant 0 : i32
    %dma_wait3A_1072 = tpu.memref_slice %arg4[%add3A_1064, %dma_wait3A_1071] : memref<819200x32xf32, #tpu.memory_space<hbm>> -> memref<1280x32xf32, #tpu.memory_space<hbm>>
    %dma_wait3A_1073 = tpu.memref_slice %arg8[%dma_wait3A_1066] : memref<2x!tpu.dma_semaphore, #tpu.memory_space<semaphore_mem>> -> memref<1x!tpu.dma_semaphore, #tpu.memory_space<semaphore_mem>>
    %dma_wait3A_1074 = tpu.memref_squeeze %dma_wait3A_1073 : memref<1x!tpu.dma_semaphore, #tpu.memory_space<semaphore_mem>> -> memref<!tpu.dma_semaphore, #tpu.memory_space<semaphore_mem>>
    %dma_wait3A_1075 = arith.constant 0 : i32
    %dma_wait3A_1076 = tpu.memref_slice %arg4[%add3A_1064, %dma_wait3A_1075] : memref<819200x32xf32, #tpu.memory_space<hbm>> -> memref<1280x32xf32, #tpu.memory_space<hbm>>
    %dma_wait3A_1077 = arith.constant 0 : i32
    %dma_wait3A_1078 = arith.constant 0 : i32
    %dma_wait3A_1079 = tpu.memref_slice %arg6[%dma_wait3A_1065, %dma_wait3A_1077, %dma_wait3A_1078] : memref<2x1280x32xf32, #tpu.memory_space<vmem>> -> memref<1x1280x32xf32, #tpu.memory_space<vmem>>
    %dma_wait3A_1080 = tpu.memref_squeeze %dma_wait3A_1079 : memref<1x1280x32xf32, #tpu.memory_space<vmem>> -> memref<1280x32xf32, #tpu.memory_space<vmem>>
    tpu.wait_dma2 semaphore(%dma_wait3A_1074 : memref<!tpu.dma_semaphore, #tpu.memory_space<semaphore_mem>>) src(%dma_wait3A_1080 : memref<1280x32xf32, #tpu.memory_space<vmem>>) dst(%dma_wait3A_1076 : memref<1280x32xf32, #tpu.memory_space<hbm>>)
    %dma_start3A_1081 = arith.constant 0 : i32
    %dma_start3A_1082 = arith.constant 0 : i32
    %dma_start3A_1083 = arith.constant 0 : i32
    %dma_start3A_1084 = arith.constant 0 : i32
    %dma_start3A_1085 = tpu.memref_slice %arg6[%dma_start3A_1081, %dma_start3A_1083, %dma_start3A_1084] : memref<2x1280x32xf32, #tpu.memory_space<vmem>> -> memref<1x1280x32xf32, #tpu.memory_space<vmem>>
    %dma_start3A_1086 = tpu.memref_squeeze %dma_start3A_1085 : memref<1x1280x32xf32, #tpu.memory_space<vmem>> -> memref<1280x32xf32, #tpu.memory_space<vmem>>
    %dma_start3A_1087 = arith.constant 23040 : i32
    %dma_start3A_1088 = tpu.memref_slice %arg5[%dma_start3A_1087] : memref<25600xi32, #tpu.memory_space<vmem>> -> memref<1280xi32, #tpu.memory_space<vmem>>
    %dma_start3A_1089 = arith.constant 0 : i32
    %dma_start3A_1090 = arith.constant 0 : i32
    %dma_start3A_1091 = tpu.memref_slice %arg3[%dma_start3A_1089, %dma_start3A_1090] : memref<1000000x32xf32, #tpu.memory_space<hbm>> -> memref<1000000x32xf32, #tpu.memory_space<hbm>>
    %dma_start3A_1092 = tpu.memref_slice %arg7[%dma_start3A_1082] : memref<2x!tpu.dma_semaphore, #tpu.memory_space<semaphore_mem>> -> memref<1x!tpu.dma_semaphore, #tpu.memory_space<semaphore_mem>>
    %dma_start3A_1093 = tpu.memref_squeeze %dma_start3A_1092 : memref<1x!tpu.dma_semaphore, #tpu.memory_space<semaphore_mem>> -> memref<!tpu.dma_semaphore, #tpu.memory_space<semaphore_mem>>
    tpu.enqueue_indirect_dma source(%dma_start3A_1091 : memref<1000000x32xf32, #tpu.memory_space<hbm>>) target(%dma_start3A_1086 : memref<1280x32xf32, #tpu.memory_space<vmem>>) offsets(%dma_start3A_1088 : memref<1280xi32, #tpu.memory_space<vmem>>) semaphore(%dma_start3A_1093 : memref<!tpu.dma_semaphore, #tpu.memory_space<semaphore_mem>>)
    %add3A_1094 = arith.constant 21760 : i32
    %add3A_1095 = arith.addi %mul3A_2, %add3A_1094 : i32
    %dma_start3A_1096 = arith.constant 1 : i32
    %dma_start3A_1097 = arith.constant 1 : i32
    %dma_start3A_1098 = arith.constant 0 : i32
    %dma_start3A_1099 = arith.constant 0 : i32
    %dma_start3A_1100 = tpu.memref_slice %arg6[%dma_start3A_1096, %dma_start3A_1098, %dma_start3A_1099] : memref<2x1280x32xf32, #tpu.memory_space<vmem>> -> memref<1x1280x32xf32, #tpu.memory_space<vmem>>
    %dma_start3A_1101 = tpu.memref_squeeze %dma_start3A_1100 : memref<1x1280x32xf32, #tpu.memory_space<vmem>> -> memref<1280x32xf32, #tpu.memory_space<vmem>>
    %dma_start3A_1102 = arith.constant 0 : i32
    %dma_start3A_1103 = tpu.memref_slice %arg4[%add3A_1095, %dma_start3A_1102] : memref<819200x32xf32, #tpu.memory_space<hbm>> -> memref<1280x32xf32, #tpu.memory_space<hbm>>
    %dma_start3A_1104 = tpu.memref_slice %arg8[%dma_start3A_1097] : memref<2x!tpu.dma_semaphore, #tpu.memory_space<semaphore_mem>> -> memref<1x!tpu.dma_semaphore, #tpu.memory_space<semaphore_mem>>
    %dma_start3A_1105 = tpu.memref_squeeze %dma_start3A_1104 : memref<1x!tpu.dma_semaphore, #tpu.memory_space<semaphore_mem>> -> memref<!tpu.dma_semaphore, #tpu.memory_space<semaphore_mem>>
    %dma_start3A_1106 = arith.constant 0 : i32
    %dma_start3A_1107 = tpu.memref_slice %arg4[%add3A_1095, %dma_start3A_1106] : memref<819200x32xf32, #tpu.memory_space<hbm>> -> memref<1280x32xf32, #tpu.memory_space<hbm>>
    %dma_start3A_1108 = arith.constant 0 : i32
    %dma_start3A_1109 = arith.constant 0 : i32
    %dma_start3A_1110 = tpu.memref_slice %arg6[%dma_start3A_1096, %dma_start3A_1108, %dma_start3A_1109] : memref<2x1280x32xf32, #tpu.memory_space<vmem>> -> memref<1x1280x32xf32, #tpu.memory_space<vmem>>
    %dma_start3A_1111 = tpu.memref_squeeze %dma_start3A_1110 : memref<1x1280x32xf32, #tpu.memory_space<vmem>> -> memref<1280x32xf32, #tpu.memory_space<vmem>>
    tpu.enqueue_dma source(%dma_start3A_1111 : memref<1280x32xf32, #tpu.memory_space<vmem>>) target(%dma_start3A_1107 : memref<1280x32xf32, #tpu.memory_space<hbm>>) target_semaphore(%dma_start3A_1105 : memref<!tpu.dma_semaphore, #tpu.memory_space<semaphore_mem>>)
    %dma_wait3A_1112 = arith.constant 0 : i32
    %dma_wait3A_1113 = arith.constant 0 : i32
    %dma_wait3A_1114 = arith.constant 0 : i32
    %dma_wait3A_1115 = arith.constant 0 : i32
    %dma_wait3A_1116 = tpu.memref_slice %arg6[%dma_wait3A_1112, %dma_wait3A_1114, %dma_wait3A_1115] : memref<2x1280x32xf32, #tpu.memory_space<vmem>> -> memref<1x1280x32xf32, #tpu.memory_space<vmem>>
    %dma_wait3A_1117 = tpu.memref_squeeze %dma_wait3A_1116 : memref<1x1280x32xf32, #tpu.memory_space<vmem>> -> memref<1280x32xf32, #tpu.memory_space<vmem>>
    %dma_wait3A_1118 = arith.constant 23040 : i32
    %dma_wait3A_1119 = tpu.memref_slice %arg5[%dma_wait3A_1118] : memref<25600xi32, #tpu.memory_space<vmem>> -> memref<1280xi32, #tpu.memory_space<vmem>>
    %dma_wait3A_1120 = arith.constant 0 : i32
    %dma_wait3A_1121 = arith.constant 0 : i32
    %dma_wait3A_1122 = tpu.memref_slice %arg3[%dma_wait3A_1120, %dma_wait3A_1121] : memref<1000000x32xf32, #tpu.memory_space<hbm>> -> memref<1000000x32xf32, #tpu.memory_space<hbm>>
    %dma_wait3A_1123 = tpu.memref_slice %arg7[%dma_wait3A_1113] : memref<2x!tpu.dma_semaphore, #tpu.memory_space<semaphore_mem>> -> memref<1x!tpu.dma_semaphore, #tpu.memory_space<semaphore_mem>>
    %dma_wait3A_1124 = tpu.memref_squeeze %dma_wait3A_1123 : memref<1x!tpu.dma_semaphore, #tpu.memory_space<semaphore_mem>> -> memref<!tpu.dma_semaphore, #tpu.memory_space<semaphore_mem>>
    tpu.wait_indirect_dma semaphore(%dma_wait3A_1124 : memref<!tpu.dma_semaphore, #tpu.memory_space<semaphore_mem>>) src(%dma_wait3A_1122 : memref<1000000x32xf32, #tpu.memory_space<hbm>>) dst(%dma_wait3A_1117 : memref<1280x32xf32, #tpu.memory_space<vmem>>)
    %add3A_1125 = arith.constant 21760 : i32
    %add3A_1126 = arith.addi %mul3A_2, %add3A_1125 : i32
    %dma_wait3A_1127 = arith.constant 1 : i32
    %dma_wait3A_1128 = arith.constant 1 : i32
    %dma_wait3A_1129 = arith.constant 0 : i32
    %dma_wait3A_1130 = arith.constant 0 : i32
    %dma_wait3A_1131 = tpu.memref_slice %arg6[%dma_wait3A_1127, %dma_wait3A_1129, %dma_wait3A_1130] : memref<2x1280x32xf32, #tpu.memory_space<vmem>> -> memref<1x1280x32xf32, #tpu.memory_space<vmem>>
    %dma_wait3A_1132 = tpu.memref_squeeze %dma_wait3A_1131 : memref<1x1280x32xf32, #tpu.memory_space<vmem>> -> memref<1280x32xf32, #tpu.memory_space<vmem>>
    %dma_wait3A_1133 = arith.constant 0 : i32
    %dma_wait3A_1134 = tpu.memref_slice %arg4[%add3A_1126, %dma_wait3A_1133] : memref<819200x32xf32, #tpu.memory_space<hbm>> -> memref<1280x32xf32, #tpu.memory_space<hbm>>
    %dma_wait3A_1135 = tpu.memref_slice %arg8[%dma_wait3A_1128] : memref<2x!tpu.dma_semaphore, #tpu.memory_space<semaphore_mem>> -> memref<1x!tpu.dma_semaphore, #tpu.memory_space<semaphore_mem>>
    %dma_wait3A_1136 = tpu.memref_squeeze %dma_wait3A_1135 : memref<1x!tpu.dma_semaphore, #tpu.memory_space<semaphore_mem>> -> memref<!tpu.dma_semaphore, #tpu.memory_space<semaphore_mem>>
    %dma_wait3A_1137 = arith.constant 0 : i32
    %dma_wait3A_1138 = tpu.memref_slice %arg4[%add3A_1126, %dma_wait3A_1137] : memref<819200x32xf32, #tpu.memory_space<hbm>> -> memref<1280x32xf32, #tpu.memory_space<hbm>>
    %dma_wait3A_1139 = arith.constant 0 : i32
    %dma_wait3A_1140 = arith.constant 0 : i32
    %dma_wait3A_1141 = tpu.memref_slice %arg6[%dma_wait3A_1127, %dma_wait3A_1139, %dma_wait3A_1140] : memref<2x1280x32xf32, #tpu.memory_space<vmem>> -> memref<1x1280x32xf32, #tpu.memory_space<vmem>>
    %dma_wait3A_1142 = tpu.memref_squeeze %dma_wait3A_1141 : memref<1x1280x32xf32, #tpu.memory_space<vmem>> -> memref<1280x32xf32, #tpu.memory_space<vmem>>
    tpu.wait_dma2 semaphore(%dma_wait3A_1136 : memref<!tpu.dma_semaphore, #tpu.memory_space<semaphore_mem>>) src(%dma_wait3A_1142 : memref<1280x32xf32, #tpu.memory_space<vmem>>) dst(%dma_wait3A_1138 : memref<1280x32xf32, #tpu.memory_space<hbm>>)
    %dma_start3A_1143 = arith.constant 1 : i32
    %dma_start3A_1144 = arith.constant 1 : i32
    %dma_start3A_1145 = arith.constant 0 : i32
    %dma_start3A_1146 = arith.constant 0 : i32
    %dma_start3A_1147 = tpu.memref_slice %arg6[%dma_start3A_1143, %dma_start3A_1145, %dma_start3A_1146] : memref<2x1280x32xf32, #tpu.memory_space<vmem>> -> memref<1x1280x32xf32, #tpu.memory_space<vmem>>
    %dma_start3A_1148 = tpu.memref_squeeze %dma_start3A_1147 : memref<1x1280x32xf32, #tpu.memory_space<vmem>> -> memref<1280x32xf32, #tpu.memory_space<vmem>>
    %dma_start3A_1149 = arith.constant 24320 : i32
    %dma_start3A_1150 = tpu.memref_slice %arg5[%dma_start3A_1149] : memref<25600xi32, #tpu.memory_space<vmem>> -> memref<1280xi32, #tpu.memory_space<vmem>>
    %dma_start3A_1151 = arith.constant 0 : i32
    %dma_start3A_1152 = arith.constant 0 : i32
    %dma_start3A_1153 = tpu.memref_slice %arg3[%dma_start3A_1151, %dma_start3A_1152] : memref<1000000x32xf32, #tpu.memory_space<hbm>> -> memref<1000000x32xf32, #tpu.memory_space<hbm>>
    %dma_start3A_1154 = tpu.memref_slice %arg7[%dma_start3A_1144] : memref<2x!tpu.dma_semaphore, #tpu.memory_space<semaphore_mem>> -> memref<1x!tpu.dma_semaphore, #tpu.memory_space<semaphore_mem>>
    %dma_start3A_1155 = tpu.memref_squeeze %dma_start3A_1154 : memref<1x!tpu.dma_semaphore, #tpu.memory_space<semaphore_mem>> -> memref<!tpu.dma_semaphore, #tpu.memory_space<semaphore_mem>>
    tpu.enqueue_indirect_dma source(%dma_start3A_1153 : memref<1000000x32xf32, #tpu.memory_space<hbm>>) target(%dma_start3A_1148 : memref<1280x32xf32, #tpu.memory_space<vmem>>) offsets(%dma_start3A_1150 : memref<1280xi32, #tpu.memory_space<vmem>>) semaphore(%dma_start3A_1155 : memref<!tpu.dma_semaphore, #tpu.memory_space<semaphore_mem>>)
    %add3A_1156 = arith.constant 23040 : i32
    %add3A_1157 = arith.addi %mul3A_2, %add3A_1156 : i32
    %dma_start3A_1158 = arith.constant 0 : i32
    %dma_start3A_1159 = arith.constant 0 : i32
    %dma_start3A_1160 = arith.constant 0 : i32
    %dma_start3A_1161 = arith.constant 0 : i32
    %dma_start3A_1162 = tpu.memref_slice %arg6[%dma_start3A_1158, %dma_start3A_1160, %dma_start3A_1161] : memref<2x1280x32xf32, #tpu.memory_space<vmem>> -> memref<1x1280x32xf32, #tpu.memory_space<vmem>>
    %dma_start3A_1163 = tpu.memref_squeeze %dma_start3A_1162 : memref<1x1280x32xf32, #tpu.memory_space<vmem>> -> memref<1280x32xf32, #tpu.memory_space<vmem>>
    %dma_start3A_1164 = arith.constant 0 : i32
    %dma_start3A_1165 = tpu.memref_slice %arg4[%add3A_1157, %dma_start3A_1164] : memref<819200x32xf32, #tpu.memory_space<hbm>> -> memref<1280x32xf32, #tpu.memory_space<hbm>>
    %dma_start3A_1166 = tpu.memref_slice %arg8[%dma_start3A_1159] : memref<2x!tpu.dma_semaphore, #tpu.memory_space<semaphore_mem>> -> memref<1x!tpu.dma_semaphore, #tpu.memory_space<semaphore_mem>>
    %dma_start3A_1167 = tpu.memref_squeeze %dma_start3A_1166 : memref<1x!tpu.dma_semaphore, #tpu.memory_space<semaphore_mem>> -> memref<!tpu.dma_semaphore, #tpu.memory_space<semaphore_mem>>
    %dma_start3A_1168 = arith.constant 0 : i32
    %dma_start3A_1169 = tpu.memref_slice %arg4[%add3A_1157, %dma_start3A_1168] : memref<819200x32xf32, #tpu.memory_space<hbm>> -> memref<1280x32xf32, #tpu.memory_space<hbm>>
    %dma_start3A_1170 = arith.constant 0 : i32
    %dma_start3A_1171 = arith.constant 0 : i32
    %dma_start3A_1172 = tpu.memref_slice %arg6[%dma_start3A_1158, %dma_start3A_1170, %dma_start3A_1171] : memref<2x1280x32xf32, #tpu.memory_space<vmem>> -> memref<1x1280x32xf32, #tpu.memory_space<vmem>>
    %dma_start3A_1173 = tpu.memref_squeeze %dma_start3A_1172 : memref<1x1280x32xf32, #tpu.memory_space<vmem>> -> memref<1280x32xf32, #tpu.memory_space<vmem>>
    tpu.enqueue_dma source(%dma_start3A_1173 : memref<1280x32xf32, #tpu.memory_space<vmem>>) target(%dma_start3A_1169 : memref<1280x32xf32, #tpu.memory_space<hbm>>) target_semaphore(%dma_start3A_1167 : memref<!tpu.dma_semaphore, #tpu.memory_space<semaphore_mem>>)
    %dma_wait3A_1174 = arith.constant 1 : i32
    %dma_wait3A_1175 = arith.constant 1 : i32
    %dma_wait3A_1176 = arith.constant 0 : i32
    %dma_wait3A_1177 = arith.constant 0 : i32
    %dma_wait3A_1178 = tpu.memref_slice %arg6[%dma_wait3A_1174, %dma_wait3A_1176, %dma_wait3A_1177] : memref<2x1280x32xf32, #tpu.memory_space<vmem>> -> memref<1x1280x32xf32, #tpu.memory_space<vmem>>
    %dma_wait3A_1179 = tpu.memref_squeeze %dma_wait3A_1178 : memref<1x1280x32xf32, #tpu.memory_space<vmem>> -> memref<1280x32xf32, #tpu.memory_space<vmem>>
    %dma_wait3A_1180 = arith.constant 24320 : i32
    %dma_wait3A_1181 = tpu.memref_slice %arg5[%dma_wait3A_1180] : memref<25600xi32, #tpu.memory_space<vmem>> -> memref<1280xi32, #tpu.memory_space<vmem>>
    %dma_wait3A_1182 = arith.constant 0 : i32
    %dma_wait3A_1183 = arith.constant 0 : i32
    %dma_wait3A_1184 = tpu.memref_slice %arg3[%dma_wait3A_1182, %dma_wait3A_1183] : memref<1000000x32xf32, #tpu.memory_space<hbm>> -> memref<1000000x32xf32, #tpu.memory_space<hbm>>
    %dma_wait3A_1185 = tpu.memref_slice %arg7[%dma_wait3A_1175] : memref<2x!tpu.dma_semaphore, #tpu.memory_space<semaphore_mem>> -> memref<1x!tpu.dma_semaphore, #tpu.memory_space<semaphore_mem>>
    %dma_wait3A_1186 = tpu.memref_squeeze %dma_wait3A_1185 : memref<1x!tpu.dma_semaphore, #tpu.memory_space<semaphore_mem>> -> memref<!tpu.dma_semaphore, #tpu.memory_space<semaphore_mem>>
    tpu.wait_indirect_dma semaphore(%dma_wait3A_1186 : memref<!tpu.dma_semaphore, #tpu.memory_space<semaphore_mem>>) src(%dma_wait3A_1184 : memref<1000000x32xf32, #tpu.memory_space<hbm>>) dst(%dma_wait3A_1179 : memref<1280x32xf32, #tpu.memory_space<vmem>>)
    %add3A_1187 = arith.constant 24320 : i32
    %add3A_1188 = arith.addi %mul3A_2, %add3A_1187 : i32
    %dma_start3A_1189 = arith.constant 1 : i32
    %dma_start3A_1190 = arith.constant 1 : i32
    %dma_start3A_1191 = arith.constant 0 : i32
    %dma_start3A_1192 = arith.constant 0 : i32
    %dma_start3A_1193 = tpu.memref_slice %arg6[%dma_start3A_1189, %dma_start3A_1191, %dma_start3A_1192] : memref<2x1280x32xf32, #tpu.memory_space<vmem>> -> memref<1x1280x32xf32, #tpu.memory_space<vmem>>
    %dma_start3A_1194 = tpu.memref_squeeze %dma_start3A_1193 : memref<1x1280x32xf32, #tpu.memory_space<vmem>> -> memref<1280x32xf32, #tpu.memory_space<vmem>>
    %dma_start3A_1195 = arith.constant 0 : i32
    %dma_start3A_1196 = tpu.memref_slice %arg4[%add3A_1188, %dma_start3A_1195] : memref<819200x32xf32, #tpu.memory_space<hbm>> -> memref<1280x32xf32, #tpu.memory_space<hbm>>
    %dma_start3A_1197 = tpu.memref_slice %arg8[%dma_start3A_1190] : memref<2x!tpu.dma_semaphore, #tpu.memory_space<semaphore_mem>> -> memref<1x!tpu.dma_semaphore, #tpu.memory_space<semaphore_mem>>
    %dma_start3A_1198 = tpu.memref_squeeze %dma_start3A_1197 : memref<1x!tpu.dma_semaphore, #tpu.memory_space<semaphore_mem>> -> memref<!tpu.dma_semaphore, #tpu.memory_space<semaphore_mem>>
    %dma_start3A_1199 = arith.constant 0 : i32
    %dma_start3A_1200 = tpu.memref_slice %arg4[%add3A_1188, %dma_start3A_1199] : memref<819200x32xf32, #tpu.memory_space<hbm>> -> memref<1280x32xf32, #tpu.memory_space<hbm>>
    %dma_start3A_1201 = arith.constant 0 : i32
    %dma_start3A_1202 = arith.constant 0 : i32
    %dma_start3A_1203 = tpu.memref_slice %arg6[%dma_start3A_1189, %dma_start3A_1201, %dma_start3A_1202] : memref<2x1280x32xf32, #tpu.memory_space<vmem>> -> memref<1x1280x32xf32, #tpu.memory_space<vmem>>
    %dma_start3A_1204 = tpu.memref_squeeze %dma_start3A_1203 : memref<1x1280x32xf32, #tpu.memory_space<vmem>> -> memref<1280x32xf32, #tpu.memory_space<vmem>>
    tpu.enqueue_dma source(%dma_start3A_1204 : memref<1280x32xf32, #tpu.memory_space<vmem>>) target(%dma_start3A_1200 : memref<1280x32xf32, #tpu.memory_space<hbm>>) target_semaphore(%dma_start3A_1198 : memref<!tpu.dma_semaphore, #tpu.memory_space<semaphore_mem>>)
    %add3A_1205 = arith.constant 23040 : i32
    %add3A_1206 = arith.addi %mul3A_2, %add3A_1205 : i32
    %dma_wait3A_1207 = arith.constant 0 : i32
    %dma_wait3A_1208 = arith.constant 0 : i32
    %dma_wait3A_1209 = arith.constant 0 : i32
    %dma_wait3A_1210 = arith.constant 0 : i32
    %dma_wait3A_1211 = tpu.memref_slice %arg6[%dma_wait3A_1207, %dma_wait3A_1209, %dma_wait3A_1210] : memref<2x1280x32xf32, #tpu.memory_space<vmem>> -> memref<1x1280x32xf32, #tpu.memory_space<vmem>>
    %dma_wait3A_1212 = tpu.memref_squeeze %dma_wait3A_1211 : memref<1x1280x32xf32, #tpu.memory_space<vmem>> -> memref<1280x32xf32, #tpu.memory_space<vmem>>
    %dma_wait3A_1213 = arith.constant 0 : i32
    %dma_wait3A_1214 = tpu.memref_slice %arg4[%add3A_1206, %dma_wait3A_1213] : memref<819200x32xf32, #tpu.memory_space<hbm>> -> memref<1280x32xf32, #tpu.memory_space<hbm>>
    %dma_wait3A_1215 = tpu.memref_slice %arg8[%dma_wait3A_1208] : memref<2x!tpu.dma_semaphore, #tpu.memory_space<semaphore_mem>> -> memref<1x!tpu.dma_semaphore, #tpu.memory_space<semaphore_mem>>
    %dma_wait3A_1216 = tpu.memref_squeeze %dma_wait3A_1215 : memref<1x!tpu.dma_semaphore, #tpu.memory_space<semaphore_mem>> -> memref<!tpu.dma_semaphore, #tpu.memory_space<semaphore_mem>>
    %dma_wait3A_1217 = arith.constant 0 : i32
    %dma_wait3A_1218 = tpu.memref_slice %arg4[%add3A_1206, %dma_wait3A_1217] : memref<819200x32xf32, #tpu.memory_space<hbm>> -> memref<1280x32xf32, #tpu.memory_space<hbm>>
    %dma_wait3A_1219 = arith.constant 0 : i32
    %dma_wait3A_1220 = arith.constant 0 : i32
    %dma_wait3A_1221 = tpu.memref_slice %arg6[%dma_wait3A_1207, %dma_wait3A_1219, %dma_wait3A_1220] : memref<2x1280x32xf32, #tpu.memory_space<vmem>> -> memref<1x1280x32xf32, #tpu.memory_space<vmem>>
    %dma_wait3A_1222 = tpu.memref_squeeze %dma_wait3A_1221 : memref<1x1280x32xf32, #tpu.memory_space<vmem>> -> memref<1280x32xf32, #tpu.memory_space<vmem>>
    tpu.wait_dma2 semaphore(%dma_wait3A_1216 : memref<!tpu.dma_semaphore, #tpu.memory_space<semaphore_mem>>) src(%dma_wait3A_1222 : memref<1280x32xf32, #tpu.memory_space<vmem>>) dst(%dma_wait3A_1218 : memref<1280x32xf32, #tpu.memory_space<hbm>>)
    %add3A_1223 = arith.constant 24320 : i32
    %add3A_1224 = arith.addi %mul3A_2, %add3A_1223 : i32
    %dma_wait3A_1225 = arith.constant 1 : i32
    %dma_wait3A_1226 = arith.constant 1 : i32
    %dma_wait3A_1227 = arith.constant 0 : i32
    %dma_wait3A_1228 = arith.constant 0 : i32
    %dma_wait3A_1229 = tpu.memref_slice %arg6[%dma_wait3A_1225, %dma_wait3A_1227, %dma_wait3A_1228] : memref<2x1280x32xf32, #tpu.memory_space<vmem>> -> memref<1x1280x32xf32, #tpu.memory_space<vmem>>
    %dma_wait3A_1230 = tpu.memref_squeeze %dma_wait3A_1229 : memref<1x1280x32xf32, #tpu.memory_space<vmem>> -> memref<1280x32xf32, #tpu.memory_space<vmem>>
    %dma_wait3A_1231 = arith.constant 0 : i32
    %dma_wait3A_1232 = tpu.memref_slice %arg4[%add3A_1224, %dma_wait3A_1231] : memref<819200x32xf32, #tpu.memory_space<hbm>> -> memref<1280x32xf32, #tpu.memory_space<hbm>>
    %dma_wait3A_1233 = tpu.memref_slice %arg8[%dma_wait3A_1226] : memref<2x!tpu.dma_semaphore, #tpu.memory_space<semaphore_mem>> -> memref<1x!tpu.dma_semaphore, #tpu.memory_space<semaphore_mem>>
    %dma_wait3A_1234 = tpu.memref_squeeze %dma_wait3A_1233 : memref<1x!tpu.dma_semaphore, #tpu.memory_space<semaphore_mem>> -> memref<!tpu.dma_semaphore, #tpu.memory_space<semaphore_mem>>
    %dma_wait3A_1235 = arith.constant 0 : i32
    %dma_wait3A_1236 = tpu.memref_slice %arg4[%add3A_1224, %dma_wait3A_1235] : memref<819200x32xf32, #tpu.memory_space<hbm>> -> memref<1280x32xf32, #tpu.memory_space<hbm>>
    %dma_wait3A_1237 = arith.constant 0 : i32
    %dma_wait3A_1238 = arith.constant 0 : i32
    %dma_wait3A_1239 = tpu.memref_slice %arg6[%dma_wait3A_1225, %dma_wait3A_1237, %dma_wait3A_1238] : memref<2x1280x32xf32, #tpu.memory_space<vmem>> -> memref<1x1280x32xf32, #tpu.memory_space<vmem>>
    %dma_wait3A_1240 = tpu.memref_squeeze %dma_wait3A_1239 : memref<1x1280x32xf32, #tpu.memory_space<vmem>> -> memref<1280x32xf32, #tpu.memory_space<vmem>>
    tpu.wait_dma2 semaphore(%dma_wait3A_1234 : memref<!tpu.dma_semaphore, #tpu.memory_space<semaphore_mem>>) src(%dma_wait3A_1240 : memref<1280x32xf32, #tpu.memory_space<vmem>>) dst(%dma_wait3A_1236 : memref<1280x32xf32, #tpu.memory_space<hbm>>)
    return
  }
}

#map = affine_map<(d0, d1) -> (0, 0)>
module attributes {stable_mosaic.version = 14 : i64} {
  func.func @_tr_body(%arg0: i32, %arg1: i32, %arg2: memref<32x1000000xf32, #tpu.memory_space<hbm>>, %arg3: memref<16x128xf32, #tpu.memory_space<hbm>>, %arg4: memref<250000x128xf32, #tpu.memory_space<hbm>>, %arg5: memref<2x32x128xf32, #tpu.memory_space<vmem>>, %arg6: memref<2x32x128xf32, #tpu.memory_space<vmem>>, %arg7: memref<2x!tpu.dma_semaphore, #tpu.memory_space<semaphore_mem>>, %arg8: memref<2x!tpu.dma_semaphore, #tpu.memory_space<semaphore_mem>>) attributes {dimension_semantics = [#tpu.dimension_semantics<core_parallel>, #tpu.dimension_semantics<subcore_parallel>], iteration_bounds = array<i64: 2, 16>, scalar_prefetch = 0 : i64, scratch_operands = 4 : i64, tpu.core_type = #tpu.core_type<sc_vector_subcore>, window_params = [{transform_indices = #map}, {transform_indices = #map}, {transform_indices = #map}]} {
    %mul3A = arith.constant 2 : i32
    %mul3A_0 = arith.muli %arg1, %mul3A : i32
    %add3A = arith.addi %mul3A_0, %arg0 : i32
    %lt3A = arith.constant 4 : i32
    %lt3A_1 = arith.cmpi slt, %add3A, %lt3A : i32
    %jit3A = arith.constant 245 : i32
    %jit3A_2 = arith.constant 244 : i32
    %select_n3A = arith.select %lt3A_1, %jit3A, %jit3A_2 : i32
    %iota3A = tpu.iota {dimensions = array<i32: 0>} : vector<16xi32>
    %add3A_3 = arith.constant 16 : i32
    %add3A_4 = vector.broadcast %add3A_3 : i32 to vector<16xi32>
    %add3A_5 = arith.addi %iota3A, %add3A_4 : vector<16xi32>
    %add3A_6 = arith.constant 0 : i32
    %add3A_7 = arith.addi %add3A, %add3A_6 : i32
    %mul3A_8 = arith.constant 128 : i32
    %mul3A_9 = arith.muli %add3A_7, %mul3A_8 : i32
    %dma_start3A = arith.constant 0 : i32
    %dma_start3A_10 = arith.constant 0 : i32
    %dma_start3A_11 = arith.constant 0 : i32
    %dma_start3A_12 = arith.constant 0 : i32
    %dma_start3A_13 = tpu.memref_slice %arg5[%dma_start3A, %dma_start3A_11, %dma_start3A_12] : memref<2x32x128xf32, #tpu.memory_space<vmem>> -> memref<1x32x128xf32, #tpu.memory_space<vmem>>
    %dma_start3A_14 = tpu.memref_squeeze %dma_start3A_13 : memref<1x32x128xf32, #tpu.memory_space<vmem>> -> memref<32x128xf32, #tpu.memory_space<vmem>>
    %dma_start3A_15 = arith.constant 0 : i32
    %dma_start3A_16 = tpu.memref_slice %arg2[%dma_start3A_15, %mul3A_9] : memref<32x1000000xf32, #tpu.memory_space<hbm>> -> memref<32x128xf32, #tpu.memory_space<hbm>>
    %dma_start3A_17 = tpu.memref_slice %arg7[%dma_start3A_10] : memref<2x!tpu.dma_semaphore, #tpu.memory_space<semaphore_mem>> -> memref<1x!tpu.dma_semaphore, #tpu.memory_space<semaphore_mem>>
    %dma_start3A_18 = tpu.memref_squeeze %dma_start3A_17 : memref<1x!tpu.dma_semaphore, #tpu.memory_space<semaphore_mem>> -> memref<!tpu.dma_semaphore, #tpu.memory_space<semaphore_mem>>
    %dma_start3A_19 = arith.constant 0 : i32
    %dma_start3A_20 = arith.constant 0 : i32
    %dma_start3A_21 = tpu.memref_slice %arg5[%dma_start3A, %dma_start3A_19, %dma_start3A_20] : memref<2x32x128xf32, #tpu.memory_space<vmem>> -> memref<1x32x128xf32, #tpu.memory_space<vmem>>
    %dma_start3A_22 = tpu.memref_squeeze %dma_start3A_21 : memref<1x32x128xf32, #tpu.memory_space<vmem>> -> memref<32x128xf32, #tpu.memory_space<vmem>>
    %dma_start3A_23 = arith.constant 0 : i32
    %dma_start3A_24 = tpu.memref_slice %arg2[%dma_start3A_23, %mul3A_9] : memref<32x1000000xf32, #tpu.memory_space<hbm>> -> memref<32x128xf32, #tpu.memory_space<hbm>>
    tpu.enqueue_dma source(%dma_start3A_24 : memref<32x128xf32, #tpu.memory_space<hbm>>) target(%dma_start3A_22 : memref<32x128xf32, #tpu.memory_space<vmem>>) target_semaphore(%dma_start3A_18 : memref<!tpu.dma_semaphore, #tpu.memory_space<semaphore_mem>>)
    %while3A = arith.constant 0 : i32
    %while3A_25 = arith.constant 0 : i32
    %while3A_26 = arith.subi %select_n3A, %while3A : i32
    %while3A_27 = arith.addi %while3A, %while3A_26 : i32
    %while3A_28 = arith.constant 1 : i32
    %while3A_29 = arith.divsi %while3A_26, %while3A_28 : i32
    %while3A_30 = arith.muli %while3A_29, %while3A_28 : i32
    %while3A_31 = arith.addi %while3A, %while3A_30 : i32
    %while3A_32 = arith.constant 1 : i32
    %while3A_33 = scf.for %while3A_76 = %while3A to %while3A_31 step %while3A_32 iter_args(%while3A_77 = %while3A_25) -> (i32)  : i32 {
      %jit3A_78 = arith.constant 2 : i32
      %eq3A_79 = arith.constant 0 : i32
      %eq3A_80 = arith.cmpi eq, %jit3A_78, %eq3A_79 : i32
      %jit3A_81 = arith.constant 1 : i32
      %select_n3A_82 = arith.select %eq3A_80, %jit3A_81, %jit3A_78 : i32
      %rem3A_83 = arith.remsi %while3A_76, %select_n3A_82 : i32
      %ne3A_84 = arith.constant 0 : i32
      %ne3A_85 = arith.cmpi ne, %rem3A_83, %ne3A_84 : i32
      %lt3A_86 = arith.constant 0 : i32
      %lt3A_87 = arith.cmpi slt, %rem3A_83, %lt3A_86 : i32
      %lt3A_88 = arith.constant 0 : i32
      %lt3A_89 = arith.cmpi slt, %select_n3A_82, %lt3A_88 : i32
      %ne3A_90 = arith.xori %lt3A_87, %lt3A_89 : i1
      %and3A_91 = arith.andi %ne3A_90, %ne3A_85 : i1
      %add3A_92 = arith.addi %rem3A_83, %select_n3A_82 : i32
      %select_n3A_93 = arith.select %and3A_91, %add3A_92, %rem3A_83 : i32
      %mul3A_94 = arith.constant 32 : i32
      %mul3A_95 = arith.muli %while3A_76, %mul3A_94 : i32
      %add3A_96 = arith.addi %add3A, %mul3A_95 : i32
      %mul3A_97 = arith.constant 128 : i32
      %mul3A_98 = arith.muli %add3A_96, %mul3A_97 : i32
      %dma_wait3A_99 = arith.constant 0 : i32
      %dma_wait3A_100 = arith.constant 0 : i32
      %dma_wait3A_101 = tpu.memref_slice %arg5[%select_n3A_93, %dma_wait3A_99, %dma_wait3A_100] : memref<2x32x128xf32, #tpu.memory_space<vmem>> -> memref<1x32x128xf32, #tpu.memory_space<vmem>>
      %dma_wait3A_102 = tpu.memref_squeeze %dma_wait3A_101 : memref<1x32x128xf32, #tpu.memory_space<vmem>> -> memref<32x128xf32, #tpu.memory_space<vmem>>
      %dma_wait3A_103 = arith.constant 0 : i32
      %dma_wait3A_104 = tpu.memref_slice %arg2[%dma_wait3A_103, %mul3A_98] : memref<32x1000000xf32, #tpu.memory_space<hbm>> -> memref<32x128xf32, #tpu.memory_space<hbm>>
      %dma_wait3A_105 = tpu.memref_slice %arg7[%select_n3A_93] : memref<2x!tpu.dma_semaphore, #tpu.memory_space<semaphore_mem>> -> memref<1x!tpu.dma_semaphore, #tpu.memory_space<semaphore_mem>>
      %dma_wait3A_106 = tpu.memref_squeeze %dma_wait3A_105 : memref<1x!tpu.dma_semaphore, #tpu.memory_space<semaphore_mem>> -> memref<!tpu.dma_semaphore, #tpu.memory_space<semaphore_mem>>
      %dma_wait3A_107 = arith.constant 0 : i32
      %dma_wait3A_108 = arith.constant 0 : i32
      %dma_wait3A_109 = tpu.memref_slice %arg5[%select_n3A_93, %dma_wait3A_107, %dma_wait3A_108] : memref<2x32x128xf32, #tpu.memory_space<vmem>> -> memref<1x32x128xf32, #tpu.memory_space<vmem>>
      %dma_wait3A_110 = tpu.memref_squeeze %dma_wait3A_109 : memref<1x32x128xf32, #tpu.memory_space<vmem>> -> memref<32x128xf32, #tpu.memory_space<vmem>>
      %dma_wait3A_111 = arith.constant 0 : i32
      %dma_wait3A_112 = tpu.memref_slice %arg2[%dma_wait3A_111, %mul3A_98] : memref<32x1000000xf32, #tpu.memory_space<hbm>> -> memref<32x128xf32, #tpu.memory_space<hbm>>
      tpu.wait_dma2 semaphore(%dma_wait3A_106 : memref<!tpu.dma_semaphore, #tpu.memory_space<semaphore_mem>>) src(%dma_wait3A_112 : memref<32x128xf32, #tpu.memory_space<hbm>>) dst(%dma_wait3A_110 : memref<32x128xf32, #tpu.memory_space<vmem>>)
      %add3A_113 = arith.constant 1 : i32
      %add3A_114 = arith.addi %while3A_76, %add3A_113 : i32
      %lt3A_115 = arith.cmpi slt, %add3A_114, %select_n3A : i32
      %convert_element_type3A_116 = arith.extui %lt3A_115 : i1 to i32
      %cond3A_117 = arith.constant 0 : i32
      %cond3A_118 = arith.cmpi ne, %convert_element_type3A_116, %cond3A_117 : i32
      scf.if %cond3A_118 {
        %add3A_150 = arith.constant 1 : i32
        %add3A_151 = arith.addi %while3A_76, %add3A_150 : i32
        %sub3A_152 = arith.constant 1 : i32
        %sub3A_153 = arith.subi %sub3A_152, %select_n3A_93 : i32
        %mul3A_154 = arith.constant 32 : i32
        %mul3A_155 = arith.muli %add3A_151, %mul3A_154 : i32
        %add3A_156 = arith.addi %add3A, %mul3A_155 : i32
        %mul3A_157 = arith.constant 128 : i32
        %mul3A_158 = arith.muli %add3A_156, %mul3A_157 : i32
        %dma_start3A_159 = arith.constant 0 : i32
        %dma_start3A_160 = arith.constant 0 : i32
        %dma_start3A_161 = tpu.memref_slice %arg5[%sub3A_153, %dma_start3A_159, %dma_start3A_160] : memref<2x32x128xf32, #tpu.memory_space<vmem>> -> memref<1x32x128xf32, #tpu.memory_space<vmem>>
        %dma_start3A_162 = tpu.memref_squeeze %dma_start3A_161 : memref<1x32x128xf32, #tpu.memory_space<vmem>> -> memref<32x128xf32, #tpu.memory_space<vmem>>
        %dma_start3A_163 = arith.constant 0 : i32
        %dma_start3A_164 = tpu.memref_slice %arg2[%dma_start3A_163, %mul3A_158] : memref<32x1000000xf32, #tpu.memory_space<hbm>> -> memref<32x128xf32, #tpu.memory_space<hbm>>
        %dma_start3A_165 = tpu.memref_slice %arg7[%sub3A_153] : memref<2x!tpu.dma_semaphore, #tpu.memory_space<semaphore_mem>> -> memref<1x!tpu.dma_semaphore, #tpu.memory_space<semaphore_mem>>
        %dma_start3A_166 = tpu.memref_squeeze %dma_start3A_165 : memref<1x!tpu.dma_semaphore, #tpu.memory_space<semaphore_mem>> -> memref<!tpu.dma_semaphore, #tpu.memory_space<semaphore_mem>>
        %dma_start3A_167 = arith.constant 0 : i32
        %dma_start3A_168 = arith.constant 0 : i32
        %dma_start3A_169 = tpu.memref_slice %arg5[%sub3A_153, %dma_start3A_167, %dma_start3A_168] : memref<2x32x128xf32, #tpu.memory_space<vmem>> -> memref<1x32x128xf32, #tpu.memory_space<vmem>>
        %dma_start3A_170 = tpu.memref_squeeze %dma_start3A_169 : memref<1x32x128xf32, #tpu.memory_space<vmem>> -> memref<32x128xf32, #tpu.memory_space<vmem>>
        %dma_start3A_171 = arith.constant 0 : i32
        %dma_start3A_172 = tpu.memref_slice %arg2[%dma_start3A_171, %mul3A_158] : memref<32x1000000xf32, #tpu.memory_space<hbm>> -> memref<32x128xf32, #tpu.memory_space<hbm>>
        tpu.enqueue_dma source(%dma_start3A_172 : memref<32x128xf32, #tpu.memory_space<hbm>>) target(%dma_start3A_170 : memref<32x128xf32, #tpu.memory_space<vmem>>) target_semaphore(%dma_start3A_166 : memref<!tpu.dma_semaphore, #tpu.memory_space<semaphore_mem>>)
      } else {
      }
      %ge3A_119 = arith.constant 2 : i32
      %ge3A_120 = arith.cmpi sge, %while3A_76, %ge3A_119 : i32
      %convert_element_type3A_121 = arith.extui %ge3A_120 : i1 to i32
      %cond3A_122 = arith.constant 0 : i32
      %cond3A_123 = arith.cmpi ne, %convert_element_type3A_121, %cond3A_122 : i32
      scf.if %cond3A_123 {
        %sub3A_150 = arith.constant 2 : i32
        %sub3A_151 = arith.subi %while3A_76, %sub3A_150 : i32
        %mul3A_152 = arith.constant 32 : i32
        %mul3A_153 = arith.muli %sub3A_151, %mul3A_152 : i32
        %add3A_154 = arith.addi %add3A, %mul3A_153 : i32
        %mul3A_155 = arith.constant 32 : i32
        %mul3A_156 = arith.muli %add3A_154, %mul3A_155 : i32
        %dma_wait3A_157 = arith.constant 0 : i32
        %dma_wait3A_158 = arith.constant 0 : i32
        %dma_wait3A_159 = tpu.memref_slice %arg6[%select_n3A_93, %dma_wait3A_157, %dma_wait3A_158] : memref<2x32x128xf32, #tpu.memory_space<vmem>> -> memref<1x32x128xf32, #tpu.memory_space<vmem>>
        %dma_wait3A_160 = tpu.memref_squeeze %dma_wait3A_159 : memref<1x32x128xf32, #tpu.memory_space<vmem>> -> memref<32x128xf32, #tpu.memory_space<vmem>>
        %dma_wait3A_161 = arith.constant 0 : i32
        %dma_wait3A_162 = tpu.memref_slice %arg4[%mul3A_156, %dma_wait3A_161] : memref<250000x128xf32, #tpu.memory_space<hbm>> -> memref<32x128xf32, #tpu.memory_space<hbm>>
        %dma_wait3A_163 = tpu.memref_slice %arg8[%select_n3A_93] : memref<2x!tpu.dma_semaphore, #tpu.memory_space<semaphore_mem>> -> memref<1x!tpu.dma_semaphore, #tpu.memory_space<semaphore_mem>>
        %dma_wait3A_164 = tpu.memref_squeeze %dma_wait3A_163 : memref<1x!tpu.dma_semaphore, #tpu.memory_space<semaphore_mem>> -> memref<!tpu.dma_semaphore, #tpu.memory_space<semaphore_mem>>
        %dma_wait3A_165 = arith.constant 0 : i32
        %dma_wait3A_166 = tpu.memref_slice %arg4[%mul3A_156, %dma_wait3A_165] : memref<250000x128xf32, #tpu.memory_space<hbm>> -> memref<32x128xf32, #tpu.memory_space<hbm>>
        %dma_wait3A_167 = arith.constant 0 : i32
        %dma_wait3A_168 = arith.constant 0 : i32
        %dma_wait3A_169 = tpu.memref_slice %arg6[%select_n3A_93, %dma_wait3A_167, %dma_wait3A_168] : memref<2x32x128xf32, #tpu.memory_space<vmem>> -> memref<1x32x128xf32, #tpu.memory_space<vmem>>
        %dma_wait3A_170 = tpu.memref_squeeze %dma_wait3A_169 : memref<1x32x128xf32, #tpu.memory_space<vmem>> -> memref<32x128xf32, #tpu.memory_space<vmem>>
        tpu.wait_dma2 semaphore(%dma_wait3A_164 : memref<!tpu.dma_semaphore, #tpu.memory_space<semaphore_mem>>) src(%dma_wait3A_170 : memref<32x128xf32, #tpu.memory_space<vmem>>) dst(%dma_wait3A_166 : memref<32x128xf32, #tpu.memory_space<hbm>>)
      } else {
      }
      %broadcast_in_dim3A = arith.constant 0 : i32
      %broadcast_in_dim3A_124 = vector.broadcast %broadcast_in_dim3A : i32 to vector<16xi32>
      %scan3A = arith.constant 0 : i32
      %scan3A_125 = arith.constant 8 : i32
      %scan3A_126 = arith.addi %scan3A, %scan3A_125 : i32
      %scan3A_127 = arith.constant 1 : i32
      %scan3A_128 = scf.for %scan3A_150 = %scan3A to %scan3A_126 step %scan3A_127 iter_args(%scan3A_151 = %broadcast_in_dim3A_124) -> (vector<16xi32>)  : i32 {
        %gather3A = arith.constant 0 : i32
        %gather3A_152 = arith.constant 0 : i32
        %gather3A_153 = tpu.memref_slice %arg5[%select_n3A_93, %gather3A, %gather3A_152] : memref<2x32x128xf32, #tpu.memory_space<vmem>> -> memref<1x32x128xf32, #tpu.memory_space<vmem>>
        %gather3A_154 = tpu.memref_squeeze %gather3A_153 : memref<1x32x128xf32, #tpu.memory_space<vmem>> -> memref<32x128xf32, #tpu.memory_space<vmem>>
        %gather3A_155 = tpu.vector_load_idx %gather3A_154[%iota3A, %scan3A_151] : memref<32x128xf32, #tpu.memory_space<vmem>>[vector<16xi32>, vector<16xi32>], vector<16xf32>,
        %gather3A_156 = arith.constant 0 : i32
        %gather3A_157 = arith.constant 0 : i32
        %gather3A_158 = tpu.memref_slice %arg5[%select_n3A_93, %gather3A_156, %gather3A_157] : memref<2x32x128xf32, #tpu.memory_space<vmem>> -> memref<1x32x128xf32, #tpu.memory_space<vmem>>
        %gather3A_159 = tpu.memref_squeeze %gather3A_158 : memref<1x32x128xf32, #tpu.memory_space<vmem>> -> memref<32x128xf32, #tpu.memory_space<vmem>>
        %gather3A_160 = tpu.vector_load_idx %gather3A_159[%add3A_5, %scan3A_151] : memref<32x128xf32, #tpu.memory_space<vmem>>[vector<16xi32>, vector<16xi32>], vector<16xf32>,
        %add3A_161 = arith.constant 1 : i32
        %add3A_162 = vector.broadcast %add3A_161 : i32 to vector<16xi32>
        %add3A_163 = arith.addi %scan3A_151, %add3A_162 : vector<16xi32>
        %gather3A_164 = arith.constant 0 : i32
        %gather3A_165 = arith.constant 0 : i32
        %gather3A_166 = tpu.memref_slice %arg5[%select_n3A_93, %gather3A_164, %gather3A_165] : memref<2x32x128xf32, #tpu.memory_space<vmem>> -> memref<1x32x128xf32, #tpu.memory_space<vmem>>
        %gather3A_167 = tpu.memref_squeeze %gather3A_166 : memref<1x32x128xf32, #tpu.memory_space<vmem>> -> memref<32x128xf32, #tpu.memory_space<vmem>>
        %gather3A_168 = tpu.vector_load_idx %gather3A_167[%iota3A, %add3A_163] : memref<32x128xf32, #tpu.memory_space<vmem>>[vector<16xi32>, vector<16xi32>], vector<16xf32>,
        %gather3A_169 = arith.constant 0 : i32
        %gather3A_170 = arith.constant 0 : i32
        %gather3A_171 = tpu.memref_slice %arg5[%select_n3A_93, %gather3A_169, %gather3A_170] : memref<2x32x128xf32, #tpu.memory_space<vmem>> -> memref<1x32x128xf32, #tpu.memory_space<vmem>>
        %gather3A_172 = tpu.memref_squeeze %gather3A_171 : memref<1x32x128xf32, #tpu.memory_space<vmem>> -> memref<32x128xf32, #tpu.memory_space<vmem>>
        %gather3A_173 = tpu.vector_load_idx %gather3A_172[%add3A_5, %add3A_163] : memref<32x128xf32, #tpu.memory_space<vmem>>[vector<16xi32>, vector<16xi32>], vector<16xf32>,
        %add3A_174 = arith.constant 1 : i32
        %add3A_175 = vector.broadcast %add3A_174 : i32 to vector<16xi32>
        %add3A_176 = arith.addi %add3A_163, %add3A_175 : vector<16xi32>
        %gather3A_177 = arith.constant 0 : i32
        %gather3A_178 = arith.constant 0 : i32
        %gather3A_179 = tpu.memref_slice %arg5[%select_n3A_93, %gather3A_177, %gather3A_178] : memref<2x32x128xf32, #tpu.memory_space<vmem>> -> memref<1x32x128xf32, #tpu.memory_space<vmem>>
        %gather3A_180 = tpu.memref_squeeze %gather3A_179 : memref<1x32x128xf32, #tpu.memory_space<vmem>> -> memref<32x128xf32, #tpu.memory_space<vmem>>
        %gather3A_181 = tpu.vector_load_idx %gather3A_180[%iota3A, %add3A_176] : memref<32x128xf32, #tpu.memory_space<vmem>>[vector<16xi32>, vector<16xi32>], vector<16xf32>,
        %gather3A_182 = arith.constant 0 : i32
        %gather3A_183 = arith.constant 0 : i32
        %gather3A_184 = tpu.memref_slice %arg5[%select_n3A_93, %gather3A_182, %gather3A_183] : memref<2x32x128xf32, #tpu.memory_space<vmem>> -> memref<1x32x128xf32, #tpu.memory_space<vmem>>
        %gather3A_185 = tpu.memref_squeeze %gather3A_184 : memref<1x32x128xf32, #tpu.memory_space<vmem>> -> memref<32x128xf32, #tpu.memory_space<vmem>>
        %gather3A_186 = tpu.vector_load_idx %gather3A_185[%add3A_5, %add3A_176] : memref<32x128xf32, #tpu.memory_space<vmem>>[vector<16xi32>, vector<16xi32>], vector<16xf32>,
        %add3A_187 = arith.constant 1 : i32
        %add3A_188 = vector.broadcast %add3A_187 : i32 to vector<16xi32>
        %add3A_189 = arith.addi %add3A_176, %add3A_188 : vector<16xi32>
        %gather3A_190 = arith.constant 0 : i32
        %gather3A_191 = arith.constant 0 : i32
        %gather3A_192 = tpu.memref_slice %arg5[%select_n3A_93, %gather3A_190, %gather3A_191] : memref<2x32x128xf32, #tpu.memory_space<vmem>> -> memref<1x32x128xf32, #tpu.memory_space<vmem>>
        %gather3A_193 = tpu.memref_squeeze %gather3A_192 : memref<1x32x128xf32, #tpu.memory_space<vmem>> -> memref<32x128xf32, #tpu.memory_space<vmem>>
        %gather3A_194 = tpu.vector_load_idx %gather3A_193[%iota3A, %add3A_189] : memref<32x128xf32, #tpu.memory_space<vmem>>[vector<16xi32>, vector<16xi32>], vector<16xf32>,
        %gather3A_195 = arith.constant 0 : i32
        %gather3A_196 = arith.constant 0 : i32
        %gather3A_197 = tpu.memref_slice %arg5[%select_n3A_93, %gather3A_195, %gather3A_196] : memref<2x32x128xf32, #tpu.memory_space<vmem>> -> memref<1x32x128xf32, #tpu.memory_space<vmem>>
        %gather3A_198 = tpu.memref_squeeze %gather3A_197 : memref<1x32x128xf32, #tpu.memory_space<vmem>> -> memref<32x128xf32, #tpu.memory_space<vmem>>
        %gather3A_199 = tpu.vector_load_idx %gather3A_198[%add3A_5, %add3A_189] : memref<32x128xf32, #tpu.memory_space<vmem>>[vector<16xi32>, vector<16xi32>], vector<16xf32>,
        %add3A_200 = arith.constant 1 : i32
        %add3A_201 = vector.broadcast %add3A_200 : i32 to vector<16xi32>
        %add3A_202 = arith.addi %add3A_189, %add3A_201 : vector<16xi32>
        %gather3A_203 = arith.constant 0 : i32
        %gather3A_204 = arith.constant 0 : i32
        %gather3A_205 = tpu.memref_slice %arg5[%select_n3A_93, %gather3A_203, %gather3A_204] : memref<2x32x128xf32, #tpu.memory_space<vmem>> -> memref<1x32x128xf32, #tpu.memory_space<vmem>>
        %gather3A_206 = tpu.memref_squeeze %gather3A_205 : memref<1x32x128xf32, #tpu.memory_space<vmem>> -> memref<32x128xf32, #tpu.memory_space<vmem>>
        %gather3A_207 = tpu.vector_load_idx %gather3A_206[%iota3A, %add3A_202] : memref<32x128xf32, #tpu.memory_space<vmem>>[vector<16xi32>, vector<16xi32>], vector<16xf32>,
        %gather3A_208 = arith.constant 0 : i32
        %gather3A_209 = arith.constant 0 : i32
        %gather3A_210 = tpu.memref_slice %arg5[%select_n3A_93, %gather3A_208, %gather3A_209] : memref<2x32x128xf32, #tpu.memory_space<vmem>> -> memref<1x32x128xf32, #tpu.memory_space<vmem>>
        %gather3A_211 = tpu.memref_squeeze %gather3A_210 : memref<1x32x128xf32, #tpu.memory_space<vmem>> -> memref<32x128xf32, #tpu.memory_space<vmem>>
        %gather3A_212 = tpu.vector_load_idx %gather3A_211[%add3A_5, %add3A_202] : memref<32x128xf32, #tpu.memory_space<vmem>>[vector<16xi32>, vector<16xi32>], vector<16xf32>,
        %add3A_213 = arith.constant 1 : i32
        %add3A_214 = vector.broadcast %add3A_213 : i32 to vector<16xi32>
        %add3A_215 = arith.addi %add3A_202, %add3A_214 : vector<16xi32>
        %gather3A_216 = arith.constant 0 : i32
        %gather3A_217 = arith.constant 0 : i32
        %gather3A_218 = tpu.memref_slice %arg5[%select_n3A_93, %gather3A_216, %gather3A_217] : memref<2x32x128xf32, #tpu.memory_space<vmem>> -> memref<1x32x128xf32, #tpu.memory_space<vmem>>
        %gather3A_219 = tpu.memref_squeeze %gather3A_218 : memref<1x32x128xf32, #tpu.memory_space<vmem>> -> memref<32x128xf32, #tpu.memory_space<vmem>>
        %gather3A_220 = tpu.vector_load_idx %gather3A_219[%iota3A, %add3A_215] : memref<32x128xf32, #tpu.memory_space<vmem>>[vector<16xi32>, vector<16xi32>], vector<16xf32>,
        %gather3A_221 = arith.constant 0 : i32
        %gather3A_222 = arith.constant 0 : i32
        %gather3A_223 = tpu.memref_slice %arg5[%select_n3A_93, %gather3A_221, %gather3A_222] : memref<2x32x128xf32, #tpu.memory_space<vmem>> -> memref<1x32x128xf32, #tpu.memory_space<vmem>>
        %gather3A_224 = tpu.memref_squeeze %gather3A_223 : memref<1x32x128xf32, #tpu.memory_space<vmem>> -> memref<32x128xf32, #tpu.memory_space<vmem>>
        %gather3A_225 = tpu.vector_load_idx %gather3A_224[%add3A_5, %add3A_215] : memref<32x128xf32, #tpu.memory_space<vmem>>[vector<16xi32>, vector<16xi32>], vector<16xf32>,
        %add3A_226 = arith.constant 1 : i32
        %add3A_227 = vector.broadcast %add3A_226 : i32 to vector<16xi32>
        %add3A_228 = arith.addi %add3A_215, %add3A_227 : vector<16xi32>
        %gather3A_229 = arith.constant 0 : i32
        %gather3A_230 = arith.constant 0 : i32
        %gather3A_231 = tpu.memref_slice %arg5[%select_n3A_93, %gather3A_229, %gather3A_230] : memref<2x32x128xf32, #tpu.memory_space<vmem>> -> memref<1x32x128xf32, #tpu.memory_space<vmem>>
        %gather3A_232 = tpu.memref_squeeze %gather3A_231 : memref<1x32x128xf32, #tpu.memory_space<vmem>> -> memref<32x128xf32, #tpu.memory_space<vmem>>
        %gather3A_233 = tpu.vector_load_idx %gather3A_232[%iota3A, %add3A_228] : memref<32x128xf32, #tpu.memory_space<vmem>>[vector<16xi32>, vector<16xi32>], vector<16xf32>,
        %gather3A_234 = arith.constant 0 : i32
        %gather3A_235 = arith.constant 0 : i32
        %gather3A_236 = tpu.memref_slice %arg5[%select_n3A_93, %gather3A_234, %gather3A_235] : memref<2x32x128xf32, #tpu.memory_space<vmem>> -> memref<1x32x128xf32, #tpu.memory_space<vmem>>
        %gather3A_237 = tpu.memref_squeeze %gather3A_236 : memref<1x32x128xf32, #tpu.memory_space<vmem>> -> memref<32x128xf32, #tpu.memory_space<vmem>>
        %gather3A_238 = tpu.vector_load_idx %gather3A_237[%add3A_5, %add3A_228] : memref<32x128xf32, #tpu.memory_space<vmem>>[vector<16xi32>, vector<16xi32>], vector<16xf32>,
        %add3A_239 = arith.constant 1 : i32
        %add3A_240 = vector.broadcast %add3A_239 : i32 to vector<16xi32>
        %add3A_241 = arith.addi %add3A_228, %add3A_240 : vector<16xi32>
        %gather3A_242 = arith.constant 0 : i32
        %gather3A_243 = arith.constant 0 : i32
        %gather3A_244 = tpu.memref_slice %arg5[%select_n3A_93, %gather3A_242, %gather3A_243] : memref<2x32x128xf32, #tpu.memory_space<vmem>> -> memref<1x32x128xf32, #tpu.memory_space<vmem>>
        %gather3A_245 = tpu.memref_squeeze %gather3A_244 : memref<1x32x128xf32, #tpu.memory_space<vmem>> -> memref<32x128xf32, #tpu.memory_space<vmem>>
        %gather3A_246 = tpu.vector_load_idx %gather3A_245[%iota3A, %add3A_241] : memref<32x128xf32, #tpu.memory_space<vmem>>[vector<16xi32>, vector<16xi32>], vector<16xf32>,
        %gather3A_247 = arith.constant 0 : i32
        %gather3A_248 = arith.constant 0 : i32
        %gather3A_249 = tpu.memref_slice %arg5[%select_n3A_93, %gather3A_247, %gather3A_248] : memref<2x32x128xf32, #tpu.memory_space<vmem>> -> memref<1x32x128xf32, #tpu.memory_space<vmem>>
        %gather3A_250 = tpu.memref_squeeze %gather3A_249 : memref<1x32x128xf32, #tpu.memory_space<vmem>> -> memref<32x128xf32, #tpu.memory_space<vmem>>
        %gather3A_251 = tpu.vector_load_idx %gather3A_250[%add3A_5, %add3A_241] : memref<32x128xf32, #tpu.memory_space<vmem>>[vector<16xi32>, vector<16xi32>], vector<16xf32>,
        %add3A_252 = arith.constant 1 : i32
        %add3A_253 = vector.broadcast %add3A_252 : i32 to vector<16xi32>
        %add3A_254 = arith.addi %add3A_241, %add3A_253 : vector<16xi32>
        %gather3A_255 = arith.constant 0 : i32
        %gather3A_256 = arith.constant 0 : i32
        %gather3A_257 = tpu.memref_slice %arg5[%select_n3A_93, %gather3A_255, %gather3A_256] : memref<2x32x128xf32, #tpu.memory_space<vmem>> -> memref<1x32x128xf32, #tpu.memory_space<vmem>>
        %gather3A_258 = tpu.memref_squeeze %gather3A_257 : memref<1x32x128xf32, #tpu.memory_space<vmem>> -> memref<32x128xf32, #tpu.memory_space<vmem>>
        %gather3A_259 = tpu.vector_load_idx %gather3A_258[%iota3A, %add3A_254] : memref<32x128xf32, #tpu.memory_space<vmem>>[vector<16xi32>, vector<16xi32>], vector<16xf32>,
        %gather3A_260 = arith.constant 0 : i32
        %gather3A_261 = arith.constant 0 : i32
        %gather3A_262 = tpu.memref_slice %arg5[%select_n3A_93, %gather3A_260, %gather3A_261] : memref<2x32x128xf32, #tpu.memory_space<vmem>> -> memref<1x32x128xf32, #tpu.memory_space<vmem>>
        %gather3A_263 = tpu.memref_squeeze %gather3A_262 : memref<1x32x128xf32, #tpu.memory_space<vmem>> -> memref<32x128xf32, #tpu.memory_space<vmem>>
        %gather3A_264 = tpu.vector_load_idx %gather3A_263[%add3A_5, %add3A_254] : memref<32x128xf32, #tpu.memory_space<vmem>>[vector<16xi32>, vector<16xi32>], vector<16xf32>,
        %add3A_265 = arith.constant 1 : i32
        %add3A_266 = vector.broadcast %add3A_265 : i32 to vector<16xi32>
        %add3A_267 = arith.addi %add3A_254, %add3A_266 : vector<16xi32>
        %gather3A_268 = arith.constant 0 : i32
        %gather3A_269 = arith.constant 0 : i32
        %gather3A_270 = tpu.memref_slice %arg5[%select_n3A_93, %gather3A_268, %gather3A_269] : memref<2x32x128xf32, #tpu.memory_space<vmem>> -> memref<1x32x128xf32, #tpu.memory_space<vmem>>
        %gather3A_271 = tpu.memref_squeeze %gather3A_270 : memref<1x32x128xf32, #tpu.memory_space<vmem>> -> memref<32x128xf32, #tpu.memory_space<vmem>>
        %gather3A_272 = tpu.vector_load_idx %gather3A_271[%iota3A, %add3A_267] : memref<32x128xf32, #tpu.memory_space<vmem>>[vector<16xi32>, vector<16xi32>], vector<16xf32>,
        %gather3A_273 = arith.constant 0 : i32
        %gather3A_274 = arith.constant 0 : i32
        %gather3A_275 = tpu.memref_slice %arg5[%select_n3A_93, %gather3A_273, %gather3A_274] : memref<2x32x128xf32, #tpu.memory_space<vmem>> -> memref<1x32x128xf32, #tpu.memory_space<vmem>>
        %gather3A_276 = tpu.memref_squeeze %gather3A_275 : memref<1x32x128xf32, #tpu.memory_space<vmem>> -> memref<32x128xf32, #tpu.memory_space<vmem>>
        %gather3A_277 = tpu.vector_load_idx %gather3A_276[%add3A_5, %add3A_267] : memref<32x128xf32, #tpu.memory_space<vmem>>[vector<16xi32>, vector<16xi32>], vector<16xf32>,
        %add3A_278 = arith.constant 1 : i32
        %add3A_279 = vector.broadcast %add3A_278 : i32 to vector<16xi32>
        %add3A_280 = arith.addi %add3A_267, %add3A_279 : vector<16xi32>
        %gather3A_281 = arith.constant 0 : i32
        %gather3A_282 = arith.constant 0 : i32
        %gather3A_283 = tpu.memref_slice %arg5[%select_n3A_93, %gather3A_281, %gather3A_282] : memref<2x32x128xf32, #tpu.memory_space<vmem>> -> memref<1x32x128xf32, #tpu.memory_space<vmem>>
        %gather3A_284 = tpu.memref_squeeze %gather3A_283 : memref<1x32x128xf32, #tpu.memory_space<vmem>> -> memref<32x128xf32, #tpu.memory_space<vmem>>
        %gather3A_285 = tpu.vector_load_idx %gather3A_284[%iota3A, %add3A_280] : memref<32x128xf32, #tpu.memory_space<vmem>>[vector<16xi32>, vector<16xi32>], vector<16xf32>,
        %gather3A_286 = arith.constant 0 : i32
        %gather3A_287 = arith.constant 0 : i32
        %gather3A_288 = tpu.memref_slice %arg5[%select_n3A_93, %gather3A_286, %gather3A_287] : memref<2x32x128xf32, #tpu.memory_space<vmem>> -> memref<1x32x128xf32, #tpu.memory_space<vmem>>
        %gather3A_289 = tpu.memref_squeeze %gather3A_288 : memref<1x32x128xf32, #tpu.memory_space<vmem>> -> memref<32x128xf32, #tpu.memory_space<vmem>>
        %gather3A_290 = tpu.vector_load_idx %gather3A_289[%add3A_5, %add3A_280] : memref<32x128xf32, #tpu.memory_space<vmem>>[vector<16xi32>, vector<16xi32>], vector<16xf32>,
        %add3A_291 = arith.constant 1 : i32
        %add3A_292 = vector.broadcast %add3A_291 : i32 to vector<16xi32>
        %add3A_293 = arith.addi %add3A_280, %add3A_292 : vector<16xi32>
        %gather3A_294 = arith.constant 0 : i32
        %gather3A_295 = arith.constant 0 : i32
        %gather3A_296 = tpu.memref_slice %arg5[%select_n3A_93, %gather3A_294, %gather3A_295] : memref<2x32x128xf32, #tpu.memory_space<vmem>> -> memref<1x32x128xf32, #tpu.memory_space<vmem>>
        %gather3A_297 = tpu.memref_squeeze %gather3A_296 : memref<1x32x128xf32, #tpu.memory_space<vmem>> -> memref<32x128xf32, #tpu.memory_space<vmem>>
        %gather3A_298 = tpu.vector_load_idx %gather3A_297[%iota3A, %add3A_293] : memref<32x128xf32, #tpu.memory_space<vmem>>[vector<16xi32>, vector<16xi32>], vector<16xf32>,
        %gather3A_299 = arith.constant 0 : i32
        %gather3A_300 = arith.constant 0 : i32
        %gather3A_301 = tpu.memref_slice %arg5[%select_n3A_93, %gather3A_299, %gather3A_300] : memref<2x32x128xf32, #tpu.memory_space<vmem>> -> memref<1x32x128xf32, #tpu.memory_space<vmem>>
        %gather3A_302 = tpu.memref_squeeze %gather3A_301 : memref<1x32x128xf32, #tpu.memory_space<vmem>> -> memref<32x128xf32, #tpu.memory_space<vmem>>
        %gather3A_303 = tpu.vector_load_idx %gather3A_302[%add3A_5, %add3A_293] : memref<32x128xf32, #tpu.memory_space<vmem>>[vector<16xi32>, vector<16xi32>], vector<16xf32>,
        %add3A_304 = arith.constant 1 : i32
        %add3A_305 = vector.broadcast %add3A_304 : i32 to vector<16xi32>
        %add3A_306 = arith.addi %add3A_293, %add3A_305 : vector<16xi32>
        %gather3A_307 = arith.constant 0 : i32
        %gather3A_308 = arith.constant 0 : i32
        %gather3A_309 = tpu.memref_slice %arg5[%select_n3A_93, %gather3A_307, %gather3A_308] : memref<2x32x128xf32, #tpu.memory_space<vmem>> -> memref<1x32x128xf32, #tpu.memory_space<vmem>>
        %gather3A_310 = tpu.memref_squeeze %gather3A_309 : memref<1x32x128xf32, #tpu.memory_space<vmem>> -> memref<32x128xf32, #tpu.memory_space<vmem>>
        %gather3A_311 = tpu.vector_load_idx %gather3A_310[%iota3A, %add3A_306] : memref<32x128xf32, #tpu.memory_space<vmem>>[vector<16xi32>, vector<16xi32>], vector<16xf32>,
        %gather3A_312 = arith.constant 0 : i32
        %gather3A_313 = arith.constant 0 : i32
        %gather3A_314 = tpu.memref_slice %arg5[%select_n3A_93, %gather3A_312, %gather3A_313] : memref<2x32x128xf32, #tpu.memory_space<vmem>> -> memref<1x32x128xf32, #tpu.memory_space<vmem>>
        %gather3A_315 = tpu.memref_squeeze %gather3A_314 : memref<1x32x128xf32, #tpu.memory_space<vmem>> -> memref<32x128xf32, #tpu.memory_space<vmem>>
        %gather3A_316 = tpu.vector_load_idx %gather3A_315[%add3A_5, %add3A_306] : memref<32x128xf32, #tpu.memory_space<vmem>>[vector<16xi32>, vector<16xi32>], vector<16xf32>,
        %add3A_317 = arith.constant 1 : i32
        %add3A_318 = vector.broadcast %add3A_317 : i32 to vector<16xi32>
        %add3A_319 = arith.addi %add3A_306, %add3A_318 : vector<16xi32>
        %gather3A_320 = arith.constant 0 : i32
        %gather3A_321 = arith.constant 0 : i32
        %gather3A_322 = tpu.memref_slice %arg5[%select_n3A_93, %gather3A_320, %gather3A_321] : memref<2x32x128xf32, #tpu.memory_space<vmem>> -> memref<1x32x128xf32, #tpu.memory_space<vmem>>
        %gather3A_323 = tpu.memref_squeeze %gather3A_322 : memref<1x32x128xf32, #tpu.memory_space<vmem>> -> memref<32x128xf32, #tpu.memory_space<vmem>>
        %gather3A_324 = tpu.vector_load_idx %gather3A_323[%iota3A, %add3A_319] : memref<32x128xf32, #tpu.memory_space<vmem>>[vector<16xi32>, vector<16xi32>], vector<16xf32>,
        %gather3A_325 = arith.constant 0 : i32
        %gather3A_326 = arith.constant 0 : i32
        %gather3A_327 = tpu.memref_slice %arg5[%select_n3A_93, %gather3A_325, %gather3A_326] : memref<2x32x128xf32, #tpu.memory_space<vmem>> -> memref<1x32x128xf32, #tpu.memory_space<vmem>>
        %gather3A_328 = tpu.memref_squeeze %gather3A_327 : memref<1x32x128xf32, #tpu.memory_space<vmem>> -> memref<32x128xf32, #tpu.memory_space<vmem>>
        %gather3A_329 = tpu.vector_load_idx %gather3A_328[%add3A_5, %add3A_319] : memref<32x128xf32, #tpu.memory_space<vmem>>[vector<16xi32>, vector<16xi32>], vector<16xf32>,
        %add3A_330 = arith.constant 1 : i32
        %add3A_331 = vector.broadcast %add3A_330 : i32 to vector<16xi32>
        %add3A_332 = arith.addi %add3A_319, %add3A_331 : vector<16xi32>
        %gather3A_333 = arith.constant 0 : i32
        %gather3A_334 = arith.constant 0 : i32
        %gather3A_335 = tpu.memref_slice %arg5[%select_n3A_93, %gather3A_333, %gather3A_334] : memref<2x32x128xf32, #tpu.memory_space<vmem>> -> memref<1x32x128xf32, #tpu.memory_space<vmem>>
        %gather3A_336 = tpu.memref_squeeze %gather3A_335 : memref<1x32x128xf32, #tpu.memory_space<vmem>> -> memref<32x128xf32, #tpu.memory_space<vmem>>
        %gather3A_337 = tpu.vector_load_idx %gather3A_336[%iota3A, %add3A_332] : memref<32x128xf32, #tpu.memory_space<vmem>>[vector<16xi32>, vector<16xi32>], vector<16xf32>,
        %gather3A_338 = arith.constant 0 : i32
        %gather3A_339 = arith.constant 0 : i32
        %gather3A_340 = tpu.memref_slice %arg5[%select_n3A_93, %gather3A_338, %gather3A_339] : memref<2x32x128xf32, #tpu.memory_space<vmem>> -> memref<1x32x128xf32, #tpu.memory_space<vmem>>
        %gather3A_341 = tpu.memref_squeeze %gather3A_340 : memref<1x32x128xf32, #tpu.memory_space<vmem>> -> memref<32x128xf32, #tpu.memory_space<vmem>>
        %gather3A_342 = tpu.vector_load_idx %gather3A_341[%add3A_5, %add3A_332] : memref<32x128xf32, #tpu.memory_space<vmem>>[vector<16xi32>, vector<16xi32>], vector<16xf32>,
        %add3A_343 = arith.constant 1 : i32
        %add3A_344 = vector.broadcast %add3A_343 : i32 to vector<16xi32>
        %add3A_345 = arith.addi %add3A_332, %add3A_344 : vector<16xi32>
        %gather3A_346 = arith.constant 0 : i32
        %gather3A_347 = arith.constant 0 : i32
        %gather3A_348 = tpu.memref_slice %arg5[%select_n3A_93, %gather3A_346, %gather3A_347] : memref<2x32x128xf32, #tpu.memory_space<vmem>> -> memref<1x32x128xf32, #tpu.memory_space<vmem>>
        %gather3A_349 = tpu.memref_squeeze %gather3A_348 : memref<1x32x128xf32, #tpu.memory_space<vmem>> -> memref<32x128xf32, #tpu.memory_space<vmem>>
        %gather3A_350 = tpu.vector_load_idx %gather3A_349[%iota3A, %add3A_345] : memref<32x128xf32, #tpu.memory_space<vmem>>[vector<16xi32>, vector<16xi32>], vector<16xf32>,
        %gather3A_351 = arith.constant 0 : i32
        %gather3A_352 = arith.constant 0 : i32
        %gather3A_353 = tpu.memref_slice %arg5[%select_n3A_93, %gather3A_351, %gather3A_352] : memref<2x32x128xf32, #tpu.memory_space<vmem>> -> memref<1x32x128xf32, #tpu.memory_space<vmem>>
        %gather3A_354 = tpu.memref_squeeze %gather3A_353 : memref<1x32x128xf32, #tpu.memory_space<vmem>> -> memref<32x128xf32, #tpu.memory_space<vmem>>
        %gather3A_355 = tpu.vector_load_idx %gather3A_354[%add3A_5, %add3A_345] : memref<32x128xf32, #tpu.memory_space<vmem>>[vector<16xi32>, vector<16xi32>], vector<16xf32>,
        %add3A_356 = arith.constant 1 : i32
        %add3A_357 = vector.broadcast %add3A_356 : i32 to vector<16xi32>
        %add3A_358 = arith.addi %add3A_345, %add3A_357 : vector<16xi32>
        %mul3A_359 = arith.constant 4 : i32
        %mul3A_360 = arith.muli %scan3A_150, %mul3A_359 : i32
        %add3A_361 = arith.constant 0 : i32
        %add3A_362 = arith.addi %mul3A_360, %add3A_361 : i32
        %swap3A = arith.index_cast %select_n3A_93 : i32 to index
        %swap3A_363 = arith.index_cast %add3A_362 : i32 to index
        %swap3A_364 = arith.constant 0 : index
        %swap3A_365 = tpu.vector_load %arg6[%swap3A, %swap3A_363, %swap3A_364] {strides = array<i32>} : memref<2x32x128xf32, #tpu.memory_space<vmem>>, vector<16xf32>,
        tpu.vector_store %arg6[%swap3A, %swap3A_363, %swap3A_364], %gather3A_155 {strides = array<i32>} : memref<2x32x128xf32, #tpu.memory_space<vmem>>, vector<16xf32>,
        %swap3A_366 = arith.index_cast %select_n3A_93 : i32 to index
        %swap3A_367 = arith.index_cast %add3A_362 : i32 to index
        %swap3A_368 = arith.constant 16 : index
        %swap3A_369 = tpu.vector_load %arg6[%swap3A_366, %swap3A_367, %swap3A_368] {strides = array<i32>} : memref<2x32x128xf32, #tpu.memory_space<vmem>>, vector<16xf32>,
        tpu.vector_store %arg6[%swap3A_366, %swap3A_367, %swap3A_368], %gather3A_160 {strides = array<i32>} : memref<2x32x128xf32, #tpu.memory_space<vmem>>, vector<16xf32>,
        %mul3A_370 = arith.constant 4 : i32
        %mul3A_371 = arith.muli %scan3A_150, %mul3A_370 : i32
        %add3A_372 = arith.constant 0 : i32
        %add3A_373 = arith.addi %mul3A_371, %add3A_372 : i32
        %swap3A_374 = arith.index_cast %select_n3A_93 : i32 to index
        %swap3A_375 = arith.index_cast %add3A_373 : i32 to index
        %swap3A_376 = arith.constant 32 : index
        %swap3A_377 = tpu.vector_load %arg6[%swap3A_374, %swap3A_375, %swap3A_376] {strides = array<i32>} : memref<2x32x128xf32, #tpu.memory_space<vmem>>, vector<16xf32>,
        tpu.vector_store %arg6[%swap3A_374, %swap3A_375, %swap3A_376], %gather3A_168 {strides = array<i32>} : memref<2x32x128xf32, #tpu.memory_space<vmem>>, vector<16xf32>,
        %swap3A_378 = arith.index_cast %select_n3A_93 : i32 to index
        %swap3A_379 = arith.index_cast %add3A_373 : i32 to index
        %swap3A_380 = arith.constant 48 : index
        %swap3A_381 = tpu.vector_load %arg6[%swap3A_378, %swap3A_379, %swap3A_380] {strides = array<i32>} : memref<2x32x128xf32, #tpu.memory_space<vmem>>, vector<16xf32>,
        tpu.vector_store %arg6[%swap3A_378, %swap3A_379, %swap3A_380], %gather3A_173 {strides = array<i32>} : memref<2x32x128xf32, #tpu.memory_space<vmem>>, vector<16xf32>,
        %mul3A_382 = arith.constant 4 : i32
        %mul3A_383 = arith.muli %scan3A_150, %mul3A_382 : i32
        %add3A_384 = arith.constant 0 : i32
        %add3A_385 = arith.addi %mul3A_383, %add3A_384 : i32
        %swap3A_386 = arith.index_cast %select_n3A_93 : i32 to index
        %swap3A_387 = arith.index_cast %add3A_385 : i32 to index
        %swap3A_388 = arith.constant 64 : index
        %swap3A_389 = tpu.vector_load %arg6[%swap3A_386, %swap3A_387, %swap3A_388] {strides = array<i32>} : memref<2x32x128xf32, #tpu.memory_space<vmem>>, vector<16xf32>,
        tpu.vector_store %arg6[%swap3A_386, %swap3A_387, %swap3A_388], %gather3A_181 {strides = array<i32>} : memref<2x32x128xf32, #tpu.memory_space<vmem>>, vector<16xf32>,
        %swap3A_390 = arith.index_cast %select_n3A_93 : i32 to index
        %swap3A_391 = arith.index_cast %add3A_385 : i32 to index
        %swap3A_392 = arith.constant 80 : index
        %swap3A_393 = tpu.vector_load %arg6[%swap3A_390, %swap3A_391, %swap3A_392] {strides = array<i32>} : memref<2x32x128xf32, #tpu.memory_space<vmem>>, vector<16xf32>,
        tpu.vector_store %arg6[%swap3A_390, %swap3A_391, %swap3A_392], %gather3A_186 {strides = array<i32>} : memref<2x32x128xf32, #tpu.memory_space<vmem>>, vector<16xf32>,
        %mul3A_394 = arith.constant 4 : i32
        %mul3A_395 = arith.muli %scan3A_150, %mul3A_394 : i32
        %add3A_396 = arith.constant 0 : i32
        %add3A_397 = arith.addi %mul3A_395, %add3A_396 : i32
        %swap3A_398 = arith.index_cast %select_n3A_93 : i32 to index
        %swap3A_399 = arith.index_cast %add3A_397 : i32 to index
        %swap3A_400 = arith.constant 96 : index
        %swap3A_401 = tpu.vector_load %arg6[%swap3A_398, %swap3A_399, %swap3A_400] {strides = array<i32>} : memref<2x32x128xf32, #tpu.memory_space<vmem>>, vector<16xf32>,
        tpu.vector_store %arg6[%swap3A_398, %swap3A_399, %swap3A_400], %gather3A_194 {strides = array<i32>} : memref<2x32x128xf32, #tpu.memory_space<vmem>>, vector<16xf32>,
        %swap3A_402 = arith.index_cast %select_n3A_93 : i32 to index
        %swap3A_403 = arith.index_cast %add3A_397 : i32 to index
        %swap3A_404 = arith.constant 112 : index
        %swap3A_405 = tpu.vector_load %arg6[%swap3A_402, %swap3A_403, %swap3A_404] {strides = array<i32>} : memref<2x32x128xf32, #tpu.memory_space<vmem>>, vector<16xf32>,
        tpu.vector_store %arg6[%swap3A_402, %swap3A_403, %swap3A_404], %gather3A_199 {strides = array<i32>} : memref<2x32x128xf32, #tpu.memory_space<vmem>>, vector<16xf32>,
        %mul3A_406 = arith.constant 4 : i32
        %mul3A_407 = arith.muli %scan3A_150, %mul3A_406 : i32
        %add3A_408 = arith.constant 1 : i32
        %add3A_409 = arith.addi %mul3A_407, %add3A_408 : i32
        %swap3A_410 = arith.index_cast %select_n3A_93 : i32 to index
        %swap3A_411 = arith.index_cast %add3A_409 : i32 to index
        %swap3A_412 = arith.constant 0 : index
        %swap3A_413 = tpu.vector_load %arg6[%swap3A_410, %swap3A_411, %swap3A_412] {strides = array<i32>} : memref<2x32x128xf32, #tpu.memory_space<vmem>>, vector<16xf32>,
        tpu.vector_store %arg6[%swap3A_410, %swap3A_411, %swap3A_412], %gather3A_207 {strides = array<i32>} : memref<2x32x128xf32, #tpu.memory_space<vmem>>, vector<16xf32>,
        %swap3A_414 = arith.index_cast %select_n3A_93 : i32 to index
        %swap3A_415 = arith.index_cast %add3A_409 : i32 to index
        %swap3A_416 = arith.constant 16 : index
        %swap3A_417 = tpu.vector_load %arg6[%swap3A_414, %swap3A_415, %swap3A_416] {strides = array<i32>} : memref<2x32x128xf32, #tpu.memory_space<vmem>>, vector<16xf32>,
        tpu.vector_store %arg6[%swap3A_414, %swap3A_415, %swap3A_416], %gather3A_212 {strides = array<i32>} : memref<2x32x128xf32, #tpu.memory_space<vmem>>, vector<16xf32>,
        %mul3A_418 = arith.constant 4 : i32
        %mul3A_419 = arith.muli %scan3A_150, %mul3A_418 : i32
        %add3A_420 = arith.constant 1 : i32
        %add3A_421 = arith.addi %mul3A_419, %add3A_420 : i32
        %swap3A_422 = arith.index_cast %select_n3A_93 : i32 to index
        %swap3A_423 = arith.index_cast %add3A_421 : i32 to index
        %swap3A_424 = arith.constant 32 : index
        %swap3A_425 = tpu.vector_load %arg6[%swap3A_422, %swap3A_423, %swap3A_424] {strides = array<i32>} : memref<2x32x128xf32, #tpu.memory_space<vmem>>, vector<16xf32>,
        tpu.vector_store %arg6[%swap3A_422, %swap3A_423, %swap3A_424], %gather3A_220 {strides = array<i32>} : memref<2x32x128xf32, #tpu.memory_space<vmem>>, vector<16xf32>,
        %swap3A_426 = arith.index_cast %select_n3A_93 : i32 to index
        %swap3A_427 = arith.index_cast %add3A_421 : i32 to index
        %swap3A_428 = arith.constant 48 : index
        %swap3A_429 = tpu.vector_load %arg6[%swap3A_426, %swap3A_427, %swap3A_428] {strides = array<i32>} : memref<2x32x128xf32, #tpu.memory_space<vmem>>, vector<16xf32>,
        tpu.vector_store %arg6[%swap3A_426, %swap3A_427, %swap3A_428], %gather3A_225 {strides = array<i32>} : memref<2x32x128xf32, #tpu.memory_space<vmem>>, vector<16xf32>,
        %mul3A_430 = arith.constant 4 : i32
        %mul3A_431 = arith.muli %scan3A_150, %mul3A_430 : i32
        %add3A_432 = arith.constant 1 : i32
        %add3A_433 = arith.addi %mul3A_431, %add3A_432 : i32
        %swap3A_434 = arith.index_cast %select_n3A_93 : i32 to index
        %swap3A_435 = arith.index_cast %add3A_433 : i32 to index
        %swap3A_436 = arith.constant 64 : index
        %swap3A_437 = tpu.vector_load %arg6[%swap3A_434, %swap3A_435, %swap3A_436] {strides = array<i32>} : memref<2x32x128xf32, #tpu.memory_space<vmem>>, vector<16xf32>,
        tpu.vector_store %arg6[%swap3A_434, %swap3A_435, %swap3A_436], %gather3A_233 {strides = array<i32>} : memref<2x32x128xf32, #tpu.memory_space<vmem>>, vector<16xf32>,
        %swap3A_438 = arith.index_cast %select_n3A_93 : i32 to index
        %swap3A_439 = arith.index_cast %add3A_433 : i32 to index
        %swap3A_440 = arith.constant 80 : index
        %swap3A_441 = tpu.vector_load %arg6[%swap3A_438, %swap3A_439, %swap3A_440] {strides = array<i32>} : memref<2x32x128xf32, #tpu.memory_space<vmem>>, vector<16xf32>,
        tpu.vector_store %arg6[%swap3A_438, %swap3A_439, %swap3A_440], %gather3A_238 {strides = array<i32>} : memref<2x32x128xf32, #tpu.memory_space<vmem>>, vector<16xf32>,
        %mul3A_442 = arith.constant 4 : i32
        %mul3A_443 = arith.muli %scan3A_150, %mul3A_442 : i32
        %add3A_444 = arith.constant 1 : i32
        %add3A_445 = arith.addi %mul3A_443, %add3A_444 : i32
        %swap3A_446 = arith.index_cast %select_n3A_93 : i32 to index
        %swap3A_447 = arith.index_cast %add3A_445 : i32 to index
        %swap3A_448 = arith.constant 96 : index
        %swap3A_449 = tpu.vector_load %arg6[%swap3A_446, %swap3A_447, %swap3A_448] {strides = array<i32>} : memref<2x32x128xf32, #tpu.memory_space<vmem>>, vector<16xf32>,
        tpu.vector_store %arg6[%swap3A_446, %swap3A_447, %swap3A_448], %gather3A_246 {strides = array<i32>} : memref<2x32x128xf32, #tpu.memory_space<vmem>>, vector<16xf32>,
        %swap3A_450 = arith.index_cast %select_n3A_93 : i32 to index
        %swap3A_451 = arith.index_cast %add3A_445 : i32 to index
        %swap3A_452 = arith.constant 112 : index
        %swap3A_453 = tpu.vector_load %arg6[%swap3A_450, %swap3A_451, %swap3A_452] {strides = array<i32>} : memref<2x32x128xf32, #tpu.memory_space<vmem>>, vector<16xf32>,
        tpu.vector_store %arg6[%swap3A_450, %swap3A_451, %swap3A_452], %gather3A_251 {strides = array<i32>} : memref<2x32x128xf32, #tpu.memory_space<vmem>>, vector<16xf32>,
        %mul3A_454 = arith.constant 4 : i32
        %mul3A_455 = arith.muli %scan3A_150, %mul3A_454 : i32
        %add3A_456 = arith.constant 2 : i32
        %add3A_457 = arith.addi %mul3A_455, %add3A_456 : i32
        %swap3A_458 = arith.index_cast %select_n3A_93 : i32 to index
        %swap3A_459 = arith.index_cast %add3A_457 : i32 to index
        %swap3A_460 = arith.constant 0 : index
        %swap3A_461 = tpu.vector_load %arg6[%swap3A_458, %swap3A_459, %swap3A_460] {strides = array<i32>} : memref<2x32x128xf32, #tpu.memory_space<vmem>>, vector<16xf32>,
        tpu.vector_store %arg6[%swap3A_458, %swap3A_459, %swap3A_460], %gather3A_259 {strides = array<i32>} : memref<2x32x128xf32, #tpu.memory_space<vmem>>, vector<16xf32>,
        %swap3A_462 = arith.index_cast %select_n3A_93 : i32 to index
        %swap3A_463 = arith.index_cast %add3A_457 : i32 to index
        %swap3A_464 = arith.constant 16 : index
        %swap3A_465 = tpu.vector_load %arg6[%swap3A_462, %swap3A_463, %swap3A_464] {strides = array<i32>} : memref<2x32x128xf32, #tpu.memory_space<vmem>>, vector<16xf32>,
        tpu.vector_store %arg6[%swap3A_462, %swap3A_463, %swap3A_464], %gather3A_264 {strides = array<i32>} : memref<2x32x128xf32, #tpu.memory_space<vmem>>, vector<16xf32>,
        %mul3A_466 = arith.constant 4 : i32
        %mul3A_467 = arith.muli %scan3A_150, %mul3A_466 : i32
        %add3A_468 = arith.constant 2 : i32
        %add3A_469 = arith.addi %mul3A_467, %add3A_468 : i32
        %swap3A_470 = arith.index_cast %select_n3A_93 : i32 to index
        %swap3A_471 = arith.index_cast %add3A_469 : i32 to index
        %swap3A_472 = arith.constant 32 : index
        %swap3A_473 = tpu.vector_load %arg6[%swap3A_470, %swap3A_471, %swap3A_472] {strides = array<i32>} : memref<2x32x128xf32, #tpu.memory_space<vmem>>, vector<16xf32>,
        tpu.vector_store %arg6[%swap3A_470, %swap3A_471, %swap3A_472], %gather3A_272 {strides = array<i32>} : memref<2x32x128xf32, #tpu.memory_space<vmem>>, vector<16xf32>,
        %swap3A_474 = arith.index_cast %select_n3A_93 : i32 to index
        %swap3A_475 = arith.index_cast %add3A_469 : i32 to index
        %swap3A_476 = arith.constant 48 : index
        %swap3A_477 = tpu.vector_load %arg6[%swap3A_474, %swap3A_475, %swap3A_476] {strides = array<i32>} : memref<2x32x128xf32, #tpu.memory_space<vmem>>, vector<16xf32>,
        tpu.vector_store %arg6[%swap3A_474, %swap3A_475, %swap3A_476], %gather3A_277 {strides = array<i32>} : memref<2x32x128xf32, #tpu.memory_space<vmem>>, vector<16xf32>,
        %mul3A_478 = arith.constant 4 : i32
        %mul3A_479 = arith.muli %scan3A_150, %mul3A_478 : i32
        %add3A_480 = arith.constant 2 : i32
        %add3A_481 = arith.addi %mul3A_479, %add3A_480 : i32
        %swap3A_482 = arith.index_cast %select_n3A_93 : i32 to index
        %swap3A_483 = arith.index_cast %add3A_481 : i32 to index
        %swap3A_484 = arith.constant 64 : index
        %swap3A_485 = tpu.vector_load %arg6[%swap3A_482, %swap3A_483, %swap3A_484] {strides = array<i32>} : memref<2x32x128xf32, #tpu.memory_space<vmem>>, vector<16xf32>,
        tpu.vector_store %arg6[%swap3A_482, %swap3A_483, %swap3A_484], %gather3A_285 {strides = array<i32>} : memref<2x32x128xf32, #tpu.memory_space<vmem>>, vector<16xf32>,
        %swap3A_486 = arith.index_cast %select_n3A_93 : i32 to index
        %swap3A_487 = arith.index_cast %add3A_481 : i32 to index
        %swap3A_488 = arith.constant 80 : index
        %swap3A_489 = tpu.vector_load %arg6[%swap3A_486, %swap3A_487, %swap3A_488] {strides = array<i32>} : memref<2x32x128xf32, #tpu.memory_space<vmem>>, vector<16xf32>,
        tpu.vector_store %arg6[%swap3A_486, %swap3A_487, %swap3A_488], %gather3A_290 {strides = array<i32>} : memref<2x32x128xf32, #tpu.memory_space<vmem>>, vector<16xf32>,
        %mul3A_490 = arith.constant 4 : i32
        %mul3A_491 = arith.muli %scan3A_150, %mul3A_490 : i32
        %add3A_492 = arith.constant 2 : i32
        %add3A_493 = arith.addi %mul3A_491, %add3A_492 : i32
        %swap3A_494 = arith.index_cast %select_n3A_93 : i32 to index
        %swap3A_495 = arith.index_cast %add3A_493 : i32 to index
        %swap3A_496 = arith.constant 96 : index
        %swap3A_497 = tpu.vector_load %arg6[%swap3A_494, %swap3A_495, %swap3A_496] {strides = array<i32>} : memref<2x32x128xf32, #tpu.memory_space<vmem>>, vector<16xf32>,
        tpu.vector_store %arg6[%swap3A_494, %swap3A_495, %swap3A_496], %gather3A_298 {strides = array<i32>} : memref<2x32x128xf32, #tpu.memory_space<vmem>>, vector<16xf32>,
        %swap3A_498 = arith.index_cast %select_n3A_93 : i32 to index
        %swap3A_499 = arith.index_cast %add3A_493 : i32 to index
        %swap3A_500 = arith.constant 112 : index
        %swap3A_501 = tpu.vector_load %arg6[%swap3A_498, %swap3A_499, %swap3A_500] {strides = array<i32>} : memref<2x32x128xf32, #tpu.memory_space<vmem>>, vector<16xf32>,
        tpu.vector_store %arg6[%swap3A_498, %swap3A_499, %swap3A_500], %gather3A_303 {strides = array<i32>} : memref<2x32x128xf32, #tpu.memory_space<vmem>>, vector<16xf32>,
        %mul3A_502 = arith.constant 4 : i32
        %mul3A_503 = arith.muli %scan3A_150, %mul3A_502 : i32
        %add3A_504 = arith.constant 3 : i32
        %add3A_505 = arith.addi %mul3A_503, %add3A_504 : i32
        %swap3A_506 = arith.index_cast %select_n3A_93 : i32 to index
        %swap3A_507 = arith.index_cast %add3A_505 : i32 to index
        %swap3A_508 = arith.constant 0 : index
        %swap3A_509 = tpu.vector_load %arg6[%swap3A_506, %swap3A_507, %swap3A_508] {strides = array<i32>} : memref<2x32x128xf32, #tpu.memory_space<vmem>>, vector<16xf32>,
        tpu.vector_store %arg6[%swap3A_506, %swap3A_507, %swap3A_508], %gather3A_311 {strides = array<i32>} : memref<2x32x128xf32, #tpu.memory_space<vmem>>, vector<16xf32>,
        %swap3A_510 = arith.index_cast %select_n3A_93 : i32 to index
        %swap3A_511 = arith.index_cast %add3A_505 : i32 to index
        %swap3A_512 = arith.constant 16 : index
        %swap3A_513 = tpu.vector_load %arg6[%swap3A_510, %swap3A_511, %swap3A_512] {strides = array<i32>} : memref<2x32x128xf32, #tpu.memory_space<vmem>>, vector<16xf32>,
        tpu.vector_store %arg6[%swap3A_510, %swap3A_511, %swap3A_512], %gather3A_316 {strides = array<i32>} : memref<2x32x128xf32, #tpu.memory_space<vmem>>, vector<16xf32>,
        %mul3A_514 = arith.constant 4 : i32
        %mul3A_515 = arith.muli %scan3A_150, %mul3A_514 : i32
        %add3A_516 = arith.constant 3 : i32
        %add3A_517 = arith.addi %mul3A_515, %add3A_516 : i32
        %swap3A_518 = arith.index_cast %select_n3A_93 : i32 to index
        %swap3A_519 = arith.index_cast %add3A_517 : i32 to index
        %swap3A_520 = arith.constant 32 : index
        %swap3A_521 = tpu.vector_load %arg6[%swap3A_518, %swap3A_519, %swap3A_520] {strides = array<i32>} : memref<2x32x128xf32, #tpu.memory_space<vmem>>, vector<16xf32>,
        tpu.vector_store %arg6[%swap3A_518, %swap3A_519, %swap3A_520], %gather3A_324 {strides = array<i32>} : memref<2x32x128xf32, #tpu.memory_space<vmem>>, vector<16xf32>,
        %swap3A_522 = arith.index_cast %select_n3A_93 : i32 to index
        %swap3A_523 = arith.index_cast %add3A_517 : i32 to index
        %swap3A_524 = arith.constant 48 : index
        %swap3A_525 = tpu.vector_load %arg6[%swap3A_522, %swap3A_523, %swap3A_524] {strides = array<i32>} : memref<2x32x128xf32, #tpu.memory_space<vmem>>, vector<16xf32>,
        tpu.vector_store %arg6[%swap3A_522, %swap3A_523, %swap3A_524], %gather3A_329 {strides = array<i32>} : memref<2x32x128xf32, #tpu.memory_space<vmem>>, vector<16xf32>,
        %mul3A_526 = arith.constant 4 : i32
        %mul3A_527 = arith.muli %scan3A_150, %mul3A_526 : i32
        %add3A_528 = arith.constant 3 : i32
        %add3A_529 = arith.addi %mul3A_527, %add3A_528 : i32
        %swap3A_530 = arith.index_cast %select_n3A_93 : i32 to index
        %swap3A_531 = arith.index_cast %add3A_529 : i32 to index
        %swap3A_532 = arith.constant 64 : index
        %swap3A_533 = tpu.vector_load %arg6[%swap3A_530, %swap3A_531, %swap3A_532] {strides = array<i32>} : memref<2x32x128xf32, #tpu.memory_space<vmem>>, vector<16xf32>,
        tpu.vector_store %arg6[%swap3A_530, %swap3A_531, %swap3A_532], %gather3A_337 {strides = array<i32>} : memref<2x32x128xf32, #tpu.memory_space<vmem>>, vector<16xf32>,
        %swap3A_534 = arith.index_cast %select_n3A_93 : i32 to index
        %swap3A_535 = arith.index_cast %add3A_529 : i32 to index
        %swap3A_536 = arith.constant 80 : index
        %swap3A_537 = tpu.vector_load %arg6[%swap3A_534, %swap3A_535, %swap3A_536] {strides = array<i32>} : memref<2x32x128xf32, #tpu.memory_space<vmem>>, vector<16xf32>,
        tpu.vector_store %arg6[%swap3A_534, %swap3A_535, %swap3A_536], %gather3A_342 {strides = array<i32>} : memref<2x32x128xf32, #tpu.memory_space<vmem>>, vector<16xf32>,
        %mul3A_538 = arith.constant 4 : i32
        %mul3A_539 = arith.muli %scan3A_150, %mul3A_538 : i32
        %add3A_540 = arith.constant 3 : i32
        %add3A_541 = arith.addi %mul3A_539, %add3A_540 : i32
        %swap3A_542 = arith.index_cast %select_n3A_93 : i32 to index
        %swap3A_543 = arith.index_cast %add3A_541 : i32 to index
        %swap3A_544 = arith.constant 96 : index
        %swap3A_545 = tpu.vector_load %arg6[%swap3A_542, %swap3A_543, %swap3A_544] {strides = array<i32>} : memref<2x32x128xf32, #tpu.memory_space<vmem>>, vector<16xf32>,
        tpu.vector_store %arg6[%swap3A_542, %swap3A_543, %swap3A_544], %gather3A_350 {strides = array<i32>} : memref<2x32x128xf32, #tpu.memory_space<vmem>>, vector<16xf32>,
        %swap3A_546 = arith.index_cast %select_n3A_93 : i32 to index
        %swap3A_547 = arith.index_cast %add3A_541 : i32 to index
        %swap3A_548 = arith.constant 112 : index
        %swap3A_549 = tpu.vector_load %arg6[%swap3A_546, %swap3A_547, %swap3A_548] {strides = array<i32>} : memref<2x32x128xf32, #tpu.memory_space<vmem>>, vector<16xf32>,
        tpu.vector_store %arg6[%swap3A_546, %swap3A_547, %swap3A_548], %gather3A_355 {strides = array<i32>} : memref<2x32x128xf32, #tpu.memory_space<vmem>>, vector<16xf32>,
        scf.yield %add3A_358 : vector<16xi32>
      }
      %scan3A_129 = arith.constant 8 : i32
      %mul3A_130 = arith.constant 32 : i32
      %mul3A_131 = arith.muli %while3A_76, %mul3A_130 : i32
      %add3A_132 = arith.addi %add3A, %mul3A_131 : i32
      %mul3A_133 = arith.constant 32 : i32
      %mul3A_134 = arith.muli %add3A_132, %mul3A_133 : i32
      %dma_start3A_135 = arith.constant 0 : i32
      %dma_start3A_136 = arith.constant 0 : i32
      %dma_start3A_137 = tpu.memref_slice %arg6[%select_n3A_93, %dma_start3A_135, %dma_start3A_136] : memref<2x32x128xf32, #tpu.memory_space<vmem>> -> memref<1x32x128xf32, #tpu.memory_space<vmem>>
      %dma_start3A_138 = tpu.memref_squeeze %dma_start3A_137 : memref<1x32x128xf32, #tpu.memory_space<vmem>> -> memref<32x128xf32, #tpu.memory_space<vmem>>
      %dma_start3A_139 = arith.constant 0 : i32
      %dma_start3A_140 = tpu.memref_slice %arg4[%mul3A_134, %dma_start3A_139] : memref<250000x128xf32, #tpu.memory_space<hbm>> -> memref<32x128xf32, #tpu.memory_space<hbm>>
      %dma_start3A_141 = tpu.memref_slice %arg8[%select_n3A_93] : memref<2x!tpu.dma_semaphore, #tpu.memory_space<semaphore_mem>> -> memref<1x!tpu.dma_semaphore, #tpu.memory_space<semaphore_mem>>
      %dma_start3A_142 = tpu.memref_squeeze %dma_start3A_141 : memref<1x!tpu.dma_semaphore, #tpu.memory_space<semaphore_mem>> -> memref<!tpu.dma_semaphore, #tpu.memory_space<semaphore_mem>>
      %dma_start3A_143 = arith.constant 0 : i32
      %dma_start3A_144 = tpu.memref_slice %arg4[%mul3A_134, %dma_start3A_143] : memref<250000x128xf32, #tpu.memory_space<hbm>> -> memref<32x128xf32, #tpu.memory_space<hbm>>
      %dma_start3A_145 = arith.constant 0 : i32
      %dma_start3A_146 = arith.constant 0 : i32
      %dma_start3A_147 = tpu.memref_slice %arg6[%select_n3A_93, %dma_start3A_145, %dma_start3A_146] : memref<2x32x128xf32, #tpu.memory_space<vmem>> -> memref<1x32x128xf32, #tpu.memory_space<vmem>>
      %dma_start3A_148 = tpu.memref_squeeze %dma_start3A_147 : memref<1x32x128xf32, #tpu.memory_space<vmem>> -> memref<32x128xf32, #tpu.memory_space<vmem>>
      tpu.enqueue_dma source(%dma_start3A_148 : memref<32x128xf32, #tpu.memory_space<vmem>>) target(%dma_start3A_144 : memref<32x128xf32, #tpu.memory_space<hbm>>) target_semaphore(%dma_start3A_142 : memref<!tpu.dma_semaphore, #tpu.memory_space<semaphore_mem>>)
      %while3A_149 = arith.constant 0 : i32
      scf.yield %while3A_149 : i32
    }
    %while3A_34 = arith.constant 1 : i32
    %while3A_35 = scf.for %while3A_76 = %while3A_31 to %while3A_27 step %while3A_34 iter_args(%while3A_77 = %while3A_33) -> (i32)  : i32 {
      %jit3A_78 = arith.constant 2 : i32
      %eq3A_79 = arith.constant 0 : i32
      %eq3A_80 = arith.cmpi eq, %jit3A_78, %eq3A_79 : i32
      %jit3A_81 = arith.constant 1 : i32
      %select_n3A_82 = arith.select %eq3A_80, %jit3A_81, %jit3A_78 : i32
      %rem3A_83 = arith.remsi %while3A_76, %select_n3A_82 : i32
      %ne3A_84 = arith.constant 0 : i32
      %ne3A_85 = arith.cmpi ne, %rem3A_83, %ne3A_84 : i32
      %lt3A_86 = arith.constant 0 : i32
      %lt3A_87 = arith.cmpi slt, %rem3A_83, %lt3A_86 : i32
      %lt3A_88 = arith.constant 0 : i32
      %lt3A_89 = arith.cmpi slt, %select_n3A_82, %lt3A_88 : i32
      %ne3A_90 = arith.xori %lt3A_87, %lt3A_89 : i1
      %and3A_91 = arith.andi %ne3A_90, %ne3A_85 : i1
      %add3A_92 = arith.addi %rem3A_83, %select_n3A_82 : i32
      %select_n3A_93 = arith.select %and3A_91, %add3A_92, %rem3A_83 : i32
      %mul3A_94 = arith.constant 32 : i32
      %mul3A_95 = arith.muli %while3A_76, %mul3A_94 : i32
      %add3A_96 = arith.addi %add3A, %mul3A_95 : i32
      %mul3A_97 = arith.constant 128 : i32
      %mul3A_98 = arith.muli %add3A_96, %mul3A_97 : i32
      %dma_wait3A_99 = arith.constant 0 : i32
      %dma_wait3A_100 = arith.constant 0 : i32
      %dma_wait3A_101 = tpu.memref_slice %arg5[%select_n3A_93, %dma_wait3A_99, %dma_wait3A_100] : memref<2x32x128xf32, #tpu.memory_space<vmem>> -> memref<1x32x128xf32, #tpu.memory_space<vmem>>
      %dma_wait3A_102 = tpu.memref_squeeze %dma_wait3A_101 : memref<1x32x128xf32, #tpu.memory_space<vmem>> -> memref<32x128xf32, #tpu.memory_space<vmem>>
      %dma_wait3A_103 = arith.constant 0 : i32
      %dma_wait3A_104 = tpu.memref_slice %arg2[%dma_wait3A_103, %mul3A_98] : memref<32x1000000xf32, #tpu.memory_space<hbm>> -> memref<32x128xf32, #tpu.memory_space<hbm>>
      %dma_wait3A_105 = tpu.memref_slice %arg7[%select_n3A_93] : memref<2x!tpu.dma_semaphore, #tpu.memory_space<semaphore_mem>> -> memref<1x!tpu.dma_semaphore, #tpu.memory_space<semaphore_mem>>
      %dma_wait3A_106 = tpu.memref_squeeze %dma_wait3A_105 : memref<1x!tpu.dma_semaphore, #tpu.memory_space<semaphore_mem>> -> memref<!tpu.dma_semaphore, #tpu.memory_space<semaphore_mem>>
      %dma_wait3A_107 = arith.constant 0 : i32
      %dma_wait3A_108 = arith.constant 0 : i32
      %dma_wait3A_109 = tpu.memref_slice %arg5[%select_n3A_93, %dma_wait3A_107, %dma_wait3A_108] : memref<2x32x128xf32, #tpu.memory_space<vmem>> -> memref<1x32x128xf32, #tpu.memory_space<vmem>>
      %dma_wait3A_110 = tpu.memref_squeeze %dma_wait3A_109 : memref<1x32x128xf32, #tpu.memory_space<vmem>> -> memref<32x128xf32, #tpu.memory_space<vmem>>
      %dma_wait3A_111 = arith.constant 0 : i32
      %dma_wait3A_112 = tpu.memref_slice %arg2[%dma_wait3A_111, %mul3A_98] : memref<32x1000000xf32, #tpu.memory_space<hbm>> -> memref<32x128xf32, #tpu.memory_space<hbm>>
      tpu.wait_dma2 semaphore(%dma_wait3A_106 : memref<!tpu.dma_semaphore, #tpu.memory_space<semaphore_mem>>) src(%dma_wait3A_112 : memref<32x128xf32, #tpu.memory_space<hbm>>) dst(%dma_wait3A_110 : memref<32x128xf32, #tpu.memory_space<vmem>>)
      %add3A_113 = arith.constant 1 : i32
      %add3A_114 = arith.addi %while3A_76, %add3A_113 : i32
      %lt3A_115 = arith.cmpi slt, %add3A_114, %select_n3A : i32
      %convert_element_type3A_116 = arith.extui %lt3A_115 : i1 to i32
      %cond3A_117 = arith.constant 0 : i32
      %cond3A_118 = arith.cmpi ne, %convert_element_type3A_116, %cond3A_117 : i32
      scf.if %cond3A_118 {
        %add3A_150 = arith.constant 1 : i32
        %add3A_151 = arith.addi %while3A_76, %add3A_150 : i32
        %sub3A_152 = arith.constant 1 : i32
        %sub3A_153 = arith.subi %sub3A_152, %select_n3A_93 : i32
        %mul3A_154 = arith.constant 32 : i32
        %mul3A_155 = arith.muli %add3A_151, %mul3A_154 : i32
        %add3A_156 = arith.addi %add3A, %mul3A_155 : i32
        %mul3A_157 = arith.constant 128 : i32
        %mul3A_158 = arith.muli %add3A_156, %mul3A_157 : i32
        %dma_start3A_159 = arith.constant 0 : i32
        %dma_start3A_160 = arith.constant 0 : i32
        %dma_start3A_161 = tpu.memref_slice %arg5[%sub3A_153, %dma_start3A_159, %dma_start3A_160] : memref<2x32x128xf32, #tpu.memory_space<vmem>> -> memref<1x32x128xf32, #tpu.memory_space<vmem>>
        %dma_start3A_162 = tpu.memref_squeeze %dma_start3A_161 : memref<1x32x128xf32, #tpu.memory_space<vmem>> -> memref<32x128xf32, #tpu.memory_space<vmem>>
        %dma_start3A_163 = arith.constant 0 : i32
        %dma_start3A_164 = tpu.memref_slice %arg2[%dma_start3A_163, %mul3A_158] : memref<32x1000000xf32, #tpu.memory_space<hbm>> -> memref<32x128xf32, #tpu.memory_space<hbm>>
        %dma_start3A_165 = tpu.memref_slice %arg7[%sub3A_153] : memref<2x!tpu.dma_semaphore, #tpu.memory_space<semaphore_mem>> -> memref<1x!tpu.dma_semaphore, #tpu.memory_space<semaphore_mem>>
        %dma_start3A_166 = tpu.memref_squeeze %dma_start3A_165 : memref<1x!tpu.dma_semaphore, #tpu.memory_space<semaphore_mem>> -> memref<!tpu.dma_semaphore, #tpu.memory_space<semaphore_mem>>
        %dma_start3A_167 = arith.constant 0 : i32
        %dma_start3A_168 = arith.constant 0 : i32
        %dma_start3A_169 = tpu.memref_slice %arg5[%sub3A_153, %dma_start3A_167, %dma_start3A_168] : memref<2x32x128xf32, #tpu.memory_space<vmem>> -> memref<1x32x128xf32, #tpu.memory_space<vmem>>
        %dma_start3A_170 = tpu.memref_squeeze %dma_start3A_169 : memref<1x32x128xf32, #tpu.memory_space<vmem>> -> memref<32x128xf32, #tpu.memory_space<vmem>>
        %dma_start3A_171 = arith.constant 0 : i32
        %dma_start3A_172 = tpu.memref_slice %arg2[%dma_start3A_171, %mul3A_158] : memref<32x1000000xf32, #tpu.memory_space<hbm>> -> memref<32x128xf32, #tpu.memory_space<hbm>>
        tpu.enqueue_dma source(%dma_start3A_172 : memref<32x128xf32, #tpu.memory_space<hbm>>) target(%dma_start3A_170 : memref<32x128xf32, #tpu.memory_space<vmem>>) target_semaphore(%dma_start3A_166 : memref<!tpu.dma_semaphore, #tpu.memory_space<semaphore_mem>>)
      } else {
      }
      %ge3A_119 = arith.constant 2 : i32
      %ge3A_120 = arith.cmpi sge, %while3A_76, %ge3A_119 : i32
      %convert_element_type3A_121 = arith.extui %ge3A_120 : i1 to i32
      %cond3A_122 = arith.constant 0 : i32
      %cond3A_123 = arith.cmpi ne, %convert_element_type3A_121, %cond3A_122 : i32
      scf.if %cond3A_123 {
        %sub3A_150 = arith.constant 2 : i32
        %sub3A_151 = arith.subi %while3A_76, %sub3A_150 : i32
        %mul3A_152 = arith.constant 32 : i32
        %mul3A_153 = arith.muli %sub3A_151, %mul3A_152 : i32
        %add3A_154 = arith.addi %add3A, %mul3A_153 : i32
        %mul3A_155 = arith.constant 32 : i32
        %mul3A_156 = arith.muli %add3A_154, %mul3A_155 : i32
        %dma_wait3A_157 = arith.constant 0 : i32
        %dma_wait3A_158 = arith.constant 0 : i32
        %dma_wait3A_159 = tpu.memref_slice %arg6[%select_n3A_93, %dma_wait3A_157, %dma_wait3A_158] : memref<2x32x128xf32, #tpu.memory_space<vmem>> -> memref<1x32x128xf32, #tpu.memory_space<vmem>>
        %dma_wait3A_160 = tpu.memref_squeeze %dma_wait3A_159 : memref<1x32x128xf32, #tpu.memory_space<vmem>> -> memref<32x128xf32, #tpu.memory_space<vmem>>
        %dma_wait3A_161 = arith.constant 0 : i32
        %dma_wait3A_162 = tpu.memref_slice %arg4[%mul3A_156, %dma_wait3A_161] : memref<250000x128xf32, #tpu.memory_space<hbm>> -> memref<32x128xf32, #tpu.memory_space<hbm>>
        %dma_wait3A_163 = tpu.memref_slice %arg8[%select_n3A_93] : memref<2x!tpu.dma_semaphore, #tpu.memory_space<semaphore_mem>> -> memref<1x!tpu.dma_semaphore, #tpu.memory_space<semaphore_mem>>
        %dma_wait3A_164 = tpu.memref_squeeze %dma_wait3A_163 : memref<1x!tpu.dma_semaphore, #tpu.memory_space<semaphore_mem>> -> memref<!tpu.dma_semaphore, #tpu.memory_space<semaphore_mem>>
        %dma_wait3A_165 = arith.constant 0 : i32
        %dma_wait3A_166 = tpu.memref_slice %arg4[%mul3A_156, %dma_wait3A_165] : memref<250000x128xf32, #tpu.memory_space<hbm>> -> memref<32x128xf32, #tpu.memory_space<hbm>>
        %dma_wait3A_167 = arith.constant 0 : i32
        %dma_wait3A_168 = arith.constant 0 : i32
        %dma_wait3A_169 = tpu.memref_slice %arg6[%select_n3A_93, %dma_wait3A_167, %dma_wait3A_168] : memref<2x32x128xf32, #tpu.memory_space<vmem>> -> memref<1x32x128xf32, #tpu.memory_space<vmem>>
        %dma_wait3A_170 = tpu.memref_squeeze %dma_wait3A_169 : memref<1x32x128xf32, #tpu.memory_space<vmem>> -> memref<32x128xf32, #tpu.memory_space<vmem>>
        tpu.wait_dma2 semaphore(%dma_wait3A_164 : memref<!tpu.dma_semaphore, #tpu.memory_space<semaphore_mem>>) src(%dma_wait3A_170 : memref<32x128xf32, #tpu.memory_space<vmem>>) dst(%dma_wait3A_166 : memref<32x128xf32, #tpu.memory_space<hbm>>)
      } else {
      }
      %broadcast_in_dim3A = arith.constant 0 : i32
      %broadcast_in_dim3A_124 = vector.broadcast %broadcast_in_dim3A : i32 to vector<16xi32>
      %scan3A = arith.constant 0 : i32
      %scan3A_125 = arith.constant 8 : i32
      %scan3A_126 = arith.addi %scan3A, %scan3A_125 : i32
      %scan3A_127 = arith.constant 1 : i32
      %scan3A_128 = scf.for %scan3A_150 = %scan3A to %scan3A_126 step %scan3A_127 iter_args(%scan3A_151 = %broadcast_in_dim3A_124) -> (vector<16xi32>)  : i32 {
        %gather3A = arith.constant 0 : i32
        %gather3A_152 = arith.constant 0 : i32
        %gather3A_153 = tpu.memref_slice %arg5[%select_n3A_93, %gather3A, %gather3A_152] : memref<2x32x128xf32, #tpu.memory_space<vmem>> -> memref<1x32x128xf32, #tpu.memory_space<vmem>>
        %gather3A_154 = tpu.memref_squeeze %gather3A_153 : memref<1x32x128xf32, #tpu.memory_space<vmem>> -> memref<32x128xf32, #tpu.memory_space<vmem>>
        %gather3A_155 = tpu.vector_load_idx %gather3A_154[%iota3A, %scan3A_151] : memref<32x128xf32, #tpu.memory_space<vmem>>[vector<16xi32>, vector<16xi32>], vector<16xf32>,
        %gather3A_156 = arith.constant 0 : i32
        %gather3A_157 = arith.constant 0 : i32
        %gather3A_158 = tpu.memref_slice %arg5[%select_n3A_93, %gather3A_156, %gather3A_157] : memref<2x32x128xf32, #tpu.memory_space<vmem>> -> memref<1x32x128xf32, #tpu.memory_space<vmem>>
        %gather3A_159 = tpu.memref_squeeze %gather3A_158 : memref<1x32x128xf32, #tpu.memory_space<vmem>> -> memref<32x128xf32, #tpu.memory_space<vmem>>
        %gather3A_160 = tpu.vector_load_idx %gather3A_159[%add3A_5, %scan3A_151] : memref<32x128xf32, #tpu.memory_space<vmem>>[vector<16xi32>, vector<16xi32>], vector<16xf32>,
        %add3A_161 = arith.constant 1 : i32
        %add3A_162 = vector.broadcast %add3A_161 : i32 to vector<16xi32>
        %add3A_163 = arith.addi %scan3A_151, %add3A_162 : vector<16xi32>
        %gather3A_164 = arith.constant 0 : i32
        %gather3A_165 = arith.constant 0 : i32
        %gather3A_166 = tpu.memref_slice %arg5[%select_n3A_93, %gather3A_164, %gather3A_165] : memref<2x32x128xf32, #tpu.memory_space<vmem>> -> memref<1x32x128xf32, #tpu.memory_space<vmem>>
        %gather3A_167 = tpu.memref_squeeze %gather3A_166 : memref<1x32x128xf32, #tpu.memory_space<vmem>> -> memref<32x128xf32, #tpu.memory_space<vmem>>
        %gather3A_168 = tpu.vector_load_idx %gather3A_167[%iota3A, %add3A_163] : memref<32x128xf32, #tpu.memory_space<vmem>>[vector<16xi32>, vector<16xi32>], vector<16xf32>,
        %gather3A_169 = arith.constant 0 : i32
        %gather3A_170 = arith.constant 0 : i32
        %gather3A_171 = tpu.memref_slice %arg5[%select_n3A_93, %gather3A_169, %gather3A_170] : memref<2x32x128xf32, #tpu.memory_space<vmem>> -> memref<1x32x128xf32, #tpu.memory_space<vmem>>
        %gather3A_172 = tpu.memref_squeeze %gather3A_171 : memref<1x32x128xf32, #tpu.memory_space<vmem>> -> memref<32x128xf32, #tpu.memory_space<vmem>>
        %gather3A_173 = tpu.vector_load_idx %gather3A_172[%add3A_5, %add3A_163] : memref<32x128xf32, #tpu.memory_space<vmem>>[vector<16xi32>, vector<16xi32>], vector<16xf32>,
        %add3A_174 = arith.constant 1 : i32
        %add3A_175 = vector.broadcast %add3A_174 : i32 to vector<16xi32>
        %add3A_176 = arith.addi %add3A_163, %add3A_175 : vector<16xi32>
        %gather3A_177 = arith.constant 0 : i32
        %gather3A_178 = arith.constant 0 : i32
        %gather3A_179 = tpu.memref_slice %arg5[%select_n3A_93, %gather3A_177, %gather3A_178] : memref<2x32x128xf32, #tpu.memory_space<vmem>> -> memref<1x32x128xf32, #tpu.memory_space<vmem>>
        %gather3A_180 = tpu.memref_squeeze %gather3A_179 : memref<1x32x128xf32, #tpu.memory_space<vmem>> -> memref<32x128xf32, #tpu.memory_space<vmem>>
        %gather3A_181 = tpu.vector_load_idx %gather3A_180[%iota3A, %add3A_176] : memref<32x128xf32, #tpu.memory_space<vmem>>[vector<16xi32>, vector<16xi32>], vector<16xf32>,
        %gather3A_182 = arith.constant 0 : i32
        %gather3A_183 = arith.constant 0 : i32
        %gather3A_184 = tpu.memref_slice %arg5[%select_n3A_93, %gather3A_182, %gather3A_183] : memref<2x32x128xf32, #tpu.memory_space<vmem>> -> memref<1x32x128xf32, #tpu.memory_space<vmem>>
        %gather3A_185 = tpu.memref_squeeze %gather3A_184 : memref<1x32x128xf32, #tpu.memory_space<vmem>> -> memref<32x128xf32, #tpu.memory_space<vmem>>
        %gather3A_186 = tpu.vector_load_idx %gather3A_185[%add3A_5, %add3A_176] : memref<32x128xf32, #tpu.memory_space<vmem>>[vector<16xi32>, vector<16xi32>], vector<16xf32>,
        %add3A_187 = arith.constant 1 : i32
        %add3A_188 = vector.broadcast %add3A_187 : i32 to vector<16xi32>
        %add3A_189 = arith.addi %add3A_176, %add3A_188 : vector<16xi32>
        %gather3A_190 = arith.constant 0 : i32
        %gather3A_191 = arith.constant 0 : i32
        %gather3A_192 = tpu.memref_slice %arg5[%select_n3A_93, %gather3A_190, %gather3A_191] : memref<2x32x128xf32, #tpu.memory_space<vmem>> -> memref<1x32x128xf32, #tpu.memory_space<vmem>>
        %gather3A_193 = tpu.memref_squeeze %gather3A_192 : memref<1x32x128xf32, #tpu.memory_space<vmem>> -> memref<32x128xf32, #tpu.memory_space<vmem>>
        %gather3A_194 = tpu.vector_load_idx %gather3A_193[%iota3A, %add3A_189] : memref<32x128xf32, #tpu.memory_space<vmem>>[vector<16xi32>, vector<16xi32>], vector<16xf32>,
        %gather3A_195 = arith.constant 0 : i32
        %gather3A_196 = arith.constant 0 : i32
        %gather3A_197 = tpu.memref_slice %arg5[%select_n3A_93, %gather3A_195, %gather3A_196] : memref<2x32x128xf32, #tpu.memory_space<vmem>> -> memref<1x32x128xf32, #tpu.memory_space<vmem>>
        %gather3A_198 = tpu.memref_squeeze %gather3A_197 : memref<1x32x128xf32, #tpu.memory_space<vmem>> -> memref<32x128xf32, #tpu.memory_space<vmem>>
        %gather3A_199 = tpu.vector_load_idx %gather3A_198[%add3A_5, %add3A_189] : memref<32x128xf32, #tpu.memory_space<vmem>>[vector<16xi32>, vector<16xi32>], vector<16xf32>,
        %add3A_200 = arith.constant 1 : i32
        %add3A_201 = vector.broadcast %add3A_200 : i32 to vector<16xi32>
        %add3A_202 = arith.addi %add3A_189, %add3A_201 : vector<16xi32>
        %gather3A_203 = arith.constant 0 : i32
        %gather3A_204 = arith.constant 0 : i32
        %gather3A_205 = tpu.memref_slice %arg5[%select_n3A_93, %gather3A_203, %gather3A_204] : memref<2x32x128xf32, #tpu.memory_space<vmem>> -> memref<1x32x128xf32, #tpu.memory_space<vmem>>
        %gather3A_206 = tpu.memref_squeeze %gather3A_205 : memref<1x32x128xf32, #tpu.memory_space<vmem>> -> memref<32x128xf32, #tpu.memory_space<vmem>>
        %gather3A_207 = tpu.vector_load_idx %gather3A_206[%iota3A, %add3A_202] : memref<32x128xf32, #tpu.memory_space<vmem>>[vector<16xi32>, vector<16xi32>], vector<16xf32>,
        %gather3A_208 = arith.constant 0 : i32
        %gather3A_209 = arith.constant 0 : i32
        %gather3A_210 = tpu.memref_slice %arg5[%select_n3A_93, %gather3A_208, %gather3A_209] : memref<2x32x128xf32, #tpu.memory_space<vmem>> -> memref<1x32x128xf32, #tpu.memory_space<vmem>>
        %gather3A_211 = tpu.memref_squeeze %gather3A_210 : memref<1x32x128xf32, #tpu.memory_space<vmem>> -> memref<32x128xf32, #tpu.memory_space<vmem>>
        %gather3A_212 = tpu.vector_load_idx %gather3A_211[%add3A_5, %add3A_202] : memref<32x128xf32, #tpu.memory_space<vmem>>[vector<16xi32>, vector<16xi32>], vector<16xf32>,
        %add3A_213 = arith.constant 1 : i32
        %add3A_214 = vector.broadcast %add3A_213 : i32 to vector<16xi32>
        %add3A_215 = arith.addi %add3A_202, %add3A_214 : vector<16xi32>
        %gather3A_216 = arith.constant 0 : i32
        %gather3A_217 = arith.constant 0 : i32
        %gather3A_218 = tpu.memref_slice %arg5[%select_n3A_93, %gather3A_216, %gather3A_217] : memref<2x32x128xf32, #tpu.memory_space<vmem>> -> memref<1x32x128xf32, #tpu.memory_space<vmem>>
        %gather3A_219 = tpu.memref_squeeze %gather3A_218 : memref<1x32x128xf32, #tpu.memory_space<vmem>> -> memref<32x128xf32, #tpu.memory_space<vmem>>
        %gather3A_220 = tpu.vector_load_idx %gather3A_219[%iota3A, %add3A_215] : memref<32x128xf32, #tpu.memory_space<vmem>>[vector<16xi32>, vector<16xi32>], vector<16xf32>,
        %gather3A_221 = arith.constant 0 : i32
        %gather3A_222 = arith.constant 0 : i32
        %gather3A_223 = tpu.memref_slice %arg5[%select_n3A_93, %gather3A_221, %gather3A_222] : memref<2x32x128xf32, #tpu.memory_space<vmem>> -> memref<1x32x128xf32, #tpu.memory_space<vmem>>
        %gather3A_224 = tpu.memref_squeeze %gather3A_223 : memref<1x32x128xf32, #tpu.memory_space<vmem>> -> memref<32x128xf32, #tpu.memory_space<vmem>>
        %gather3A_225 = tpu.vector_load_idx %gather3A_224[%add3A_5, %add3A_215] : memref<32x128xf32, #tpu.memory_space<vmem>>[vector<16xi32>, vector<16xi32>], vector<16xf32>,
        %add3A_226 = arith.constant 1 : i32
        %add3A_227 = vector.broadcast %add3A_226 : i32 to vector<16xi32>
        %add3A_228 = arith.addi %add3A_215, %add3A_227 : vector<16xi32>
        %gather3A_229 = arith.constant 0 : i32
        %gather3A_230 = arith.constant 0 : i32
        %gather3A_231 = tpu.memref_slice %arg5[%select_n3A_93, %gather3A_229, %gather3A_230] : memref<2x32x128xf32, #tpu.memory_space<vmem>> -> memref<1x32x128xf32, #tpu.memory_space<vmem>>
        %gather3A_232 = tpu.memref_squeeze %gather3A_231 : memref<1x32x128xf32, #tpu.memory_space<vmem>> -> memref<32x128xf32, #tpu.memory_space<vmem>>
        %gather3A_233 = tpu.vector_load_idx %gather3A_232[%iota3A, %add3A_228] : memref<32x128xf32, #tpu.memory_space<vmem>>[vector<16xi32>, vector<16xi32>], vector<16xf32>,
        %gather3A_234 = arith.constant 0 : i32
        %gather3A_235 = arith.constant 0 : i32
        %gather3A_236 = tpu.memref_slice %arg5[%select_n3A_93, %gather3A_234, %gather3A_235] : memref<2x32x128xf32, #tpu.memory_space<vmem>> -> memref<1x32x128xf32, #tpu.memory_space<vmem>>
        %gather3A_237 = tpu.memref_squeeze %gather3A_236 : memref<1x32x128xf32, #tpu.memory_space<vmem>> -> memref<32x128xf32, #tpu.memory_space<vmem>>
        %gather3A_238 = tpu.vector_load_idx %gather3A_237[%add3A_5, %add3A_228] : memref<32x128xf32, #tpu.memory_space<vmem>>[vector<16xi32>, vector<16xi32>], vector<16xf32>,
        %add3A_239 = arith.constant 1 : i32
        %add3A_240 = vector.broadcast %add3A_239 : i32 to vector<16xi32>
        %add3A_241 = arith.addi %add3A_228, %add3A_240 : vector<16xi32>
        %gather3A_242 = arith.constant 0 : i32
        %gather3A_243 = arith.constant 0 : i32
        %gather3A_244 = tpu.memref_slice %arg5[%select_n3A_93, %gather3A_242, %gather3A_243] : memref<2x32x128xf32, #tpu.memory_space<vmem>> -> memref<1x32x128xf32, #tpu.memory_space<vmem>>
        %gather3A_245 = tpu.memref_squeeze %gather3A_244 : memref<1x32x128xf32, #tpu.memory_space<vmem>> -> memref<32x128xf32, #tpu.memory_space<vmem>>
        %gather3A_246 = tpu.vector_load_idx %gather3A_245[%iota3A, %add3A_241] : memref<32x128xf32, #tpu.memory_space<vmem>>[vector<16xi32>, vector<16xi32>], vector<16xf32>,
        %gather3A_247 = arith.constant 0 : i32
        %gather3A_248 = arith.constant 0 : i32
        %gather3A_249 = tpu.memref_slice %arg5[%select_n3A_93, %gather3A_247, %gather3A_248] : memref<2x32x128xf32, #tpu.memory_space<vmem>> -> memref<1x32x128xf32, #tpu.memory_space<vmem>>
        %gather3A_250 = tpu.memref_squeeze %gather3A_249 : memref<1x32x128xf32, #tpu.memory_space<vmem>> -> memref<32x128xf32, #tpu.memory_space<vmem>>
        %gather3A_251 = tpu.vector_load_idx %gather3A_250[%add3A_5, %add3A_241] : memref<32x128xf32, #tpu.memory_space<vmem>>[vector<16xi32>, vector<16xi32>], vector<16xf32>,
        %add3A_252 = arith.constant 1 : i32
        %add3A_253 = vector.broadcast %add3A_252 : i32 to vector<16xi32>
        %add3A_254 = arith.addi %add3A_241, %add3A_253 : vector<16xi32>
        %gather3A_255 = arith.constant 0 : i32
        %gather3A_256 = arith.constant 0 : i32
        %gather3A_257 = tpu.memref_slice %arg5[%select_n3A_93, %gather3A_255, %gather3A_256] : memref<2x32x128xf32, #tpu.memory_space<vmem>> -> memref<1x32x128xf32, #tpu.memory_space<vmem>>
        %gather3A_258 = tpu.memref_squeeze %gather3A_257 : memref<1x32x128xf32, #tpu.memory_space<vmem>> -> memref<32x128xf32, #tpu.memory_space<vmem>>
        %gather3A_259 = tpu.vector_load_idx %gather3A_258[%iota3A, %add3A_254] : memref<32x128xf32, #tpu.memory_space<vmem>>[vector<16xi32>, vector<16xi32>], vector<16xf32>,
        %gather3A_260 = arith.constant 0 : i32
        %gather3A_261 = arith.constant 0 : i32
        %gather3A_262 = tpu.memref_slice %arg5[%select_n3A_93, %gather3A_260, %gather3A_261] : memref<2x32x128xf32, #tpu.memory_space<vmem>> -> memref<1x32x128xf32, #tpu.memory_space<vmem>>
        %gather3A_263 = tpu.memref_squeeze %gather3A_262 : memref<1x32x128xf32, #tpu.memory_space<vmem>> -> memref<32x128xf32, #tpu.memory_space<vmem>>
        %gather3A_264 = tpu.vector_load_idx %gather3A_263[%add3A_5, %add3A_254] : memref<32x128xf32, #tpu.memory_space<vmem>>[vector<16xi32>, vector<16xi32>], vector<16xf32>,
        %add3A_265 = arith.constant 1 : i32
        %add3A_266 = vector.broadcast %add3A_265 : i32 to vector<16xi32>
        %add3A_267 = arith.addi %add3A_254, %add3A_266 : vector<16xi32>
        %gather3A_268 = arith.constant 0 : i32
        %gather3A_269 = arith.constant 0 : i32
        %gather3A_270 = tpu.memref_slice %arg5[%select_n3A_93, %gather3A_268, %gather3A_269] : memref<2x32x128xf32, #tpu.memory_space<vmem>> -> memref<1x32x128xf32, #tpu.memory_space<vmem>>
        %gather3A_271 = tpu.memref_squeeze %gather3A_270 : memref<1x32x128xf32, #tpu.memory_space<vmem>> -> memref<32x128xf32, #tpu.memory_space<vmem>>
        %gather3A_272 = tpu.vector_load_idx %gather3A_271[%iota3A, %add3A_267] : memref<32x128xf32, #tpu.memory_space<vmem>>[vector<16xi32>, vector<16xi32>], vector<16xf32>,
        %gather3A_273 = arith.constant 0 : i32
        %gather3A_274 = arith.constant 0 : i32
        %gather3A_275 = tpu.memref_slice %arg5[%select_n3A_93, %gather3A_273, %gather3A_274] : memref<2x32x128xf32, #tpu.memory_space<vmem>> -> memref<1x32x128xf32, #tpu.memory_space<vmem>>
        %gather3A_276 = tpu.memref_squeeze %gather3A_275 : memref<1x32x128xf32, #tpu.memory_space<vmem>> -> memref<32x128xf32, #tpu.memory_space<vmem>>
        %gather3A_277 = tpu.vector_load_idx %gather3A_276[%add3A_5, %add3A_267] : memref<32x128xf32, #tpu.memory_space<vmem>>[vector<16xi32>, vector<16xi32>], vector<16xf32>,
        %add3A_278 = arith.constant 1 : i32
        %add3A_279 = vector.broadcast %add3A_278 : i32 to vector<16xi32>
        %add3A_280 = arith.addi %add3A_267, %add3A_279 : vector<16xi32>
        %gather3A_281 = arith.constant 0 : i32
        %gather3A_282 = arith.constant 0 : i32
        %gather3A_283 = tpu.memref_slice %arg5[%select_n3A_93, %gather3A_281, %gather3A_282] : memref<2x32x128xf32, #tpu.memory_space<vmem>> -> memref<1x32x128xf32, #tpu.memory_space<vmem>>
        %gather3A_284 = tpu.memref_squeeze %gather3A_283 : memref<1x32x128xf32, #tpu.memory_space<vmem>> -> memref<32x128xf32, #tpu.memory_space<vmem>>
        %gather3A_285 = tpu.vector_load_idx %gather3A_284[%iota3A, %add3A_280] : memref<32x128xf32, #tpu.memory_space<vmem>>[vector<16xi32>, vector<16xi32>], vector<16xf32>,
        %gather3A_286 = arith.constant 0 : i32
        %gather3A_287 = arith.constant 0 : i32
        %gather3A_288 = tpu.memref_slice %arg5[%select_n3A_93, %gather3A_286, %gather3A_287] : memref<2x32x128xf32, #tpu.memory_space<vmem>> -> memref<1x32x128xf32, #tpu.memory_space<vmem>>
        %gather3A_289 = tpu.memref_squeeze %gather3A_288 : memref<1x32x128xf32, #tpu.memory_space<vmem>> -> memref<32x128xf32, #tpu.memory_space<vmem>>
        %gather3A_290 = tpu.vector_load_idx %gather3A_289[%add3A_5, %add3A_280] : memref<32x128xf32, #tpu.memory_space<vmem>>[vector<16xi32>, vector<16xi32>], vector<16xf32>,
        %add3A_291 = arith.constant 1 : i32
        %add3A_292 = vector.broadcast %add3A_291 : i32 to vector<16xi32>
        %add3A_293 = arith.addi %add3A_280, %add3A_292 : vector<16xi32>
        %gather3A_294 = arith.constant 0 : i32
        %gather3A_295 = arith.constant 0 : i32
        %gather3A_296 = tpu.memref_slice %arg5[%select_n3A_93, %gather3A_294, %gather3A_295] : memref<2x32x128xf32, #tpu.memory_space<vmem>> -> memref<1x32x128xf32, #tpu.memory_space<vmem>>
        %gather3A_297 = tpu.memref_squeeze %gather3A_296 : memref<1x32x128xf32, #tpu.memory_space<vmem>> -> memref<32x128xf32, #tpu.memory_space<vmem>>
        %gather3A_298 = tpu.vector_load_idx %gather3A_297[%iota3A, %add3A_293] : memref<32x128xf32, #tpu.memory_space<vmem>>[vector<16xi32>, vector<16xi32>], vector<16xf32>,
        %gather3A_299 = arith.constant 0 : i32
        %gather3A_300 = arith.constant 0 : i32
        %gather3A_301 = tpu.memref_slice %arg5[%select_n3A_93, %gather3A_299, %gather3A_300] : memref<2x32x128xf32, #tpu.memory_space<vmem>> -> memref<1x32x128xf32, #tpu.memory_space<vmem>>
        %gather3A_302 = tpu.memref_squeeze %gather3A_301 : memref<1x32x128xf32, #tpu.memory_space<vmem>> -> memref<32x128xf32, #tpu.memory_space<vmem>>
        %gather3A_303 = tpu.vector_load_idx %gather3A_302[%add3A_5, %add3A_293] : memref<32x128xf32, #tpu.memory_space<vmem>>[vector<16xi32>, vector<16xi32>], vector<16xf32>,
        %add3A_304 = arith.constant 1 : i32
        %add3A_305 = vector.broadcast %add3A_304 : i32 to vector<16xi32>
        %add3A_306 = arith.addi %add3A_293, %add3A_305 : vector<16xi32>
        %gather3A_307 = arith.constant 0 : i32
        %gather3A_308 = arith.constant 0 : i32
        %gather3A_309 = tpu.memref_slice %arg5[%select_n3A_93, %gather3A_307, %gather3A_308] : memref<2x32x128xf32, #tpu.memory_space<vmem>> -> memref<1x32x128xf32, #tpu.memory_space<vmem>>
        %gather3A_310 = tpu.memref_squeeze %gather3A_309 : memref<1x32x128xf32, #tpu.memory_space<vmem>> -> memref<32x128xf32, #tpu.memory_space<vmem>>
        %gather3A_311 = tpu.vector_load_idx %gather3A_310[%iota3A, %add3A_306] : memref<32x128xf32, #tpu.memory_space<vmem>>[vector<16xi32>, vector<16xi32>], vector<16xf32>,
        %gather3A_312 = arith.constant 0 : i32
        %gather3A_313 = arith.constant 0 : i32
        %gather3A_314 = tpu.memref_slice %arg5[%select_n3A_93, %gather3A_312, %gather3A_313] : memref<2x32x128xf32, #tpu.memory_space<vmem>> -> memref<1x32x128xf32, #tpu.memory_space<vmem>>
        %gather3A_315 = tpu.memref_squeeze %gather3A_314 : memref<1x32x128xf32, #tpu.memory_space<vmem>> -> memref<32x128xf32, #tpu.memory_space<vmem>>
        %gather3A_316 = tpu.vector_load_idx %gather3A_315[%add3A_5, %add3A_306] : memref<32x128xf32, #tpu.memory_space<vmem>>[vector<16xi32>, vector<16xi32>], vector<16xf32>,
        %add3A_317 = arith.constant 1 : i32
        %add3A_318 = vector.broadcast %add3A_317 : i32 to vector<16xi32>
        %add3A_319 = arith.addi %add3A_306, %add3A_318 : vector<16xi32>
        %gather3A_320 = arith.constant 0 : i32
        %gather3A_321 = arith.constant 0 : i32
        %gather3A_322 = tpu.memref_slice %arg5[%select_n3A_93, %gather3A_320, %gather3A_321] : memref<2x32x128xf32, #tpu.memory_space<vmem>> -> memref<1x32x128xf32, #tpu.memory_space<vmem>>
        %gather3A_323 = tpu.memref_squeeze %gather3A_322 : memref<1x32x128xf32, #tpu.memory_space<vmem>> -> memref<32x128xf32, #tpu.memory_space<vmem>>
        %gather3A_324 = tpu.vector_load_idx %gather3A_323[%iota3A, %add3A_319] : memref<32x128xf32, #tpu.memory_space<vmem>>[vector<16xi32>, vector<16xi32>], vector<16xf32>,
        %gather3A_325 = arith.constant 0 : i32
        %gather3A_326 = arith.constant 0 : i32
        %gather3A_327 = tpu.memref_slice %arg5[%select_n3A_93, %gather3A_325, %gather3A_326] : memref<2x32x128xf32, #tpu.memory_space<vmem>> -> memref<1x32x128xf32, #tpu.memory_space<vmem>>
        %gather3A_328 = tpu.memref_squeeze %gather3A_327 : memref<1x32x128xf32, #tpu.memory_space<vmem>> -> memref<32x128xf32, #tpu.memory_space<vmem>>
        %gather3A_329 = tpu.vector_load_idx %gather3A_328[%add3A_5, %add3A_319] : memref<32x128xf32, #tpu.memory_space<vmem>>[vector<16xi32>, vector<16xi32>], vector<16xf32>,
        %add3A_330 = arith.constant 1 : i32
        %add3A_331 = vector.broadcast %add3A_330 : i32 to vector<16xi32>
        %add3A_332 = arith.addi %add3A_319, %add3A_331 : vector<16xi32>
        %gather3A_333 = arith.constant 0 : i32
        %gather3A_334 = arith.constant 0 : i32
        %gather3A_335 = tpu.memref_slice %arg5[%select_n3A_93, %gather3A_333, %gather3A_334] : memref<2x32x128xf32, #tpu.memory_space<vmem>> -> memref<1x32x128xf32, #tpu.memory_space<vmem>>
        %gather3A_336 = tpu.memref_squeeze %gather3A_335 : memref<1x32x128xf32, #tpu.memory_space<vmem>> -> memref<32x128xf32, #tpu.memory_space<vmem>>
        %gather3A_337 = tpu.vector_load_idx %gather3A_336[%iota3A, %add3A_332] : memref<32x128xf32, #tpu.memory_space<vmem>>[vector<16xi32>, vector<16xi32>], vector<16xf32>,
        %gather3A_338 = arith.constant 0 : i32
        %gather3A_339 = arith.constant 0 : i32
        %gather3A_340 = tpu.memref_slice %arg5[%select_n3A_93, %gather3A_338, %gather3A_339] : memref<2x32x128xf32, #tpu.memory_space<vmem>> -> memref<1x32x128xf32, #tpu.memory_space<vmem>>
        %gather3A_341 = tpu.memref_squeeze %gather3A_340 : memref<1x32x128xf32, #tpu.memory_space<vmem>> -> memref<32x128xf32, #tpu.memory_space<vmem>>
        %gather3A_342 = tpu.vector_load_idx %gather3A_341[%add3A_5, %add3A_332] : memref<32x128xf32, #tpu.memory_space<vmem>>[vector<16xi32>, vector<16xi32>], vector<16xf32>,
        %add3A_343 = arith.constant 1 : i32
        %add3A_344 = vector.broadcast %add3A_343 : i32 to vector<16xi32>
        %add3A_345 = arith.addi %add3A_332, %add3A_344 : vector<16xi32>
        %gather3A_346 = arith.constant 0 : i32
        %gather3A_347 = arith.constant 0 : i32
        %gather3A_348 = tpu.memref_slice %arg5[%select_n3A_93, %gather3A_346, %gather3A_347] : memref<2x32x128xf32, #tpu.memory_space<vmem>> -> memref<1x32x128xf32, #tpu.memory_space<vmem>>
        %gather3A_349 = tpu.memref_squeeze %gather3A_348 : memref<1x32x128xf32, #tpu.memory_space<vmem>> -> memref<32x128xf32, #tpu.memory_space<vmem>>
        %gather3A_350 = tpu.vector_load_idx %gather3A_349[%iota3A, %add3A_345] : memref<32x128xf32, #tpu.memory_space<vmem>>[vector<16xi32>, vector<16xi32>], vector<16xf32>,
        %gather3A_351 = arith.constant 0 : i32
        %gather3A_352 = arith.constant 0 : i32
        %gather3A_353 = tpu.memref_slice %arg5[%select_n3A_93, %gather3A_351, %gather3A_352] : memref<2x32x128xf32, #tpu.memory_space<vmem>> -> memref<1x32x128xf32, #tpu.memory_space<vmem>>
        %gather3A_354 = tpu.memref_squeeze %gather3A_353 : memref<1x32x128xf32, #tpu.memory_space<vmem>> -> memref<32x128xf32, #tpu.memory_space<vmem>>
        %gather3A_355 = tpu.vector_load_idx %gather3A_354[%add3A_5, %add3A_345] : memref<32x128xf32, #tpu.memory_space<vmem>>[vector<16xi32>, vector<16xi32>], vector<16xf32>,
        %add3A_356 = arith.constant 1 : i32
        %add3A_357 = vector.broadcast %add3A_356 : i32 to vector<16xi32>
        %add3A_358 = arith.addi %add3A_345, %add3A_357 : vector<16xi32>
        %mul3A_359 = arith.constant 4 : i32
        %mul3A_360 = arith.muli %scan3A_150, %mul3A_359 : i32
        %add3A_361 = arith.constant 0 : i32
        %add3A_362 = arith.addi %mul3A_360, %add3A_361 : i32
        %swap3A = arith.index_cast %select_n3A_93 : i32 to index
        %swap3A_363 = arith.index_cast %add3A_362 : i32 to index
        %swap3A_364 = arith.constant 0 : index
        %swap3A_365 = tpu.vector_load %arg6[%swap3A, %swap3A_363, %swap3A_364] {strides = array<i32>} : memref<2x32x128xf32, #tpu.memory_space<vmem>>, vector<16xf32>,
        tpu.vector_store %arg6[%swap3A, %swap3A_363, %swap3A_364], %gather3A_155 {strides = array<i32>} : memref<2x32x128xf32, #tpu.memory_space<vmem>>, vector<16xf32>,
        %swap3A_366 = arith.index_cast %select_n3A_93 : i32 to index
        %swap3A_367 = arith.index_cast %add3A_362 : i32 to index
        %swap3A_368 = arith.constant 16 : index
        %swap3A_369 = tpu.vector_load %arg6[%swap3A_366, %swap3A_367, %swap3A_368] {strides = array<i32>} : memref<2x32x128xf32, #tpu.memory_space<vmem>>, vector<16xf32>,
        tpu.vector_store %arg6[%swap3A_366, %swap3A_367, %swap3A_368], %gather3A_160 {strides = array<i32>} : memref<2x32x128xf32, #tpu.memory_space<vmem>>, vector<16xf32>,
        %mul3A_370 = arith.constant 4 : i32
        %mul3A_371 = arith.muli %scan3A_150, %mul3A_370 : i32
        %add3A_372 = arith.constant 0 : i32
        %add3A_373 = arith.addi %mul3A_371, %add3A_372 : i32
        %swap3A_374 = arith.index_cast %select_n3A_93 : i32 to index
        %swap3A_375 = arith.index_cast %add3A_373 : i32 to index
        %swap3A_376 = arith.constant 32 : index
        %swap3A_377 = tpu.vector_load %arg6[%swap3A_374, %swap3A_375, %swap3A_376] {strides = array<i32>} : memref<2x32x128xf32, #tpu.memory_space<vmem>>, vector<16xf32>,
        tpu.vector_store %arg6[%swap3A_374, %swap3A_375, %swap3A_376], %gather3A_168 {strides = array<i32>} : memref<2x32x128xf32, #tpu.memory_space<vmem>>, vector<16xf32>,
        %swap3A_378 = arith.index_cast %select_n3A_93 : i32 to index
        %swap3A_379 = arith.index_cast %add3A_373 : i32 to index
        %swap3A_380 = arith.constant 48 : index
        %swap3A_381 = tpu.vector_load %arg6[%swap3A_378, %swap3A_379, %swap3A_380] {strides = array<i32>} : memref<2x32x128xf32, #tpu.memory_space<vmem>>, vector<16xf32>,
        tpu.vector_store %arg6[%swap3A_378, %swap3A_379, %swap3A_380], %gather3A_173 {strides = array<i32>} : memref<2x32x128xf32, #tpu.memory_space<vmem>>, vector<16xf32>,
        %mul3A_382 = arith.constant 4 : i32
        %mul3A_383 = arith.muli %scan3A_150, %mul3A_382 : i32
        %add3A_384 = arith.constant 0 : i32
        %add3A_385 = arith.addi %mul3A_383, %add3A_384 : i32
        %swap3A_386 = arith.index_cast %select_n3A_93 : i32 to index
        %swap3A_387 = arith.index_cast %add3A_385 : i32 to index
        %swap3A_388 = arith.constant 64 : index
        %swap3A_389 = tpu.vector_load %arg6[%swap3A_386, %swap3A_387, %swap3A_388] {strides = array<i32>} : memref<2x32x128xf32, #tpu.memory_space<vmem>>, vector<16xf32>,
        tpu.vector_store %arg6[%swap3A_386, %swap3A_387, %swap3A_388], %gather3A_181 {strides = array<i32>} : memref<2x32x128xf32, #tpu.memory_space<vmem>>, vector<16xf32>,
        %swap3A_390 = arith.index_cast %select_n3A_93 : i32 to index
        %swap3A_391 = arith.index_cast %add3A_385 : i32 to index
        %swap3A_392 = arith.constant 80 : index
        %swap3A_393 = tpu.vector_load %arg6[%swap3A_390, %swap3A_391, %swap3A_392] {strides = array<i32>} : memref<2x32x128xf32, #tpu.memory_space<vmem>>, vector<16xf32>,
        tpu.vector_store %arg6[%swap3A_390, %swap3A_391, %swap3A_392], %gather3A_186 {strides = array<i32>} : memref<2x32x128xf32, #tpu.memory_space<vmem>>, vector<16xf32>,
        %mul3A_394 = arith.constant 4 : i32
        %mul3A_395 = arith.muli %scan3A_150, %mul3A_394 : i32
        %add3A_396 = arith.constant 0 : i32
        %add3A_397 = arith.addi %mul3A_395, %add3A_396 : i32
        %swap3A_398 = arith.index_cast %select_n3A_93 : i32 to index
        %swap3A_399 = arith.index_cast %add3A_397 : i32 to index
        %swap3A_400 = arith.constant 96 : index
        %swap3A_401 = tpu.vector_load %arg6[%swap3A_398, %swap3A_399, %swap3A_400] {strides = array<i32>} : memref<2x32x128xf32, #tpu.memory_space<vmem>>, vector<16xf32>,
        tpu.vector_store %arg6[%swap3A_398, %swap3A_399, %swap3A_400], %gather3A_194 {strides = array<i32>} : memref<2x32x128xf32, #tpu.memory_space<vmem>>, vector<16xf32>,
        %swap3A_402 = arith.index_cast %select_n3A_93 : i32 to index
        %swap3A_403 = arith.index_cast %add3A_397 : i32 to index
        %swap3A_404 = arith.constant 112 : index
        %swap3A_405 = tpu.vector_load %arg6[%swap3A_402, %swap3A_403, %swap3A_404] {strides = array<i32>} : memref<2x32x128xf32, #tpu.memory_space<vmem>>, vector<16xf32>,
        tpu.vector_store %arg6[%swap3A_402, %swap3A_403, %swap3A_404], %gather3A_199 {strides = array<i32>} : memref<2x32x128xf32, #tpu.memory_space<vmem>>, vector<16xf32>,
        %mul3A_406 = arith.constant 4 : i32
        %mul3A_407 = arith.muli %scan3A_150, %mul3A_406 : i32
        %add3A_408 = arith.constant 1 : i32
        %add3A_409 = arith.addi %mul3A_407, %add3A_408 : i32
        %swap3A_410 = arith.index_cast %select_n3A_93 : i32 to index
        %swap3A_411 = arith.index_cast %add3A_409 : i32 to index
        %swap3A_412 = arith.constant 0 : index
        %swap3A_413 = tpu.vector_load %arg6[%swap3A_410, %swap3A_411, %swap3A_412] {strides = array<i32>} : memref<2x32x128xf32, #tpu.memory_space<vmem>>, vector<16xf32>,
        tpu.vector_store %arg6[%swap3A_410, %swap3A_411, %swap3A_412], %gather3A_207 {strides = array<i32>} : memref<2x32x128xf32, #tpu.memory_space<vmem>>, vector<16xf32>,
        %swap3A_414 = arith.index_cast %select_n3A_93 : i32 to index
        %swap3A_415 = arith.index_cast %add3A_409 : i32 to index
        %swap3A_416 = arith.constant 16 : index
        %swap3A_417 = tpu.vector_load %arg6[%swap3A_414, %swap3A_415, %swap3A_416] {strides = array<i32>} : memref<2x32x128xf32, #tpu.memory_space<vmem>>, vector<16xf32>,
        tpu.vector_store %arg6[%swap3A_414, %swap3A_415, %swap3A_416], %gather3A_212 {strides = array<i32>} : memref<2x32x128xf32, #tpu.memory_space<vmem>>, vector<16xf32>,
        %mul3A_418 = arith.constant 4 : i32
        %mul3A_419 = arith.muli %scan3A_150, %mul3A_418 : i32
        %add3A_420 = arith.constant 1 : i32
        %add3A_421 = arith.addi %mul3A_419, %add3A_420 : i32
        %swap3A_422 = arith.index_cast %select_n3A_93 : i32 to index
        %swap3A_423 = arith.index_cast %add3A_421 : i32 to index
        %swap3A_424 = arith.constant 32 : index
        %swap3A_425 = tpu.vector_load %arg6[%swap3A_422, %swap3A_423, %swap3A_424] {strides = array<i32>} : memref<2x32x128xf32, #tpu.memory_space<vmem>>, vector<16xf32>,
        tpu.vector_store %arg6[%swap3A_422, %swap3A_423, %swap3A_424], %gather3A_220 {strides = array<i32>} : memref<2x32x128xf32, #tpu.memory_space<vmem>>, vector<16xf32>,
        %swap3A_426 = arith.index_cast %select_n3A_93 : i32 to index
        %swap3A_427 = arith.index_cast %add3A_421 : i32 to index
        %swap3A_428 = arith.constant 48 : index
        %swap3A_429 = tpu.vector_load %arg6[%swap3A_426, %swap3A_427, %swap3A_428] {strides = array<i32>} : memref<2x32x128xf32, #tpu.memory_space<vmem>>, vector<16xf32>,
        tpu.vector_store %arg6[%swap3A_426, %swap3A_427, %swap3A_428], %gather3A_225 {strides = array<i32>} : memref<2x32x128xf32, #tpu.memory_space<vmem>>, vector<16xf32>,
        %mul3A_430 = arith.constant 4 : i32
        %mul3A_431 = arith.muli %scan3A_150, %mul3A_430 : i32
        %add3A_432 = arith.constant 1 : i32
        %add3A_433 = arith.addi %mul3A_431, %add3A_432 : i32
        %swap3A_434 = arith.index_cast %select_n3A_93 : i32 to index
        %swap3A_435 = arith.index_cast %add3A_433 : i32 to index
        %swap3A_436 = arith.constant 64 : index
        %swap3A_437 = tpu.vector_load %arg6[%swap3A_434, %swap3A_435, %swap3A_436] {strides = array<i32>} : memref<2x32x128xf32, #tpu.memory_space<vmem>>, vector<16xf32>,
        tpu.vector_store %arg6[%swap3A_434, %swap3A_435, %swap3A_436], %gather3A_233 {strides = array<i32>} : memref<2x32x128xf32, #tpu.memory_space<vmem>>, vector<16xf32>,
        %swap3A_438 = arith.index_cast %select_n3A_93 : i32 to index
        %swap3A_439 = arith.index_cast %add3A_433 : i32 to index
        %swap3A_440 = arith.constant 80 : index
        %swap3A_441 = tpu.vector_load %arg6[%swap3A_438, %swap3A_439, %swap3A_440] {strides = array<i32>} : memref<2x32x128xf32, #tpu.memory_space<vmem>>, vector<16xf32>,
        tpu.vector_store %arg6[%swap3A_438, %swap3A_439, %swap3A_440], %gather3A_238 {strides = array<i32>} : memref<2x32x128xf32, #tpu.memory_space<vmem>>, vector<16xf32>,
        %mul3A_442 = arith.constant 4 : i32
        %mul3A_443 = arith.muli %scan3A_150, %mul3A_442 : i32
        %add3A_444 = arith.constant 1 : i32
        %add3A_445 = arith.addi %mul3A_443, %add3A_444 : i32
        %swap3A_446 = arith.index_cast %select_n3A_93 : i32 to index
        %swap3A_447 = arith.index_cast %add3A_445 : i32 to index
        %swap3A_448 = arith.constant 96 : index
        %swap3A_449 = tpu.vector_load %arg6[%swap3A_446, %swap3A_447, %swap3A_448] {strides = array<i32>} : memref<2x32x128xf32, #tpu.memory_space<vmem>>, vector<16xf32>,
        tpu.vector_store %arg6[%swap3A_446, %swap3A_447, %swap3A_448], %gather3A_246 {strides = array<i32>} : memref<2x32x128xf32, #tpu.memory_space<vmem>>, vector<16xf32>,
        %swap3A_450 = arith.index_cast %select_n3A_93 : i32 to index
        %swap3A_451 = arith.index_cast %add3A_445 : i32 to index
        %swap3A_452 = arith.constant 112 : index
        %swap3A_453 = tpu.vector_load %arg6[%swap3A_450, %swap3A_451, %swap3A_452] {strides = array<i32>} : memref<2x32x128xf32, #tpu.memory_space<vmem>>, vector<16xf32>,
        tpu.vector_store %arg6[%swap3A_450, %swap3A_451, %swap3A_452], %gather3A_251 {strides = array<i32>} : memref<2x32x128xf32, #tpu.memory_space<vmem>>, vector<16xf32>,
        %mul3A_454 = arith.constant 4 : i32
        %mul3A_455 = arith.muli %scan3A_150, %mul3A_454 : i32
        %add3A_456 = arith.constant 2 : i32
        %add3A_457 = arith.addi %mul3A_455, %add3A_456 : i32
        %swap3A_458 = arith.index_cast %select_n3A_93 : i32 to index
        %swap3A_459 = arith.index_cast %add3A_457 : i32 to index
        %swap3A_460 = arith.constant 0 : index
        %swap3A_461 = tpu.vector_load %arg6[%swap3A_458, %swap3A_459, %swap3A_460] {strides = array<i32>} : memref<2x32x128xf32, #tpu.memory_space<vmem>>, vector<16xf32>,
        tpu.vector_store %arg6[%swap3A_458, %swap3A_459, %swap3A_460], %gather3A_259 {strides = array<i32>} : memref<2x32x128xf32, #tpu.memory_space<vmem>>, vector<16xf32>,
        %swap3A_462 = arith.index_cast %select_n3A_93 : i32 to index
        %swap3A_463 = arith.index_cast %add3A_457 : i32 to index
        %swap3A_464 = arith.constant 16 : index
        %swap3A_465 = tpu.vector_load %arg6[%swap3A_462, %swap3A_463, %swap3A_464] {strides = array<i32>} : memref<2x32x128xf32, #tpu.memory_space<vmem>>, vector<16xf32>,
        tpu.vector_store %arg6[%swap3A_462, %swap3A_463, %swap3A_464], %gather3A_264 {strides = array<i32>} : memref<2x32x128xf32, #tpu.memory_space<vmem>>, vector<16xf32>,
        %mul3A_466 = arith.constant 4 : i32
        %mul3A_467 = arith.muli %scan3A_150, %mul3A_466 : i32
        %add3A_468 = arith.constant 2 : i32
        %add3A_469 = arith.addi %mul3A_467, %add3A_468 : i32
        %swap3A_470 = arith.index_cast %select_n3A_93 : i32 to index
        %swap3A_471 = arith.index_cast %add3A_469 : i32 to index
        %swap3A_472 = arith.constant 32 : index
        %swap3A_473 = tpu.vector_load %arg6[%swap3A_470, %swap3A_471, %swap3A_472] {strides = array<i32>} : memref<2x32x128xf32, #tpu.memory_space<vmem>>, vector<16xf32>,
        tpu.vector_store %arg6[%swap3A_470, %swap3A_471, %swap3A_472], %gather3A_272 {strides = array<i32>} : memref<2x32x128xf32, #tpu.memory_space<vmem>>, vector<16xf32>,
        %swap3A_474 = arith.index_cast %select_n3A_93 : i32 to index
        %swap3A_475 = arith.index_cast %add3A_469 : i32 to index
        %swap3A_476 = arith.constant 48 : index
        %swap3A_477 = tpu.vector_load %arg6[%swap3A_474, %swap3A_475, %swap3A_476] {strides = array<i32>} : memref<2x32x128xf32, #tpu.memory_space<vmem>>, vector<16xf32>,
        tpu.vector_store %arg6[%swap3A_474, %swap3A_475, %swap3A_476], %gather3A_277 {strides = array<i32>} : memref<2x32x128xf32, #tpu.memory_space<vmem>>, vector<16xf32>,
        %mul3A_478 = arith.constant 4 : i32
        %mul3A_479 = arith.muli %scan3A_150, %mul3A_478 : i32
        %add3A_480 = arith.constant 2 : i32
        %add3A_481 = arith.addi %mul3A_479, %add3A_480 : i32
        %swap3A_482 = arith.index_cast %select_n3A_93 : i32 to index
        %swap3A_483 = arith.index_cast %add3A_481 : i32 to index
        %swap3A_484 = arith.constant 64 : index
        %swap3A_485 = tpu.vector_load %arg6[%swap3A_482, %swap3A_483, %swap3A_484] {strides = array<i32>} : memref<2x32x128xf32, #tpu.memory_space<vmem>>, vector<16xf32>,
        tpu.vector_store %arg6[%swap3A_482, %swap3A_483, %swap3A_484], %gather3A_285 {strides = array<i32>} : memref<2x32x128xf32, #tpu.memory_space<vmem>>, vector<16xf32>,
        %swap3A_486 = arith.index_cast %select_n3A_93 : i32 to index
        %swap3A_487 = arith.index_cast %add3A_481 : i32 to index
        %swap3A_488 = arith.constant 80 : index
        %swap3A_489 = tpu.vector_load %arg6[%swap3A_486, %swap3A_487, %swap3A_488] {strides = array<i32>} : memref<2x32x128xf32, #tpu.memory_space<vmem>>, vector<16xf32>,
        tpu.vector_store %arg6[%swap3A_486, %swap3A_487, %swap3A_488], %gather3A_290 {strides = array<i32>} : memref<2x32x128xf32, #tpu.memory_space<vmem>>, vector<16xf32>,
        %mul3A_490 = arith.constant 4 : i32
        %mul3A_491 = arith.muli %scan3A_150, %mul3A_490 : i32
        %add3A_492 = arith.constant 2 : i32
        %add3A_493 = arith.addi %mul3A_491, %add3A_492 : i32
        %swap3A_494 = arith.index_cast %select_n3A_93 : i32 to index
        %swap3A_495 = arith.index_cast %add3A_493 : i32 to index
        %swap3A_496 = arith.constant 96 : index
        %swap3A_497 = tpu.vector_load %arg6[%swap3A_494, %swap3A_495, %swap3A_496] {strides = array<i32>} : memref<2x32x128xf32, #tpu.memory_space<vmem>>, vector<16xf32>,
        tpu.vector_store %arg6[%swap3A_494, %swap3A_495, %swap3A_496], %gather3A_298 {strides = array<i32>} : memref<2x32x128xf32, #tpu.memory_space<vmem>>, vector<16xf32>,
        %swap3A_498 = arith.index_cast %select_n3A_93 : i32 to index
        %swap3A_499 = arith.index_cast %add3A_493 : i32 to index
        %swap3A_500 = arith.constant 112 : index
        %swap3A_501 = tpu.vector_load %arg6[%swap3A_498, %swap3A_499, %swap3A_500] {strides = array<i32>} : memref<2x32x128xf32, #tpu.memory_space<vmem>>, vector<16xf32>,
        tpu.vector_store %arg6[%swap3A_498, %swap3A_499, %swap3A_500], %gather3A_303 {strides = array<i32>} : memref<2x32x128xf32, #tpu.memory_space<vmem>>, vector<16xf32>,
        %mul3A_502 = arith.constant 4 : i32
        %mul3A_503 = arith.muli %scan3A_150, %mul3A_502 : i32
        %add3A_504 = arith.constant 3 : i32
        %add3A_505 = arith.addi %mul3A_503, %add3A_504 : i32
        %swap3A_506 = arith.index_cast %select_n3A_93 : i32 to index
        %swap3A_507 = arith.index_cast %add3A_505 : i32 to index
        %swap3A_508 = arith.constant 0 : index
        %swap3A_509 = tpu.vector_load %arg6[%swap3A_506, %swap3A_507, %swap3A_508] {strides = array<i32>} : memref<2x32x128xf32, #tpu.memory_space<vmem>>, vector<16xf32>,
        tpu.vector_store %arg6[%swap3A_506, %swap3A_507, %swap3A_508], %gather3A_311 {strides = array<i32>} : memref<2x32x128xf32, #tpu.memory_space<vmem>>, vector<16xf32>,
        %swap3A_510 = arith.index_cast %select_n3A_93 : i32 to index
        %swap3A_511 = arith.index_cast %add3A_505 : i32 to index
        %swap3A_512 = arith.constant 16 : index
        %swap3A_513 = tpu.vector_load %arg6[%swap3A_510, %swap3A_511, %swap3A_512] {strides = array<i32>} : memref<2x32x128xf32, #tpu.memory_space<vmem>>, vector<16xf32>,
        tpu.vector_store %arg6[%swap3A_510, %swap3A_511, %swap3A_512], %gather3A_316 {strides = array<i32>} : memref<2x32x128xf32, #tpu.memory_space<vmem>>, vector<16xf32>,
        %mul3A_514 = arith.constant 4 : i32
        %mul3A_515 = arith.muli %scan3A_150, %mul3A_514 : i32
        %add3A_516 = arith.constant 3 : i32
        %add3A_517 = arith.addi %mul3A_515, %add3A_516 : i32
        %swap3A_518 = arith.index_cast %select_n3A_93 : i32 to index
        %swap3A_519 = arith.index_cast %add3A_517 : i32 to index
        %swap3A_520 = arith.constant 32 : index
        %swap3A_521 = tpu.vector_load %arg6[%swap3A_518, %swap3A_519, %swap3A_520] {strides = array<i32>} : memref<2x32x128xf32, #tpu.memory_space<vmem>>, vector<16xf32>,
        tpu.vector_store %arg6[%swap3A_518, %swap3A_519, %swap3A_520], %gather3A_324 {strides = array<i32>} : memref<2x32x128xf32, #tpu.memory_space<vmem>>, vector<16xf32>,
        %swap3A_522 = arith.index_cast %select_n3A_93 : i32 to index
        %swap3A_523 = arith.index_cast %add3A_517 : i32 to index
        %swap3A_524 = arith.constant 48 : index
        %swap3A_525 = tpu.vector_load %arg6[%swap3A_522, %swap3A_523, %swap3A_524] {strides = array<i32>} : memref<2x32x128xf32, #tpu.memory_space<vmem>>, vector<16xf32>,
        tpu.vector_store %arg6[%swap3A_522, %swap3A_523, %swap3A_524], %gather3A_329 {strides = array<i32>} : memref<2x32x128xf32, #tpu.memory_space<vmem>>, vector<16xf32>,
        %mul3A_526 = arith.constant 4 : i32
        %mul3A_527 = arith.muli %scan3A_150, %mul3A_526 : i32
        %add3A_528 = arith.constant 3 : i32
        %add3A_529 = arith.addi %mul3A_527, %add3A_528 : i32
        %swap3A_530 = arith.index_cast %select_n3A_93 : i32 to index
        %swap3A_531 = arith.index_cast %add3A_529 : i32 to index
        %swap3A_532 = arith.constant 64 : index
        %swap3A_533 = tpu.vector_load %arg6[%swap3A_530, %swap3A_531, %swap3A_532] {strides = array<i32>} : memref<2x32x128xf32, #tpu.memory_space<vmem>>, vector<16xf32>,
        tpu.vector_store %arg6[%swap3A_530, %swap3A_531, %swap3A_532], %gather3A_337 {strides = array<i32>} : memref<2x32x128xf32, #tpu.memory_space<vmem>>, vector<16xf32>,
        %swap3A_534 = arith.index_cast %select_n3A_93 : i32 to index
        %swap3A_535 = arith.index_cast %add3A_529 : i32 to index
        %swap3A_536 = arith.constant 80 : index
        %swap3A_537 = tpu.vector_load %arg6[%swap3A_534, %swap3A_535, %swap3A_536] {strides = array<i32>} : memref<2x32x128xf32, #tpu.memory_space<vmem>>, vector<16xf32>,
        tpu.vector_store %arg6[%swap3A_534, %swap3A_535, %swap3A_536], %gather3A_342 {strides = array<i32>} : memref<2x32x128xf32, #tpu.memory_space<vmem>>, vector<16xf32>,
        %mul3A_538 = arith.constant 4 : i32
        %mul3A_539 = arith.muli %scan3A_150, %mul3A_538 : i32
        %add3A_540 = arith.constant 3 : i32
        %add3A_541 = arith.addi %mul3A_539, %add3A_540 : i32
        %swap3A_542 = arith.index_cast %select_n3A_93 : i32 to index
        %swap3A_543 = arith.index_cast %add3A_541 : i32 to index
        %swap3A_544 = arith.constant 96 : index
        %swap3A_545 = tpu.vector_load %arg6[%swap3A_542, %swap3A_543, %swap3A_544] {strides = array<i32>} : memref<2x32x128xf32, #tpu.memory_space<vmem>>, vector<16xf32>,
        tpu.vector_store %arg6[%swap3A_542, %swap3A_543, %swap3A_544], %gather3A_350 {strides = array<i32>} : memref<2x32x128xf32, #tpu.memory_space<vmem>>, vector<16xf32>,
        %swap3A_546 = arith.index_cast %select_n3A_93 : i32 to index
        %swap3A_547 = arith.index_cast %add3A_541 : i32 to index
        %swap3A_548 = arith.constant 112 : index
        %swap3A_549 = tpu.vector_load %arg6[%swap3A_546, %swap3A_547, %swap3A_548] {strides = array<i32>} : memref<2x32x128xf32, #tpu.memory_space<vmem>>, vector<16xf32>,
        tpu.vector_store %arg6[%swap3A_546, %swap3A_547, %swap3A_548], %gather3A_355 {strides = array<i32>} : memref<2x32x128xf32, #tpu.memory_space<vmem>>, vector<16xf32>,
        scf.yield %add3A_358 : vector<16xi32>
      }
      %scan3A_129 = arith.constant 8 : i32
      %mul3A_130 = arith.constant 32 : i32
      %mul3A_131 = arith.muli %while3A_76, %mul3A_130 : i32
      %add3A_132 = arith.addi %add3A, %mul3A_131 : i32
      %mul3A_133 = arith.constant 32 : i32
      %mul3A_134 = arith.muli %add3A_132, %mul3A_133 : i32
      %dma_start3A_135 = arith.constant 0 : i32
      %dma_start3A_136 = arith.constant 0 : i32
      %dma_start3A_137 = tpu.memref_slice %arg6[%select_n3A_93, %dma_start3A_135, %dma_start3A_136] : memref<2x32x128xf32, #tpu.memory_space<vmem>> -> memref<1x32x128xf32, #tpu.memory_space<vmem>>
      %dma_start3A_138 = tpu.memref_squeeze %dma_start3A_137 : memref<1x32x128xf32, #tpu.memory_space<vmem>> -> memref<32x128xf32, #tpu.memory_space<vmem>>
      %dma_start3A_139 = arith.constant 0 : i32
      %dma_start3A_140 = tpu.memref_slice %arg4[%mul3A_134, %dma_start3A_139] : memref<250000x128xf32, #tpu.memory_space<hbm>> -> memref<32x128xf32, #tpu.memory_space<hbm>>
      %dma_start3A_141 = tpu.memref_slice %arg8[%select_n3A_93] : memref<2x!tpu.dma_semaphore, #tpu.memory_space<semaphore_mem>> -> memref<1x!tpu.dma_semaphore, #tpu.memory_space<semaphore_mem>>
      %dma_start3A_142 = tpu.memref_squeeze %dma_start3A_141 : memref<1x!tpu.dma_semaphore, #tpu.memory_space<semaphore_mem>> -> memref<!tpu.dma_semaphore, #tpu.memory_space<semaphore_mem>>
      %dma_start3A_143 = arith.constant 0 : i32
      %dma_start3A_144 = tpu.memref_slice %arg4[%mul3A_134, %dma_start3A_143] : memref<250000x128xf32, #tpu.memory_space<hbm>> -> memref<32x128xf32, #tpu.memory_space<hbm>>
      %dma_start3A_145 = arith.constant 0 : i32
      %dma_start3A_146 = arith.constant 0 : i32
      %dma_start3A_147 = tpu.memref_slice %arg6[%select_n3A_93, %dma_start3A_145, %dma_start3A_146] : memref<2x32x128xf32, #tpu.memory_space<vmem>> -> memref<1x32x128xf32, #tpu.memory_space<vmem>>
      %dma_start3A_148 = tpu.memref_squeeze %dma_start3A_147 : memref<1x32x128xf32, #tpu.memory_space<vmem>> -> memref<32x128xf32, #tpu.memory_space<vmem>>
      tpu.enqueue_dma source(%dma_start3A_148 : memref<32x128xf32, #tpu.memory_space<vmem>>) target(%dma_start3A_144 : memref<32x128xf32, #tpu.memory_space<hbm>>) target_semaphore(%dma_start3A_142 : memref<!tpu.dma_semaphore, #tpu.memory_space<semaphore_mem>>)
      %while3A_149 = arith.constant 0 : i32
      scf.yield %while3A_149 : i32
    }
    %ge3A = arith.constant 2 : i32
    %ge3A_36 = arith.cmpi sge, %select_n3A, %ge3A : i32
    %convert_element_type3A = arith.extui %ge3A_36 : i1 to i32
    %cond3A = arith.constant 0 : i32
    %cond3A_37 = arith.cmpi ne, %convert_element_type3A, %cond3A : i32
    scf.if %cond3A_37 {
      %sub3A_76 = arith.constant 2 : i32
      %sub3A_77 = arith.subi %select_n3A, %sub3A_76 : i32
      %jit3A_78 = arith.constant 2 : i32
      %eq3A_79 = arith.constant 0 : i32
      %eq3A_80 = arith.cmpi eq, %jit3A_78, %eq3A_79 : i32
      %jit3A_81 = arith.constant 1 : i32
      %select_n3A_82 = arith.select %eq3A_80, %jit3A_81, %jit3A_78 : i32
      %rem3A_83 = arith.remsi %select_n3A, %select_n3A_82 : i32
      %ne3A_84 = arith.constant 0 : i32
      %ne3A_85 = arith.cmpi ne, %rem3A_83, %ne3A_84 : i32
      %lt3A_86 = arith.constant 0 : i32
      %lt3A_87 = arith.cmpi slt, %rem3A_83, %lt3A_86 : i32
      %lt3A_88 = arith.constant 0 : i32
      %lt3A_89 = arith.cmpi slt, %select_n3A_82, %lt3A_88 : i32
      %ne3A_90 = arith.xori %lt3A_87, %lt3A_89 : i1
      %and3A_91 = arith.andi %ne3A_90, %ne3A_85 : i1
      %add3A_92 = arith.addi %rem3A_83, %select_n3A_82 : i32
      %select_n3A_93 = arith.select %and3A_91, %add3A_92, %rem3A_83 : i32
      %mul3A_94 = arith.constant 32 : i32
      %mul3A_95 = arith.muli %sub3A_77, %mul3A_94 : i32
      %add3A_96 = arith.addi %add3A, %mul3A_95 : i32
      %mul3A_97 = arith.constant 32 : i32
      %mul3A_98 = arith.muli %add3A_96, %mul3A_97 : i32
      %dma_wait3A_99 = arith.constant 0 : i32
      %dma_wait3A_100 = arith.constant 0 : i32
      %dma_wait3A_101 = tpu.memref_slice %arg6[%select_n3A_93, %dma_wait3A_99, %dma_wait3A_100] : memref<2x32x128xf32, #tpu.memory_space<vmem>> -> memref<1x32x128xf32, #tpu.memory_space<vmem>>
      %dma_wait3A_102 = tpu.memref_squeeze %dma_wait3A_101 : memref<1x32x128xf32, #tpu.memory_space<vmem>> -> memref<32x128xf32, #tpu.memory_space<vmem>>
      %dma_wait3A_103 = arith.constant 0 : i32
      %dma_wait3A_104 = tpu.memref_slice %arg4[%mul3A_98, %dma_wait3A_103] : memref<250000x128xf32, #tpu.memory_space<hbm>> -> memref<32x128xf32, #tpu.memory_space<hbm>>
      %dma_wait3A_105 = tpu.memref_slice %arg8[%select_n3A_93] : memref<2x!tpu.dma_semaphore, #tpu.memory_space<semaphore_mem>> -> memref<1x!tpu.dma_semaphore, #tpu.memory_space<semaphore_mem>>
      %dma_wait3A_106 = tpu.memref_squeeze %dma_wait3A_105 : memref<1x!tpu.dma_semaphore, #tpu.memory_space<semaphore_mem>> -> memref<!tpu.dma_semaphore, #tpu.memory_space<semaphore_mem>>
      %dma_wait3A_107 = arith.constant 0 : i32
      %dma_wait3A_108 = tpu.memref_slice %arg4[%mul3A_98, %dma_wait3A_107] : memref<250000x128xf32, #tpu.memory_space<hbm>> -> memref<32x128xf32, #tpu.memory_space<hbm>>
      %dma_wait3A_109 = arith.constant 0 : i32
      %dma_wait3A_110 = arith.constant 0 : i32
      %dma_wait3A_111 = tpu.memref_slice %arg6[%select_n3A_93, %dma_wait3A_109, %dma_wait3A_110] : memref<2x32x128xf32, #tpu.memory_space<vmem>> -> memref<1x32x128xf32, #tpu.memory_space<vmem>>
      %dma_wait3A_112 = tpu.memref_squeeze %dma_wait3A_111 : memref<1x32x128xf32, #tpu.memory_space<vmem>> -> memref<32x128xf32, #tpu.memory_space<vmem>>
      tpu.wait_dma2 semaphore(%dma_wait3A_106 : memref<!tpu.dma_semaphore, #tpu.memory_space<semaphore_mem>>) src(%dma_wait3A_112 : memref<32x128xf32, #tpu.memory_space<vmem>>) dst(%dma_wait3A_108 : memref<32x128xf32, #tpu.memory_space<hbm>>)
    } else {
    }
    %sub3A = arith.constant 1 : i32
    %sub3A_38 = arith.subi %select_n3A, %sub3A : i32
    %sub3A_39 = arith.constant 1 : i32
    %sub3A_40 = arith.subi %select_n3A, %sub3A_39 : i32
    %jit3A_41 = arith.constant 2 : i32
    %eq3A = arith.constant 0 : i32
    %eq3A_42 = arith.cmpi eq, %jit3A_41, %eq3A : i32
    %jit3A_43 = arith.constant 1 : i32
    %select_n3A_44 = arith.select %eq3A_42, %jit3A_43, %jit3A_41 : i32
    %rem3A = arith.remsi %sub3A_40, %select_n3A_44 : i32
    %ne3A = arith.constant 0 : i32
    %ne3A_45 = arith.cmpi ne, %rem3A, %ne3A : i32
    %lt3A_46 = arith.constant 0 : i32
    %lt3A_47 = arith.cmpi slt, %rem3A, %lt3A_46 : i32
    %lt3A_48 = arith.constant 0 : i32
    %lt3A_49 = arith.cmpi slt, %select_n3A_44, %lt3A_48 : i32
    %ne3A_50 = arith.xori %lt3A_47, %lt3A_49 : i1
    %and3A = arith.andi %ne3A_50, %ne3A_45 : i1
    %add3A_51 = arith.addi %rem3A, %select_n3A_44 : i32
    %select_n3A_52 = arith.select %and3A, %add3A_51, %rem3A : i32
    %mul3A_53 = arith.constant 32 : i32
    %mul3A_54 = arith.muli %sub3A_38, %mul3A_53 : i32
    %add3A_55 = arith.addi %add3A, %mul3A_54 : i32
    %mul3A_56 = arith.constant 32 : i32
    %mul3A_57 = arith.muli %add3A_55, %mul3A_56 : i32
    %dma_wait3A = arith.constant 0 : i32
    %dma_wait3A_58 = arith.constant 0 : i32
    %dma_wait3A_59 = tpu.memref_slice %arg6[%select_n3A_52, %dma_wait3A, %dma_wait3A_58] : memref<2x32x128xf32, #tpu.memory_space<vmem>> -> memref<1x32x128xf32, #tpu.memory_space<vmem>>
    %dma_wait3A_60 = tpu.memref_squeeze %dma_wait3A_59 : memref<1x32x128xf32, #tpu.memory_space<vmem>> -> memref<32x128xf32, #tpu.memory_space<vmem>>
    %dma_wait3A_61 = arith.constant 0 : i32
    %dma_wait3A_62 = tpu.memref_slice %arg4[%mul3A_57, %dma_wait3A_61] : memref<250000x128xf32, #tpu.memory_space<hbm>> -> memref<32x128xf32, #tpu.memory_space<hbm>>
    %dma_wait3A_63 = tpu.memref_slice %arg8[%select_n3A_52] : memref<2x!tpu.dma_semaphore, #tpu.memory_space<semaphore_mem>> -> memref<1x!tpu.dma_semaphore, #tpu.memory_space<semaphore_mem>>
    %dma_wait3A_64 = tpu.memref_squeeze %dma_wait3A_63 : memref<1x!tpu.dma_semaphore, #tpu.memory_space<semaphore_mem>> -> memref<!tpu.dma_semaphore, #tpu.memory_space<semaphore_mem>>
    %dma_wait3A_65 = arith.constant 0 : i32
    %dma_wait3A_66 = tpu.memref_slice %arg4[%mul3A_57, %dma_wait3A_65] : memref<250000x128xf32, #tpu.memory_space<hbm>> -> memref<32x128xf32, #tpu.memory_space<hbm>>
    %dma_wait3A_67 = arith.constant 0 : i32
    %dma_wait3A_68 = arith.constant 0 : i32
    %dma_wait3A_69 = tpu.memref_slice %arg6[%select_n3A_52, %dma_wait3A_67, %dma_wait3A_68] : memref<2x32x128xf32, #tpu.memory_space<vmem>> -> memref<1x32x128xf32, #tpu.memory_space<vmem>>
    %dma_wait3A_70 = tpu.memref_squeeze %dma_wait3A_69 : memref<1x32x128xf32, #tpu.memory_space<vmem>> -> memref<32x128xf32, #tpu.memory_space<vmem>>
    tpu.wait_dma2 semaphore(%dma_wait3A_64 : memref<!tpu.dma_semaphore, #tpu.memory_space<semaphore_mem>>) src(%dma_wait3A_70 : memref<32x128xf32, #tpu.memory_space<vmem>>) dst(%dma_wait3A_66 : memref<32x128xf32, #tpu.memory_space<hbm>>)
    %eq3A_71 = arith.constant 0 : i32
    %eq3A_72 = arith.cmpi eq, %add3A, %eq3A_71 : i32
    %convert_element_type3A_73 = arith.extui %eq3A_72 : i1 to i32
    %cond3A_74 = arith.constant 0 : i32
    %cond3A_75 = arith.cmpi ne, %convert_element_type3A_73, %cond3A_74 : i32
    scf.if %cond3A_75 {
      %run_scoped3A = arith.constant 0 : i32
      "tpu.region"() ({
        %run_scoped3A_77 = tpu.sem_alloc : memref<!tpu.dma_semaphore, #tpu.memory_space<semaphore_mem>>
        %dma_start3A_78 = arith.constant 0 : i32
        %dma_start3A_79 = arith.constant 0 : i32
        %dma_start3A_80 = tpu.memref_slice %arg5[%run_scoped3A, %dma_start3A_78, %dma_start3A_79] : memref<2x32x128xf32, #tpu.memory_space<vmem>> -> memref<1x16x128xf32, #tpu.memory_space<vmem>>
        %dma_start3A_81 = tpu.memref_squeeze %dma_start3A_80 : memref<1x16x128xf32, #tpu.memory_space<vmem>> -> memref<16x128xf32, #tpu.memory_space<vmem>>
        %dma_start3A_82 = arith.constant 0 : i32
        %dma_start3A_83 = arith.constant 0 : i32
        %dma_start3A_84 = tpu.memref_slice %arg5[%run_scoped3A, %dma_start3A_82, %dma_start3A_83] : memref<2x32x128xf32, #tpu.memory_space<vmem>> -> memref<1x16x128xf32, #tpu.memory_space<vmem>>
        %dma_start3A_85 = tpu.memref_squeeze %dma_start3A_84 : memref<1x16x128xf32, #tpu.memory_space<vmem>> -> memref<16x128xf32, #tpu.memory_space<vmem>>
        tpu.enqueue_dma source(%arg3 : memref<16x128xf32, #tpu.memory_space<hbm>>) target(%dma_start3A_85 : memref<16x128xf32, #tpu.memory_space<vmem>>) target_semaphore(%run_scoped3A_77 : memref<!tpu.dma_semaphore, #tpu.memory_space<semaphore_mem>>)
        %dma_wait3A_86 = arith.constant 0 : i32
        %dma_wait3A_87 = arith.constant 0 : i32
        %dma_wait3A_88 = tpu.memref_slice %arg5[%run_scoped3A, %dma_wait3A_86, %dma_wait3A_87] : memref<2x32x128xf32, #tpu.memory_space<vmem>> -> memref<1x16x128xf32, #tpu.memory_space<vmem>>
        %dma_wait3A_89 = tpu.memref_squeeze %dma_wait3A_88 : memref<1x16x128xf32, #tpu.memory_space<vmem>> -> memref<16x128xf32, #tpu.memory_space<vmem>>
        %dma_wait3A_90 = arith.constant 0 : i32
        %dma_wait3A_91 = arith.constant 0 : i32
        %dma_wait3A_92 = tpu.memref_slice %arg5[%run_scoped3A, %dma_wait3A_90, %dma_wait3A_91] : memref<2x32x128xf32, #tpu.memory_space<vmem>> -> memref<1x16x128xf32, #tpu.memory_space<vmem>>
        %dma_wait3A_93 = tpu.memref_squeeze %dma_wait3A_92 : memref<1x16x128xf32, #tpu.memory_space<vmem>> -> memref<16x128xf32, #tpu.memory_space<vmem>>
        tpu.wait_dma2 semaphore(%run_scoped3A_77 : memref<!tpu.dma_semaphore, #tpu.memory_space<semaphore_mem>>) src(%arg3 : memref<16x128xf32, #tpu.memory_space<hbm>>) dst(%dma_wait3A_93 : memref<16x128xf32, #tpu.memory_space<vmem>>)
        tpu.yield
      }) : () -> ()
      %run_scoped3A_76 = arith.constant 0 : i32
      "tpu.region"() ({
        %run_scoped3A_77 = tpu.sem_alloc : memref<!tpu.dma_semaphore, #tpu.memory_space<semaphore_mem>>
        %dma_start3A_78 = arith.constant 0 : i32
        %dma_start3A_79 = arith.constant 0 : i32
        %dma_start3A_80 = tpu.memref_slice %arg5[%run_scoped3A_76, %dma_start3A_78, %dma_start3A_79] : memref<2x32x128xf32, #tpu.memory_space<vmem>> -> memref<1x16x128xf32, #tpu.memory_space<vmem>>
        %dma_start3A_81 = tpu.memref_squeeze %dma_start3A_80 : memref<1x16x128xf32, #tpu.memory_space<vmem>> -> memref<16x128xf32, #tpu.memory_space<vmem>>
        %dma_start3A_82 = arith.constant 249984 : i32
        %dma_start3A_83 = arith.constant 0 : i32
        %dma_start3A_84 = tpu.memref_slice %arg4[%dma_start3A_82, %dma_start3A_83] : memref<250000x128xf32, #tpu.memory_space<hbm>> -> memref<16x128xf32, #tpu.memory_space<hbm>>
        %dma_start3A_85 = arith.constant 249984 : i32
        %dma_start3A_86 = arith.constant 0 : i32
        %dma_start3A_87 = tpu.memref_slice %arg4[%dma_start3A_85, %dma_start3A_86] : memref<250000x128xf32, #tpu.memory_space<hbm>> -> memref<16x128xf32, #tpu.memory_space<hbm>>
        %dma_start3A_88 = arith.constant 0 : i32
        %dma_start3A_89 = arith.constant 0 : i32
        %dma_start3A_90 = tpu.memref_slice %arg5[%run_scoped3A_76, %dma_start3A_88, %dma_start3A_89] : memref<2x32x128xf32, #tpu.memory_space<vmem>> -> memref<1x16x128xf32, #tpu.memory_space<vmem>>
        %dma_start3A_91 = tpu.memref_squeeze %dma_start3A_90 : memref<1x16x128xf32, #tpu.memory_space<vmem>> -> memref<16x128xf32, #tpu.memory_space<vmem>>
        tpu.enqueue_dma source(%dma_start3A_91 : memref<16x128xf32, #tpu.memory_space<vmem>>) target(%dma_start3A_87 : memref<16x128xf32, #tpu.memory_space<hbm>>) target_semaphore(%run_scoped3A_77 : memref<!tpu.dma_semaphore, #tpu.memory_space<semaphore_mem>>)
        %dma_wait3A_92 = arith.constant 0 : i32
        %dma_wait3A_93 = arith.constant 0 : i32
        %dma_wait3A_94 = tpu.memref_slice %arg5[%run_scoped3A_76, %dma_wait3A_92, %dma_wait3A_93] : memref<2x32x128xf32, #tpu.memory_space<vmem>> -> memref<1x16x128xf32, #tpu.memory_space<vmem>>
        %dma_wait3A_95 = tpu.memref_squeeze %dma_wait3A_94 : memref<1x16x128xf32, #tpu.memory_space<vmem>> -> memref<16x128xf32, #tpu.memory_space<vmem>>
        %dma_wait3A_96 = arith.constant 249984 : i32
        %dma_wait3A_97 = arith.constant 0 : i32
        %dma_wait3A_98 = tpu.memref_slice %arg4[%dma_wait3A_96, %dma_wait3A_97] : memref<250000x128xf32, #tpu.memory_space<hbm>> -> memref<16x128xf32, #tpu.memory_space<hbm>>
        %dma_wait3A_99 = arith.constant 249984 : i32
        %dma_wait3A_100 = arith.constant 0 : i32
        %dma_wait3A_101 = tpu.memref_slice %arg4[%dma_wait3A_99, %dma_wait3A_100] : memref<250000x128xf32, #tpu.memory_space<hbm>> -> memref<16x128xf32, #tpu.memory_space<hbm>>
        %dma_wait3A_102 = arith.constant 0 : i32
        %dma_wait3A_103 = arith.constant 0 : i32
        %dma_wait3A_104 = tpu.memref_slice %arg5[%run_scoped3A_76, %dma_wait3A_102, %dma_wait3A_103] : memref<2x32x128xf32, #tpu.memory_space<vmem>> -> memref<1x16x128xf32, #tpu.memory_space<vmem>>
        %dma_wait3A_105 = tpu.memref_squeeze %dma_wait3A_104 : memref<1x16x128xf32, #tpu.memory_space<vmem>> -> memref<16x128xf32, #tpu.memory_space<vmem>>
        tpu.wait_dma2 semaphore(%run_scoped3A_77 : memref<!tpu.dma_semaphore, #tpu.memory_space<semaphore_mem>>) src(%dma_wait3A_105 : memref<16x128xf32, #tpu.memory_space<vmem>>) dst(%dma_wait3A_101 : memref<16x128xf32, #tpu.memory_space<hbm>>)
        tpu.yield
      }) : () -> ()
    } else {
    }
    return
  }
}

module attributes {stable_mosaic.version = 14 : i64} {
  func.func @_mm_body(%arg0: i32, %arg1: memref<8x1024x128xf32, #tpu.memory_space<vmem>>, %arg2: memref<8x128x64xf32, #tpu.memory_space<vmem>>, %arg3: memref<1x64xf32, #tpu.memory_space<vmem>>, %arg4: memref<1024x64xf32, #tpu.memory_space<vmem>>) attributes {dimension_semantics = [#tpu.dimension_semantics<arbitrary>], iteration_bounds = array<i64: 25>, scalar_prefetch = 0 : i64, scratch_operands = 0 : i64, tpu.core_type = #tpu.core_type<tc>, window_params = [{transform_indices = @transform_0, window_bounds = array<i64: 8, 1024, 128>}, {transform_indices = @transform_1, window_bounds = array<i64: 8, 128, 64>}, {pipeline_mode = #tpu.pipeline_mode<synchronous>, transform_indices = @transform_2, window_bounds = array<i64: 1, 64>}, {pipeline_mode = #tpu.pipeline_mode<synchronous>, transform_indices = @transform_3, window_bounds = array<i64: 1024, 64>}]} {
    %eq3A = arith.constant 0 : i32
    %eq3A_0 = arith.cmpi eq, %arg0, %eq3A : i32
    %convert_element_type3A = arith.extui %eq3A_0 : i1 to i32
    %cond3A = arith.constant 0 : i32
    %cond3A_1 = arith.cmpi ne, %convert_element_type3A, %cond3A : i32
    scf.if %cond3A_1 {
      %get3A_108 = arith.constant 0 : index
      %get3A_109 = arith.constant 0 : index
      %get3A_110 = vector.load %arg3[%get3A_108, %get3A_109] : memref<1x64xf32, #tpu.memory_space<vmem>>, vector<1x64xf32>
      %broadcast_in_dim3A = vector.shape_cast %get3A_110 : vector<1x64xf32> to vector<1x64xf32>
      %broadcast_in_dim3A_111 = vector.broadcast %broadcast_in_dim3A : vector<1x64xf32> to vector<1024x64xf32>
      %swap3A_112 = arith.constant 0 : index
      %swap3A_113 = arith.constant 0 : index
      %swap3A_114 = vector.load %arg4[%swap3A_112, %swap3A_113] : memref<1024x64xf32, #tpu.memory_space<vmem>>, vector<1024x64xf32>
      tpu.vector_store %arg4[%swap3A_112, %swap3A_113], %broadcast_in_dim3A_111 {strides = array<i32>} : memref<1024x64xf32, #tpu.memory_space<vmem>>, vector<1024x64xf32>,
    } else {
    }
    %get3A = arith.constant 0 : index
    %get3A_2 = arith.constant 0 : index
    %get3A_3 = arith.constant 0 : index
    %get3A_4 = vector.load %arg1[%get3A, %get3A_2, %get3A_3] : memref<8x1024x128xf32, #tpu.memory_space<vmem>>, vector<1x1024x128xf32>
    %get3A_5 = vector.shape_cast %get3A_4 : vector<1x1024x128xf32> to vector<1024x128xf32>
    %get3A_6 = arith.constant 0 : index
    %get3A_7 = arith.constant 0 : index
    %get3A_8 = arith.constant 0 : index
    %get3A_9 = vector.load %arg2[%get3A_6, %get3A_7, %get3A_8] : memref<8x128x64xf32, #tpu.memory_space<vmem>>, vector<1x128x64xf32>
    %get3A_10 = vector.shape_cast %get3A_9 : vector<1x128x64xf32> to vector<128x64xf32>
    %dot_general3A = arith.constant dense<0.000000e+00> : vector<1024x64xf32>
    %dot_general3A_11 = tpu.matmul %get3A_5, %get3A_10, %dot_general3A {dimension_numbers = #tpu.dot_dimension_numbers<[1], [0], [0], [1], [0, 0, 1, 1], [], []>, transpose_lhs_hint = false} : vector<1024x128xf32>, vector<128x64xf32>, vector<1024x64xf32> -> vector<1024x64xf32>
    %get3A_12 = arith.constant 1 : index
    %get3A_13 = arith.constant 0 : index
    %get3A_14 = arith.constant 0 : index
    %get3A_15 = vector.load %arg1[%get3A_12, %get3A_13, %get3A_14] : memref<8x1024x128xf32, #tpu.memory_space<vmem>>, vector<1x1024x128xf32>
    %get3A_16 = vector.shape_cast %get3A_15 : vector<1x1024x128xf32> to vector<1024x128xf32>
    %get3A_17 = arith.constant 1 : index
    %get3A_18 = arith.constant 0 : index
    %get3A_19 = arith.constant 0 : index
    %get3A_20 = vector.load %arg2[%get3A_17, %get3A_18, %get3A_19] : memref<8x128x64xf32, #tpu.memory_space<vmem>>, vector<1x128x64xf32>
    %get3A_21 = vector.shape_cast %get3A_20 : vector<1x128x64xf32> to vector<128x64xf32>
    %dot_general3A_22 = arith.constant dense<0.000000e+00> : vector<1024x64xf32>
    %dot_general3A_23 = tpu.matmul %get3A_16, %get3A_21, %dot_general3A_22 {dimension_numbers = #tpu.dot_dimension_numbers<[1], [0], [0], [1], [0, 0, 1, 1], [], []>, transpose_lhs_hint = false} : vector<1024x128xf32>, vector<128x64xf32>, vector<1024x64xf32> -> vector<1024x64xf32>
    %add3A = arith.addf %dot_general3A_11, %dot_general3A_23 : vector<1024x64xf32>
    %get3A_24 = arith.constant 2 : index
    %get3A_25 = arith.constant 0 : index
    %get3A_26 = arith.constant 0 : index
    %get3A_27 = vector.load %arg1[%get3A_24, %get3A_25, %get3A_26] : memref<8x1024x128xf32, #tpu.memory_space<vmem>>, vector<1x1024x128xf32>
    %get3A_28 = vector.shape_cast %get3A_27 : vector<1x1024x128xf32> to vector<1024x128xf32>
    %get3A_29 = arith.constant 2 : index
    %get3A_30 = arith.constant 0 : index
    %get3A_31 = arith.constant 0 : index
    %get3A_32 = vector.load %arg2[%get3A_29, %get3A_30, %get3A_31] : memref<8x128x64xf32, #tpu.memory_space<vmem>>, vector<1x128x64xf32>
    %get3A_33 = vector.shape_cast %get3A_32 : vector<1x128x64xf32> to vector<128x64xf32>
    %dot_general3A_34 = arith.constant dense<0.000000e+00> : vector<1024x64xf32>
    %dot_general3A_35 = tpu.matmul %get3A_28, %get3A_33, %dot_general3A_34 {dimension_numbers = #tpu.dot_dimension_numbers<[1], [0], [0], [1], [0, 0, 1, 1], [], []>, transpose_lhs_hint = false} : vector<1024x128xf32>, vector<128x64xf32>, vector<1024x64xf32> -> vector<1024x64xf32>
    %add3A_36 = arith.addf %add3A, %dot_general3A_35 : vector<1024x64xf32>
    %get3A_37 = arith.constant 3 : index
    %get3A_38 = arith.constant 0 : index
    %get3A_39 = arith.constant 0 : index
    %get3A_40 = vector.load %arg1[%get3A_37, %get3A_38, %get3A_39] : memref<8x1024x128xf32, #tpu.memory_space<vmem>>, vector<1x1024x128xf32>
    %get3A_41 = vector.shape_cast %get3A_40 : vector<1x1024x128xf32> to vector<1024x128xf32>
    %get3A_42 = arith.constant 3 : index
    %get3A_43 = arith.constant 0 : index
    %get3A_44 = arith.constant 0 : index
    %get3A_45 = vector.load %arg2[%get3A_42, %get3A_43, %get3A_44] : memref<8x128x64xf32, #tpu.memory_space<vmem>>, vector<1x128x64xf32>
    %get3A_46 = vector.shape_cast %get3A_45 : vector<1x128x64xf32> to vector<128x64xf32>
    %dot_general3A_47 = arith.constant dense<0.000000e+00> : vector<1024x64xf32>
    %dot_general3A_48 = tpu.matmul %get3A_41, %get3A_46, %dot_general3A_47 {dimension_numbers = #tpu.dot_dimension_numbers<[1], [0], [0], [1], [0, 0, 1, 1], [], []>, transpose_lhs_hint = false} : vector<1024x128xf32>, vector<128x64xf32>, vector<1024x64xf32> -> vector<1024x64xf32>
    %add3A_49 = arith.addf %add3A_36, %dot_general3A_48 : vector<1024x64xf32>
    %get3A_50 = arith.constant 4 : index
    %get3A_51 = arith.constant 0 : index
    %get3A_52 = arith.constant 0 : index
    %get3A_53 = vector.load %arg1[%get3A_50, %get3A_51, %get3A_52] : memref<8x1024x128xf32, #tpu.memory_space<vmem>>, vector<1x1024x128xf32>
    %get3A_54 = vector.shape_cast %get3A_53 : vector<1x1024x128xf32> to vector<1024x128xf32>
    %get3A_55 = arith.constant 4 : index
    %get3A_56 = arith.constant 0 : index
    %get3A_57 = arith.constant 0 : index
    %get3A_58 = vector.load %arg2[%get3A_55, %get3A_56, %get3A_57] : memref<8x128x64xf32, #tpu.memory_space<vmem>>, vector<1x128x64xf32>
    %get3A_59 = vector.shape_cast %get3A_58 : vector<1x128x64xf32> to vector<128x64xf32>
    %dot_general3A_60 = arith.constant dense<0.000000e+00> : vector<1024x64xf32>
    %dot_general3A_61 = tpu.matmul %get3A_54, %get3A_59, %dot_general3A_60 {dimension_numbers = #tpu.dot_dimension_numbers<[1], [0], [0], [1], [0, 0, 1, 1], [], []>, transpose_lhs_hint = false} : vector<1024x128xf32>, vector<128x64xf32>, vector<1024x64xf32> -> vector<1024x64xf32>
    %add3A_62 = arith.addf %add3A_49, %dot_general3A_61 : vector<1024x64xf32>
    %get3A_63 = arith.constant 5 : index
    %get3A_64 = arith.constant 0 : index
    %get3A_65 = arith.constant 0 : index
    %get3A_66 = vector.load %arg1[%get3A_63, %get3A_64, %get3A_65] : memref<8x1024x128xf32, #tpu.memory_space<vmem>>, vector<1x1024x128xf32>
    %get3A_67 = vector.shape_cast %get3A_66 : vector<1x1024x128xf32> to vector<1024x128xf32>
    %get3A_68 = arith.constant 5 : index
    %get3A_69 = arith.constant 0 : index
    %get3A_70 = arith.constant 0 : index
    %get3A_71 = vector.load %arg2[%get3A_68, %get3A_69, %get3A_70] : memref<8x128x64xf32, #tpu.memory_space<vmem>>, vector<1x128x64xf32>
    %get3A_72 = vector.shape_cast %get3A_71 : vector<1x128x64xf32> to vector<128x64xf32>
    %dot_general3A_73 = arith.constant dense<0.000000e+00> : vector<1024x64xf32>
    %dot_general3A_74 = tpu.matmul %get3A_67, %get3A_72, %dot_general3A_73 {dimension_numbers = #tpu.dot_dimension_numbers<[1], [0], [0], [1], [0, 0, 1, 1], [], []>, transpose_lhs_hint = false} : vector<1024x128xf32>, vector<128x64xf32>, vector<1024x64xf32> -> vector<1024x64xf32>
    %add3A_75 = arith.addf %add3A_62, %dot_general3A_74 : vector<1024x64xf32>
    %get3A_76 = arith.constant 6 : index
    %get3A_77 = arith.constant 0 : index
    %get3A_78 = arith.constant 0 : index
    %get3A_79 = vector.load %arg1[%get3A_76, %get3A_77, %get3A_78] : memref<8x1024x128xf32, #tpu.memory_space<vmem>>, vector<1x1024x128xf32>
    %get3A_80 = vector.shape_cast %get3A_79 : vector<1x1024x128xf32> to vector<1024x128xf32>
    %get3A_81 = arith.constant 6 : index
    %get3A_82 = arith.constant 0 : index
    %get3A_83 = arith.constant 0 : index
    %get3A_84 = vector.load %arg2[%get3A_81, %get3A_82, %get3A_83] : memref<8x128x64xf32, #tpu.memory_space<vmem>>, vector<1x128x64xf32>
    %get3A_85 = vector.shape_cast %get3A_84 : vector<1x128x64xf32> to vector<128x64xf32>
    %dot_general3A_86 = arith.constant dense<0.000000e+00> : vector<1024x64xf32>
    %dot_general3A_87 = tpu.matmul %get3A_80, %get3A_85, %dot_general3A_86 {dimension_numbers = #tpu.dot_dimension_numbers<[1], [0], [0], [1], [0, 0, 1, 1], [], []>, transpose_lhs_hint = false} : vector<1024x128xf32>, vector<128x64xf32>, vector<1024x64xf32> -> vector<1024x64xf32>
    %add3A_88 = arith.addf %add3A_75, %dot_general3A_87 : vector<1024x64xf32>
    %get3A_89 = arith.constant 7 : index
    %get3A_90 = arith.constant 0 : index
    %get3A_91 = arith.constant 0 : index
    %get3A_92 = vector.load %arg1[%get3A_89, %get3A_90, %get3A_91] : memref<8x1024x128xf32, #tpu.memory_space<vmem>>, vector<1x1024x128xf32>
    %get3A_93 = vector.shape_cast %get3A_92 : vector<1x1024x128xf32> to vector<1024x128xf32>
    %get3A_94 = arith.constant 7 : index
    %get3A_95 = arith.constant 0 : index
    %get3A_96 = arith.constant 0 : index
    %get3A_97 = vector.load %arg2[%get3A_94, %get3A_95, %get3A_96] : memref<8x128x64xf32, #tpu.memory_space<vmem>>, vector<1x128x64xf32>
    %get3A_98 = vector.shape_cast %get3A_97 : vector<1x128x64xf32> to vector<128x64xf32>
    %dot_general3A_99 = arith.constant dense<0.000000e+00> : vector<1024x64xf32>
    %dot_general3A_100 = tpu.matmul %get3A_93, %get3A_98, %dot_general3A_99 {dimension_numbers = #tpu.dot_dimension_numbers<[1], [0], [0], [1], [0, 0, 1, 1], [], []>, transpose_lhs_hint = false} : vector<1024x128xf32>, vector<128x64xf32>, vector<1024x64xf32> -> vector<1024x64xf32>
    %add3A_101 = arith.addf %add3A_88, %dot_general3A_100 : vector<1024x64xf32>
    %get3A_102 = arith.constant 0 : index
    %get3A_103 = arith.constant 0 : index
    %get3A_104 = vector.load %arg4[%get3A_102, %get3A_103] : memref<1024x64xf32, #tpu.memory_space<vmem>>, vector<1024x64xf32>
    %add3A_105 = arith.addf %get3A_104, %add3A_101 : vector<1024x64xf32>
    %swap3A = arith.constant 0 : index
    %swap3A_106 = arith.constant 0 : index
    %swap3A_107 = vector.load %arg4[%swap3A, %swap3A_106] : memref<1024x64xf32, #tpu.memory_space<vmem>>, vector<1024x64xf32>
    tpu.vector_store %arg4[%swap3A, %swap3A_106], %add3A_105 {strides = array<i32>} : memref<1024x64xf32, #tpu.memory_space<vmem>>, vector<1024x64xf32>,
    return
  }
  func.func @transform_0(%arg0: i32) -> (i32, i32, i32) {
    %c0_i32 = arith.constant 0 : i32
    %c0_i32_0 = arith.constant 0 : i32
    %c0_i32_1 = arith.constant 0 : i32
    return %arg0, %c0_i32, %c0_i32_0 : i32, i32, i32
  }
  func.func @transform_1(%arg0: i32) -> (i32, i32, i32) {
    %c0_i32 = arith.constant 0 : i32
    %c0_i32_0 = arith.constant 0 : i32
    %c0_i32_1 = arith.constant 0 : i32
    return %arg0, %c0_i32, %c0_i32_0 : i32, i32, i32
  }
  func.func @transform_2(%arg0: i32) -> (i32, i32) {
    %c0_i32 = arith.constant 0 : i32
    %c0_i32_0 = arith.constant 0 : i32
    %c0_i32_1 = arith.constant 0 : i32
    return %c0_i32, %c0_i32_0 : i32, i32
  }
  func.func @transform_3(%arg0: i32) -> (i32, i32) {
    %c0_i32 = arith.constant 0 : i32
    %c0_i32_0 = arith.constant 0 : i32
    %c0_i32_1 = arith.constant 0 : i32
    return %c0_i32, %c0_i32_0 : i32, i32
  }
}

</mosaic_0001>

<sc_bundles>
// kernel: kernel.5.cloned.1.call-start
scs
__scs_entry_jumppad:
0x0: {  	(pc) =	sbr.rel $0x88, $3  }
0x1: {  	(tag) =	ssettag $0x0;
	lr =	simm.s32 $0x1  }
0x2: {  	[smem:$0x3F9D] =	sst lr;
	_ =	strace $0xD0000000  }
0x3: {  	_ = 	snop  }
0x4: {  	_ = 	snop  }
0x5: {  	_ = 	snop  }
0x6: {  	_ = 	snop  }
0x7: {  	_ = 	snop  }
__scs_overlays_trampoline_lowered:
0x8: {  	[smem:$0x3FAC] =	sst s0  }
0x9: {  	[smem:$0x3FAD] =	sst s1  }
0xa: {  	[smem:$0x3FAE] =	sst s2  }
0xb: {  	[smem:$0x3FAF] =	sst s3  }
0xc: {  	[smem:$0x3FB0] =	sst s4  }
0xd: {  	[smem:$0x3FB1] =	sst s5  }
0xe: {  	[smem:$0x3FB2] =	sst s6  }
0xf: {  	[smem:$0x3FB3] =	sst s7  }
0x10: {  	[smem:$0x3FB4] =	sst s8  }
0x11: {  	[smem:$0x3FB5] =	sst s9;
	s0 =	simm.s32 @!p0 $0x0  }
0x12: {  	s1 =	sld [smem:$0x3F9B];
	s0 =	simm.s32 @p0 $0x1  }
0x13: {  	[smem:$0x3FB6] =	sst s0;
	s0 =	simm.s32 @!p1 $0x0  }
0x14: {  	s2 =	sld [smem:$0x3F9A];
	s0 =	simm.s32 @p1 $0x1  }
0x15: {  	[smem:$0x3FB7] =	sst s0;
	s0 =	simm.s32 @!p2 $0x0  }
0x16: {  	s3 =	sld [smem:$0x3FDB];
	s0 =	simm.s32 @p2 $0x1  }
0x17: {  	s4 =	simm.s32 $0x1BF5;
	[smem:$0x3FB9] =	sst s0  }
0x18: {  	s0 =	sld [smem:$0x3F9C];
	_ =	swait.ge [sflag:s4], $0x0  }
0x19: {  	s7 =	sld [smem:$0x3F9D]  }
0x1a: {  	s8 =	sadd.s32 $0xFFFFE003, lr  }
0x1b: {  	s9 =	sadd.s32 $0xFFFFFEF7, lr;
	s5 =	simm.s32 $0xFFFFFFFF;
	p2 =	slt.u32 s8, $0xFFFFF086  }
0x1c: {  	p1 =	slt.u32 s9, $0xF7A;
	s5 =	simm.s32 @!p2 $0x0  }
0x1d: {  	s5 =	simm.s32 @p1 $0x1;
	p0 =	seq.s32 s7, s2  }
0x1e: {  	s7 =	smul.u32 @!p0 $0xF7A, s2;
	p2 =	seq.s32 @!p0 s5, $0x0  }
0x1f: {  	s9 =	smul.u32 $0xF7A, s1;
	s8 =	simm.s32 @!p0 $0x1BF5;
	p2 =	por !p2, p0  }
0x20: {  	[sflag:s8] =	ssyncset.s32 @!p0 $0xFFFFF086;
	s6 =	sadd.s32 @!p0 s3, s7;
	s7 =	simm.s32 @!p0 $0x108  }
0x21: {  	s3 =	sadd.s32 s3, s9;
	s6 =	sadd.s32 @!p0 $0x88, s6;
	s7 =	simm.s32 @p2 $0x1082  }
0x22: {  	[simem:s7], [sflag:s8] =	dma.local @!p0 [hbm:s6], $0xF7A  }
0x23: {  	s9 =	sor.u32 $0xD0000000, s2;
	s6 =	simm.s32 $0x108;
	_ =	swait.ge @!p0 [sflag:s8], $0x0  }
0x24: {  	s3 =	sadd.s32 $0x88, s3;
	s6 =	simm.s32 @!p1 $0x1082;
	[sflag:s4] =	ssyncset.s32 $0xFFFFF086  }
0x25: {  	[simem:s6], [sflag:s4] =	dma.local [hbm:s3], $0xF7A  }
0x26: {  	[smem:$0x3F9D] =	sst s1;
	(tag) =	ssettag s2;
	_ =	strace s9  }
0x27: {  	s1 =	sld [smem:$0x3FAD]  }
0x28: {  	s2 =	sld [smem:$0x3FAE]  }
0x29: {  	s4 =	sld [smem:$0x3FB0]  }
0x2a: {  	p0 =	seq.s32 s5, $0x0;
	s5 =	sld [smem:$0x3FB1]  }
0x2b: {  	s6 =	sld [smem:$0x3FB2]  }
0x2c: {  	s7 =	sld [smem:$0x3FB3]  }
0x2d: {  	s3 =	simm.s32 $0x108;
	s8 =	sld [smem:$0x3FB4]  }
0x2e: {  	s3 =	simm.s32 @!p0 $0x1082;
	s9 =	sld [smem:$0x3FB5]  }
0x2f: {  	lr =	sadd.s32 s0, s3;
	s0 =	sld [smem:$0x3FAC]  }
0x30: {  	s3 =	sld [smem:$0x3FAF]  }
0x31: {  	[smem:$0x3FB8] =	sst s10  }
0x32: {  	s10 =	sld [smem:$0x3FB6];
	_ =	sdelay $0x3  }
0x33: {  	p0 =	seq.s32 s10, $0x1;
	s10 =	sld [smem:$0x3FB8];
	_ =	sdelay $0x3  }
0x34: {  	[smem:$0x3FB8] =	sst s10  }
0x35: {  	s10 =	sld [smem:$0x3FB7];
	_ =	sdelay $0x3  }
0x36: {  	p1 =	seq.s32 s10, $0x1;
	s10 =	sld [smem:$0x3FB8];
	_ =	sdelay $0x3  }
0x37: {  	[smem:$0x3FB8] =	sst s10  }
0x38: {  	s10 =	sld [smem:$0x3FB9]  }
0x39: {  	_ = 	snop;
	(pc) =	sbr.ind lr, $3  }
0x3a: {  	_ = 	snop  }
0x3b: {  	_ = 	snop  }
0x3c: {  	p2 =	seq.s32 s10, $0x1;
	s10 =	sld [smem:$0x3FB8]  }
0x3d: {  	_ =	shalt  }
0x3e: {  	_ =	shalt  }
0x3f: {  	_ =	shalt  }
0x40: {  	_ =	shalt  }
0x41: {  	_ =	shalt  }
0x42: {  	_ =	shalt  }
0x43: {  	_ =	shalt  }
0x44: {  	_ =	shalt  }
0x45: {  	_ =	shalt  }
0x46: {  	_ =	shalt  }
0x47: {  	_ =	shalt  }
0x48: {  	_ =	shalt  }
0x49: {  	_ =	shalt  }
0x4a: {  	_ =	shalt  }
0x4b: {  	_ =	shalt  }
0x4c: {  	_ =	shalt  }
0x4d: {  	_ =	shalt  }
0x4e: {  	_ =	shalt  }
0x4f: {  	_ =	shalt  }
0x50: {  	_ =	shalt  }
0x51: {  	_ =	shalt  }
0x52: {  	_ =	shalt  }
0x53: {  	_ =	shalt  }
0x54: {  	_ =	shalt  }
0x55: {  	_ =	shalt  }
0x56: {  	_ =	shalt  }
0x57: {  	_ =	shalt  }
0x58: {  	_ =	shalt  }
0x59: {  	_ =	shalt  }
0x5a: {  	_ =	shalt  }
0x5b: {  	_ =	shalt  }
0x5c: {  	_ =	shalt  }
0x5d: {  	_ =	shalt  }
0x5e: {  	_ =	shalt  }
0x5f: {  	_ =	shalt  }
0x60: {  	_ =	shalt  }
0x61: {  	_ =	shalt  }
0x62: {  	_ =	shalt  }
0x63: {  	_ =	shalt  }
0x64: {  	_ =	shalt  }
0x65: {  	_ =	shalt  }
0x66: {  	_ =	shalt  }
0x67: {  	_ =	shalt  }
0x68: {  	_ =	shalt  }
0x69: {  	_ =	shalt  }
0x6a: {  	_ =	shalt  }
0x6b: {  	_ =	shalt  }
0x6c: {  	_ =	shalt  }
0x6d: {  	_ =	shalt  }
0x6e: {  	_ =	shalt  }
0x6f: {  	_ =	shalt  }
0x70: {  	_ =	shalt  }
0x71: {  	_ =	shalt  }
0x72: {  	_ =	shalt  }
0x73: {  	_ =	shalt  }
0x74: {  	_ =	shalt  }
0x75: {  	_ =	shalt  }
0x76: {  	_ =	shalt  }
0x77: {  	_ =	shalt  }
0x78: {  	_ =	shalt  }
0x79: {  	_ =	shalt  }
0x7a: {  	_ =	shalt  }
0x7b: {  	_ =	shalt  }
0x7c: {  	_ =	shalt  }
0x7d: {  	_ =	shalt  }
0x7e: {  	_ =	shalt  }
0x7f: {  	_ =	shalt  }
0x80: {  	_ =	shalt  }
0x81: {  	_ =	shalt  }
0x82: {  	_ =	shalt  }
0x83: {  	_ =	shalt  }
0x84: {  	_ =	shalt  }
0x85: {  	_ =	shalt  }
0x86: {  	_ =	shalt  }
0x87: {  	_ =	shalt  }
.Lfunc_end0:
.L_simem_size_0:
called_computation_lowered:
.L_overlay_start_0:
0x88: {  	s2 =	sld [smem:$0x3FD9]  }
0x89: {  	s3 =	sld [smem:$0x3FFE];
	_ =	sdelay $0x1  }
0x8a: {  	s1 =	srdreg.scid  }
0x8b: {  	s0 =	sand.u32 $0x1, s1  }
0x8c: {  	s17 =	sshll.u32 s0, $0xA;
	s2 =	sadd.s32 s3, s2  }
0x8d: {  	s2 =	sadd.s32 s2, s17  }
0x8e: {  	[smem:$0x3FC4] =	sst s2  }
0x8f: {  	_ = 	snop  }
0x90: {  	s2 =	sld [smem:$0x3FC8]  }
0x91: {  	s18 =	sld [smem:$0x3FD0];
	(tm) =	ssettm $0x1  }
0x92: {  	s4 =	sld [smem:$0x3FFB];
	_ =	sdelay $0x3  }
0x93: {  	_ =	strace s4  }
0x94: {  	s4 =	sld [smem:$0x3FFC];
	_ =	sdelay $0x3  }
0x95: {  	_ =	strace s4  }
0x96: {  	s4 =	sld [smem:$0x3FFD];
	_ =	sdelay $0x3  }
0x97: {  	_ =	strace s4  }
0x98: {  	_ =	strace $0x8FFFFFFF  }
0x99: {  	s19 =	sld [smem:$0x3FDB];
	_ =	sdelay $0x1  }
0x9a: {  	s5 =	simm.s32 $_scs_section_size  }
0x9b: {  	s6 =	simm.s32 $_size__tile_overlayer_lowered;
	s7 =	simm.s32 $_tile_overlayer_lowered  }
0x9c: {  	s22 =	simm.s32 $0x1BFF;
	s21 =	sshll.u32 s7, $0x1;
	s4 =	sadd.s32 s5, s19  }
0x9d: {  	s8 =	simm.s32 $0x0;
	s20 =	sshll.u32 s6, $0x1;
	s6 =	sadd.s32 s21, s4  }
0x9e: {  	[timem:s8], [sflag:s22] =	dma.local [hbm:s6], s20  }
0x9f: {  	_ =	swait.ge [sflag:s22], s20  }
0xa0: {  	s5 =	ssub.s32 $0x0, s20;
	[sflag:s22] =	ssyncset.done $0x0  }
0xa1: {  	[sflag:s22] =	ssyncadd.s32 s5;
	_ =	sdelay $0x1  }
0xa2: {  	s23 =	simm.s32 $0x1B8B  }
0xa3: {  	_ =	swait.ge [sflag:s23], $0x1  }
0xa4: {  	[sflag:s23] =	ssyncset.done $0x0  }
0xa5: {  	s25 =	simm.s32 $0x1B8E;
	s24 =	sld [smem:$0x3FFE];
	[sflag:s23] =	ssyncadd.s32 $0xFFFFFFFF  }
0xa6: {  	s26 =	simm.s32 $execute0_lowered;
	[smem:$0x3FD2] =	sst s25  }
0xa7: {  	s6 =	sshll.u32 s26, $0x1;
	_ =	strace $0x80000046;
	[dreg:$0x1] =	wrdreg $0xFFFFFFFF  }
0xa8: {  	s28 =	simm.s32 $_size_execute0_lowered;
	s4 =	sadd.s32 s4, s6;
	[dreg:$0x0] =	wrdreg $0x0  }
0xa9: {  	s6 =	sshll.u32 s28, $0x1;
	[dreg:$0x2] =	wrdreg s4  }
0xaa: {  	[dreg:$0x3] =	wrdreg s6  }
0xab: {  	[dreg:$0x4] =	wrdreg $0xC0  }
0xac: {  	_ =	task [dreg:s8], $0x5FFFF  }
0xad: {  	[dreg:$0x1] =	wrdreg $0xFFFFFFFF  }
0xae: {  	[dreg:$0x0] =	wrdreg $0x60  }
0xaf: {  	[dreg:$0x2] =	wrdreg s2  }
0xb0: {  	[dreg:$0x3] =	wrdreg s18  }
0xb1: {  	[dreg:$0x4] =	wrdreg s24  }
0xb2: {  	[dreg:$0x5] =	wrdreg $0x9  }
0xb3: {  	_ =	task.clear_ibuf [dreg:s8], $0x6FFFF;
	_ =	strace $0x90000046  }
0xb4: {  	s29 =	simm.s32 $0x9;
	_ =	strace $0x80000048  }
0xb5: {  	_ =	swait.ge [sflag:s29], $0x1  }
0xb6: {  	[sflag:s29] =	ssyncadd.s32 $0xFFFFFFFF  }
0xb7: {  	_ =	strace $0x90000048  }
0xb8: {  	_ =	sfence  }
0xb9: {  	s30 =	sld [smem:$0x0];
	_ =	sdelay $0x2  }
0xba: {  	s31 =	sshll.u32 s1, $0xD;
	s1 =	sshrl.u32 s1, $0x2  }
0xbb: {  	s3 =	sand.u32 $0x4000, s31;
	s1 =	sadd.s32 s1, s30  }
0xbc: {  	s0 =	sor.u32 s3, s0;
	s1 =	sshll.u32 s1, $0x11  }
0xbd: {  	s0 =	sor.u32 s1, s0  }
0xbe: {  	s0 =	sadd.s32 $0x8F2B, s0  }
0xbf: {  	[sflag:s0] =	ssyncadd.remote.s32 $0x1  }
0xc0: {  	_ =	sfence.sel $0xFFFF  }
0xc1: {  	[dreg:$0x0] =	wrdreg $0xFFFFFFFF;
	(pc) =	sbr.abs _section_cstart, $3  }
0xc2: {  	[dreg:$0x1] =	wrdreg $0xFFFFFFFF  }
0xc3: {  	_ =	task.clear_ibuf [dreg:s8], $0x2FFFF;
	_ =	strace $0x9FFFFFFF  }
0xc4: {  	(tm) =	ssettm $0x7FFFFFFF  }
0xc5: {  	_ =	shalt  }
tec
execute0_lowered:
.L_overlay_start_1:
0x0: {  	(tag) =	ssettag $0x1  }
0x1: {  	s1 =	rddreg [dreg:$0x0]  }
0x2: {  	s2 =	rddreg [dreg:$0x1]  }
0x3: {  	s12 =	rddreg [dreg:$0x2]  }
0x4: {  	s0 =	rddreg [dreg:$0x3];
	s3 =	simm.s32 $0x0;
	s4 =	srdreg.scid  }
0x5: {  	s6 =	simm.s32 $0xF5;
	s14 =	simm.s32 $0x400;
	s15 =	simm.s32 $0x7A1400  }
0x6: {  	[smem:$0x7FF] =	sst s3;
	s7 =	sand.u32 $0x1, s4;
	s5 =	sadd.s32 $0xE00, s12  }
0x7: {  	s4 =	stileid.u32;
	s12 =	sadd.s32 $0x3D1600, s12;
	_ =	strace $0x80000047  }
0x8: {  	s8 =	ssub.s32 $0x2, s7;
	s9 =	sshll.u32 s4, $0x1;
	p0 =	slt.u32 s4, $0x2  }
0x9: {  	s10 =	sshrl.u32 s8, $0x1;
	s16 =	sor.u32 s7, s9;
	s6 =	simm.s32 @!p0 $0xF4  }
0xa: {  	v0 =	vlaneseq.u32;
	s13 =	ssub.s32 s8, s10;
	s7 =	sshll.u32 s16, $0x7;
	s31 =	sand.u32 $0x1, s6  }
0xb: {  	v0 =	vmul.u32 $0x80, v0;
	s8 =	sshll.u32 s16, $0xA;
	s9 =	sshll.u32 s16, $0xC;
	p0 =	sne.s32 s16, $0x0  }
0xc: {  	s16 =	simm.s32 $0x0;
	s7 =	sadd.s32 s1, s7;
	s11 =	sxor.u32 $0x1, s31  }
0xd: {  	v1 =	vor.u32 $0x800, v0;
	s10 =	sadd.s32 $0x3, s31;
	s13 =	smax.u32 s13, $0x1;
	s11 =	sadd.s32 $0x3, s11  }
.LBB2_1:
0xe: {  	[tilespmem:s3], [sflag:$0x1] =	stream.strided.gather [hbm4b:s7+s14], $0x1000, s15, s14, $0x38;
	[tilespmem:$0x4000] =	vst v63  }
0xf: {  	p1 =	por $0x0, $0x0;
	s19 =	simm.s32 $0x0  }
.LBB2_2:
0x10: {  	s18 =	sand.u32 $0x1, s19  }
0x11: {  	s17 =	sadd.s32 $0x1, s19;
	s20 =	sadd.s32 $0x1, s18  }
0x12: {  	p2 =	sge.u32 s17, s6;
	_ =	swait.ge [sflag:s20], $0x1000  }
0x13: {  	s21 =	sshll.u32 @!p2 s17, $0xF;
	[sflag:s20] =	ssyncset.done $0x0  }
0x14: {  	s23 =	simm.s32 @!p2 $0x400;
	[sflag:s20] =	ssyncadd.s32 $0xFFFFF000;
	s20 =	sor.u32 @!p2 s8, s21  }
0x15: {  	v2 =	vimm.s32 $0x0;
	s24 =	simm.s32 @!p2 $0x7A1400;
	s21 =	sxor.u32 @!p2 $0x1, s18;
	s20 =	sshrl.u32 @!p2 s20, $0x3  }
0x16: {  	v3 =	vand.u32 $0xFFFFFF80, v2;
	v14 =	vand.u32 $0x70, v2;
	s22 =	sshll.u32 @!p2 s21, $0xC;
	s21 =	sadd.s32 @!p2 $0x1, s21;
	s20 =	sadd.s32 @!p2 s1, s20  }
0x17: {  	v28 =	vadd.s32 v1, v3;
	v4 =	vor.u32 $0x4, v14;
	[tilespmem:s22], [sflag:s21] =	stream.strided.gather @!p2 [hbm4b:s20+s23], $0x1000, s24, s23, $0x38;
	[tilespmem:$0x4000] =	vst v63  }
0x18: {  	v3 =	vadd.s32 v0, v3;
	v5 =	vor.u32 v4, v28;
	p2 =	slt.u32 s19, $0x2  }
0x19: {  	v17 =	vor.u32 $0x6, v14;
	v4 =	vor.u32 v4, v3;
	s21 =	sadd.s32 @!p2 $0x3, s18  }
0x1a: {  	v6 =	vor.u32 v17, v3;
	_ =	swait.ge @!p2 [sflag:s21], $0x1000  }
0x1b: {  	v8 =	vor.u32 $0xB, v14;
	v9 =	vor.u32 v14, v3;
	[sflag:s21] =	ssyncset.done @!p2 $0x0  }
0x1c: {  	v12 =	vor.u32 v8, v28;
	s20 =	sshll.u32 s18, $0xC;
	[sflag:s21] =	ssyncadd.s32 @!p2 $0xFFFFF000  }
0x1d: {  	v29 =	vor.u32 $0x2, v14;
	v8 =	vor.u32 v8, v3;
	v7 =	vld.idx.msk [tilespmem:v5+s20+$0x0], $0xffff  }
0x1e: {  	v16 =	vor.u32 v29, v3;
	v11 =	vld.idx.msk [tilespmem:v4+s20+$0x0], $0xffff  }
0x1f: {  	v31 =	vor.u32 $0x9, v14;
	v18 =	vor.u32 v14, v28;
	v10 =	vld.idx.msk [tilespmem:v6+s20+$0x0], $0xffff  }
0x20: {  	v32 =	vor.u32 $0x8, v14;
	v33 =	vor.u32 v31, v28;
	v34 =	vld.idx.msk [tilespmem:v9+s20+$0x0], $0xffff  }
0x21: {  	v26 =	vor.u32 $0x7, v14;
	v36 =	vor.u32 v32, v28;
	v4 =	vld.idx.msk [tilespmem:v12+s20+$0x0], $0xffff  }
0x22: {  	v23 =	vor.u32 $0xE, v14;
	v27 =	vor.u32 v26, v28;
	v26 =	vor.u32 v26, v3;
	v9 =	vld.idx.msk [tilespmem:v8+s20+$0x0], $0xffff  }
0x23: {  	v61 =	vor.u32 v23, v28;
	v19 =	vld.idx.msk [tilespmem:v16+s20+$0x0], $0xffff  }
0x24: {  	v15 =	vor.u32 $0x3, v14;
	v21 =	vor.u32 $0x5, v14;
	v39 =	vor.u32 v31, v3;
	v35 =	vld.idx.msk [tilespmem:v18+s20+$0x0], $0xffff  }
0x25: {  	v37 =	vor.u32 v21, v3;
	v40 =	vor.u32 v29, v28;
	v12 =	vor.u32 v21, v28;
	v21 =	vld.idx.msk [tilespmem:v33+s20+$0x0], $0xffff  }
0x26: {  	v22 =	vor.u32 v23, v3;
	v6 =	vor.u32 v15, v3;
	v23 =	vld.idx.msk [tilespmem:v36+s20+$0x0], $0xffff  }
0x27: {  	v26 =	vld.idx.msk [tilespmem:v26+s20+$0x0], $0xffff  }
0x28: {  	v63 =	vor.u32 v17, v28;
	v8 =	vor.u32 $0xD, v14;
	v17 =	vld.idx.msk [tilespmem:v61+s20+$0x0], $0xffff  }
0x29: {  	v29 =	vld.idx.msk [tilespmem:v39+s20+$0x0], $0xffff;
	v24 =	vor.u32 v8, v3  }
0x2a: {  	v13 =	vor.u32 $0xC, v14;
	v15 =	vor.u32 v15, v28;
	v33 =	vld.idx.msk [tilespmem:v40+s20+$0x0], $0xffff  }
0x2b: {  	v5 =	vor.u32 v13, v3;
	v13 =	vor.u32 v13, v28;
	v20 =	vld.idx.msk [tilespmem:v6+s20+$0x0], $0xffff  }
0x2c: {  	v25 =	vor.u32 $0xF, v14;
	v8 =	vor.u32 v8, v28;
	v18 =	vld.idx.msk [tilespmem:v12+s20+$0x0], $0xffff  }
0x2d: {  	v6 =	vld.idx.msk [tilespmem:v22+s20+$0x0], $0xffff;
	v22 =	vor.u32 v25, v28  }
0x2e: {  	v12 =	vld.idx.msk [tilespmem:v24+s20+$0x0], $0xffff  }
0x2f: {  	v30 =	vor.u32 $0xA, v14;
	v24 =	vld.idx.msk [tilespmem:v15+s20+$0x0], $0xffff  }
0x30: {  	v16 =	vor.u32 v30, v3;
	v15 =	vld.idx.msk [tilespmem:v13+s20+$0x0], $0xffff  }
0x31: {  	v25 =	vor.u32 v25, v3;
	v13 =	vld.idx.msk [tilespmem:v8+s20+$0x0], $0xffff  }
0x32: {  	v32 =	vor.u32 v32, v3;
	v8 =	vld.idx.msk [tilespmem:v22+s20+$0x0], $0xffff  }
0x33: {  	s21 =	simm.s32 $0x1;
	v22 =	vld.idx.msk [tilespmem:v27+s20+$0x0], $0xffff;
	v27 =	vor.u32 $0x1, v14  }
0x34: {  	s21 =	simm.s32 @!p1 $0x0;
	v5 =	vld.idx.msk [tilespmem:v5+s20+$0x0], $0xffff;
	v62 =	vor.u32 v27, v3  }
0x35: {  	s21 =	sshll.u32 s21, $0xC;
	v16 =	vld.idx.msk [tilespmem:v16+s20+$0x0], $0xffff;
	v38 =	vor.u32 v27, v28  }
0x36: {  	s21 =	sor.u32 $0x2000, s21;
	v14 =	vld.idx.msk [tilespmem:v25+s20+$0x0], $0xffff  }
0x37: {  	v25 =	vld.idx.msk [tilespmem:v32+s20+$0x0], $0xffff;
	v28 =	vor.u32 v30, v28;
	v3 =	vmov s21  }
0x38: {  	v27 =	vld.idx.msk [tilespmem:v37+s20+$0x0], $0xffff  }
0x39: {  	v32 =	vld.idx.msk [tilespmem:v62+s20+$0x0], $0xffff  }
0x3a: {  	v31 =	vld.idx.msk [tilespmem:v38+s20+$0x0], $0xffff  }
0x3b: {  	s24 =	simm.s32 $0x0;
	v30 =	vld.idx.msk [tilespmem:v63+s20+$0x0], $0xffff  }
0x3c: {  	v28 =	vld.idx.msk [tilespmem:v28+s20+$0x0], $0xffff;
	[tilespmem:v3+s24+$0x0 ss:$0x1] =	vst.idx.msk $0xffff, v34  }
0x3d: {  	s22 =	simm.s32 $0x800;
	s21 =	sor.u32 $0x2000, s20;
	[tilespmem:v3+s24+$0x10 ss:$0x1] =	vst.idx.msk $0xffff, v35  }
.LBB2_3:
0x3e: {  	p2 =	sne.s32 s22, $0x3800;
	v2 =	vadd.s32 $0x10, v2;
	[tilespmem:v3+s24+$0x20 ss:$0x1] =	vst.idx.msk $0xffff, v32;
	s23 =	smov.u32 s22;
	s22 =	sadd.s32 $0x800, s22  }
0x3f: {  	[tilespmem:v3+s24+$0x30 ss:$0x1] =	vst.idx.msk $0xffff, v31  }
0x40: {  	[tilespmem:v3+s24+$0x40 ss:$0x1] =	vst.idx.msk $0xffff, v19  }
0x41: {  	[tilespmem:v3+s24+$0x50 ss:$0x1] =	vst.idx.msk $0xffff, v33  }
0x42: {  	[tilespmem:v3+s24+$0x60 ss:$0x1] =	vst.idx.msk $0xffff, v20  }
0x43: {  	[tilespmem:v3+s24+$0x70 ss:$0x1] =	vst.idx.msk $0xffff, v24  }
0x44: {  	[tilespmem:v3+s24+$0x80 ss:$0x1] =	vst.idx.msk $0xffff, v11  }
0x45: {  	[tilespmem:v3+s24+$0x90 ss:$0x1] =	vst.idx.msk $0xffff, v7  }
0x46: {  	[tilespmem:v3+s24+$0xA0 ss:$0x1] =	vst.idx.msk $0xffff, v27  }
0x47: {  	[tilespmem:v3+s24+$0xB0 ss:$0x1] =	vst.idx.msk $0xffff, v18  }
0x48: {  	[tilespmem:v3+s24+$0xC0 ss:$0x1] =	vst.idx.msk $0xffff, v10  }
0x49: {  	[tilespmem:v3+s24+$0xD0 ss:$0x1] =	vst.idx.msk $0xffff, v30  }
0x4a: {  	[tilespmem:v3+s24+$0xE0 ss:$0x1] =	vst.idx.msk $0xffff, v26  }
0x4b: {  	[tilespmem:v3+s24+$0xF0 ss:$0x1] =	vst.idx.msk $0xffff, v22  }
0x4c: {  	[tilespmem:v3+s24+$0x100 ss:$0x1] =	vst.idx.msk $0xffff, v25  }
0x4d: {  	[tilespmem:v3+s24+$0x110 ss:$0x1] =	vst.idx.msk $0xffff, v23  }
0x4e: {  	[tilespmem:v3+s24+$0x120 ss:$0x1] =	vst.idx.msk $0xffff, v29  }
0x4f: {  	[tilespmem:v3+s24+$0x130 ss:$0x1] =	vst.idx.msk $0xffff, v21  }
0x50: {  	[tilespmem:v3+s24+$0x140 ss:$0x1] =	vst.idx.msk $0xffff, v16  }
0x51: {  	[tilespmem:v3+s24+$0x150 ss:$0x1] =	vst.idx.msk $0xffff, v28  }
0x52: {  	v7 =	vand.u32 $0xFFFFFF80, v2;
	v16 =	vand.u32 $0x70, v2;
	[tilespmem:v3+s24+$0x160 ss:$0x1] =	vst.idx.msk $0xffff, v9  }
0x53: {  	v20 =	vadd.s32 v1, v7;
	v18 =	vadd.s32 v0, v7;
	v7 =	vor.u32 $0xB, v16;
	[tilespmem:v3+s24+$0x170 ss:$0x1] =	vst.idx.msk $0xffff, v4  }
0x54: {  	v21 =	vor.u32 v16, v20;
	v9 =	vor.u32 $0x4, v16;
	v4 =	vor.u32 v16, v18;
	[tilespmem:v3+s24+$0x180 ss:$0x1] =	vst.idx.msk $0xffff, v5  }
0x55: {  	v19 =	vor.u32 $0x3, v16;
	v22 =	vor.u32 v7, v20;
	v5 =	vor.u32 $0x2, v16;
	[tilespmem:v3+s24+$0x190 ss:$0x1] =	vst.idx.msk $0xffff, v15  }
0x56: {  	v11 =	vor.u32 $0x8, v16;
	v10 =	vor.u32 v9, v18;
	v9 =	vor.u32 v9, v20;
	[tilespmem:v3+s24+$0x1A0 ss:$0x1] =	vst.idx.msk $0xffff, v12  }
0x57: {  	v23 =	vor.u32 $0x9, v16;
	v15 =	vor.u32 $0x7, v16;
	v12 =	vor.u32 $0x5, v16;
	[tilespmem:v3+s24+$0x1B0 ss:$0x1] =	vst.idx.msk $0xffff, v13  }
0x58: {  	v25 =	vor.u32 v11, v18;
	v26 =	vor.u32 v11, v20;
	v13 =	vor.u32 $0x6, v16;
	[tilespmem:v3+s24+$0x1C0 ss:$0x1] =	vst.idx.msk $0xffff, v6  }
0x59: {  	v24 =	vor.u32 $0xA, v16;
	v28 =	vor.u32 v23, v18;
	v6 =	vor.u32 v13, v18;
	[tilespmem:v3+s24+$0x1D0 ss:$0x1] =	vst.idx.msk $0xffff, v17  }
0x5a: {  	v29 =	vor.u32 v13, v20;
	v17 =	vor.u32 v23, v20;
	[tilespmem:v3+s24+$0x1E0 ss:$0x1] =	vst.idx.msk $0xffff, v14  }
0x5b: {  	v34 =	vor.u32 v24, v20;
	v13 =	vor.u32 v7, v18;
	v14 =	vor.u32 $0xC, v16;
	[tilespmem:v3+s24+$0x1F0 ss:$0x1] =	vst.idx.msk $0xffff, v8  }
0x5c: {  	v27 =	vor.u32 v12, v18;
	v8 =	vor.u32 v12, v20;
	v7 =	vld.idx.msk [tilespmem:v9+s20+$0x0], $0xffff;
	v9 =	vor.u32 v14, v18  }
0x5d: {  	v30 =	vor.u32 v15, v18;
	v23 =	vor.u32 v15, v20;
	v14 =	vor.u32 v14, v20;
	v11 =	vld.idx.msk [tilespmem:v10+s20+$0x0], $0xffff  }
0x5e: {  	v33 =	vor.u32 v5, v20;
	v15 =	vor.u32 v5, v18;
	v12 =	vor.u32 $0x1, v16;
	v10 =	vld.idx.msk [tilespmem:v6+s20+$0x0], $0xffff  }
0x5f: {  	v31 =	vor.u32 v12, v18;
	v36 =	vor.u32 v12, v20;
	v6 =	vor.u32 v19, v18;
	v35 =	vld.idx.msk [tilespmem:v4+s20+$0x0], $0xffff  }
0x60: {  	v32 =	vor.u32 v19, v20;
	v12 =	vor.u32 $0xD, v16;
	v4 =	vld.idx.msk [tilespmem:v22+s20+$0x0], $0xffff;
	v22 =	vor.u32 $0xE, v16  }
0x61: {  	v37 =	vor.u32 v12, v18;
	v16 =	vor.u32 $0xF, v16;
	v5 =	vld.idx.msk [tilespmem:v9+s20+$0x0], $0xffff;
	v38 =	vor.u32 v22, v18  }
0x62: {  	v39 =	vor.u32 v16, v18;
	v40 =	vor.u32 v16, v20;
	v9 =	vld.idx.msk [tilespmem:v13+s20+$0x0], $0xffff;
	v13 =	vor.u32 v12, v20  }
0x63: {  	v41 =	vor.u32 v22, v20;
	v12 =	vor.u32 v24, v18;
	v19 =	vld.idx.msk [tilespmem:v15+s20+$0x0], $0xffff  }
0x64: {  	v20 =	vld.idx.msk [tilespmem:v6+s20+$0x0], $0xffff  }
0x65: {  	v42 =	vld.idx.msk [tilespmem:v21+s20+$0x0], $0xffff  }
0x66: {  	v18 =	vld.idx.msk [tilespmem:v8+s20+$0x0], $0xffff  }
0x67: {  	v6 =	vld.idx.msk [tilespmem:v38+s20+$0x0], $0xffff  }
0x68: {  	v16 =	vld.idx.msk [tilespmem:v12+s20+$0x0], $0xffff  }
0x69: {  	v12 =	vld.idx.msk [tilespmem:v37+s20+$0x0], $0xffff  }
0x6a: {  	v24 =	vld.idx.msk [tilespmem:v32+s20+$0x0], $0xffff  }
0x6b: {  	v15 =	vld.idx.msk [tilespmem:v14+s20+$0x0], $0xffff  }
0x6c: {  	v13 =	vld.idx.msk [tilespmem:v13+s20+$0x0], $0xffff  }
0x6d: {  	v8 =	vld.idx.msk [tilespmem:v40+s20+$0x0], $0xffff  }
0x6e: {  	v22 =	vld.idx.msk [tilespmem:v23+s20+$0x0], $0xffff  }
0x6f: {  	v21 =	vld.idx.msk [tilespmem:v17+s20+$0x0], $0xffff  }
0x70: {  	v23 =	vld.idx.msk [tilespmem:v26+s20+$0x0], $0xffff  }
0x71: {  	v14 =	vld.idx.msk [tilespmem:v39+s20+$0x0], $0xffff  }
0x72: {  	v27 =	vld.idx.msk [tilespmem:v27+s20+$0x0], $0xffff  }
0x73: {  	v25 =	vld.idx.msk [tilespmem:v25+s20+$0x0], $0xffff  }
0x74: {  	v26 =	vld.idx.msk [tilespmem:v30+s20+$0x0], $0xffff  }
0x75: {  	v17 =	vld.idx.msk [tilespmem:v41+s20+$0x0], $0xffff  }
0x76: {  	v32 =	vld.idx.msk [tilespmem:v31+s20+$0x0], $0xffff  }
0x77: {  	v31 =	vld.idx.msk [tilespmem:v36+s20+$0x0], $0xffff  }
0x78: {  	v30 =	vld.idx.msk [tilespmem:v29+s20+$0x0], $0xffff  }
.Ltmp0:
0x79: {  	v29 =	vld.idx.msk [tilespmem:v28+s20+$0x0], $0xffff;
	(pc) =	sbr.rel @p2 .LBB2_3-.Ltmp0, $4  }
0x7a: {  	v33 =	vld.idx.msk [tilespmem:v33+s20+$0x0], $0xffff  }
0x7b: {  	s24 =	sshra.s32 s23, $0x2;
	v28 =	vld.idx.msk [tilespmem:v34+s20+$0x0], $0xffff  }
0x7c: {  	[tilespmem:v3+s24+$0x0 ss:$0x1] =	vst.idx.msk $0xffff, v35  }
0x7d: {  	[tilespmem:v3+s24+$0x10 ss:$0x1] =	vst.idx.msk $0xffff, v42  }
0x7e: {  	_ =	sdelay $0x3  }
0x7f: {  	[tilespmem:v3+s24+$0x20 ss:$0x1] =	vst.idx.msk $0xffff, v32  }
0x80: {  	[tilespmem:v3+s24+$0x30 ss:$0x1] =	vst.idx.msk $0xffff, v31  }
0x81: {  	[tilespmem:v3+s24+$0x40 ss:$0x1] =	vst.idx.msk $0xffff, v19  }
0x82: {  	[tilespmem:v3+s24+$0x50 ss:$0x1] =	vst.idx.msk $0xffff, v33  }
0x83: {  	[tilespmem:v3+s24+$0x60 ss:$0x1] =	vst.idx.msk $0xffff, v20  }
0x84: {  	[tilespmem:v3+s24+$0x70 ss:$0x1] =	vst.idx.msk $0xffff, v24  }
0x85: {  	[tilespmem:v3+s24+$0x80 ss:$0x1] =	vst.idx.msk $0xffff, v11  }
0x86: {  	[tilespmem:v3+s24+$0x90 ss:$0x1] =	vst.idx.msk $0xffff, v7  }
0x87: {  	[tilespmem:v3+s24+$0xA0 ss:$0x1] =	vst.idx.msk $0xffff, v27  }
0x88: {  	[tilespmem:v3+s24+$0xB0 ss:$0x1] =	vst.idx.msk $0xffff, v18  }
0x89: {  	[tilespmem:v3+s24+$0xC0 ss:$0x1] =	vst.idx.msk $0xffff, v10  }
0x8a: {  	[tilespmem:v3+s24+$0xD0 ss:$0x1] =	vst.idx.msk $0xffff, v30  }
0x8b: {  	[tilespmem:v3+s24+$0xE0 ss:$0x1] =	vst.idx.msk $0xffff, v26  }
0x8c: {  	[tilespmem:v3+s24+$0xF0 ss:$0x1] =	vst.idx.msk $0xffff, v22  }
0x8d: {  	[tilespmem:v3+s24+$0x100 ss:$0x1] =	vst.idx.msk $0xffff, v25  }
0x8e: {  	[tilespmem:v3+s24+$0x110 ss:$0x1] =	vst.idx.msk $0xffff, v23  }
0x8f: {  	[tilespmem:v3+s24+$0x120 ss:$0x1] =	vst.idx.msk $0xffff, v29  }
0x90: {  	[tilespmem:v3+s24+$0x130 ss:$0x1] =	vst.idx.msk $0xffff, v21  }
0x91: {  	[tilespmem:v3+s24+$0x140 ss:$0x1] =	vst.idx.msk $0xffff, v16  }
0x92: {  	[tilespmem:v3+s24+$0x150 ss:$0x1] =	vst.idx.msk $0xffff, v28  }
0x93: {  	[tilespmem:v3+s24+$0x160 ss:$0x1] =	vst.idx.msk $0xffff, v9  }
0x94: {  	[tilespmem:v3+s24+$0x170 ss:$0x1] =	vst.idx.msk $0xffff, v4  }
0x95: {  	[tilespmem:v3+s24+$0x180 ss:$0x1] =	vst.idx.msk $0xffff, v5  }
0x96: {  	[tilespmem:v3+s24+$0x190 ss:$0x1] =	vst.idx.msk $0xffff, v15  }
0x97: {  	[tilespmem:v3+s24+$0x1A0 ss:$0x1] =	vst.idx.msk $0xffff, v12  }
0x98: {  	[tilespmem:v3+s24+$0x1B0 ss:$0x1] =	vst.idx.msk $0xffff, v13  }
0x99: {  	s19 =	sshll.u32 s19, $0x11;
	p2 =	sne.s32 s17, s6;
	[tilespmem:v3+s24+$0x1C0 ss:$0x1] =	vst.idx.msk $0xffff, v6  }
.Ltmp1:
0x9a: {  	s19 =	sor.u32 s9, s19;
	[tilespmem:v3+s24+$0x1D0 ss:$0x1] =	vst.idx.msk $0xffff, v17;
	(pc) =	sbr.rel @p2 .LBB2_2-.Ltmp1, $4  }
0x9b: {  	s19 =	sshrl.u32 s19, $0x3;
	[tilespmem:v3+s24+$0x1E0 ss:$0x1] =	vst.idx.msk $0xffff, v14  }
0x9c: {  	s18 =	sadd.s32 $0x3, s18;
	s19 =	sadd.s32 s5, s19;
	[tilespmem:v3+s24+$0x1F0 ss:$0x1] =	vst.idx.msk $0xffff, v8  }
0x9d: {  	[hbm4b:s19+s3] =	stream.linear.scatter [tilespmem:s21], [sflag:s18], $0x1000, $0x38;
	[tilespmem:$0x4000] =	vst v63  }
0x9e: {  	p1 =	por !p1, !p1;
	s19 =	smov.u32 s17  }
0x9f: {  	_ =	swait.ge [sflag:s10], $0x1000  }
0xa0: {  	[sflag:s10] =	ssyncset.done $0x0  }
0xa1: {  	[sflag:s10] =	ssyncadd.s32 $0xFFFFF000  }
0xa2: {  	_ =	swait.ge [sflag:s11], $0x1000  }
0xa3: {  	[sflag:s11] =	ssyncset.done $0x0  }
0xa4: {  	s17 =	simm.s32 @!p0 $0x0;
	s18 =	simm.s32 @!p0 $0x5;
	[sflag:s11] =	ssyncadd.s32 $0xFFFFF000  }
0xa5: {  	[tilespmem:s17], [sflag:$0x5] =	stream.linear.gather @!p0 [hbm4b:s2+s17], $0x800, $0x38;
	[tilespmem:$0x4000] =	vst v63  }
0xa6: {  	s16 =	sadd.s32 $0x1, s16;
	_ =	swait.ge @!p0 [sflag:s18], $0x800  }
0xa7: {  	p1 =	sne.s32 s16, s13;
	[sflag:s18] =	ssyncset.done @!p0 $0x0  }
.Ltmp2:
0xa8: {  	[sflag:s18] =	ssyncadd.s32 @!p0 $0xFFFFF800;
	(pc) =	sbr.rel @p1 .LBB2_1-.Ltmp2, $4  }
0xa9: {  	[hbm4b:s12+s17] =	stream.linear.scatter @!p0 [tilespmem:s17], [sflag:$0x5], $0x800, $0x38;
	[tilespmem:$0x4000] =	vst v63  }
0xaa: {  	_ =	swait.ge @!p0 [sflag:s18], $0x800  }
0xab: {  	[sflag:s18] =	ssyncset.done @!p0 $0x0  }
0xac: {  	[sflag:s18] =	ssyncadd.s32 @!p0 $0xFFFFF800  }
0xad: {  	_ =	sfence.sel $0x180000  }
0xae: {  	[bflag:$0x0] =	sbarrier.arrive $0xFFFF  }
0xaf: {  	p0 =	sne.s32 s4, $0x0;
	_ =	strace $0x90000047  }
0xb0: {  	s0 =	sadd.s32 @!p0 $0x100000, s0;
	[bflag:$0x2] =	sbarrier.arrive $0xFFFF  }
0xb1: {  	[sflag:s0] =	ssyncadd.tile.s32 @!p0 $0x1;
	_ =	shalt  }
.Lfunc_end2:
_tile_overlayer_lowered:
.L_overlay_start_2:
0xb2: {  	(tag) =	ssettag $0x2  }
0xb3: {  	s0 =	rddreg [dreg:$0x0];
	s2 =	stileid.u32  }
0xb4: {  	s1 =	rddreg [dreg:$0x1];
	p0 =	sne.s32 s2, $0x0  }
0xb5: {  	s3 =	rddreg [dreg:$0x2];
	[bflag:$0x3] =	sbarrier.arrive $0xFFFF;
	s2 =	simm.s32 @!p0 $0x1C05  }
0xb6: {  	[timem:s3], [sflag:s2] =	dma.local @!p0 [hbm:s0], s1  }
0xb7: {  	s0 =	simm.s32 @!p0 $0x5  }
0xb8: {  	_ =	swait.ge @!p0 [sflag:s0], s1  }
0xb9: {  	s1 =	ssub.s32 @!p0 $0x0, s1;
	[sflag:s0] =	ssyncset.done @!p0 $0x0  }
0xba: {  	[sflag:s0] =	ssyncadd.s32 @!p0 s1  }
0xbb: {  	[bflag:$0x3] =	sbarrier.arrive $0xFFFF  }
0xbc: {  	_ =	shalt  }

// kernel: kernel.8.cloned.1.call-start
scs
__scs_entry_jumppad:
0x0: {  	(pc) =	sbr.rel $0x88, $3  }
0x1: {  	(tag) =	ssettag $0x0;
	lr =	simm.s32 $0x1  }
0x2: {  	[smem:$0x3F9D] =	sst lr;
	_ =	strace $0xD0000000  }
0x3: {  	_ = 	snop  }
0x4: {  	_ = 	snop  }
0x5: {  	_ = 	snop  }
0x6: {  	_ = 	snop  }
0x7: {  	_ = 	snop  }
__scs_overlays_trampoline_lowered:
0x8: {  	[smem:$0x3FAC] =	sst s0  }
0x9: {  	[smem:$0x3FAD] =	sst s1  }
0xa: {  	[smem:$0x3FAE] =	sst s2  }
0xb: {  	[smem:$0x3FAF] =	sst s3  }
0xc: {  	[smem:$0x3FB0] =	sst s4  }
0xd: {  	[smem:$0x3FB1] =	sst s5  }
0xe: {  	[smem:$0x3FB2] =	sst s6  }
0xf: {  	[smem:$0x3FB3] =	sst s7  }
0x10: {  	[smem:$0x3FB4] =	sst s8  }
0x11: {  	[smem:$0x3FB5] =	sst s9;
	s0 =	simm.s32 @!p0 $0x0  }
0x12: {  	s1 =	sld [smem:$0x3F9B];
	s0 =	simm.s32 @p0 $0x1  }
0x13: {  	[smem:$0x3FB6] =	sst s0;
	s0 =	simm.s32 @!p1 $0x0  }
0x14: {  	s2 =	sld [smem:$0x3F9A];
	s0 =	simm.s32 @p1 $0x1  }
0x15: {  	[smem:$0x3FB7] =	sst s0;
	s0 =	simm.s32 @!p2 $0x0  }
0x16: {  	s3 =	sld [smem:$0x3FDB];
	s0 =	simm.s32 @p2 $0x1  }
0x17: {  	s4 =	simm.s32 $0x1BF5;
	[smem:$0x3FB9] =	sst s0  }
0x18: {  	s0 =	sld [smem:$0x3F9C];
	_ =	swait.ge [sflag:s4], $0x0  }
0x19: {  	s7 =	sld [smem:$0x3F9D]  }
0x1a: {  	s8 =	sadd.s32 $0xFFFFE003, lr  }
0x1b: {  	s9 =	sadd.s32 $0xFFFFFEF7, lr;
	s5 =	simm.s32 $0xFFFFFFFF;
	p2 =	slt.u32 s8, $0xFFFFF086  }
0x1c: {  	p1 =	slt.u32 s9, $0xF7A;
	s5 =	simm.s32 @!p2 $0x0  }
0x1d: {  	s5 =	simm.s32 @p1 $0x1;
	p0 =	seq.s32 s7, s2  }
0x1e: {  	s7 =	smul.u32 @!p0 $0xF7A, s2;
	p2 =	seq.s32 @!p0 s5, $0x0  }
0x1f: {  	s9 =	smul.u32 $0xF7A, s1;
	s8 =	simm.s32 @!p0 $0x1BF5;
	p2 =	por !p2, p0  }
0x20: {  	[sflag:s8] =	ssyncset.s32 @!p0 $0xFFFFF086;
	s6 =	sadd.s32 @!p0 s3, s7;
	s7 =	simm.s32 @!p0 $0x108  }
0x21: {  	s3 =	sadd.s32 s3, s9;
	s6 =	sadd.s32 @!p0 $0x88, s6;
	s7 =	simm.s32 @p2 $0x1082  }
0x22: {  	[simem:s7], [sflag:s8] =	dma.local @!p0 [hbm:s6], $0xF7A  }
0x23: {  	s9 =	sor.u32 $0xD0000000, s2;
	s6 =	simm.s32 $0x108;
	_ =	swait.ge @!p0 [sflag:s8], $0x0  }
0x24: {  	s3 =	sadd.s32 $0x88, s3;
	s6 =	simm.s32 @!p1 $0x1082;
	[sflag:s4] =	ssyncset.s32 $0xFFFFF086  }
0x25: {  	[simem:s6], [sflag:s4] =	dma.local [hbm:s3], $0xF7A  }
0x26: {  	[smem:$0x3F9D] =	sst s1;
	(tag) =	ssettag s2;
	_ =	strace s9  }
0x27: {  	s1 =	sld [smem:$0x3FAD]  }
0x28: {  	s2 =	sld [smem:$0x3FAE]  }
0x29: {  	s4 =	sld [smem:$0x3FB0]  }
0x2a: {  	p0 =	seq.s32 s5, $0x0;
	s5 =	sld [smem:$0x3FB1]  }
0x2b: {  	s6 =	sld [smem:$0x3FB2]  }
0x2c: {  	s7 =	sld [smem:$0x3FB3]  }
0x2d: {  	s3 =	simm.s32 $0x108;
	s8 =	sld [smem:$0x3FB4]  }
0x2e: {  	s3 =	simm.s32 @!p0 $0x1082;
	s9 =	sld [smem:$0x3FB5]  }
0x2f: {  	lr =	sadd.s32 s0, s3;
	s0 =	sld [smem:$0x3FAC]  }
0x30: {  	s3 =	sld [smem:$0x3FAF]  }
0x31: {  	[smem:$0x3FB8] =	sst s10  }
0x32: {  	s10 =	sld [smem:$0x3FB6];
	_ =	sdelay $0x3  }
0x33: {  	p0 =	seq.s32 s10, $0x1;
	s10 =	sld [smem:$0x3FB8];
	_ =	sdelay $0x3  }
0x34: {  	[smem:$0x3FB8] =	sst s10  }
0x35: {  	s10 =	sld [smem:$0x3FB7];
	_ =	sdelay $0x3  }
0x36: {  	p1 =	seq.s32 s10, $0x1;
	s10 =	sld [smem:$0x3FB8];
	_ =	sdelay $0x3  }
0x37: {  	[smem:$0x3FB8] =	sst s10  }
0x38: {  	s10 =	sld [smem:$0x3FB9]  }
0x39: {  	_ = 	snop;
	(pc) =	sbr.ind lr, $3  }
0x3a: {  	_ = 	snop  }
0x3b: {  	_ = 	snop  }
0x3c: {  	p2 =	seq.s32 s10, $0x1;
	s10 =	sld [smem:$0x3FB8]  }
0x3d: {  	_ =	shalt  }
0x3e: {  	_ =	shalt  }
0x3f: {  	_ =	shalt  }
0x40: {  	_ =	shalt  }
0x41: {  	_ =	shalt  }
0x42: {  	_ =	shalt  }
0x43: {  	_ =	shalt  }
0x44: {  	_ =	shalt  }
0x45: {  	_ =	shalt  }
0x46: {  	_ =	shalt  }
0x47: {  	_ =	shalt  }
0x48: {  	_ =	shalt  }
0x49: {  	_ =	shalt  }
0x4a: {  	_ =	shalt  }
0x4b: {  	_ =	shalt  }
0x4c: {  	_ =	shalt  }
0x4d: {  	_ =	shalt  }
0x4e: {  	_ =	shalt  }
0x4f: {  	_ =	shalt  }
0x50: {  	_ =	shalt  }
0x51: {  	_ =	shalt  }
0x52: {  	_ =	shalt  }
0x53: {  	_ =	shalt  }
0x54: {  	_ =	shalt  }
0x55: {  	_ =	shalt  }
0x56: {  	_ =	shalt  }
0x57: {  	_ =	shalt  }
0x58: {  	_ =	shalt  }
0x59: {  	_ =	shalt  }
0x5a: {  	_ =	shalt  }
0x5b: {  	_ =	shalt  }
0x5c: {  	_ =	shalt  }
0x5d: {  	_ =	shalt  }
0x5e: {  	_ =	shalt  }
0x5f: {  	_ =	shalt  }
0x60: {  	_ =	shalt  }
0x61: {  	_ =	shalt  }
0x62: {  	_ =	shalt  }
0x63: {  	_ =	shalt  }
0x64: {  	_ =	shalt  }
0x65: {  	_ =	shalt  }
0x66: {  	_ =	shalt  }
0x67: {  	_ =	shalt  }
0x68: {  	_ =	shalt  }
0x69: {  	_ =	shalt  }
0x6a: {  	_ =	shalt  }
0x6b: {  	_ =	shalt  }
0x6c: {  	_ =	shalt  }
0x6d: {  	_ =	shalt  }
0x6e: {  	_ =	shalt  }
0x6f: {  	_ =	shalt  }
0x70: {  	_ =	shalt  }
0x71: {  	_ =	shalt  }
0x72: {  	_ =	shalt  }
0x73: {  	_ =	shalt  }
0x74: {  	_ =	shalt  }
0x75: {  	_ =	shalt  }
0x76: {  	_ =	shalt  }
0x77: {  	_ =	shalt  }
0x78: {  	_ =	shalt  }
0x79: {  	_ =	shalt  }
0x7a: {  	_ =	shalt  }
0x7b: {  	_ =	shalt  }
0x7c: {  	_ =	shalt  }
0x7d: {  	_ =	shalt  }
0x7e: {  	_ =	shalt  }
0x7f: {  	_ =	shalt  }
0x80: {  	_ =	shalt  }
0x81: {  	_ =	shalt  }
0x82: {  	_ =	shalt  }
0x83: {  	_ =	shalt  }
0x84: {  	_ =	shalt  }
0x85: {  	_ =	shalt  }
0x86: {  	_ =	shalt  }
0x87: {  	_ =	shalt  }
.Lfunc_end0:
.L_simem_size_0:
called_computation.1_lowered:
.L_overlay_start_0:
0x88: {  	s2 =	sld [smem:$0x3FD9]  }
0x89: {  	s3 =	sld [smem:$0x3FFE];
	_ =	sdelay $0x1  }
0x8a: {  	s1 =	srdreg.scid  }
0x8b: {  	s0 =	sand.u32 $0x1, s1  }
0x8c: {  	s16 =	sshll.u32 s0, $0xA;
	s2 =	sadd.s32 s3, s2  }
0x8d: {  	s2 =	sadd.s32 s2, s16  }
0x8e: {  	[smem:$0x3FC4] =	sst s2  }
0x8f: {  	_ = 	snop  }
0x90: {  	(tm) =	ssettm $0x1  }
0x91: {  	s17 =	sld [smem:$0x3FFB];
	_ =	sdelay $0x3  }
0x92: {  	_ =	strace s17  }
0x93: {  	s2 =	sld [smem:$0x3FFC];
	_ =	sdelay $0x3  }
0x94: {  	_ =	strace s2  }
0x95: {  	s2 =	sld [smem:$0x3FFD];
	_ =	sdelay $0x3  }
0x96: {  	_ =	strace s2  }
0x97: {  	_ =	strace $0x8FFFFFFF  }
0x98: {  	s18 =	sld [smem:$0x3FDB];
	_ =	sdelay $0x1  }
0x99: {  	s19 =	simm.s32 $_scs_section_size  }
0x9a: {  	s4 =	simm.s32 $_size__tile_overlayer_lowered;
	s5 =	simm.s32 $_tile_overlayer_lowered  }
0x9b: {  	s22 =	simm.s32 $0x1BFF;
	s21 =	sshll.u32 s5, $0x1;
	s2 =	sadd.s32 s19, s18  }
0x9c: {  	s6 =	simm.s32 $0x0;
	s20 =	sshll.u32 s4, $0x1;
	s4 =	sadd.s32 s21, s2  }
0x9d: {  	[timem:s6], [sflag:s22] =	dma.local [hbm:s4], s20  }
0x9e: {  	_ =	swait.ge [sflag:s22], s20  }
0x9f: {  	s3 =	ssub.s32 $0x0, s20;
	[sflag:s22] =	ssyncset.done $0x0  }
0xa0: {  	[sflag:s22] =	ssyncadd.s32 s3;
	_ =	sdelay $0x1  }
0xa1: {  	s23 =	simm.s32 $0x1B8B  }
0xa2: {  	_ =	swait.ge [sflag:s23], $0x1  }
0xa3: {  	[sflag:s23] =	ssyncset.done $0x0  }
0xa4: {  	s25 =	simm.s32 $0x1B8E;
	s24 =	sld [smem:$0x3FFE];
	[sflag:s23] =	ssyncadd.s32 $0xFFFFFFFF  }
0xa5: {  	s26 =	simm.s32 $execute0_lowered;
	[smem:$0x3FD2] =	sst s25  }
0xa6: {  	s4 =	sshll.u32 s26, $0x1;
	_ =	strace $0x80000049;
	[dreg:$0x1] =	wrdreg $0xFFFFFFFF  }
0xa7: {  	s28 =	simm.s32 $_size_execute0_lowered;
	s2 =	sadd.s32 s2, s4;
	[dreg:$0x0] =	wrdreg $0x0  }
0xa8: {  	s4 =	sshll.u32 s28, $0x1;
	[dreg:$0x2] =	wrdreg s2  }
0xa9: {  	[dreg:$0x3] =	wrdreg s4  }
0xaa: {  	[dreg:$0x4] =	wrdreg $0xC0  }
0xab: {  	_ =	task [dreg:s6], $0x5FFFF  }
0xac: {  	[dreg:$0x1] =	wrdreg $0xFFFFFFFF  }
0xad: {  	[dreg:$0x0] =	wrdreg $0x60  }
0xae: {  	[dreg:$0x2] =	wrdreg s24  }
0xaf: {  	[dreg:$0x3] =	wrdreg $0x9  }
0xb0: {  	_ =	task.clear_ibuf [dreg:s6], $0x4FFFF;
	_ =	strace $0x90000049  }
0xb1: {  	s29 =	simm.s32 $0x9;
	_ =	strace $0x8000004B  }
0xb2: {  	_ =	swait.ge [sflag:s29], $0x1  }
0xb3: {  	[sflag:s29] =	ssyncadd.s32 $0xFFFFFFFF  }
0xb4: {  	_ =	strace $0x9000004B  }
0xb5: {  	_ =	sfence  }
0xb6: {  	s30 =	sld [smem:$0x0];
	_ =	sdelay $0x2  }
0xb7: {  	s31 =	sshll.u32 s1, $0xD;
	s1 =	sshrl.u32 s1, $0x2  }
0xb8: {  	s3 =	sand.u32 $0x4000, s31;
	s1 =	sadd.s32 s1, s30  }
0xb9: {  	s0 =	sor.u32 s3, s0;
	s1 =	sshll.u32 s1, $0x11  }
0xba: {  	s0 =	sor.u32 s1, s0  }
0xbb: {  	s0 =	sadd.s32 $0x8F2B, s0  }
0xbc: {  	[sflag:s0] =	ssyncadd.remote.s32 $0x1  }
0xbd: {  	_ =	sfence.sel $0xFFFF  }
0xbe: {  	[dreg:$0x0] =	wrdreg $0xFFFFFFFF;
	(pc) =	sbr.abs _section_cstart, $3  }
0xbf: {  	[dreg:$0x1] =	wrdreg $0xFFFFFFFF  }
0xc0: {  	_ =	task.clear_ibuf [dreg:s6], $0x2FFFF;
	_ =	strace $0x9FFFFFFF  }
0xc1: {  	(tm) =	ssettm $0x7FFFFFFF  }
tec
execute0_lowered:
.L_overlay_start_1:
0x0: {  	(tag) =	ssettag $0x1  }
0x1: {  	s0 =	srdreg.scid;
	s1 =	stileid.u32  }
0x2: {  	s0 =	sand.u32 $0x1, s0;
	s1 =	sshll.u32 s1, $0x1  }
0x3: {  	s1 =	sor.u32 s0, s1  }
0x4: {  	s4 =	smul.u32 $0xC80, s1  }
0x5: {  	s3 =	rddreg [dreg:$0x0];
	s2 =	simm.s32 $0x0;
	s5 =	smul.u32 $0xC8000, s1  }
0x6: {  	[smem:$0x7FF] =	sst s2;
	s1 =	smul.u32 $0x19000, s1  }
0x7: {  	s6 =	sadd.s32 $0x3EA800, s3;
	_ =	strace $0x8000004A  }
0x8: {  	s4 =	sadd.s32 s4, s3;
	s5 =	sshrl.u32 s5, $0x3;
	s1 =	sadd.s32 s6, s1  }
0x9: {  	s4 =	sadd.s32 $0x3D1800, s4;
	s7 =	sadd.s32 s6, s5;
	[dreg:$0x3] =	wrdreg s1  }
0xa: {  	[dreg:$0x2] =	wrdreg s4;
	s8 =	sadd.s32 $0x1400, s7  }
0xb: {  	s31 =	simm.s32 $0x5;
	s9 =	sadd.s32 $0x2800, s7;
	[dreg:$0x4] =	wrdreg s8  }
0xc: {  	s30 =	simm.s32 $0xA00;
	s10 =	sadd.s32 $0x3C00, s7;
	[dreg:$0x5] =	wrdreg s9  }
0xd: {  	s29 =	simm.s32 $0xF00;
	s11 =	sadd.s32 $0x5000, s7;
	[dreg:$0x6] =	wrdreg s10  }
0xe: {  	s28 =	simm.s32 $0x1400;
	s12 =	sadd.s32 $0x6400, s7;
	[dreg:$0x7] =	wrdreg s11  }
0xf: {  	p0 =	por $0x0, $0x0;
	s13 =	sadd.s32 $0x7800, s7;
	[dreg:$0x8] =	wrdreg s12  }
0x10: {  	s0 =	ssub.s32 $0x2, s0;
	s14 =	sadd.s32 $0x8C00, s7;
	[dreg:$0x9] =	wrdreg s13  }
0x11: {  	s24 =	sshrl.u32 s0, $0x1;
	s15 =	sadd.s32 $0xA000, s7;
	[dreg:$0xa] =	wrdreg s14  }
0x12: {  	s0 =	ssub.s32 s0, s24;
	s16 =	sadd.s32 $0xB400, s7;
	[dreg:$0xb] =	wrdreg s15  }
0x13: {  	s24 =	simm.s32 $0x2300;
	s17 =	sadd.s32 $0xC800, s7;
	[dreg:$0xc] =	wrdreg s16  }
0x14: {  	s3 =	sadd.s32 $0xE00, s3;
	s18 =	sadd.s32 $0xDC00, s7;
	[dreg:$0xd] =	wrdreg s17  }
0x15: {  	s0 =	smax.u32 s0, $0x1;
	s19 =	sadd.s32 $0xF000, s7;
	[dreg:$0xe] =	wrdreg s18  }
0x16: {  	s6 =	simm.s32 $0x3;
	s20 =	sadd.s32 $0x10400, s7;
	[dreg:$0xf] =	wrdreg s19  }
0x17: {  	s5 =	simm.s32 $0x4;
	s21 =	sadd.s32 $0x11800, s7;
	[dreg:$0x10] =	wrdreg s20  }
0x18: {  	p1 =	sne.s32 s0, $0x1;
	s22 =	sadd.s32 $0x12C00, s7;
	[dreg:$0x11] =	wrdreg s21  }
0x19: {  	s1 =	sadd.s32 $0xFFFFFFFF, s0;
	s23 =	sadd.s32 $0x14000, s7;
	[dreg:$0x12] =	wrdreg s22  }
0x1a: {  	s25 =	sadd.s32 $0x15400, s7;
	s26 =	sadd.s32 $0x16800, s7;
	[dreg:$0x13] =	wrdreg s23  }
0x1b: {  	s4 =	sadd.s32 $0x17C00, s7;
	s7 =	simm.s32 $0x10400;
	[dreg:$0x14] =	wrdreg s25  }
0x1c: {  	[dreg:$0x15] =	wrdreg s26;
	s8 =	simm.s32 $0x500;
	s9 =	simm.s32 $0x6400  }
0x1d: {  	s11 =	simm.s32 $0x1;
	s10 =	simm.s32 $0x2;
	s26 =	simm.s32 $0x1900  }
.Ltmp0:
0x1e: {  	s25 =	simm.s32 $0x1E00;
	s23 =	simm.s32 $0x2800;
	(pc) =	sbr.rel @!p1 .LBB2_3-.Ltmp0, $4  }
0x1f: {  	s22 =	simm.s32 $0x2D00;
	s21 =	simm.s32 $0x3200;
	s20 =	simm.s32 $0x3700  }
0x20: {  	s19 =	simm.s32 $0x3C00;
	s18 =	simm.s32 $0x4100;
	s17 =	simm.s32 $0x4600  }
0x21: {  	s16 =	simm.s32 $0x4B00;
	s15 =	simm.s32 $0x5000;
	s14 =	simm.s32 $0x5500  }
0x22: {  	s13 =	simm.s32 $0x5A00;
	s12 =	simm.s32 $0x5F00;
	s0 =	rddreg [dreg:$0x2]  }
0x23: {  	[tilespmem:s2], [sflag:$0x5] =	stream.linear.gather [hbm4b:s0+s2], $0x6400, $0x38;
	[tilespmem:$0x1A400] =	vst v63  }
0x24: {  	_ =	swait.ge [sflag:s31], $0x6400  }
0x25: {  	[sflag:s31] =	ssyncset.done $0x0  }
0x26: {  	[sflag:s31] =	ssyncadd.s32 $0xFFFF9C00  }
0x27: {  	[tilespmem:s9], [sflag:$0x1] =	stream.indirect.gather [hbm4b:s3+s8], $0x20, s2, s8, $0xb8;
	[tilespmem:$0x1A400] =	vst v63  }
0x28: {  	_ =	swait.ge [sflag:s11], $0xA000  }
0x29: {  	[sflag:s11] =	ssyncset.done $0x0  }
0x2a: {  	[sflag:s11] =	ssyncadd.s32 $0xFFFF6000  }
0x2b: {  	[tilespmem:s7], [sflag:$0x2] =	stream.indirect.gather [hbm4b:s3+s8], $0x20, s8, s8, $0xb8;
	[tilespmem:$0x1A400] =	vst v63  }
0x2c: {  	s0 =	rddreg [dreg:$0x3]  }
0x2d: {  	[hbm4b:s0+s2] =	stream.linear.scatter [tilespmem:s9], [sflag:$0x3], $0xA000, $0x38;
	[tilespmem:$0x1A400] =	vst v63  }
0x2e: {  	_ =	swait.ge [sflag:s10], $0xA000  }
0x2f: {  	[sflag:s10] =	ssyncset.done $0x0  }
0x30: {  	[sflag:s10] =	ssyncadd.s32 $0xFFFF6000  }
0x31: {  	_ =	swait.ge [sflag:s6], $0xA000  }
0x32: {  	[sflag:s6] =	ssyncset.done $0x0  }
0x33: {  	[sflag:s6] =	ssyncadd.s32 $0xFFFF6000  }
0x34: {  	[tilespmem:s9], [sflag:$0x1] =	stream.indirect.gather [hbm4b:s3+s8], $0x20, s30, s8, $0xb8;
	[tilespmem:$0x1A400] =	vst v63  }
0x35: {  	s0 =	rddreg [dreg:$0x4]  }
0x36: {  	[hbm4b:s0+s2] =	stream.linear.scatter [tilespmem:s7], [sflag:$0x4], $0xA000, $0x38;
	[tilespmem:$0x1A400] =	vst v63  }
0x37: {  	_ =	swait.ge [sflag:s11], $0xA000  }
0x38: {  	[sflag:s11] =	ssyncset.done $0x0  }
0x39: {  	[sflag:s11] =	ssyncadd.s32 $0xFFFF6000  }
0x3a: {  	_ =	swait.ge [sflag:s5], $0xA000  }
0x3b: {  	[sflag:s5] =	ssyncset.done $0x0  }
0x3c: {  	[sflag:s5] =	ssyncadd.s32 $0xFFFF6000  }
0x3d: {  	[tilespmem:s7], [sflag:$0x2] =	stream.indirect.gather [hbm4b:s3+s8], $0x20, s29, s8, $0xb8;
	[tilespmem:$0x1A400] =	vst v63  }
0x3e: {  	s0 =	rddreg [dreg:$0x5]  }
0x3f: {  	[hbm4b:s0+s2] =	stream.linear.scatter [tilespmem:s9], [sflag:$0x3], $0xA000, $0x38;
	[tilespmem:$0x1A400] =	vst v63  }
0x40: {  	_ =	swait.ge [sflag:s10], $0xA000  }
0x41: {  	[sflag:s10] =	ssyncset.done $0x0  }
0x42: {  	[sflag:s10] =	ssyncadd.s32 $0xFFFF6000  }
0x43: {  	_ =	swait.ge [sflag:s6], $0xA000  }
0x44: {  	[sflag:s6] =	ssyncset.done $0x0  }
0x45: {  	[sflag:s6] =	ssyncadd.s32 $0xFFFF6000  }
0x46: {  	[tilespmem:s9], [sflag:$0x1] =	stream.indirect.gather [hbm4b:s3+s8], $0x20, s28, s8, $0xb8;
	[tilespmem:$0x1A400] =	vst v63  }
0x47: {  	s0 =	rddreg [dreg:$0x6]  }
0x48: {  	[hbm4b:s0+s2] =	stream.linear.scatter [tilespmem:s7], [sflag:$0x4], $0xA000, $0x38;
	[tilespmem:$0x1A400] =	vst v63  }
0x49: {  	_ =	swait.ge [sflag:s11], $0xA000  }
0x4a: {  	[sflag:s11] =	ssyncset.done $0x0  }
0x4b: {  	[sflag:s11] =	ssyncadd.s32 $0xFFFF6000  }
0x4c: {  	_ =	swait.ge [sflag:s5], $0xA000  }
0x4d: {  	[sflag:s5] =	ssyncset.done $0x0  }
0x4e: {  	[sflag:s5] =	ssyncadd.s32 $0xFFFF6000  }
0x4f: {  	[tilespmem:s7], [sflag:$0x2] =	stream.indirect.gather [hbm4b:s3+s8], $0x20, s26, s8, $0xb8;
	[tilespmem:$0x1A400] =	vst v63  }
0x50: {  	s0 =	rddreg [dreg:$0x7]  }
0x51: {  	[hbm4b:s0+s2] =	stream.linear.scatter [tilespmem:s9], [sflag:$0x3], $0xA000, $0x38;
	[tilespmem:$0x1A400] =	vst v63  }
0x52: {  	_ =	swait.ge [sflag:s10], $0xA000  }
0x53: {  	[sflag:s10] =	ssyncset.done $0x0  }
0x54: {  	[sflag:s10] =	ssyncadd.s32 $0xFFFF6000  }
0x55: {  	_ =	swait.ge [sflag:s6], $0xA000  }
0x56: {  	[sflag:s6] =	ssyncset.done $0x0  }
0x57: {  	[sflag:s6] =	ssyncadd.s32 $0xFFFF6000  }
0x58: {  	[tilespmem:s9], [sflag:$0x1] =	stream.indirect.gather [hbm4b:s3+s8], $0x20, s25, s8, $0xb8;
	[tilespmem:$0x1A400] =	vst v63  }
0x59: {  	s0 =	rddreg [dreg:$0x8]  }
0x5a: {  	[hbm4b:s0+s2] =	stream.linear.scatter [tilespmem:s7], [sflag:$0x4], $0xA000, $0x38;
	[tilespmem:$0x1A400] =	vst v63  }
0x5b: {  	_ =	swait.ge [sflag:s11], $0xA000  }
0x5c: {  	[sflag:s11] =	ssyncset.done $0x0  }
0x5d: {  	[sflag:s11] =	ssyncadd.s32 $0xFFFF6000  }
0x5e: {  	_ =	swait.ge [sflag:s5], $0xA000  }
0x5f: {  	[sflag:s5] =	ssyncset.done $0x0  }
0x60: {  	[sflag:s5] =	ssyncadd.s32 $0xFFFF6000  }
0x61: {  	[tilespmem:s7], [sflag:$0x2] =	stream.indirect.gather [hbm4b:s3+s8], $0x20, s24, s8, $0xb8;
	[tilespmem:$0x1A400] =	vst v63  }
0x62: {  	s0 =	rddreg [dreg:$0x9]  }
0x63: {  	[hbm4b:s0+s2] =	stream.linear.scatter [tilespmem:s9], [sflag:$0x3], $0xA000, $0x38;
	[tilespmem:$0x1A400] =	vst v63  }
0x64: {  	_ =	swait.ge [sflag:s10], $0xA000  }
0x65: {  	[sflag:s10] =	ssyncset.done $0x0  }
0x66: {  	[sflag:s10] =	ssyncadd.s32 $0xFFFF6000  }
0x67: {  	_ =	swait.ge [sflag:s6], $0xA000  }
0x68: {  	[sflag:s6] =	ssyncset.done $0x0  }
0x69: {  	[sflag:s6] =	ssyncadd.s32 $0xFFFF6000  }
0x6a: {  	[tilespmem:s9], [sflag:$0x1] =	stream.indirect.gather [hbm4b:s3+s8], $0x20, s23, s8, $0xb8;
	[tilespmem:$0x1A400] =	vst v63  }
0x6b: {  	s0 =	rddreg [dreg:$0xa]  }
0x6c: {  	[hbm4b:s0+s2] =	stream.linear.scatter [tilespmem:s7], [sflag:$0x4], $0xA000, $0x38;
	[tilespmem:$0x1A400] =	vst v63  }
0x6d: {  	_ =	swait.ge [sflag:s11], $0xA000  }
0x6e: {  	[sflag:s11] =	ssyncset.done $0x0  }
0x6f: {  	[sflag:s11] =	ssyncadd.s32 $0xFFFF6000  }
0x70: {  	_ =	swait.ge [sflag:s5], $0xA000  }
0x71: {  	[sflag:s5] =	ssyncset.done $0x0  }
0x72: {  	[sflag:s5] =	ssyncadd.s32 $0xFFFF6000  }
0x73: {  	[tilespmem:s7], [sflag:$0x2] =	stream.indirect.gather [hbm4b:s3+s8], $0x20, s22, s8, $0xb8;
	[tilespmem:$0x1A400] =	vst v63  }
0x74: {  	s0 =	rddreg [dreg:$0xb]  }
0x75: {  	[hbm4b:s0+s2] =	stream.linear.scatter [tilespmem:s9], [sflag:$0x3], $0xA000, $0x38;
	[tilespmem:$0x1A400] =	vst v63  }
0x76: {  	_ =	swait.ge [sflag:s10], $0xA000  }
0x77: {  	[sflag:s10] =	ssyncset.done $0x0  }
0x78: {  	[sflag:s10] =	ssyncadd.s32 $0xFFFF6000  }
0x79: {  	_ =	swait.ge [sflag:s6], $0xA000  }
0x7a: {  	[sflag:s6] =	ssyncset.done $0x0  }
0x7b: {  	[sflag:s6] =	ssyncadd.s32 $0xFFFF6000  }
0x7c: {  	[tilespmem:s9], [sflag:$0x1] =	stream.indirect.gather [hbm4b:s3+s8], $0x20, s21, s8, $0xb8;
	[tilespmem:$0x1A400] =	vst v63  }
0x7d: {  	s0 =	rddreg [dreg:$0xc]  }
0x7e: {  	[hbm4b:s0+s2] =	stream.linear.scatter [tilespmem:s7], [sflag:$0x4], $0xA000, $0x38;
	[tilespmem:$0x1A400] =	vst v63  }
0x7f: {  	_ =	swait.ge [sflag:s11], $0xA000  }
0x80: {  	[sflag:s11] =	ssyncset.done $0x0  }
0x81: {  	[sflag:s11] =	ssyncadd.s32 $0xFFFF6000  }
0x82: {  	_ =	swait.ge [sflag:s5], $0xA000  }
0x83: {  	[sflag:s5] =	ssyncset.done $0x0  }
0x84: {  	[sflag:s5] =	ssyncadd.s32 $0xFFFF6000  }
0x85: {  	[tilespmem:s7], [sflag:$0x2] =	stream.indirect.gather [hbm4b:s3+s8], $0x20, s20, s8, $0xb8;
	[tilespmem:$0x1A400] =	vst v63  }
0x86: {  	s0 =	rddreg [dreg:$0xd]  }
0x87: {  	[hbm4b:s0+s2] =	stream.linear.scatter [tilespmem:s9], [sflag:$0x3], $0xA000, $0x38;
	[tilespmem:$0x1A400] =	vst v63  }
0x88: {  	_ =	swait.ge [sflag:s10], $0xA000  }
0x89: {  	[sflag:s10] =	ssyncset.done $0x0  }
0x8a: {  	[sflag:s10] =	ssyncadd.s32 $0xFFFF6000  }
0x8b: {  	_ =	swait.ge [sflag:s6], $0xA000  }
0x8c: {  	[sflag:s6] =	ssyncset.done $0x0  }
0x8d: {  	[sflag:s6] =	ssyncadd.s32 $0xFFFF6000  }
0x8e: {  	[tilespmem:s9], [sflag:$0x1] =	stream.indirect.gather [hbm4b:s3+s8], $0x20, s19, s8, $0xb8;
	[tilespmem:$0x1A400] =	vst v63  }
0x8f: {  	s0 =	rddreg [dreg:$0xe]  }
0x90: {  	[hbm4b:s0+s2] =	stream.linear.scatter [tilespmem:s7], [sflag:$0x4], $0xA000, $0x38;
	[tilespmem:$0x1A400] =	vst v63  }
0x91: {  	_ =	swait.ge [sflag:s11], $0xA000  }
0x92: {  	[sflag:s11] =	ssyncset.done $0x0  }
0x93: {  	[sflag:s11] =	ssyncadd.s32 $0xFFFF6000  }
0x94: {  	_ =	swait.ge [sflag:s5], $0xA000  }
0x95: {  	[sflag:s5] =	ssyncset.done $0x0  }
0x96: {  	[sflag:s5] =	ssyncadd.s32 $0xFFFF6000  }
0x97: {  	[tilespmem:s7], [sflag:$0x2] =	stream.indirect.gather [hbm4b:s3+s8], $0x20, s18, s8, $0xb8;
	[tilespmem:$0x1A400] =	vst v63  }
0x98: {  	s0 =	rddreg [dreg:$0xf]  }
0x99: {  	[hbm4b:s0+s2] =	stream.linear.scatter [tilespmem:s9], [sflag:$0x3], $0xA000, $0x38;
	[tilespmem:$0x1A400] =	vst v63  }
0x9a: {  	_ =	swait.ge [sflag:s10], $0xA000  }
0x9b: {  	[sflag:s10] =	ssyncset.done $0x0  }
0x9c: {  	[sflag:s10] =	ssyncadd.s32 $0xFFFF6000  }
0x9d: {  	_ =	swait.ge [sflag:s6], $0xA000  }
0x9e: {  	[sflag:s6] =	ssyncset.done $0x0  }
0x9f: {  	[sflag:s6] =	ssyncadd.s32 $0xFFFF6000  }
0xa0: {  	[tilespmem:s9], [sflag:$0x1] =	stream.indirect.gather [hbm4b:s3+s8], $0x20, s17, s8, $0xb8;
	[tilespmem:$0x1A400] =	vst v63  }
0xa1: {  	s0 =	rddreg [dreg:$0x10]  }
0xa2: {  	[hbm4b:s0+s2] =	stream.linear.scatter [tilespmem:s7], [sflag:$0x4], $0xA000, $0x38;
	[tilespmem:$0x1A400] =	vst v63  }
0xa3: {  	_ =	swait.ge [sflag:s11], $0xA000  }
0xa4: {  	[sflag:s11] =	ssyncset.done $0x0  }
0xa5: {  	[sflag:s11] =	ssyncadd.s32 $0xFFFF6000  }
0xa6: {  	_ =	swait.ge [sflag:s5], $0xA000  }
0xa7: {  	[sflag:s5] =	ssyncset.done $0x0  }
0xa8: {  	[sflag:s5] =	ssyncadd.s32 $0xFFFF6000  }
0xa9: {  	[tilespmem:s7], [sflag:$0x2] =	stream.indirect.gather [hbm4b:s3+s8], $0x20, s16, s8, $0xb8;
	[tilespmem:$0x1A400] =	vst v63  }
0xaa: {  	s0 =	rddreg [dreg:$0x11]  }
0xab: {  	[hbm4b:s0+s2] =	stream.linear.scatter [tilespmem:s9], [sflag:$0x3], $0xA000, $0x38;
	[tilespmem:$0x1A400] =	vst v63  }
0xac: {  	_ =	swait.ge [sflag:s10], $0xA000  }
0xad: {  	[sflag:s10] =	ssyncset.done $0x0  }
0xae: {  	[sflag:s10] =	ssyncadd.s32 $0xFFFF6000  }
0xaf: {  	_ =	swait.ge [sflag:s6], $0xA000  }
0xb0: {  	[sflag:s6] =	ssyncset.done $0x0  }
0xb1: {  	[sflag:s6] =	ssyncadd.s32 $0xFFFF6000  }
0xb2: {  	[tilespmem:s9], [sflag:$0x1] =	stream.indirect.gather [hbm4b:s3+s8], $0x20, s15, s8, $0xb8;
	[tilespmem:$0x1A400] =	vst v63  }
0xb3: {  	s0 =	rddreg [dreg:$0x12]  }
0xb4: {  	[hbm4b:s0+s2] =	stream.linear.scatter [tilespmem:s7], [sflag:$0x4], $0xA000, $0x38;
	[tilespmem:$0x1A400] =	vst v63  }
0xb5: {  	_ =	swait.ge [sflag:s11], $0xA000  }
0xb6: {  	[sflag:s11] =	ssyncset.done $0x0  }
0xb7: {  	[sflag:s11] =	ssyncadd.s32 $0xFFFF6000  }
0xb8: {  	_ =	swait.ge [sflag:s5], $0xA000  }
0xb9: {  	[sflag:s5] =	ssyncset.done $0x0  }
0xba: {  	[sflag:s5] =	ssyncadd.s32 $0xFFFF6000  }
0xbb: {  	[tilespmem:s7], [sflag:$0x2] =	stream.indirect.gather [hbm4b:s3+s8], $0x20, s14, s8, $0xb8;
	[tilespmem:$0x1A400] =	vst v63  }
0xbc: {  	s0 =	rddreg [dreg:$0x13]  }
0xbd: {  	[hbm4b:s0+s2] =	stream.linear.scatter [tilespmem:s9], [sflag:$0x3], $0xA000, $0x38;
	[tilespmem:$0x1A400] =	vst v63  }
0xbe: {  	_ =	swait.ge [sflag:s10], $0xA000  }
0xbf: {  	[sflag:s10] =	ssyncset.done $0x0  }
0xc0: {  	[sflag:s10] =	ssyncadd.s32 $0xFFFF6000  }
0xc1: {  	_ =	swait.ge [sflag:s6], $0xA000  }
0xc2: {  	[sflag:s6] =	ssyncset.done $0x0  }
0xc3: {  	[sflag:s6] =	ssyncadd.s32 $0xFFFF6000  }
0xc4: {  	[tilespmem:s9], [sflag:$0x1] =	stream.indirect.gather [hbm4b:s3+s8], $0x20, s13, s8, $0xb8;
	[tilespmem:$0x1A400] =	vst v63  }
0xc5: {  	s0 =	rddreg [dreg:$0x14]  }
0xc6: {  	[hbm4b:s0+s2] =	stream.linear.scatter [tilespmem:s7], [sflag:$0x4], $0xA000, $0x38;
	[tilespmem:$0x1A400] =	vst v63  }
0xc7: {  	_ =	swait.ge [sflag:s11], $0xA000  }
0xc8: {  	[sflag:s11] =	ssyncset.done $0x0  }
0xc9: {  	[sflag:s11] =	ssyncadd.s32 $0xFFFF6000  }
0xca: {  	_ =	swait.ge [sflag:s5], $0xA000  }
0xcb: {  	[sflag:s5] =	ssyncset.done $0x0  }
0xcc: {  	[sflag:s5] =	ssyncadd.s32 $0xFFFF6000  }
0xcd: {  	[tilespmem:s7], [sflag:$0x2] =	stream.indirect.gather [hbm4b:s3+s8], $0x20, s12, s8, $0xb8;
	[tilespmem:$0x1A400] =	vst v63  }
0xce: {  	s0 =	rddreg [dreg:$0x15]  }
0xcf: {  	[hbm4b:s0+s2] =	stream.linear.scatter [tilespmem:s9], [sflag:$0x3], $0xA000, $0x38;
	[tilespmem:$0x1A400] =	vst v63  }
0xd0: {  	_ =	swait.ge [sflag:s10], $0xA000  }
0xd1: {  	[sflag:s10] =	ssyncset.done $0x0  }
0xd2: {  	p1 =	sne.s32 s1, $0x1;
	[sflag:s10] =	ssyncadd.s32 $0xFFFF6000  }
0xd3: {  	[hbm4b:s4+s2] =	stream.linear.scatter [tilespmem:s7], [sflag:$0x4], $0xA000, $0x38;
	[tilespmem:$0x1A400] =	vst v63  }
.Ltmp1:
0xd4: {  	_ =	swait.ge [sflag:s6], $0xA000;
	(pc) =	sbr.rel @!p1 .LBB2_3-.Ltmp1, $4  }
0xd5: {  	[sflag:s6] =	ssyncset.done $0x0  }
0xd6: {  	[sflag:s6] =	ssyncadd.s32 $0xFFFF6000  }
0xd7: {  	s1 =	sadd.s32 $0xFFFFFFFF, s1;
	_ =	swait.ge [sflag:s5], $0xA000  }
0xd8: {  	p0 =	por $0x1, $0x1;
	s0 =	rddreg [dreg:$0x2];
	[sflag:s5] =	ssyncset.done $0x0  }
.LBB2_2:
0xd9: {  	[sflag:s5] =	ssyncadd.s32 $0xFFFF6000  }
0xda: {  	[tilespmem:s2], [sflag:$0x5] =	stream.linear.gather [hbm4b:s0+s2], $0x6400, $0x38;
	[tilespmem:$0x1A400] =	vst v63  }
0xdb: {  	_ =	swait.ge [sflag:s31], $0x6400  }
0xdc: {  	[sflag:s31] =	ssyncset.done $0x0  }
0xdd: {  	[sflag:s31] =	ssyncadd.s32 $0xFFFF9C00  }
0xde: {  	[tilespmem:s9], [sflag:$0x1] =	stream.indirect.gather [hbm4b:s3+s8], $0x20, s2, s8, $0xb8;
	[tilespmem:$0x1A400] =	vst v63  }
0xdf: {  	_ =	swait.ge [sflag:s11], $0xA000  }
0xe0: {  	[sflag:s11] =	ssyncset.done $0x0  }
0xe1: {  	[sflag:s11] =	ssyncadd.s32 $0xFFFF6000  }
0xe2: {  	[tilespmem:s7], [sflag:$0x2] =	stream.indirect.gather [hbm4b:s3+s8], $0x20, s8, s8, $0xb8;
	[tilespmem:$0x1A400] =	vst v63  }
0xe3: {  	s0 =	rddreg [dreg:$0x3]  }
0xe4: {  	[hbm4b:s0+s2] =	stream.linear.scatter [tilespmem:s9], [sflag:$0x3], $0xA000, $0x38;
	[tilespmem:$0x1A400] =	vst v63  }
0xe5: {  	_ =	swait.ge [sflag:s10], $0xA000  }
0xe6: {  	[sflag:s10] =	ssyncset.done $0x0  }
0xe7: {  	[sflag:s10] =	ssyncadd.s32 $0xFFFF6000  }
0xe8: {  	_ =	swait.ge [sflag:s6], $0xA000  }
0xe9: {  	[sflag:s6] =	ssyncset.done $0x0  }
0xea: {  	[sflag:s6] =	ssyncadd.s32 $0xFFFF6000  }
0xeb: {  	[tilespmem:s9], [sflag:$0x1] =	stream.indirect.gather [hbm4b:s3+s8], $0x20, s30, s8, $0xb8;
	[tilespmem:$0x1A400] =	vst v63  }
0xec: {  	s0 =	rddreg [dreg:$0x4]  }
0xed: {  	[hbm4b:s0+s2] =	stream.linear.scatter [tilespmem:s7], [sflag:$0x4], $0xA000, $0x38;
	[tilespmem:$0x1A400] =	vst v63  }
0xee: {  	_ =	swait.ge [sflag:s11], $0xA000  }
0xef: {  	[sflag:s11] =	ssyncset.done $0x0  }
0xf0: {  	[sflag:s11] =	ssyncadd.s32 $0xFFFF6000  }
0xf1: {  	_ =	swait.ge [sflag:s5], $0xA000  }
0xf2: {  	[sflag:s5] =	ssyncset.done $0x0  }
0xf3: {  	[sflag:s5] =	ssyncadd.s32 $0xFFFF6000  }
0xf4: {  	[tilespmem:s7], [sflag:$0x2] =	stream.indirect.gather [hbm4b:s3+s8], $0x20, s29, s8, $0xb8;
	[tilespmem:$0x1A400] =	vst v63  }
0xf5: {  	s0 =	rddreg [dreg:$0x5]  }
0xf6: {  	[hbm4b:s0+s2] =	stream.linear.scatter [tilespmem:s9], [sflag:$0x3], $0xA000, $0x38;
	[tilespmem:$0x1A400] =	vst v63  }
0xf7: {  	_ =	swait.ge [sflag:s10], $0xA000  }
0xf8: {  	[sflag:s10] =	ssyncset.done $0x0  }
0xf9: {  	[sflag:s10] =	ssyncadd.s32 $0xFFFF6000  }
0xfa: {  	_ =	swait.ge [sflag:s6], $0xA000  }
0xfb: {  	[sflag:s6] =	ssyncset.done $0x0  }
0xfc: {  	[sflag:s6] =	ssyncadd.s32 $0xFFFF6000  }
0xfd: {  	[tilespmem:s9], [sflag:$0x1] =	stream.indirect.gather [hbm4b:s3+s8], $0x20, s28, s8, $0xb8;
	[tilespmem:$0x1A400] =	vst v63  }
0xfe: {  	s0 =	rddreg [dreg:$0x6]  }
0xff: {  	[hbm4b:s0+s2] =	stream.linear.scatter [tilespmem:s7], [sflag:$0x4], $0xA000, $0x38;
	[tilespmem:$0x1A400] =	vst v63  }
0x100: {  	_ =	swait.ge [sflag:s11], $0xA000  }
0x101: {  	[sflag:s11] =	ssyncset.done $0x0  }
0x102: {  	[sflag:s11] =	ssyncadd.s32 $0xFFFF6000  }
0x103: {  	_ =	swait.ge [sflag:s5], $0xA000  }
0x104: {  	[sflag:s5] =	ssyncset.done $0x0  }
0x105: {  	[sflag:s5] =	ssyncadd.s32 $0xFFFF6000  }
0x106: {  	[tilespmem:s7], [sflag:$0x2] =	stream.indirect.gather [hbm4b:s3+s8], $0x20, s26, s8, $0xb8;
	[tilespmem:$0x1A400] =	vst v63  }
0x107: {  	s0 =	rddreg [dreg:$0x7]  }
0x108: {  	[hbm4b:s0+s2] =	stream.linear.scatter [tilespmem:s9], [sflag:$0x3], $0xA000, $0x38;
	[tilespmem:$0x1A400] =	vst v63  }
0x109: {  	_ =	swait.ge [sflag:s10], $0xA000  }
0x10a: {  	[sflag:s10] =	ssyncset.done $0x0  }
0x10b: {  	[sflag:s10] =	ssyncadd.s32 $0xFFFF6000  }
0x10c: {  	_ =	swait.ge [sflag:s6], $0xA000  }
0x10d: {  	[sflag:s6] =	ssyncset.done $0x0  }
0x10e: {  	[sflag:s6] =	ssyncadd.s32 $0xFFFF6000  }
0x10f: {  	[tilespmem:s9], [sflag:$0x1] =	stream.indirect.gather [hbm4b:s3+s8], $0x20, s25, s8, $0xb8;
	[tilespmem:$0x1A400] =	vst v63  }
0x110: {  	s0 =	rddreg [dreg:$0x8]  }
0x111: {  	[hbm4b:s0+s2] =	stream.linear.scatter [tilespmem:s7], [sflag:$0x4], $0xA000, $0x38;
	[tilespmem:$0x1A400] =	vst v63  }
0x112: {  	_ =	swait.ge [sflag:s11], $0xA000  }
0x113: {  	[sflag:s11] =	ssyncset.done $0x0  }
0x114: {  	[sflag:s11] =	ssyncadd.s32 $0xFFFF6000  }
0x115: {  	_ =	swait.ge [sflag:s5], $0xA000  }
0x116: {  	[sflag:s5] =	ssyncset.done $0x0  }
0x117: {  	[sflag:s5] =	ssyncadd.s32 $0xFFFF6000  }
0x118: {  	[tilespmem:s7], [sflag:$0x2] =	stream.indirect.gather [hbm4b:s3+s8], $0x20, s24, s8, $0xb8;
	[tilespmem:$0x1A400] =	vst v63  }
0x119: {  	s0 =	rddreg [dreg:$0x9]  }
0x11a: {  	[hbm4b:s0+s2] =	stream.linear.scatter [tilespmem:s9], [sflag:$0x3], $0xA000, $0x38;
	[tilespmem:$0x1A400] =	vst v63  }
0x11b: {  	_ =	swait.ge [sflag:s10], $0xA000  }
0x11c: {  	[sflag:s10] =	ssyncset.done $0x0  }
0x11d: {  	[sflag:s10] =	ssyncadd.s32 $0xFFFF6000  }
0x11e: {  	_ =	swait.ge [sflag:s6], $0xA000  }
0x11f: {  	[sflag:s6] =	ssyncset.done $0x0  }
0x120: {  	[sflag:s6] =	ssyncadd.s32 $0xFFFF6000  }
0x121: {  	[tilespmem:s9], [sflag:$0x1] =	stream.indirect.gather [hbm4b:s3+s8], $0x20, s23, s8, $0xb8;
	[tilespmem:$0x1A400] =	vst v63  }
0x122: {  	s0 =	rddreg [dreg:$0xa]  }
0x123: {  	[hbm4b:s0+s2] =	stream.linear.scatter [tilespmem:s7], [sflag:$0x4], $0xA000, $0x38;
	[tilespmem:$0x1A400] =	vst v63  }
0x124: {  	_ =	swait.ge [sflag:s11], $0xA000  }
0x125: {  	[sflag:s11] =	ssyncset.done $0x0  }
0x126: {  	[sflag:s11] =	ssyncadd.s32 $0xFFFF6000  }
0x127: {  	_ =	swait.ge [sflag:s5], $0xA000  }
0x128: {  	[sflag:s5] =	ssyncset.done $0x0  }
0x129: {  	[sflag:s5] =	ssyncadd.s32 $0xFFFF6000  }
0x12a: {  	[tilespmem:s7], [sflag:$0x2] =	stream.indirect.gather [hbm4b:s3+s8], $0x20, s22, s8, $0xb8;
	[tilespmem:$0x1A400] =	vst v63  }
0x12b: {  	s0 =	rddreg [dreg:$0xb]  }
0x12c: {  	[hbm4b:s0+s2] =	stream.linear.scatter [tilespmem:s9], [sflag:$0x3], $0xA000, $0x38;
	[tilespmem:$0x1A400] =	vst v63  }
0x12d: {  	_ =	swait.ge [sflag:s10], $0xA000  }
0x12e: {  	[sflag:s10] =	ssyncset.done $0x0  }
0x12f: {  	[sflag:s10] =	ssyncadd.s32 $0xFFFF6000  }
0x130: {  	_ =	swait.ge [sflag:s6], $0xA000  }
0x131: {  	[sflag:s6] =	ssyncset.done $0x0  }
0x132: {  	[sflag:s6] =	ssyncadd.s32 $0xFFFF6000  }
0x133: {  	[tilespmem:s9], [sflag:$0x1] =	stream.indirect.gather [hbm4b:s3+s8], $0x20, s21, s8, $0xb8;
	[tilespmem:$0x1A400] =	vst v63  }
0x134: {  	s0 =	rddreg [dreg:$0xc]  }
0x135: {  	[hbm4b:s0+s2] =	stream.linear.scatter [tilespmem:s7], [sflag:$0x4], $0xA000, $0x38;
	[tilespmem:$0x1A400] =	vst v63  }
0x136: {  	_ =	swait.ge [sflag:s11], $0xA000  }
0x137: {  	[sflag:s11] =	ssyncset.done $0x0  }
0x138: {  	[sflag:s11] =	ssyncadd.s32 $0xFFFF6000  }
0x139: {  	_ =	swait.ge [sflag:s5], $0xA000  }
0x13a: {  	[sflag:s5] =	ssyncset.done $0x0  }
0x13b: {  	[sflag:s5] =	ssyncadd.s32 $0xFFFF6000  }
0x13c: {  	[tilespmem:s7], [sflag:$0x2] =	stream.indirect.gather [hbm4b:s3+s8], $0x20, s20, s8, $0xb8;
	[tilespmem:$0x1A400] =	vst v63  }
0x13d: {  	s0 =	rddreg [dreg:$0xd]  }
0x13e: {  	[hbm4b:s0+s2] =	stream.linear.scatter [tilespmem:s9], [sflag:$0x3], $0xA000, $0x38;
	[tilespmem:$0x1A400] =	vst v63  }
0x13f: {  	_ =	swait.ge [sflag:s10], $0xA000  }
0x140: {  	[sflag:s10] =	ssyncset.done $0x0  }
0x141: {  	[sflag:s10] =	ssyncadd.s32 $0xFFFF6000  }
0x142: {  	_ =	swait.ge [sflag:s6], $0xA000  }
0x143: {  	[sflag:s6] =	ssyncset.done $0x0  }
0x144: {  	[sflag:s6] =	ssyncadd.s32 $0xFFFF6000  }
0x145: {  	[tilespmem:s9], [sflag:$0x1] =	stream.indirect.gather [hbm4b:s3+s8], $0x20, s19, s8, $0xb8;
	[tilespmem:$0x1A400] =	vst v63  }
0x146: {  	s0 =	rddreg [dreg:$0xe]  }
0x147: {  	[hbm4b:s0+s2] =	stream.linear.scatter [tilespmem:s7], [sflag:$0x4], $0xA000, $0x38;
	[tilespmem:$0x1A400] =	vst v63  }
0x148: {  	_ =	swait.ge [sflag:s11], $0xA000  }
0x149: {  	[sflag:s11] =	ssyncset.done $0x0  }
0x14a: {  	[sflag:s11] =	ssyncadd.s32 $0xFFFF6000  }
0x14b: {  	_ =	swait.ge [sflag:s5], $0xA000  }
0x14c: {  	[sflag:s5] =	ssyncset.done $0x0  }
0x14d: {  	[sflag:s5] =	ssyncadd.s32 $0xFFFF6000  }
0x14e: {  	[tilespmem:s7], [sflag:$0x2] =	stream.indirect.gather [hbm4b:s3+s8], $0x20, s18, s8, $0xb8;
	[tilespmem:$0x1A400] =	vst v63  }
0x14f: {  	s0 =	rddreg [dreg:$0xf]  }
0x150: {  	[hbm4b:s0+s2] =	stream.linear.scatter [tilespmem:s9], [sflag:$0x3], $0xA000, $0x38;
	[tilespmem:$0x1A400] =	vst v63  }
0x151: {  	_ =	swait.ge [sflag:s10], $0xA000  }
0x152: {  	[sflag:s10] =	ssyncset.done $0x0  }
0x153: {  	[sflag:s10] =	ssyncadd.s32 $0xFFFF6000  }
0x154: {  	_ =	swait.ge [sflag:s6], $0xA000  }
0x155: {  	[sflag:s6] =	ssyncset.done $0x0  }
0x156: {  	[sflag:s6] =	ssyncadd.s32 $0xFFFF6000  }
0x157: {  	[tilespmem:s9], [sflag:$0x1] =	stream.indirect.gather [hbm4b:s3+s8], $0x20, s17, s8, $0xb8;
	[tilespmem:$0x1A400] =	vst v63  }
0x158: {  	s0 =	rddreg [dreg:$0x10]  }
0x159: {  	[hbm4b:s0+s2] =	stream.linear.scatter [tilespmem:s7], [sflag:$0x4], $0xA000, $0x38;
	[tilespmem:$0x1A400] =	vst v63  }
0x15a: {  	_ =	swait.ge [sflag:s11], $0xA000  }
0x15b: {  	[sflag:s11] =	ssyncset.done $0x0  }
0x15c: {  	[sflag:s11] =	ssyncadd.s32 $0xFFFF6000  }
0x15d: {  	_ =	swait.ge [sflag:s5], $0xA000  }
0x15e: {  	[sflag:s5] =	ssyncset.done $0x0  }
0x15f: {  	[sflag:s5] =	ssyncadd.s32 $0xFFFF6000  }
0x160: {  	[tilespmem:s7], [sflag:$0x2] =	stream.indirect.gather [hbm4b:s3+s8], $0x20, s16, s8, $0xb8;
	[tilespmem:$0x1A400] =	vst v63  }
0x161: {  	s0 =	rddreg [dreg:$0x11]  }
0x162: {  	[hbm4b:s0+s2] =	stream.linear.scatter [tilespmem:s9], [sflag:$0x3], $0xA000, $0x38;
	[tilespmem:$0x1A400] =	vst v63  }
0x163: {  	_ =	swait.ge [sflag:s10], $0xA000  }
0x164: {  	[sflag:s10] =	ssyncset.done $0x0  }
0x165: {  	[sflag:s10] =	ssyncadd.s32 $0xFFFF6000  }
0x166: {  	_ =	swait.ge [sflag:s6], $0xA000  }
0x167: {  	[sflag:s6] =	ssyncset.done $0x0  }
0x168: {  	[sflag:s6] =	ssyncadd.s32 $0xFFFF6000  }
0x169: {  	[tilespmem:s9], [sflag:$0x1] =	stream.indirect.gather [hbm4b:s3+s8], $0x20, s15, s8, $0xb8;
	[tilespmem:$0x1A400] =	vst v63  }
0x16a: {  	s0 =	rddreg [dreg:$0x12]  }
0x16b: {  	[hbm4b:s0+s2] =	stream.linear.scatter [tilespmem:s7], [sflag:$0x4], $0xA000, $0x38;
	[tilespmem:$0x1A400] =	vst v63  }
0x16c: {  	_ =	swait.ge [sflag:s11], $0xA000  }
0x16d: {  	[sflag:s11] =	ssyncset.done $0x0  }
0x16e: {  	[sflag:s11] =	ssyncadd.s32 $0xFFFF6000  }
0x16f: {  	_ =	swait.ge [sflag:s5], $0xA000  }
0x170: {  	[sflag:s5] =	ssyncset.done $0x0  }
0x171: {  	[sflag:s5] =	ssyncadd.s32 $0xFFFF6000  }
0x172: {  	[tilespmem:s7], [sflag:$0x2] =	stream.indirect.gather [hbm4b:s3+s8], $0x20, s14, s8, $0xb8;
	[tilespmem:$0x1A400] =	vst v63  }
0x173: {  	s0 =	rddreg [dreg:$0x13]  }
0x174: {  	[hbm4b:s0+s2] =	stream.linear.scatter [tilespmem:s9], [sflag:$0x3], $0xA000, $0x38;
	[tilespmem:$0x1A400] =	vst v63  }
0x175: {  	_ =	swait.ge [sflag:s10], $0xA000  }
0x176: {  	[sflag:s10] =	ssyncset.done $0x0  }
0x177: {  	[sflag:s10] =	ssyncadd.s32 $0xFFFF6000  }
0x178: {  	_ =	swait.ge [sflag:s6], $0xA000  }
0x179: {  	[sflag:s6] =	ssyncset.done $0x0  }
0x17a: {  	[sflag:s6] =	ssyncadd.s32 $0xFFFF6000  }
0x17b: {  	[tilespmem:s9], [sflag:$0x1] =	stream.indirect.gather [hbm4b:s3+s8], $0x20, s13, s8, $0xb8;
	[tilespmem:$0x1A400] =	vst v63  }
0x17c: {  	s0 =	rddreg [dreg:$0x14]  }
0x17d: {  	[hbm4b:s0+s2] =	stream.linear.scatter [tilespmem:s7], [sflag:$0x4], $0xA000, $0x38;
	[tilespmem:$0x1A400] =	vst v63  }
0x17e: {  	_ =	swait.ge [sflag:s11], $0xA000  }
0x17f: {  	[sflag:s11] =	ssyncset.done $0x0  }
0x180: {  	[sflag:s11] =	ssyncadd.s32 $0xFFFF6000  }
0x181: {  	_ =	swait.ge [sflag:s5], $0xA000  }
0x182: {  	[sflag:s5] =	ssyncset.done $0x0  }
0x183: {  	[sflag:s5] =	ssyncadd.s32 $0xFFFF6000  }
0x184: {  	[tilespmem:s7], [sflag:$0x2] =	stream.indirect.gather [hbm4b:s3+s8], $0x20, s12, s8, $0xb8;
	[tilespmem:$0x1A400] =	vst v63  }
0x185: {  	s0 =	rddreg [dreg:$0x15]  }
0x186: {  	[hbm4b:s0+s2] =	stream.linear.scatter [tilespmem:s9], [sflag:$0x3], $0xA000, $0x38;
	[tilespmem:$0x1A400] =	vst v63  }
0x187: {  	_ =	swait.ge [sflag:s10], $0xA000  }
0x188: {  	[sflag:s10] =	ssyncset.done $0x0  }
0x189: {  	p1 =	sne.s32 s1, $0x1;
	[sflag:s10] =	ssyncadd.s32 $0xFFFF6000  }
0x18a: {  	[hbm4b:s4+s2] =	stream.linear.scatter [tilespmem:s7], [sflag:$0x4], $0xA000, $0x38;
	[tilespmem:$0x1A400] =	vst v63  }
.Ltmp2:
0x18b: {  	_ =	swait.ge [sflag:s6], $0xA000;
	(pc) =	sbr.rel @p1 .LBB2_2-.Ltmp2, $4  }
0x18c: {  	[sflag:s6] =	ssyncset.done $0x0  }
0x18d: {  	[sflag:s6] =	ssyncadd.s32 $0xFFFF6000  }
0x18e: {  	_ =	swait.ge [sflag:s5], $0xA000  }
0x18f: {  	s1 =	sadd.s32 $0xFFFFFFFF, s1;
	s0 =	rddreg [dreg:$0x2];
	[sflag:s5] =	ssyncset.done $0x0  }
.LBB2_3:
0x190: {  	[sflag:s5] =	ssyncadd.s32 @p0 $0xFFFF6000  }
0x191: {  	[tilespmem:s2], [sflag:$0x5] =	stream.linear.gather [hbm4b:s0+s2], $0x6400, $0x38;
	[tilespmem:$0x1A400] =	vst v63  }
0x192: {  	_ =	swait.ge [sflag:s31], $0x6400  }
0x193: {  	[sflag:s31] =	ssyncset.done $0x0  }
0x194: {  	[sflag:s31] =	ssyncadd.s32 $0xFFFF9C00  }
0x195: {  	[tilespmem:s9], [sflag:$0x1] =	stream.indirect.gather [hbm4b:s3+s8], $0x20, s2, s8, $0xb8;
	[tilespmem:$0x1A400] =	vst v63  }
0x196: {  	_ =	swait.ge [sflag:s11], $0xA000  }
0x197: {  	[sflag:s11] =	ssyncset.done $0x0  }
0x198: {  	[sflag:s11] =	ssyncadd.s32 $0xFFFF6000  }
0x199: {  	[tilespmem:s7], [sflag:$0x2] =	stream.indirect.gather [hbm4b:s3+s8], $0x20, s8, s8, $0xb8;
	[tilespmem:$0x1A400] =	vst v63  }
0x19a: {  	s31 =	rddreg [dreg:$0x3]  }
0x19b: {  	[hbm4b:s31+s2] =	stream.linear.scatter [tilespmem:s9], [sflag:$0x3], $0xA000, $0x38;
	[tilespmem:$0x1A400] =	vst v63  }
0x19c: {  	_ =	swait.ge [sflag:s10], $0xA000  }
0x19d: {  	[sflag:s10] =	ssyncset.done $0x0  }
0x19e: {  	[sflag:s10] =	ssyncadd.s32 $0xFFFF6000  }
0x19f: {  	_ =	swait.ge [sflag:s6], $0xA000  }
0x1a0: {  	[sflag:s6] =	ssyncset.done $0x0  }
0x1a1: {  	[sflag:s6] =	ssyncadd.s32 $0xFFFF6000  }
0x1a2: {  	[tilespmem:s9], [sflag:$0x1] =	stream.indirect.gather [hbm4b:s3+s8], $0x20, s30, s8, $0xb8;
	[tilespmem:$0x1A400] =	vst v63  }
0x1a3: {  	s1 =	rddreg [dreg:$0x4]  }
0x1a4: {  	[hbm4b:s1+s2] =	stream.linear.scatter [tilespmem:s7], [sflag:$0x4], $0xA000, $0x38;
	[tilespmem:$0x1A400] =	vst v63  }
0x1a5: {  	_ =	swait.ge [sflag:s11], $0xA000  }
0x1a6: {  	[sflag:s11] =	ssyncset.done $0x0  }
0x1a7: {  	[sflag:s11] =	ssyncadd.s32 $0xFFFF6000  }
0x1a8: {  	_ =	swait.ge [sflag:s5], $0xA000  }
0x1a9: {  	[sflag:s5] =	ssyncset.done $0x0  }
0x1aa: {  	[sflag:s5] =	ssyncadd.s32 $0xFFFF6000  }
0x1ab: {  	[tilespmem:s7], [sflag:$0x2] =	stream.indirect.gather [hbm4b:s3+s8], $0x20, s29, s8, $0xb8;
	[tilespmem:$0x1A400] =	vst v63  }
0x1ac: {  	s30 =	rddreg [dreg:$0x5]  }
0x1ad: {  	[hbm4b:s30+s2] =	stream.linear.scatter [tilespmem:s9], [sflag:$0x3], $0xA000, $0x38;
	[tilespmem:$0x1A400] =	vst v63  }
0x1ae: {  	_ =	swait.ge [sflag:s10], $0xA000  }
0x1af: {  	[sflag:s10] =	ssyncset.done $0x0  }
0x1b0: {  	[sflag:s10] =	ssyncadd.s32 $0xFFFF6000  }
0x1b1: {  	_ =	swait.ge [sflag:s6], $0xA000  }
0x1b2: {  	[sflag:s6] =	ssyncset.done $0x0  }
0x1b3: {  	[sflag:s6] =	ssyncadd.s32 $0xFFFF6000  }
0x1b4: {  	[tilespmem:s9], [sflag:$0x1] =	stream.indirect.gather [hbm4b:s3+s8], $0x20, s28, s8, $0xb8;
	[tilespmem:$0x1A400] =	vst v63  }
0x1b5: {  	s31 =	rddreg [dreg:$0x6]  }
0x1b6: {  	[hbm4b:s31+s2] =	stream.linear.scatter [tilespmem:s7], [sflag:$0x4], $0xA000, $0x38;
	[tilespmem:$0x1A400] =	vst v63  }
0x1b7: {  	_ =	swait.ge [sflag:s11], $0xA000  }
0x1b8: {  	[sflag:s11] =	ssyncset.done $0x0  }
0x1b9: {  	[sflag:s11] =	ssyncadd.s32 $0xFFFF6000  }
0x1ba: {  	_ =	swait.ge [sflag:s5], $0xA000  }
0x1bb: {  	[sflag:s5] =	ssyncset.done $0x0  }
0x1bc: {  	[sflag:s5] =	ssyncadd.s32 $0xFFFF6000  }
0x1bd: {  	[tilespmem:s7], [sflag:$0x2] =	stream.indirect.gather [hbm4b:s3+s8], $0x20, s26, s8, $0xb8;
	[tilespmem:$0x1A400] =	vst v63  }
0x1be: {  	s1 =	rddreg [dreg:$0x7]  }
0x1bf: {  	[hbm4b:s1+s2] =	stream.linear.scatter [tilespmem:s9], [sflag:$0x3], $0xA000, $0x38;
	[tilespmem:$0x1A400] =	vst v63  }
0x1c0: {  	_ =	swait.ge [sflag:s10], $0xA000  }
0x1c1: {  	[sflag:s10] =	ssyncset.done $0x0  }
0x1c2: {  	[sflag:s10] =	ssyncadd.s32 $0xFFFF6000  }
0x1c3: {  	_ =	swait.ge [sflag:s6], $0xA000  }
0x1c4: {  	[sflag:s6] =	ssyncset.done $0x0  }
0x1c5: {  	[sflag:s6] =	ssyncadd.s32 $0xFFFF6000  }
0x1c6: {  	[tilespmem:s9], [sflag:$0x1] =	stream.indirect.gather [hbm4b:s3+s8], $0x20, s25, s8, $0xb8;
	[tilespmem:$0x1A400] =	vst v63  }
0x1c7: {  	s28 =	rddreg [dreg:$0x8]  }
0x1c8: {  	[hbm4b:s28+s2] =	stream.linear.scatter [tilespmem:s7], [sflag:$0x4], $0xA000, $0x38;
	[tilespmem:$0x1A400] =	vst v63  }
0x1c9: {  	_ =	swait.ge [sflag:s11], $0xA000  }
0x1ca: {  	[sflag:s11] =	ssyncset.done $0x0  }
0x1cb: {  	[sflag:s11] =	ssyncadd.s32 $0xFFFF6000  }
0x1cc: {  	_ =	swait.ge [sflag:s5], $0xA000  }
0x1cd: {  	[sflag:s5] =	ssyncset.done $0x0  }
0x1ce: {  	[sflag:s5] =	ssyncadd.s32 $0xFFFF6000  }
0x1cf: {  	[tilespmem:s7], [sflag:$0x2] =	stream.indirect.gather [hbm4b:s3+s8], $0x20, s24, s8, $0xb8;
	[tilespmem:$0x1A400] =	vst v63  }
0x1d0: {  	s29 =	rddreg [dreg:$0x9]  }
0x1d1: {  	[hbm4b:s29+s2] =	stream.linear.scatter [tilespmem:s9], [sflag:$0x3], $0xA000, $0x38;
	[tilespmem:$0x1A400] =	vst v63  }
0x1d2: {  	_ =	swait.ge [sflag:s10], $0xA000  }
0x1d3: {  	[sflag:s10] =	ssyncset.done $0x0  }
0x1d4: {  	[sflag:s10] =	ssyncadd.s32 $0xFFFF6000  }
0x1d5: {  	_ =	swait.ge [sflag:s6], $0xA000  }
0x1d6: {  	[sflag:s6] =	ssyncset.done $0x0  }
0x1d7: {  	[sflag:s6] =	ssyncadd.s32 $0xFFFF6000  }
0x1d8: {  	[tilespmem:s9], [sflag:$0x1] =	stream.indirect.gather [hbm4b:s3+s8], $0x20, s23, s8, $0xb8;
	[tilespmem:$0x1A400] =	vst v63  }
0x1d9: {  	s30 =	rddreg [dreg:$0xa]  }
0x1da: {  	[hbm4b:s30+s2] =	stream.linear.scatter [tilespmem:s7], [sflag:$0x4], $0xA000, $0x38;
	[tilespmem:$0x1A400] =	vst v63  }
0x1db: {  	_ =	swait.ge [sflag:s11], $0xA000  }
0x1dc: {  	[sflag:s11] =	ssyncset.done $0x0  }
0x1dd: {  	[sflag:s11] =	ssyncadd.s32 $0xFFFF6000  }
0x1de: {  	_ =	swait.ge [sflag:s5], $0xA000  }
0x1df: {  	[sflag:s5] =	ssyncset.done $0x0  }
0x1e0: {  	[sflag:s5] =	ssyncadd.s32 $0xFFFF6000  }
0x1e1: {  	[tilespmem:s7], [sflag:$0x2] =	stream.indirect.gather [hbm4b:s3+s8], $0x20, s22, s8, $0xb8;
	[tilespmem:$0x1A400] =	vst v63  }
0x1e2: {  	s31 =	rddreg [dreg:$0xb]  }
0x1e3: {  	[hbm4b:s31+s2] =	stream.linear.scatter [tilespmem:s9], [sflag:$0x3], $0xA000, $0x38;
	[tilespmem:$0x1A400] =	vst v63  }
0x1e4: {  	_ =	swait.ge [sflag:s10], $0xA000  }
0x1e5: {  	[sflag:s10] =	ssyncset.done $0x0  }
0x1e6: {  	[sflag:s10] =	ssyncadd.s32 $0xFFFF6000  }
0x1e7: {  	_ =	swait.ge [sflag:s6], $0xA000  }
0x1e8: {  	[sflag:s6] =	ssyncset.done $0x0  }
0x1e9: {  	[sflag:s6] =	ssyncadd.s32 $0xFFFF6000  }
0x1ea: {  	[tilespmem:s9], [sflag:$0x1] =	stream.indirect.gather [hbm4b:s3+s8], $0x20, s21, s8, $0xb8;
	[tilespmem:$0x1A400] =	vst v63  }
0x1eb: {  	s1 =	rddreg [dreg:$0xc]  }
0x1ec: {  	[hbm4b:s1+s2] =	stream.linear.scatter [tilespmem:s7], [sflag:$0x4], $0xA000, $0x38;
	[tilespmem:$0x1A400] =	vst v63  }
0x1ed: {  	_ =	swait.ge [sflag:s11], $0xA000  }
0x1ee: {  	[sflag:s11] =	ssyncset.done $0x0  }
0x1ef: {  	[sflag:s11] =	ssyncadd.s32 $0xFFFF6000  }
0x1f0: {  	_ =	swait.ge [sflag:s5], $0xA000  }
0x1f1: {  	[sflag:s5] =	ssyncset.done $0x0  }
0x1f2: {  	[sflag:s5] =	ssyncadd.s32 $0xFFFF6000  }
0x1f3: {  	[tilespmem:s7], [sflag:$0x2] =	stream.indirect.gather [hbm4b:s3+s8], $0x20, s20, s8, $0xb8;
	[tilespmem:$0x1A400] =	vst v63  }
0x1f4: {  	s21 =	rddreg [dreg:$0xd]  }
0x1f5: {  	[hbm4b:s21+s2] =	stream.linear.scatter [tilespmem:s9], [sflag:$0x3], $0xA000, $0x38;
	[tilespmem:$0x1A400] =	vst v63  }
0x1f6: {  	_ =	swait.ge [sflag:s10], $0xA000  }
0x1f7: {  	[sflag:s10] =	ssyncset.done $0x0  }
0x1f8: {  	[sflag:s10] =	ssyncadd.s32 $0xFFFF6000  }
0x1f9: {  	_ =	swait.ge [sflag:s6], $0xA000  }
0x1fa: {  	[sflag:s6] =	ssyncset.done $0x0  }
0x1fb: {  	[sflag:s6] =	ssyncadd.s32 $0xFFFF6000  }
0x1fc: {  	[tilespmem:s9], [sflag:$0x1] =	stream.indirect.gather [hbm4b:s3+s8], $0x20, s19, s8, $0xb8;
	[tilespmem:$0x1A400] =	vst v63  }
0x1fd: {  	s22 =	rddreg [dreg:$0xe]  }
0x1fe: {  	[hbm4b:s22+s2] =	stream.linear.scatter [tilespmem:s7], [sflag:$0x4], $0xA000, $0x38;
	[tilespmem:$0x1A400] =	vst v63  }
0x1ff: {  	_ =	swait.ge [sflag:s11], $0xA000  }
0x200: {  	[sflag:s11] =	ssyncset.done $0x0  }
0x201: {  	[sflag:s11] =	ssyncadd.s32 $0xFFFF6000  }
0x202: {  	_ =	swait.ge [sflag:s5], $0xA000  }
0x203: {  	[sflag:s5] =	ssyncset.done $0x0  }
0x204: {  	[sflag:s5] =	ssyncadd.s32 $0xFFFF6000  }
0x205: {  	[tilespmem:s7], [sflag:$0x2] =	stream.indirect.gather [hbm4b:s3+s8], $0x20, s18, s8, $0xb8;
	[tilespmem:$0x1A400] =	vst v63  }
0x206: {  	s23 =	rddreg [dreg:$0xf]  }
0x207: {  	[hbm4b:s23+s2] =	stream.linear.scatter [tilespmem:s9], [sflag:$0x3], $0xA000, $0x38;
	[tilespmem:$0x1A400] =	vst v63  }
0x208: {  	_ =	swait.ge [sflag:s10], $0xA000  }
0x209: {  	[sflag:s10] =	ssyncset.done $0x0  }
0x20a: {  	[sflag:s10] =	ssyncadd.s32 $0xFFFF6000  }
0x20b: {  	_ =	swait.ge [sflag:s6], $0xA000  }
0x20c: {  	[sflag:s6] =	ssyncset.done $0x0  }
0x20d: {  	[sflag:s6] =	ssyncadd.s32 $0xFFFF6000  }
0x20e: {  	[tilespmem:s9], [sflag:$0x1] =	stream.indirect.gather [hbm4b:s3+s8], $0x20, s17, s8, $0xb8;
	[tilespmem:$0x1A400] =	vst v63  }
0x20f: {  	s24 =	rddreg [dreg:$0x10]  }
0x210: {  	[hbm4b:s24+s2] =	stream.linear.scatter [tilespmem:s7], [sflag:$0x4], $0xA000, $0x38;
	[tilespmem:$0x1A400] =	vst v63  }
0x211: {  	_ =	swait.ge [sflag:s11], $0xA000  }
0x212: {  	[sflag:s11] =	ssyncset.done $0x0  }
0x213: {  	[sflag:s11] =	ssyncadd.s32 $0xFFFF6000  }
0x214: {  	_ =	swait.ge [sflag:s5], $0xA000  }
0x215: {  	[sflag:s5] =	ssyncset.done $0x0  }
0x216: {  	[sflag:s5] =	ssyncadd.s32 $0xFFFF6000  }
0x217: {  	[tilespmem:s7], [sflag:$0x2] =	stream.indirect.gather [hbm4b:s3+s8], $0x20, s16, s8, $0xb8;
	[tilespmem:$0x1A400] =	vst v63  }
0x218: {  	s25 =	rddreg [dreg:$0x11]  }
0x219: {  	[hbm4b:s25+s2] =	stream.linear.scatter [tilespmem:s9], [sflag:$0x3], $0xA000, $0x38;
	[tilespmem:$0x1A400] =	vst v63  }
0x21a: {  	_ =	swait.ge [sflag:s10], $0xA000  }
0x21b: {  	[sflag:s10] =	ssyncset.done $0x0  }
0x21c: {  	[sflag:s10] =	ssyncadd.s32 $0xFFFF6000  }
0x21d: {  	_ =	swait.ge [sflag:s6], $0xA000  }
0x21e: {  	[sflag:s6] =	ssyncset.done $0x0  }
0x21f: {  	[sflag:s6] =	ssyncadd.s32 $0xFFFF6000  }
0x220: {  	[tilespmem:s9], [sflag:$0x1] =	stream.indirect.gather [hbm4b:s3+s8], $0x20, s15, s8, $0xb8;
	[tilespmem:$0x1A400] =	vst v63  }
0x221: {  	s26 =	rddreg [dreg:$0x12]  }
0x222: {  	[hbm4b:s26+s2] =	stream.linear.scatter [tilespmem:s7], [sflag:$0x4], $0xA000, $0x38;
	[tilespmem:$0x1A400] =	vst v63  }
0x223: {  	_ =	swait.ge [sflag:s11], $0xA000  }
0x224: {  	[sflag:s11] =	ssyncset.done $0x0  }
0x225: {  	[sflag:s11] =	ssyncadd.s32 $0xFFFF6000  }
0x226: {  	_ =	swait.ge [sflag:s5], $0xA000  }
0x227: {  	[sflag:s5] =	ssyncset.done $0x0  }
0x228: {  	[sflag:s5] =	ssyncadd.s32 $0xFFFF6000  }
0x229: {  	[tilespmem:s7], [sflag:$0x2] =	stream.indirect.gather [hbm4b:s3+s8], $0x20, s14, s8, $0xb8;
	[tilespmem:$0x1A400] =	vst v63  }
0x22a: {  	s28 =	rddreg [dreg:$0x13]  }
0x22b: {  	[hbm4b:s28+s2] =	stream.linear.scatter [tilespmem:s9], [sflag:$0x3], $0xA000, $0x38;
	[tilespmem:$0x1A400] =	vst v63  }
0x22c: {  	_ =	swait.ge [sflag:s10], $0xA000  }
0x22d: {  	[sflag:s10] =	ssyncset.done $0x0  }
0x22e: {  	[sflag:s10] =	ssyncadd.s32 $0xFFFF6000  }
0x22f: {  	_ =	swait.ge [sflag:s6], $0xA000  }
0x230: {  	[sflag:s6] =	ssyncset.done $0x0  }
0x231: {  	[sflag:s6] =	ssyncadd.s32 $0xFFFF6000  }
0x232: {  	[tilespmem:s9], [sflag:$0x1] =	stream.indirect.gather [hbm4b:s3+s8], $0x20, s13, s8, $0xb8;
	[tilespmem:$0x1A400] =	vst v63  }
0x233: {  	s29 =	rddreg [dreg:$0x14]  }
0x234: {  	[hbm4b:s29+s2] =	stream.linear.scatter [tilespmem:s7], [sflag:$0x4], $0xA000, $0x38;
	[tilespmem:$0x1A400] =	vst v63  }
0x235: {  	_ =	swait.ge [sflag:s11], $0xA000  }
0x236: {  	[sflag:s11] =	ssyncset.done $0x0  }
0x237: {  	[sflag:s11] =	ssyncadd.s32 $0xFFFF6000  }
0x238: {  	_ =	swait.ge [sflag:s5], $0xA000  }
0x239: {  	[sflag:s5] =	ssyncset.done $0x0  }
0x23a: {  	[sflag:s5] =	ssyncadd.s32 $0xFFFF6000  }
0x23b: {  	[tilespmem:s7], [sflag:$0x2] =	stream.indirect.gather [hbm4b:s3+s8], $0x20, s12, s8, $0xb8;
	[tilespmem:$0x1A400] =	vst v63  }
0x23c: {  	s30 =	rddreg [dreg:$0x15]  }
0x23d: {  	[hbm4b:s30+s2] =	stream.linear.scatter [tilespmem:s9], [sflag:$0x3], $0xA000, $0x38;
	[tilespmem:$0x1A400] =	vst v63  }
0x23e: {  	_ =	swait.ge [sflag:s10], $0xA000  }
0x23f: {  	[sflag:s10] =	ssyncset.done $0x0  }
0x240: {  	[sflag:s10] =	ssyncadd.s32 $0xFFFF6000  }
0x241: {  	[hbm4b:s4+s2] =	stream.linear.scatter [tilespmem:s7], [sflag:$0x4], $0xA000, $0x38;
	[tilespmem:$0x1A400] =	vst v63  }
0x242: {  	_ =	swait.ge [sflag:s6], $0xA000  }
0x243: {  	[sflag:s6] =	ssyncset.done $0x0  }
0x244: {  	[sflag:s6] =	ssyncadd.s32 $0xFFFF6000  }
0x245: {  	_ =	swait.ge [sflag:s5], $0xA000  }
0x246: {  	[sflag:s5] =	ssyncset.done $0x0  }
0x247: {  	[sflag:s5] =	ssyncadd.s32 $0xFFFF6000  }
0x248: {  	_ =	sfence.sel $0x180000  }
0x249: {  	[bflag:$0x0] =	sbarrier.arrive $0xFFFF  }
0x24a: {  	_ =	strace $0x9000004A  }
0x24b: {  	s31 =	stileid.u32;
	[bflag:$0x2] =	sbarrier.arrive $0xFFFF  }
0x24c: {  	p0 =	sne.s32 s31, $0x0;
	s0 =	rddreg [dreg:$0x1]  }
0x24d: {  	s0 =	sadd.s32 @!p0 $0x100000, s0  }
0x24e: {  	[sflag:s0] =	ssyncadd.tile.s32 @!p0 $0x1;
	_ =	shalt  }
.Lfunc_end2:
_tile_overlayer_lowered:
.L_overlay_start_2:
0x24f: {  	(tag) =	ssettag $0x2  }
0x250: {  	s0 =	rddreg [dreg:$0x0];
	s2 =	stileid.u32  }
0x251: {  	s1 =	rddreg [dreg:$0x1];
	p0 =	sne.s32 s2, $0x0  }
0x252: {  	s3 =	rddreg [dreg:$0x2];
	[bflag:$0x3] =	sbarrier.arrive $0xFFFF;
	s2 =	simm.s32 @!p0 $0x1C05  }
0x253: {  	[timem:s3], [sflag:s2] =	dma.local @!p0 [hbm:s0], s1  }
0x254: {  	s0 =	simm.s32 @!p0 $0x5  }
0x255: {  	_ =	swait.ge @!p0 [sflag:s0], s1  }
0x256: {  	s1 =	ssub.s32 @!p0 $0x0, s1;
	[sflag:s0] =	ssyncset.done @!p0 $0x0  }
0x257: {  	[sflag:s0] =	ssyncadd.s32 @!p0 s1  }
0x258: {  	[bflag:$0x3] =	sbarrier.arrive $0xFFFF  }
0x259: {  	_ =	shalt  }

</sc_bundles>
